<compile_context>
chip_gen: v7x
topology: tpu7x:2x2x1
jax: 0.10.2.dev20260603
libtpu: 0.0.44.dev20260713+nightly
codegen_flags: <defaults>
</compile_context>

<pallas_src>
import functools

import jax
import jax.numpy as jnp
from jax import lax
from jax.experimental import pallas as pl
from jax.experimental.pallas import tpu as pltpu
from jax.experimental.pallas import tpu_sc as plsc

_N = 10000
_E = 160000
_D = 256
_HALF = 128
_G = 64
_NC = 2
_NS = 16
_CH = 128
_NCHUNK = 79
_EPS = _NCHUNK * _CH
_ACC_ROWS = _N + 8
_RPS = 624
_RPS_LAST = _N - 15 * _RPS


def _sc_agg_body(x_hbm, src2_hbm, dst_hbm, out_hbm, acc, srcc0, srcc1, dst1d,
                 dstc, rows0, rows1, isem, gsem0, gsem1, lsem0, lsem1):
    c = lax.axis_index("c")
    s = lax.axis_index("s")
    w = c * _NS + s
    row0 = s * _RPS
    cn = c * _N
    srcc = (srcc0, srcc1)
    lsem = (lsem0, lsem1)
    gsem = (gsem0, gsem1)
    rows = (rows0, rows1)

    def src_hbm_at(k):
        return src2_hbm.at[pl.ds(w * _EPS + k * _CH, _CH)]

    pltpu.async_copy(dst_hbm.at[s], dst1d, isem)
    pltpu.sync_copy(src_hbm_at(0), srcc0)
    pltpu.sync_copy(src_hbm_at(1), srcc1)
    @pl.when(s < _NS - 1)
    def _():
        pltpu.sync_copy(x_hbm.at[pl.ds(cn + row0, _RPS)],
                        acc.at[pl.ds(row0, _RPS)])

    @pl.when(s == _NS - 1)
    def _():
        pltpu.sync_copy(x_hbm.at[pl.ds(cn + row0, _RPS_LAST)],
                        acc.at[pl.ds(row0, _RPS_LAST)])

    @pl.when(s == 0)
    def _():
        for r in range(8):
            for t in range(8):
                rows0[r, pl.ds(16 * t, 16)] = jnp.zeros((16,), jnp.float32)
        pltpu.sync_copy(rows0.at[pl.ds(0, 8)], acc.at[pl.ds(_N, 8)])

    pltpu.make_async_copy(dst_hbm.at[s], dst1d, isem).wait()

    def refill_dstc(k):
        for t in range(_CH // 16):
            dstc[pl.ds(16 * t, 16)] = dst1d[pl.ds(k * _CH + 16 * t, 16)]

    pltpu.async_copy(x_hbm.at[srcc0], rows0, gsem0)
    pltpu.async_copy(x_hbm.at[srcc1], rows1, gsem1)
    plsc.subcore_barrier()

    def half(k, j):
        pltpu.make_async_copy(x_hbm.at[srcc[j]], rows[j], gsem[j]).wait()

        @pl.when(k + 2 < _NCHUNK)
        def _():
            pltpu.async_copy(src_hbm_at(k + 2), srcc[j], lsem[j])
        refill_dstc(k)
        pltpu.sync_copy(rows[j], acc.at[dstc], add=True)

        @pl.when(k + 2 < _NCHUNK)
        def _():
            pltpu.make_async_copy(src_hbm_at(k + 2), srcc[j], lsem[j]).wait()
            pltpu.async_copy(x_hbm.at[srcc[j]], rows[j], gsem[j])

    def body(k2, carry):
        k = 2 * k2
        half(k, 0)
        half(k + 1, 1)
        return carry

    lax.fori_loop(0, (_NCHUNK - 1) // 2, body, 0)
    pltpu.make_async_copy(x_hbm.at[srcc0], rows0, gsem0).wait()
    refill_dstc(_NCHUNK - 1)
    pltpu.sync_copy(rows0, acc.at[dstc], add=True)
    plsc.subcore_barrier()

    @pl.when(s < _NS - 1)
    def _():
        pltpu.sync_copy(acc.at[pl.ds(row0, _RPS)],
                        out_hbm.at[pl.ds(cn + row0, _RPS)])

    @pl.when(s == _NS - 1)
    def _():
        pltpu.sync_copy(acc.at[pl.ds(row0, _RPS_LAST)],
                        out_hbm.at[pl.ds(cn + row0, _RPS_LAST)])


@functools.cache
def _get_sc_agg():
    return pl.kernel(
        _sc_agg_body,
        out_type=jax.ShapeDtypeStruct((_NC * _N, _HALF), jnp.float32),
        mesh=plsc.VectorSubcoreMesh(core_axis_name="c", subcore_axis_name="s"),
        scratch_types=[
            pltpu.VMEM_SHARED((_ACC_ROWS, _HALF), jnp.float32),
            pltpu.VMEM((_CH,), jnp.int32),
            pltpu.VMEM((_CH,), jnp.int32),
            pltpu.VMEM((_EPS,), jnp.int32),
            pltpu.VMEM((_CH,), jnp.int32),
            pltpu.VMEM((_CH, _HALF), jnp.float32),
            pltpu.VMEM((_CH, _HALF), jnp.float32),
        ] + [pltpu.SemaphoreType.DMA] * 5,
    )


def _sc_agg(x_flat, src2, dst3):
    return _get_sc_agg()(x_flat, src2, dst3)

_R = 2000
_NBLK = _N // _R


def _mlp_math(pre_ref, w1_ref, b1_ref, w2_ref, b2_ref, seg_ref):
    x0 = pre_ref[0].astype(jnp.bfloat16)
    x1 = pre_ref[1].astype(jnp.bfloat16)
    w1 = w1_ref[...].astype(jnp.bfloat16)
    h = jnp.dot(x0, w1[0:_HALF, :], preferred_element_type=jnp.float32)
    h = h + jnp.dot(x1, w1[_HALF:_D, :], preferred_element_type=jnp.float32)
    h = jax.nn.relu(h + b1_ref[0, :][None, :])
    z = jnp.dot(h.astype(jnp.bfloat16), w2_ref[...].astype(jnp.bfloat16),
                preferred_element_type=jnp.float32)
    z = jax.nn.relu(z + b2_ref[0, :][None, :])
    seg = seg_ref[0, 0, :]
    onehot = (lax.broadcasted_iota(jnp.int32, (_G, _R), 0) == seg[None, :]
              ).astype(jnp.float32)
    contrib = jnp.dot(onehot, z, preferred_element_type=jnp.float32)
    return z, contrib


def _mlp_body(pre_ref, w1_ref, b1_ref, w2_ref, b2_ref, seg_ref, h_ref, p_ref):
    i = pl.program_id(0)
    z, contrib = _mlp_math(pre_ref, w1_ref, b1_ref, w2_ref, b2_ref, seg_ref)
    h_ref[0] = z[:, 0:_HALF]
    h_ref[1] = z[:, _HALF:_D]

    @pl.when(i == 0)
    def _():
        p_ref[...] = contrib

    @pl.when(i > 0)
    def _():
        p_ref[...] += contrib


def _mlp_pool_final_body(pre_ref, w1_ref, b1_ref, w2_ref, b2_ref, seg_ref,
                         p1_ref, p2_ref, l1w_ref, l1b_ref, l2w_ref, l2b_ref,
                         o_ref, pacc_ref):
    i = pl.program_id(0)
    _, contrib = _mlp_math(pre_ref, w1_ref, b1_ref, w2_ref, b2_ref, seg_ref)

    @pl.when(i == 0)
    def _():
        pacc_ref[...] = contrib

    @pl.when(i > 0)
    def _():
        pacc_ref[...] += contrib

    @pl.when(i == _NBLK - 1)
    def _():
        p3 = pacc_ref[...]
        h = jnp.dot(p1_ref[...], l1w_ref[0:_D, :],
                    preferred_element_type=jnp.float32)
        h = h + jnp.dot(p2_ref[...], l1w_ref[_D:2 * _D, :],
                        preferred_element_type=jnp.float32)
        h = h + jnp.dot(p3, l1w_ref[2 * _D:3 * _D, :],
                        preferred_element_type=jnp.float32)
        h = jax.nn.relu(h + l1b_ref[0, :][None, :])
        o_ref[...] = (jnp.dot(h, l2w_ref[...],
                              preferred_element_type=jnp.float32)
                      + l2b_ref[0, :][None, :])


_MLP_IN_SPECS = [
    pl.BlockSpec((_NC, _R, _HALF), lambda i: (0, i, 0)),
    pl.BlockSpec((_D, _D), lambda i: (0, 0)),
    pl.BlockSpec((1, _D), lambda i: (0, 0)),
    pl.BlockSpec((_D, _D), lambda i: (0, 0)),
    pl.BlockSpec((1, _D), lambda i: (0, 0)),
    pl.BlockSpec((1, 1, _R), lambda i: (i, 0, 0)),
]

_mlp = pl.pallas_call(
    _mlp_body,
    grid=(_NBLK,),
    in_specs=_MLP_IN_SPECS,
    out_specs=[
        pl.BlockSpec((_NC, _R, _HALF), lambda i: (0, i, 0)),
        pl.BlockSpec((_G, _D), lambda i: (0, 0)),
    ],
    out_shape=[
        jax.ShapeDtypeStruct((_NC, _N, _HALF), jnp.float32),
        jax.ShapeDtypeStruct((_G, _D), jnp.float32),
    ],
)

_mlp_pool_final = pl.pallas_call(
    _mlp_pool_final_body,
    grid=(_NBLK,),
    in_specs=_MLP_IN_SPECS + [
        pl.BlockSpec((_G, _D), lambda i: (0, 0)),
        pl.BlockSpec((_G, _D), lambda i: (0, 0)),
        pl.BlockSpec((3 * _D, 3 * _D), lambda i: (0, 0)),
        pl.BlockSpec((1, 3 * _D), lambda i: (0, 0)),
        pl.BlockSpec((3 * _D, 64), lambda i: (0, 0)),
        pl.BlockSpec((1, 64), lambda i: (0, 0)),
    ],
    out_specs=pl.BlockSpec((_G, 64), lambda i: (0, 0)),
    out_shape=jax.ShapeDtypeStruct((_G, 64), jnp.float32),
    scratch_shapes=[pltpu.VMEM((_G, _D), jnp.float32)],
)


def kernel(g, features, edge_index, batch,
           c1W1, c1b1, c1W2, c1b2,
           c2W1, c2b1, c2W2, c2b2,
           c3W1, c3b1, c3W2, c3b2,
           lin1_W, lin1_b, lin2_W, lin2_b):
    src = edge_index[0]
    dst = edge_index[1]
    pad_per_sub = _EPS - _E // _NS
    src_pad = (jnp.arange(_NS * pad_per_sub, dtype=jnp.int32) * 53) % _N
    dst_pad = _N + (jnp.arange(_NS * pad_per_sub, dtype=jnp.int32) % 8)
    src_p = jnp.concatenate(
        [src.reshape(_NS, _E // _NS), src_pad.reshape(_NS, pad_per_sub)], axis=1)
    dst_p = jnp.concatenate(
        [dst.reshape(_NS, _E // _NS), dst_pad.reshape(_NS, pad_per_sub)], axis=1)
    src2 = jnp.stack([src_p, src_p + _N]).reshape(_NC * _NS * _EPS)
    dst3 = dst_p
    f_flat = features.reshape(_N, _NC, _HALF).transpose(1, 0, 2)
    f_flat = f_flat.reshape(_NC * _N, _HALF)
    seg3 = batch.reshape(_NBLK, 1, _R)

    pre1 = _sc_agg(f_flat, src2, dst3)
    h1, p1 = _mlp(pre1.reshape(_NC, _N, _HALF), c1W1, c1b1.reshape(1, _D),
                  c1W2, c1b2.reshape(1, _D), seg3)
    pre2 = _sc_agg(h1.reshape(_NC * _N, _HALF), src2, dst3)
    h2, p2 = _mlp(pre2.reshape(_NC, _N, _HALF), c2W1, c2b1.reshape(1, _D),
                  c2W2, c2b2.reshape(1, _D), seg3)
    pre3 = _sc_agg(h2.reshape(_NC * _N, _HALF), src2, dst3)
    return _mlp_pool_final(pre3.reshape(_NC, _N, _HALF), c3W1,
                           c3b1.reshape(1, _D), c3W2, c3b2.reshape(1, _D),
                           seg3, p1, p2, lin1_W, lin1_b.reshape(1, -1),
                           lin2_W, lin2_b.reshape(1, -1))

# --- scband reference (transcript-rebuilt; emitter-appended) ---
"""Pipeline reference for scband-gin-46712064311556 (READ-ONLY COPY).

The authoritative reference and input builder live on the scoring server;
editing this copy changes nothing except your own understanding.
"""

import jax, jax.numpy as jnp
import numpy as np

N = 10000
E = 160000
D_IN = 256
H = 256
D_OUT = 64
G = 64


def _linear_params(key, fan_in, fan_out):
    kw, _ = jax.random.split(key)
    W = jax.random.normal(kw, (fan_in, fan_out), dtype=jnp.float32) * (1.0 / np.sqrt(fan_in))
    b = jnp.zeros((fan_out,), dtype=jnp.float32)
    return W, b


def setup_inputs(seed: int = 0):
    key = jax.random.key(seed)
    ks = jax.random.split(key, 12)
    features = jax.random.normal(ks[0], (N, D_IN), dtype=jnp.float32)
    edge_index = jax.random.randint(ks[1], (2, E), 0, N)
    batch = jnp.sort(jax.random.randint(ks[2], (N,), 0, G))
    c1W1, c1b1 = _linear_params(ks[3], D_IN, H)
    c1W2, c1b2 = _linear_params(ks[4], H, H)
    c2W1, c2b1 = _linear_params(ks[5], H, H)
    c2W2, c2b2 = _linear_params(ks[6], H, H)
    c3W1, c3b1 = _linear_params(ks[7], H, H)
    c3W2, c3b2 = _linear_params(ks[8], H, H)
    lin1_W, lin1_b = _linear_params(ks[9], 3 * H, 3 * H)
    lin2_W, lin2_b = _linear_params(ks[10], 3 * H, D_OUT)
    return {"g": 0, "features": features, "edge_index": edge_index, "batch": batch,
            "c1W1": c1W1, "c1b1": c1b1, "c1W2": c1W2, "c1b2": c1b2,
            "c2W1": c2W1, "c2b1": c2b1, "c2W2": c2W2, "c2b2": c2b2,
            "c3W1": c3W1, "c3b1": c3b1, "c3W2": c3W2, "c3b2": c3b2,
            "lin1_W": lin1_W, "lin1_b": lin1_b, "lin2_W": lin2_W, "lin2_b": lin2_b}


def _gin_conv(x, edge_index, W1, b1, W2, b2):
    # GINConv (eps=0): h_i = MLP(x_i + sum_{j->i} x_j)
    src = edge_index[0]
    dst = edge_index[1]
    agg = jnp.zeros_like(x).at[dst].add(x[src])
    h = x + agg
    h = jax.nn.relu(h @ W1 + b1)
    h = jax.nn.relu(h @ W2 + b2)
    return h


def reference(g, features, edge_index, batch,
              c1W1, c1b1, c1W2, c1b2,
              c2W1, c2b1, c2W2, c2b2,
              c3W1, c3b1, c3W2, c3b2,
              lin1_W, lin1_b, lin2_W, lin2_b):
    h1 = _gin_conv(features, edge_index, c1W1, c1b1, c1W2, c1b2)
    h2 = _gin_conv(h1, edge_index, c2W1, c2b1, c2W2, c2b2)
    h3 = _gin_conv(h2, edge_index, c3W1, c3b1, c3W2, c3b2)
    p1 = jax.ops.segment_sum(h1, batch, num_segments=G)
    p2 = jax.ops.segment_sum(h2, batch, num_segments=G)
    p3 = jax.ops.segment_sum(h3, batch, num_segments=G)
    h = jnp.concatenate([p1, p2, p3], axis=1)
    h = jax.nn.relu(h @ lin1_W + lin1_b)
    # F.dropout(p=0.5, training=False) is identity in eval mode
    h = h @ lin2_W + lin2_b
    return h

if __name__ == "__main__":
    import jax
    _d = setup_inputs()
    print(jax.jit(kernel)(*tuple(_d.values())))

</pallas_src>

<mosaic_0001>
#map = affine_map<(d0, d1) -> (0, 0)>
#map1 = affine_map<(d0, d1) -> (0)>
module attributes {stable_mosaic.version = 14 : i64} {
  func.func @_sc_agg_body(%arg0: i32, %arg1: i32, %arg2: memref<20000x128xf32, #tpu.memory_space<hbm>>, %arg3: memref<323584xi32, #tpu.memory_space<hbm>>, %arg4: memref<16x10112xi32, #tpu.memory_space<hbm>>, %arg5: memref<20000x128xf32, #tpu.memory_space<hbm>>, %arg6: memref<10008x128xf32, #tpu.memory_space<vmem_shared>>, %arg7: memref<128xi32, #tpu.memory_space<vmem>>, %arg8: memref<128xi32, #tpu.memory_space<vmem>>, %arg9: memref<10112xi32, #tpu.memory_space<vmem>>, %arg10: memref<128xi32, #tpu.memory_space<vmem>>, %arg11: memref<128x128xf32, #tpu.memory_space<vmem>>, %arg12: memref<128x128xf32, #tpu.memory_space<vmem>>, %arg13: memref<!tpu.dma_semaphore, #tpu.memory_space<semaphore_mem>>, %arg14: memref<!tpu.dma_semaphore, #tpu.memory_space<semaphore_mem>>, %arg15: memref<!tpu.dma_semaphore, #tpu.memory_space<semaphore_mem>>, %arg16: memref<!tpu.dma_semaphore, #tpu.memory_space<semaphore_mem>>, %arg17: memref<!tpu.dma_semaphore, #tpu.memory_space<semaphore_mem>>) attributes {dimension_semantics = [#tpu.dimension_semantics<core_parallel>, #tpu.dimension_semantics<subcore_parallel>], iteration_bounds = array<i64: 2, 16>, scalar_prefetch = 0 : i64, scratch_operands = 12 : i64, tpu.core_type = #tpu.core_type<sc_vector_subcore>, window_params = [{transform_indices = #map}, {transform_indices = #map1}, {transform_indices = #map}, {transform_indices = #map}]} {
    %mul3A = arith.constant 16 : i32
    %mul3A_0 = arith.muli %arg0, %mul3A : i32
    %add3A = arith.addi %mul3A_0, %arg1 : i32
    %mul3A_1 = arith.constant 624 : i32
    %mul3A_2 = arith.muli %arg1, %mul3A_1 : i32
    %mul3A_3 = arith.constant 10000 : i32
    %mul3A_4 = arith.muli %arg0, %mul3A_3 : i32
    %dma_start3A = arith.constant 0 : i32
    %dma_start3A_5 = tpu.memref_slice %arg4[%arg1, %dma_start3A] : memref<16x10112xi32, #tpu.memory_space<hbm>> -> memref<1x10112xi32, #tpu.memory_space<hbm>>
    %dma_start3A_6 = tpu.memref_squeeze %dma_start3A_5 : memref<1x10112xi32, #tpu.memory_space<hbm>> -> memref<10112xi32, #tpu.memory_space<hbm>>
    %dma_start3A_7 = arith.constant 0 : i32
    %dma_start3A_8 = tpu.memref_slice %arg4[%arg1, %dma_start3A_7] : memref<16x10112xi32, #tpu.memory_space<hbm>> -> memref<1x10112xi32, #tpu.memory_space<hbm>>
    %dma_start3A_9 = tpu.memref_squeeze %dma_start3A_8 : memref<1x10112xi32, #tpu.memory_space<hbm>> -> memref<10112xi32, #tpu.memory_space<hbm>>
    tpu.enqueue_dma source(%dma_start3A_9 : memref<10112xi32, #tpu.memory_space<hbm>>) target(%arg9 : memref<10112xi32, #tpu.memory_space<vmem>>) target_semaphore(%arg13 : memref<!tpu.dma_semaphore, #tpu.memory_space<semaphore_mem>>)
    %mul3A_10 = arith.constant 10112 : i32
    %mul3A_11 = arith.muli %add3A, %mul3A_10 : i32
    %add3A_12 = arith.constant 0 : i32
    %add3A_13 = arith.addi %mul3A_11, %add3A_12 : i32
    "tpu.region"() ({
      %run_scoped3A = tpu.sem_alloc : memref<!tpu.dma_semaphore, #tpu.memory_space<semaphore_mem>>
      %dma_start3A_113 = tpu.memref_slice %arg3[%add3A_13] : memref<323584xi32, #tpu.memory_space<hbm>> -> memref<128xi32, #tpu.memory_space<hbm>>
      %dma_start3A_114 = tpu.memref_slice %arg3[%add3A_13] : memref<323584xi32, #tpu.memory_space<hbm>> -> memref<128xi32, #tpu.memory_space<hbm>>
      tpu.enqueue_dma source(%dma_start3A_114 : memref<128xi32, #tpu.memory_space<hbm>>) target(%arg7 : memref<128xi32, #tpu.memory_space<vmem>>) target_semaphore(%run_scoped3A : memref<!tpu.dma_semaphore, #tpu.memory_space<semaphore_mem>>)
      %dma_wait3A_115 = tpu.memref_slice %arg3[%add3A_13] : memref<323584xi32, #tpu.memory_space<hbm>> -> memref<128xi32, #tpu.memory_space<hbm>>
      %dma_wait3A_116 = tpu.memref_slice %arg3[%add3A_13] : memref<323584xi32, #tpu.memory_space<hbm>> -> memref<128xi32, #tpu.memory_space<hbm>>
      tpu.wait_dma2 semaphore(%run_scoped3A : memref<!tpu.dma_semaphore, #tpu.memory_space<semaphore_mem>>) src(%dma_wait3A_116 : memref<128xi32, #tpu.memory_space<hbm>>) dst(%arg7 : memref<128xi32, #tpu.memory_space<vmem>>)
      tpu.yield
    }) : () -> ()
    %mul3A_14 = arith.constant 10112 : i32
    %mul3A_15 = arith.muli %add3A, %mul3A_14 : i32
    %add3A_16 = arith.constant 128 : i32
    %add3A_17 = arith.addi %mul3A_15, %add3A_16 : i32
    "tpu.region"() ({
      %run_scoped3A = tpu.sem_alloc : memref<!tpu.dma_semaphore, #tpu.memory_space<semaphore_mem>>
      %dma_start3A_113 = tpu.memref_slice %arg3[%add3A_17] : memref<323584xi32, #tpu.memory_space<hbm>> -> memref<128xi32, #tpu.memory_space<hbm>>
      %dma_start3A_114 = tpu.memref_slice %arg3[%add3A_17] : memref<323584xi32, #tpu.memory_space<hbm>> -> memref<128xi32, #tpu.memory_space<hbm>>
      tpu.enqueue_dma source(%dma_start3A_114 : memref<128xi32, #tpu.memory_space<hbm>>) target(%arg8 : memref<128xi32, #tpu.memory_space<vmem>>) target_semaphore(%run_scoped3A : memref<!tpu.dma_semaphore, #tpu.memory_space<semaphore_mem>>)
      %dma_wait3A_115 = tpu.memref_slice %arg3[%add3A_17] : memref<323584xi32, #tpu.memory_space<hbm>> -> memref<128xi32, #tpu.memory_space<hbm>>
      %dma_wait3A_116 = tpu.memref_slice %arg3[%add3A_17] : memref<323584xi32, #tpu.memory_space<hbm>> -> memref<128xi32, #tpu.memory_space<hbm>>
      tpu.wait_dma2 semaphore(%run_scoped3A : memref<!tpu.dma_semaphore, #tpu.memory_space<semaphore_mem>>) src(%dma_wait3A_116 : memref<128xi32, #tpu.memory_space<hbm>>) dst(%arg8 : memref<128xi32, #tpu.memory_space<vmem>>)
      tpu.yield
    }) : () -> ()
    %lt3A = arith.constant 15 : i32
    %lt3A_18 = arith.cmpi slt, %arg1, %lt3A : i32
    %convert_element_type3A = arith.extui %lt3A_18 : i1 to i32
    %cond3A = arith.constant 0 : i32
    %cond3A_19 = arith.cmpi ne, %convert_element_type3A, %cond3A : i32
    scf.if %cond3A_19 {
      %add3A_113 = arith.addi %mul3A_4, %mul3A_2 : i32
      "tpu.region"() ({
        %run_scoped3A = tpu.sem_alloc : memref<!tpu.dma_semaphore, #tpu.memory_space<semaphore_mem>>
        %dma_start3A_114 = arith.constant 0 : i32
        %dma_start3A_115 = tpu.memref_slice %arg6[%mul3A_2, %dma_start3A_114] : memref<10008x128xf32, #tpu.memory_space<vmem_shared>> -> memref<624x128xf32, #tpu.memory_space<vmem_shared>>
        %dma_start3A_116 = arith.constant 0 : i32
        %dma_start3A_117 = tpu.memref_slice %arg2[%add3A_113, %dma_start3A_116] : memref<20000x128xf32, #tpu.memory_space<hbm>> -> memref<624x128xf32, #tpu.memory_space<hbm>>
        tpu.enqueue_dma source(%dma_start3A_117 : memref<624x128xf32, #tpu.memory_space<hbm>>) target(%dma_start3A_115 : memref<624x128xf32, #tpu.memory_space<vmem_shared>>) target_semaphore(%run_scoped3A : memref<!tpu.dma_semaphore, #tpu.memory_space<semaphore_mem>>)
        %dma_wait3A_118 = arith.constant 0 : i32
        %dma_wait3A_119 = tpu.memref_slice %arg6[%mul3A_2, %dma_wait3A_118] : memref<10008x128xf32, #tpu.memory_space<vmem_shared>> -> memref<624x128xf32, #tpu.memory_space<vmem_shared>>
        %dma_wait3A_120 = arith.constant 0 : i32
        %dma_wait3A_121 = tpu.memref_slice %arg2[%add3A_113, %dma_wait3A_120] : memref<20000x128xf32, #tpu.memory_space<hbm>> -> memref<624x128xf32, #tpu.memory_space<hbm>>
        tpu.wait_dma2 semaphore(%run_scoped3A : memref<!tpu.dma_semaphore, #tpu.memory_space<semaphore_mem>>) src(%dma_wait3A_121 : memref<624x128xf32, #tpu.memory_space<hbm>>) dst(%dma_wait3A_119 : memref<624x128xf32, #tpu.memory_space<vmem_shared>>)
        tpu.yield
      }) : () -> ()
    } else {
    }
    %eq3A = arith.constant 15 : i32
    %eq3A_20 = arith.cmpi eq, %arg1, %eq3A : i32
    %convert_element_type3A_21 = arith.extui %eq3A_20 : i1 to i32
    %cond3A_22 = arith.constant 0 : i32
    %cond3A_23 = arith.cmpi ne, %convert_element_type3A_21, %cond3A_22 : i32
    scf.if %cond3A_23 {
      %add3A_113 = arith.addi %mul3A_4, %mul3A_2 : i32
      "tpu.region"() ({
        %run_scoped3A = tpu.sem_alloc : memref<!tpu.dma_semaphore, #tpu.memory_space<semaphore_mem>>
        %dma_start3A_114 = arith.constant 0 : i32
        %dma_start3A_115 = tpu.memref_slice %arg6[%mul3A_2, %dma_start3A_114] : memref<10008x128xf32, #tpu.memory_space<vmem_shared>> -> memref<640x128xf32, #tpu.memory_space<vmem_shared>>
        %dma_start3A_116 = arith.constant 0 : i32
        %dma_start3A_117 = tpu.memref_slice %arg2[%add3A_113, %dma_start3A_116] : memref<20000x128xf32, #tpu.memory_space<hbm>> -> memref<640x128xf32, #tpu.memory_space<hbm>>
        tpu.enqueue_dma source(%dma_start3A_117 : memref<640x128xf32, #tpu.memory_space<hbm>>) target(%dma_start3A_115 : memref<640x128xf32, #tpu.memory_space<vmem_shared>>) target_semaphore(%run_scoped3A : memref<!tpu.dma_semaphore, #tpu.memory_space<semaphore_mem>>)
        %dma_wait3A_118 = arith.constant 0 : i32
        %dma_wait3A_119 = tpu.memref_slice %arg6[%mul3A_2, %dma_wait3A_118] : memref<10008x128xf32, #tpu.memory_space<vmem_shared>> -> memref<640x128xf32, #tpu.memory_space<vmem_shared>>
        %dma_wait3A_120 = arith.constant 0 : i32
        %dma_wait3A_121 = tpu.memref_slice %arg2[%add3A_113, %dma_wait3A_120] : memref<20000x128xf32, #tpu.memory_space<hbm>> -> memref<640x128xf32, #tpu.memory_space<hbm>>
        tpu.wait_dma2 semaphore(%run_scoped3A : memref<!tpu.dma_semaphore, #tpu.memory_space<semaphore_mem>>) src(%dma_wait3A_121 : memref<640x128xf32, #tpu.memory_space<hbm>>) dst(%dma_wait3A_119 : memref<640x128xf32, #tpu.memory_space<vmem_shared>>)
        tpu.yield
      }) : () -> ()
    } else {
    }
    %eq3A_24 = arith.constant 0 : i32
    %eq3A_25 = arith.cmpi eq, %arg1, %eq3A_24 : i32
    %convert_element_type3A_26 = arith.extui %eq3A_25 : i1 to i32
    %cond3A_27 = arith.constant 0 : i32
    %cond3A_28 = arith.cmpi ne, %convert_element_type3A_26, %cond3A_27 : i32
    scf.if %cond3A_28 {
      %broadcast_in_dim3A = arith.constant 0.000000e+00 : f32
      %broadcast_in_dim3A_113 = vector.broadcast %broadcast_in_dim3A : f32 to vector<16xf32>
      %swap3A_114 = arith.constant 0 : i32
      %swap3A_115 = arith.index_cast %swap3A_114 : i32 to index
      %swap3A_116 = arith.constant 0 : index
      %swap3A_117 = tpu.vector_load %arg11[%swap3A_115, %swap3A_116] {strides = array<i32>} : memref<128x128xf32, #tpu.memory_space<vmem>>, vector<1x16xf32>,
      %swap3A_118 = vector.shape_cast %swap3A_117 : vector<1x16xf32> to vector<16xf32>
      %swap3A_119 = vector.shape_cast %broadcast_in_dim3A_113 : vector<16xf32> to vector<1x16xf32>
      tpu.vector_store %arg11[%swap3A_115, %swap3A_116], %swap3A_119 {strides = array<i32>} : memref<128x128xf32, #tpu.memory_space<vmem>>, vector<1x16xf32>,
      %broadcast_in_dim3A_120 = arith.constant 0.000000e+00 : f32
      %broadcast_in_dim3A_121 = vector.broadcast %broadcast_in_dim3A_120 : f32 to vector<16xf32>
      %swap3A_122 = arith.constant 0 : i32
      %swap3A_123 = arith.index_cast %swap3A_122 : i32 to index
      %swap3A_124 = arith.constant 16 : index
      %swap3A_125 = tpu.vector_load %arg11[%swap3A_123, %swap3A_124] {strides = array<i32>} : memref<128x128xf32, #tpu.memory_space<vmem>>, vector<1x16xf32>,
      %swap3A_126 = vector.shape_cast %swap3A_125 : vector<1x16xf32> to vector<16xf32>
      %swap3A_127 = vector.shape_cast %broadcast_in_dim3A_121 : vector<16xf32> to vector<1x16xf32>
      tpu.vector_store %arg11[%swap3A_123, %swap3A_124], %swap3A_127 {strides = array<i32>} : memref<128x128xf32, #tpu.memory_space<vmem>>, vector<1x16xf32>,
      %broadcast_in_dim3A_128 = arith.constant 0.000000e+00 : f32
      %broadcast_in_dim3A_129 = vector.broadcast %broadcast_in_dim3A_128 : f32 to vector<16xf32>
      %swap3A_130 = arith.constant 0 : i32
      %swap3A_131 = arith.index_cast %swap3A_130 : i32 to index
      %swap3A_132 = arith.constant 32 : index
      %swap3A_133 = tpu.vector_load %arg11[%swap3A_131, %swap3A_132] {strides = array<i32>} : memref<128x128xf32, #tpu.memory_space<vmem>>, vector<1x16xf32>,
      %swap3A_134 = vector.shape_cast %swap3A_133 : vector<1x16xf32> to vector<16xf32>
      %swap3A_135 = vector.shape_cast %broadcast_in_dim3A_129 : vector<16xf32> to vector<1x16xf32>
      tpu.vector_store %arg11[%swap3A_131, %swap3A_132], %swap3A_135 {strides = array<i32>} : memref<128x128xf32, #tpu.memory_space<vmem>>, vector<1x16xf32>,
      %broadcast_in_dim3A_136 = arith.constant 0.000000e+00 : f32
      %broadcast_in_dim3A_137 = vector.broadcast %broadcast_in_dim3A_136 : f32 to vector<16xf32>
      %swap3A_138 = arith.constant 0 : i32
      %swap3A_139 = arith.index_cast %swap3A_138 : i32 to index
      %swap3A_140 = arith.constant 48 : index
      %swap3A_141 = tpu.vector_load %arg11[%swap3A_139, %swap3A_140] {strides = array<i32>} : memref<128x128xf32, #tpu.memory_space<vmem>>, vector<1x16xf32>,
      %swap3A_142 = vector.shape_cast %swap3A_141 : vector<1x16xf32> to vector<16xf32>
      %swap3A_143 = vector.shape_cast %broadcast_in_dim3A_137 : vector<16xf32> to vector<1x16xf32>
      tpu.vector_store %arg11[%swap3A_139, %swap3A_140], %swap3A_143 {strides = array<i32>} : memref<128x128xf32, #tpu.memory_space<vmem>>, vector<1x16xf32>,
      %broadcast_in_dim3A_144 = arith.constant 0.000000e+00 : f32
      %broadcast_in_dim3A_145 = vector.broadcast %broadcast_in_dim3A_144 : f32 to vector<16xf32>
      %swap3A_146 = arith.constant 0 : i32
      %swap3A_147 = arith.index_cast %swap3A_146 : i32 to index
      %swap3A_148 = arith.constant 64 : index
      %swap3A_149 = tpu.vector_load %arg11[%swap3A_147, %swap3A_148] {strides = array<i32>} : memref<128x128xf32, #tpu.memory_space<vmem>>, vector<1x16xf32>,
      %swap3A_150 = vector.shape_cast %swap3A_149 : vector<1x16xf32> to vector<16xf32>
      %swap3A_151 = vector.shape_cast %broadcast_in_dim3A_145 : vector<16xf32> to vector<1x16xf32>
      tpu.vector_store %arg11[%swap3A_147, %swap3A_148], %swap3A_151 {strides = array<i32>} : memref<128x128xf32, #tpu.memory_space<vmem>>, vector<1x16xf32>,
      %broadcast_in_dim3A_152 = arith.constant 0.000000e+00 : f32
      %broadcast_in_dim3A_153 = vector.broadcast %broadcast_in_dim3A_152 : f32 to vector<16xf32>
      %swap3A_154 = arith.constant 0 : i32
      %swap3A_155 = arith.index_cast %swap3A_154 : i32 to index
      %swap3A_156 = arith.constant 80 : index
      %swap3A_157 = tpu.vector_load %arg11[%swap3A_155, %swap3A_156] {strides = array<i32>} : memref<128x128xf32, #tpu.memory_space<vmem>>, vector<1x16xf32>,
      %swap3A_158 = vector.shape_cast %swap3A_157 : vector<1x16xf32> to vector<16xf32>
      %swap3A_159 = vector.shape_cast %broadcast_in_dim3A_153 : vector<16xf32> to vector<1x16xf32>
      tpu.vector_store %arg11[%swap3A_155, %swap3A_156], %swap3A_159 {strides = array<i32>} : memref<128x128xf32, #tpu.memory_space<vmem>>, vector<1x16xf32>,
      %broadcast_in_dim3A_160 = arith.constant 0.000000e+00 : f32
      %broadcast_in_dim3A_161 = vector.broadcast %broadcast_in_dim3A_160 : f32 to vector<16xf32>
      %swap3A_162 = arith.constant 0 : i32
      %swap3A_163 = arith.index_cast %swap3A_162 : i32 to index
      %swap3A_164 = arith.constant 96 : index
      %swap3A_165 = tpu.vector_load %arg11[%swap3A_163, %swap3A_164] {strides = array<i32>} : memref<128x128xf32, #tpu.memory_space<vmem>>, vector<1x16xf32>,
      %swap3A_166 = vector.shape_cast %swap3A_165 : vector<1x16xf32> to vector<16xf32>
      %swap3A_167 = vector.shape_cast %broadcast_in_dim3A_161 : vector<16xf32> to vector<1x16xf32>
      tpu.vector_store %arg11[%swap3A_163, %swap3A_164], %swap3A_167 {strides = array<i32>} : memref<128x128xf32, #tpu.memory_space<vmem>>, vector<1x16xf32>,
      %broadcast_in_dim3A_168 = arith.constant 0.000000e+00 : f32
      %broadcast_in_dim3A_169 = vector.broadcast %broadcast_in_dim3A_168 : f32 to vector<16xf32>
      %swap3A_170 = arith.constant 0 : i32
      %swap3A_171 = arith.index_cast %swap3A_170 : i32 to index
      %swap3A_172 = arith.constant 112 : index
      %swap3A_173 = tpu.vector_load %arg11[%swap3A_171, %swap3A_172] {strides = array<i32>} : memref<128x128xf32, #tpu.memory_space<vmem>>, vector<1x16xf32>,
      %swap3A_174 = vector.shape_cast %swap3A_173 : vector<1x16xf32> to vector<16xf32>
      %swap3A_175 = vector.shape_cast %broadcast_in_dim3A_169 : vector<16xf32> to vector<1x16xf32>
      tpu.vector_store %arg11[%swap3A_171, %swap3A_172], %swap3A_175 {strides = array<i32>} : memref<128x128xf32, #tpu.memory_space<vmem>>, vector<1x16xf32>,
      %broadcast_in_dim3A_176 = arith.constant 0.000000e+00 : f32
      %broadcast_in_dim3A_177 = vector.broadcast %broadcast_in_dim3A_176 : f32 to vector<16xf32>
      %swap3A_178 = arith.constant 1 : i32
      %swap3A_179 = arith.index_cast %swap3A_178 : i32 to index
      %swap3A_180 = arith.constant 0 : index
      %swap3A_181 = tpu.vector_load %arg11[%swap3A_179, %swap3A_180] {strides = array<i32>} : memref<128x128xf32, #tpu.memory_space<vmem>>, vector<1x16xf32>,
      %swap3A_182 = vector.shape_cast %swap3A_181 : vector<1x16xf32> to vector<16xf32>
      %swap3A_183 = vector.shape_cast %broadcast_in_dim3A_177 : vector<16xf32> to vector<1x16xf32>
      tpu.vector_store %arg11[%swap3A_179, %swap3A_180], %swap3A_183 {strides = array<i32>} : memref<128x128xf32, #tpu.memory_space<vmem>>, vector<1x16xf32>,
      %broadcast_in_dim3A_184 = arith.constant 0.000000e+00 : f32
      %broadcast_in_dim3A_185 = vector.broadcast %broadcast_in_dim3A_184 : f32 to vector<16xf32>
      %swap3A_186 = arith.constant 1 : i32
      %swap3A_187 = arith.index_cast %swap3A_186 : i32 to index
      %swap3A_188 = arith.constant 16 : index
      %swap3A_189 = tpu.vector_load %arg11[%swap3A_187, %swap3A_188] {strides = array<i32>} : memref<128x128xf32, #tpu.memory_space<vmem>>, vector<1x16xf32>,
      %swap3A_190 = vector.shape_cast %swap3A_189 : vector<1x16xf32> to vector<16xf32>
      %swap3A_191 = vector.shape_cast %broadcast_in_dim3A_185 : vector<16xf32> to vector<1x16xf32>
      tpu.vector_store %arg11[%swap3A_187, %swap3A_188], %swap3A_191 {strides = array<i32>} : memref<128x128xf32, #tpu.memory_space<vmem>>, vector<1x16xf32>,
      %broadcast_in_dim3A_192 = arith.constant 0.000000e+00 : f32
      %broadcast_in_dim3A_193 = vector.broadcast %broadcast_in_dim3A_192 : f32 to vector<16xf32>
      %swap3A_194 = arith.constant 1 : i32
      %swap3A_195 = arith.index_cast %swap3A_194 : i32 to index
      %swap3A_196 = arith.constant 32 : index
      %swap3A_197 = tpu.vector_load %arg11[%swap3A_195, %swap3A_196] {strides = array<i32>} : memref<128x128xf32, #tpu.memory_space<vmem>>, vector<1x16xf32>,
      %swap3A_198 = vector.shape_cast %swap3A_197 : vector<1x16xf32> to vector<16xf32>
      %swap3A_199 = vector.shape_cast %broadcast_in_dim3A_193 : vector<16xf32> to vector<1x16xf32>
      tpu.vector_store %arg11[%swap3A_195, %swap3A_196], %swap3A_199 {strides = array<i32>} : memref<128x128xf32, #tpu.memory_space<vmem>>, vector<1x16xf32>,
      %broadcast_in_dim3A_200 = arith.constant 0.000000e+00 : f32
      %broadcast_in_dim3A_201 = vector.broadcast %broadcast_in_dim3A_200 : f32 to vector<16xf32>
      %swap3A_202 = arith.constant 1 : i32
      %swap3A_203 = arith.index_cast %swap3A_202 : i32 to index
      %swap3A_204 = arith.constant 48 : index
      %swap3A_205 = tpu.vector_load %arg11[%swap3A_203, %swap3A_204] {strides = array<i32>} : memref<128x128xf32, #tpu.memory_space<vmem>>, vector<1x16xf32>,
      %swap3A_206 = vector.shape_cast %swap3A_205 : vector<1x16xf32> to vector<16xf32>
      %swap3A_207 = vector.shape_cast %broadcast_in_dim3A_201 : vector<16xf32> to vector<1x16xf32>
      tpu.vector_store %arg11[%swap3A_203, %swap3A_204], %swap3A_207 {strides = array<i32>} : memref<128x128xf32, #tpu.memory_space<vmem>>, vector<1x16xf32>,
      %broadcast_in_dim3A_208 = arith.constant 0.000000e+00 : f32
      %broadcast_in_dim3A_209 = vector.broadcast %broadcast_in_dim3A_208 : f32 to vector<16xf32>
      %swap3A_210 = arith.constant 1 : i32
      %swap3A_211 = arith.index_cast %swap3A_210 : i32 to index
      %swap3A_212 = arith.constant 64 : index
      %swap3A_213 = tpu.vector_load %arg11[%swap3A_211, %swap3A_212] {strides = array<i32>} : memref<128x128xf32, #tpu.memory_space<vmem>>, vector<1x16xf32>,
      %swap3A_214 = vector.shape_cast %swap3A_213 : vector<1x16xf32> to vector<16xf32>
      %swap3A_215 = vector.shape_cast %broadcast_in_dim3A_209 : vector<16xf32> to vector<1x16xf32>
      tpu.vector_store %arg11[%swap3A_211, %swap3A_212], %swap3A_215 {strides = array<i32>} : memref<128x128xf32, #tpu.memory_space<vmem>>, vector<1x16xf32>,
      %broadcast_in_dim3A_216 = arith.constant 0.000000e+00 : f32
      %broadcast_in_dim3A_217 = vector.broadcast %broadcast_in_dim3A_216 : f32 to vector<16xf32>
      %swap3A_218 = arith.constant 1 : i32
      %swap3A_219 = arith.index_cast %swap3A_218 : i32 to index
      %swap3A_220 = arith.constant 80 : index
      %swap3A_221 = tpu.vector_load %arg11[%swap3A_219, %swap3A_220] {strides = array<i32>} : memref<128x128xf32, #tpu.memory_space<vmem>>, vector<1x16xf32>,
      %swap3A_222 = vector.shape_cast %swap3A_221 : vector<1x16xf32> to vector<16xf32>
      %swap3A_223 = vector.shape_cast %broadcast_in_dim3A_217 : vector<16xf32> to vector<1x16xf32>
      tpu.vector_store %arg11[%swap3A_219, %swap3A_220], %swap3A_223 {strides = array<i32>} : memref<128x128xf32, #tpu.memory_space<vmem>>, vector<1x16xf32>,
      %broadcast_in_dim3A_224 = arith.constant 0.000000e+00 : f32
      %broadcast_in_dim3A_225 = vector.broadcast %broadcast_in_dim3A_224 : f32 to vector<16xf32>
      %swap3A_226 = arith.constant 1 : i32
      %swap3A_227 = arith.index_cast %swap3A_226 : i32 to index
      %swap3A_228 = arith.constant 96 : index
      %swap3A_229 = tpu.vector_load %arg11[%swap3A_227, %swap3A_228] {strides = array<i32>} : memref<128x128xf32, #tpu.memory_space<vmem>>, vector<1x16xf32>,
      %swap3A_230 = vector.shape_cast %swap3A_229 : vector<1x16xf32> to vector<16xf32>
      %swap3A_231 = vector.shape_cast %broadcast_in_dim3A_225 : vector<16xf32> to vector<1x16xf32>
      tpu.vector_store %arg11[%swap3A_227, %swap3A_228], %swap3A_231 {strides = array<i32>} : memref<128x128xf32, #tpu.memory_space<vmem>>, vector<1x16xf32>,
      %broadcast_in_dim3A_232 = arith.constant 0.000000e+00 : f32
      %broadcast_in_dim3A_233 = vector.broadcast %broadcast_in_dim3A_232 : f32 to vector<16xf32>
      %swap3A_234 = arith.constant 1 : i32
      %swap3A_235 = arith.index_cast %swap3A_234 : i32 to index
      %swap3A_236 = arith.constant 112 : index
      %swap3A_237 = tpu.vector_load %arg11[%swap3A_235, %swap3A_236] {strides = array<i32>} : memref<128x128xf32, #tpu.memory_space<vmem>>, vector<1x16xf32>,
      %swap3A_238 = vector.shape_cast %swap3A_237 : vector<1x16xf32> to vector<16xf32>
      %swap3A_239 = vector.shape_cast %broadcast_in_dim3A_233 : vector<16xf32> to vector<1x16xf32>
      tpu.vector_store %arg11[%swap3A_235, %swap3A_236], %swap3A_239 {strides = array<i32>} : memref<128x128xf32, #tpu.memory_space<vmem>>, vector<1x16xf32>,
      %broadcast_in_dim3A_240 = arith.constant 0.000000e+00 : f32
      %broadcast_in_dim3A_241 = vector.broadcast %broadcast_in_dim3A_240 : f32 to vector<16xf32>
      %swap3A_242 = arith.constant 2 : i32
      %swap3A_243 = arith.index_cast %swap3A_242 : i32 to index
      %swap3A_244 = arith.constant 0 : index
      %swap3A_245 = tpu.vector_load %arg11[%swap3A_243, %swap3A_244] {strides = array<i32>} : memref<128x128xf32, #tpu.memory_space<vmem>>, vector<1x16xf32>,
      %swap3A_246 = vector.shape_cast %swap3A_245 : vector<1x16xf32> to vector<16xf32>
      %swap3A_247 = vector.shape_cast %broadcast_in_dim3A_241 : vector<16xf32> to vector<1x16xf32>
      tpu.vector_store %arg11[%swap3A_243, %swap3A_244], %swap3A_247 {strides = array<i32>} : memref<128x128xf32, #tpu.memory_space<vmem>>, vector<1x16xf32>,
      %broadcast_in_dim3A_248 = arith.constant 0.000000e+00 : f32
      %broadcast_in_dim3A_249 = vector.broadcast %broadcast_in_dim3A_248 : f32 to vector<16xf32>
      %swap3A_250 = arith.constant 2 : i32
      %swap3A_251 = arith.index_cast %swap3A_250 : i32 to index
      %swap3A_252 = arith.constant 16 : index
      %swap3A_253 = tpu.vector_load %arg11[%swap3A_251, %swap3A_252] {strides = array<i32>} : memref<128x128xf32, #tpu.memory_space<vmem>>, vector<1x16xf32>,
      %swap3A_254 = vector.shape_cast %swap3A_253 : vector<1x16xf32> to vector<16xf32>
      %swap3A_255 = vector.shape_cast %broadcast_in_dim3A_249 : vector<16xf32> to vector<1x16xf32>
      tpu.vector_store %arg11[%swap3A_251, %swap3A_252], %swap3A_255 {strides = array<i32>} : memref<128x128xf32, #tpu.memory_space<vmem>>, vector<1x16xf32>,
      %broadcast_in_dim3A_256 = arith.constant 0.000000e+00 : f32
      %broadcast_in_dim3A_257 = vector.broadcast %broadcast_in_dim3A_256 : f32 to vector<16xf32>
      %swap3A_258 = arith.constant 2 : i32
      %swap3A_259 = arith.index_cast %swap3A_258 : i32 to index
      %swap3A_260 = arith.constant 32 : index
      %swap3A_261 = tpu.vector_load %arg11[%swap3A_259, %swap3A_260] {strides = array<i32>} : memref<128x128xf32, #tpu.memory_space<vmem>>, vector<1x16xf32>,
      %swap3A_262 = vector.shape_cast %swap3A_261 : vector<1x16xf32> to vector<16xf32>
      %swap3A_263 = vector.shape_cast %broadcast_in_dim3A_257 : vector<16xf32> to vector<1x16xf32>
      tpu.vector_store %arg11[%swap3A_259, %swap3A_260], %swap3A_263 {strides = array<i32>} : memref<128x128xf32, #tpu.memory_space<vmem>>, vector<1x16xf32>,
      %broadcast_in_dim3A_264 = arith.constant 0.000000e+00 : f32
      %broadcast_in_dim3A_265 = vector.broadcast %broadcast_in_dim3A_264 : f32 to vector<16xf32>
      %swap3A_266 = arith.constant 2 : i32
      %swap3A_267 = arith.index_cast %swap3A_266 : i32 to index
      %swap3A_268 = arith.constant 48 : index
      %swap3A_269 = tpu.vector_load %arg11[%swap3A_267, %swap3A_268] {strides = array<i32>} : memref<128x128xf32, #tpu.memory_space<vmem>>, vector<1x16xf32>,
      %swap3A_270 = vector.shape_cast %swap3A_269 : vector<1x16xf32> to vector<16xf32>
      %swap3A_271 = vector.shape_cast %broadcast_in_dim3A_265 : vector<16xf32> to vector<1x16xf32>
      tpu.vector_store %arg11[%swap3A_267, %swap3A_268], %swap3A_271 {strides = array<i32>} : memref<128x128xf32, #tpu.memory_space<vmem>>, vector<1x16xf32>,
      %broadcast_in_dim3A_272 = arith.constant 0.000000e+00 : f32
      %broadcast_in_dim3A_273 = vector.broadcast %broadcast_in_dim3A_272 : f32 to vector<16xf32>
      %swap3A_274 = arith.constant 2 : i32
      %swap3A_275 = arith.index_cast %swap3A_274 : i32 to index
      %swap3A_276 = arith.constant 64 : index
      %swap3A_277 = tpu.vector_load %arg11[%swap3A_275, %swap3A_276] {strides = array<i32>} : memref<128x128xf32, #tpu.memory_space<vmem>>, vector<1x16xf32>,
      %swap3A_278 = vector.shape_cast %swap3A_277 : vector<1x16xf32> to vector<16xf32>
      %swap3A_279 = vector.shape_cast %broadcast_in_dim3A_273 : vector<16xf32> to vector<1x16xf32>
      tpu.vector_store %arg11[%swap3A_275, %swap3A_276], %swap3A_279 {strides = array<i32>} : memref<128x128xf32, #tpu.memory_space<vmem>>, vector<1x16xf32>,
      %broadcast_in_dim3A_280 = arith.constant 0.000000e+00 : f32
      %broadcast_in_dim3A_281 = vector.broadcast %broadcast_in_dim3A_280 : f32 to vector<16xf32>
      %swap3A_282 = arith.constant 2 : i32
      %swap3A_283 = arith.index_cast %swap3A_282 : i32 to index
      %swap3A_284 = arith.constant 80 : index
      %swap3A_285 = tpu.vector_load %arg11[%swap3A_283, %swap3A_284] {strides = array<i32>} : memref<128x128xf32, #tpu.memory_space<vmem>>, vector<1x16xf32>,
      %swap3A_286 = vector.shape_cast %swap3A_285 : vector<1x16xf32> to vector<16xf32>
      %swap3A_287 = vector.shape_cast %broadcast_in_dim3A_281 : vector<16xf32> to vector<1x16xf32>
      tpu.vector_store %arg11[%swap3A_283, %swap3A_284], %swap3A_287 {strides = array<i32>} : memref<128x128xf32, #tpu.memory_space<vmem>>, vector<1x16xf32>,
      %broadcast_in_dim3A_288 = arith.constant 0.000000e+00 : f32
      %broadcast_in_dim3A_289 = vector.broadcast %broadcast_in_dim3A_288 : f32 to vector<16xf32>
      %swap3A_290 = arith.constant 2 : i32
      %swap3A_291 = arith.index_cast %swap3A_290 : i32 to index
      %swap3A_292 = arith.constant 96 : index
      %swap3A_293 = tpu.vector_load %arg11[%swap3A_291, %swap3A_292] {strides = array<i32>} : memref<128x128xf32, #tpu.memory_space<vmem>>, vector<1x16xf32>,
      %swap3A_294 = vector.shape_cast %swap3A_293 : vector<1x16xf32> to vector<16xf32>
      %swap3A_295 = vector.shape_cast %broadcast_in_dim3A_289 : vector<16xf32> to vector<1x16xf32>
      tpu.vector_store %arg11[%swap3A_291, %swap3A_292], %swap3A_295 {strides = array<i32>} : memref<128x128xf32, #tpu.memory_space<vmem>>, vector<1x16xf32>,
      %broadcast_in_dim3A_296 = arith.constant 0.000000e+00 : f32
      %broadcast_in_dim3A_297 = vector.broadcast %broadcast_in_dim3A_296 : f32 to vector<16xf32>
      %swap3A_298 = arith.constant 2 : i32
      %swap3A_299 = arith.index_cast %swap3A_298 : i32 to index
      %swap3A_300 = arith.constant 112 : index
      %swap3A_301 = tpu.vector_load %arg11[%swap3A_299, %swap3A_300] {strides = array<i32>} : memref<128x128xf32, #tpu.memory_space<vmem>>, vector<1x16xf32>,
      %swap3A_302 = vector.shape_cast %swap3A_301 : vector<1x16xf32> to vector<16xf32>
      %swap3A_303 = vector.shape_cast %broadcast_in_dim3A_297 : vector<16xf32> to vector<1x16xf32>
      tpu.vector_store %arg11[%swap3A_299, %swap3A_300], %swap3A_303 {strides = array<i32>} : memref<128x128xf32, #tpu.memory_space<vmem>>, vector<1x16xf32>,
      %broadcast_in_dim3A_304 = arith.constant 0.000000e+00 : f32
      %broadcast_in_dim3A_305 = vector.broadcast %broadcast_in_dim3A_304 : f32 to vector<16xf32>
      %swap3A_306 = arith.constant 3 : i32
      %swap3A_307 = arith.index_cast %swap3A_306 : i32 to index
      %swap3A_308 = arith.constant 0 : index
      %swap3A_309 = tpu.vector_load %arg11[%swap3A_307, %swap3A_308] {strides = array<i32>} : memref<128x128xf32, #tpu.memory_space<vmem>>, vector<1x16xf32>,
      %swap3A_310 = vector.shape_cast %swap3A_309 : vector<1x16xf32> to vector<16xf32>
      %swap3A_311 = vector.shape_cast %broadcast_in_dim3A_305 : vector<16xf32> to vector<1x16xf32>
      tpu.vector_store %arg11[%swap3A_307, %swap3A_308], %swap3A_311 {strides = array<i32>} : memref<128x128xf32, #tpu.memory_space<vmem>>, vector<1x16xf32>,
      %broadcast_in_dim3A_312 = arith.constant 0.000000e+00 : f32
      %broadcast_in_dim3A_313 = vector.broadcast %broadcast_in_dim3A_312 : f32 to vector<16xf32>
      %swap3A_314 = arith.constant 3 : i32
      %swap3A_315 = arith.index_cast %swap3A_314 : i32 to index
      %swap3A_316 = arith.constant 16 : index
      %swap3A_317 = tpu.vector_load %arg11[%swap3A_315, %swap3A_316] {strides = array<i32>} : memref<128x128xf32, #tpu.memory_space<vmem>>, vector<1x16xf32>,
      %swap3A_318 = vector.shape_cast %swap3A_317 : vector<1x16xf32> to vector<16xf32>
      %swap3A_319 = vector.shape_cast %broadcast_in_dim3A_313 : vector<16xf32> to vector<1x16xf32>
      tpu.vector_store %arg11[%swap3A_315, %swap3A_316], %swap3A_319 {strides = array<i32>} : memref<128x128xf32, #tpu.memory_space<vmem>>, vector<1x16xf32>,
      %broadcast_in_dim3A_320 = arith.constant 0.000000e+00 : f32
      %broadcast_in_dim3A_321 = vector.broadcast %broadcast_in_dim3A_320 : f32 to vector<16xf32>
      %swap3A_322 = arith.constant 3 : i32
      %swap3A_323 = arith.index_cast %swap3A_322 : i32 to index
      %swap3A_324 = arith.constant 32 : index
      %swap3A_325 = tpu.vector_load %arg11[%swap3A_323, %swap3A_324] {strides = array<i32>} : memref<128x128xf32, #tpu.memory_space<vmem>>, vector<1x16xf32>,
      %swap3A_326 = vector.shape_cast %swap3A_325 : vector<1x16xf32> to vector<16xf32>
      %swap3A_327 = vector.shape_cast %broadcast_in_dim3A_321 : vector<16xf32> to vector<1x16xf32>
      tpu.vector_store %arg11[%swap3A_323, %swap3A_324], %swap3A_327 {strides = array<i32>} : memref<128x128xf32, #tpu.memory_space<vmem>>, vector<1x16xf32>,
      %broadcast_in_dim3A_328 = arith.constant 0.000000e+00 : f32
      %broadcast_in_dim3A_329 = vector.broadcast %broadcast_in_dim3A_328 : f32 to vector<16xf32>
      %swap3A_330 = arith.constant 3 : i32
      %swap3A_331 = arith.index_cast %swap3A_330 : i32 to index
      %swap3A_332 = arith.constant 48 : index
      %swap3A_333 = tpu.vector_load %arg11[%swap3A_331, %swap3A_332] {strides = array<i32>} : memref<128x128xf32, #tpu.memory_space<vmem>>, vector<1x16xf32>,
      %swap3A_334 = vector.shape_cast %swap3A_333 : vector<1x16xf32> to vector<16xf32>
      %swap3A_335 = vector.shape_cast %broadcast_in_dim3A_329 : vector<16xf32> to vector<1x16xf32>
      tpu.vector_store %arg11[%swap3A_331, %swap3A_332], %swap3A_335 {strides = array<i32>} : memref<128x128xf32, #tpu.memory_space<vmem>>, vector<1x16xf32>,
      %broadcast_in_dim3A_336 = arith.constant 0.000000e+00 : f32
      %broadcast_in_dim3A_337 = vector.broadcast %broadcast_in_dim3A_336 : f32 to vector<16xf32>
      %swap3A_338 = arith.constant 3 : i32
      %swap3A_339 = arith.index_cast %swap3A_338 : i32 to index
      %swap3A_340 = arith.constant 64 : index
      %swap3A_341 = tpu.vector_load %arg11[%swap3A_339, %swap3A_340] {strides = array<i32>} : memref<128x128xf32, #tpu.memory_space<vmem>>, vector<1x16xf32>,
      %swap3A_342 = vector.shape_cast %swap3A_341 : vector<1x16xf32> to vector<16xf32>
      %swap3A_343 = vector.shape_cast %broadcast_in_dim3A_337 : vector<16xf32> to vector<1x16xf32>
      tpu.vector_store %arg11[%swap3A_339, %swap3A_340], %swap3A_343 {strides = array<i32>} : memref<128x128xf32, #tpu.memory_space<vmem>>, vector<1x16xf32>,
      %broadcast_in_dim3A_344 = arith.constant 0.000000e+00 : f32
      %broadcast_in_dim3A_345 = vector.broadcast %broadcast_in_dim3A_344 : f32 to vector<16xf32>
      %swap3A_346 = arith.constant 3 : i32
      %swap3A_347 = arith.index_cast %swap3A_346 : i32 to index
      %swap3A_348 = arith.constant 80 : index
      %swap3A_349 = tpu.vector_load %arg11[%swap3A_347, %swap3A_348] {strides = array<i32>} : memref<128x128xf32, #tpu.memory_space<vmem>>, vector<1x16xf32>,
      %swap3A_350 = vector.shape_cast %swap3A_349 : vector<1x16xf32> to vector<16xf32>
      %swap3A_351 = vector.shape_cast %broadcast_in_dim3A_345 : vector<16xf32> to vector<1x16xf32>
      tpu.vector_store %arg11[%swap3A_347, %swap3A_348], %swap3A_351 {strides = array<i32>} : memref<128x128xf32, #tpu.memory_space<vmem>>, vector<1x16xf32>,
      %broadcast_in_dim3A_352 = arith.constant 0.000000e+00 : f32
      %broadcast_in_dim3A_353 = vector.broadcast %broadcast_in_dim3A_352 : f32 to vector<16xf32>
      %swap3A_354 = arith.constant 3 : i32
      %swap3A_355 = arith.index_cast %swap3A_354 : i32 to index
      %swap3A_356 = arith.constant 96 : index
      %swap3A_357 = tpu.vector_load %arg11[%swap3A_355, %swap3A_356] {strides = array<i32>} : memref<128x128xf32, #tpu.memory_space<vmem>>, vector<1x16xf32>,
      %swap3A_358 = vector.shape_cast %swap3A_357 : vector<1x16xf32> to vector<16xf32>
      %swap3A_359 = vector.shape_cast %broadcast_in_dim3A_353 : vector<16xf32> to vector<1x16xf32>
      tpu.vector_store %arg11[%swap3A_355, %swap3A_356], %swap3A_359 {strides = array<i32>} : memref<128x128xf32, #tpu.memory_space<vmem>>, vector<1x16xf32>,
      %broadcast_in_dim3A_360 = arith.constant 0.000000e+00 : f32
      %broadcast_in_dim3A_361 = vector.broadcast %broadcast_in_dim3A_360 : f32 to vector<16xf32>
      %swap3A_362 = arith.constant 3 : i32
      %swap3A_363 = arith.index_cast %swap3A_362 : i32 to index
      %swap3A_364 = arith.constant 112 : index
      %swap3A_365 = tpu.vector_load %arg11[%swap3A_363, %swap3A_364] {strides = array<i32>} : memref<128x128xf32, #tpu.memory_space<vmem>>, vector<1x16xf32>,
      %swap3A_366 = vector.shape_cast %swap3A_365 : vector<1x16xf32> to vector<16xf32>
      %swap3A_367 = vector.shape_cast %broadcast_in_dim3A_361 : vector<16xf32> to vector<1x16xf32>
      tpu.vector_store %arg11[%swap3A_363, %swap3A_364], %swap3A_367 {strides = array<i32>} : memref<128x128xf32, #tpu.memory_space<vmem>>, vector<1x16xf32>,
      %broadcast_in_dim3A_368 = arith.constant 0.000000e+00 : f32
      %broadcast_in_dim3A_369 = vector.broadcast %broadcast_in_dim3A_368 : f32 to vector<16xf32>
      %swap3A_370 = arith.constant 4 : i32
      %swap3A_371 = arith.index_cast %swap3A_370 : i32 to index
      %swap3A_372 = arith.constant 0 : index
      %swap3A_373 = tpu.vector_load %arg11[%swap3A_371, %swap3A_372] {strides = array<i32>} : memref<128x128xf32, #tpu.memory_space<vmem>>, vector<1x16xf32>,
      %swap3A_374 = vector.shape_cast %swap3A_373 : vector<1x16xf32> to vector<16xf32>
      %swap3A_375 = vector.shape_cast %broadcast_in_dim3A_369 : vector<16xf32> to vector<1x16xf32>
      tpu.vector_store %arg11[%swap3A_371, %swap3A_372], %swap3A_375 {strides = array<i32>} : memref<128x128xf32, #tpu.memory_space<vmem>>, vector<1x16xf32>,
      %broadcast_in_dim3A_376 = arith.constant 0.000000e+00 : f32
      %broadcast_in_dim3A_377 = vector.broadcast %broadcast_in_dim3A_376 : f32 to vector<16xf32>
      %swap3A_378 = arith.constant 4 : i32
      %swap3A_379 = arith.index_cast %swap3A_378 : i32 to index
      %swap3A_380 = arith.constant 16 : index
      %swap3A_381 = tpu.vector_load %arg11[%swap3A_379, %swap3A_380] {strides = array<i32>} : memref<128x128xf32, #tpu.memory_space<vmem>>, vector<1x16xf32>,
      %swap3A_382 = vector.shape_cast %swap3A_381 : vector<1x16xf32> to vector<16xf32>
      %swap3A_383 = vector.shape_cast %broadcast_in_dim3A_377 : vector<16xf32> to vector<1x16xf32>
      tpu.vector_store %arg11[%swap3A_379, %swap3A_380], %swap3A_383 {strides = array<i32>} : memref<128x128xf32, #tpu.memory_space<vmem>>, vector<1x16xf32>,
      %broadcast_in_dim3A_384 = arith.constant 0.000000e+00 : f32
      %broadcast_in_dim3A_385 = vector.broadcast %broadcast_in_dim3A_384 : f32 to vector<16xf32>
      %swap3A_386 = arith.constant 4 : i32
      %swap3A_387 = arith.index_cast %swap3A_386 : i32 to index
      %swap3A_388 = arith.constant 32 : index
      %swap3A_389 = tpu.vector_load %arg11[%swap3A_387, %swap3A_388] {strides = array<i32>} : memref<128x128xf32, #tpu.memory_space<vmem>>, vector<1x16xf32>,
      %swap3A_390 = vector.shape_cast %swap3A_389 : vector<1x16xf32> to vector<16xf32>
      %swap3A_391 = vector.shape_cast %broadcast_in_dim3A_385 : vector<16xf32> to vector<1x16xf32>
      tpu.vector_store %arg11[%swap3A_387, %swap3A_388], %swap3A_391 {strides = array<i32>} : memref<128x128xf32, #tpu.memory_space<vmem>>, vector<1x16xf32>,
      %broadcast_in_dim3A_392 = arith.constant 0.000000e+00 : f32
      %broadcast_in_dim3A_393 = vector.broadcast %broadcast_in_dim3A_392 : f32 to vector<16xf32>
      %swap3A_394 = arith.constant 4 : i32
      %swap3A_395 = arith.index_cast %swap3A_394 : i32 to index
      %swap3A_396 = arith.constant 48 : index
      %swap3A_397 = tpu.vector_load %arg11[%swap3A_395, %swap3A_396] {strides = array<i32>} : memref<128x128xf32, #tpu.memory_space<vmem>>, vector<1x16xf32>,
      %swap3A_398 = vector.shape_cast %swap3A_397 : vector<1x16xf32> to vector<16xf32>
      %swap3A_399 = vector.shape_cast %broadcast_in_dim3A_393 : vector<16xf32> to vector<1x16xf32>
      tpu.vector_store %arg11[%swap3A_395, %swap3A_396], %swap3A_399 {strides = array<i32>} : memref<128x128xf32, #tpu.memory_space<vmem>>, vector<1x16xf32>,
      %broadcast_in_dim3A_400 = arith.constant 0.000000e+00 : f32
      %broadcast_in_dim3A_401 = vector.broadcast %broadcast_in_dim3A_400 : f32 to vector<16xf32>
      %swap3A_402 = arith.constant 4 : i32
      %swap3A_403 = arith.index_cast %swap3A_402 : i32 to index
      %swap3A_404 = arith.constant 64 : index
      %swap3A_405 = tpu.vector_load %arg11[%swap3A_403, %swap3A_404] {strides = array<i32>} : memref<128x128xf32, #tpu.memory_space<vmem>>, vector<1x16xf32>,
      %swap3A_406 = vector.shape_cast %swap3A_405 : vector<1x16xf32> to vector<16xf32>
      %swap3A_407 = vector.shape_cast %broadcast_in_dim3A_401 : vector<16xf32> to vector<1x16xf32>
      tpu.vector_store %arg11[%swap3A_403, %swap3A_404], %swap3A_407 {strides = array<i32>} : memref<128x128xf32, #tpu.memory_space<vmem>>, vector<1x16xf32>,
      %broadcast_in_dim3A_408 = arith.constant 0.000000e+00 : f32
      %broadcast_in_dim3A_409 = vector.broadcast %broadcast_in_dim3A_408 : f32 to vector<16xf32>
      %swap3A_410 = arith.constant 4 : i32
      %swap3A_411 = arith.index_cast %swap3A_410 : i32 to index
      %swap3A_412 = arith.constant 80 : index
      %swap3A_413 = tpu.vector_load %arg11[%swap3A_411, %swap3A_412] {strides = array<i32>} : memref<128x128xf32, #tpu.memory_space<vmem>>, vector<1x16xf32>,
      %swap3A_414 = vector.shape_cast %swap3A_413 : vector<1x16xf32> to vector<16xf32>
      %swap3A_415 = vector.shape_cast %broadcast_in_dim3A_409 : vector<16xf32> to vector<1x16xf32>
      tpu.vector_store %arg11[%swap3A_411, %swap3A_412], %swap3A_415 {strides = array<i32>} : memref<128x128xf32, #tpu.memory_space<vmem>>, vector<1x16xf32>,
      %broadcast_in_dim3A_416 = arith.constant 0.000000e+00 : f32
      %broadcast_in_dim3A_417 = vector.broadcast %broadcast_in_dim3A_416 : f32 to vector<16xf32>
      %swap3A_418 = arith.constant 4 : i32
      %swap3A_419 = arith.index_cast %swap3A_418 : i32 to index
      %swap3A_420 = arith.constant 96 : index
      %swap3A_421 = tpu.vector_load %arg11[%swap3A_419, %swap3A_420] {strides = array<i32>} : memref<128x128xf32, #tpu.memory_space<vmem>>, vector<1x16xf32>,
      %swap3A_422 = vector.shape_cast %swap3A_421 : vector<1x16xf32> to vector<16xf32>
      %swap3A_423 = vector.shape_cast %broadcast_in_dim3A_417 : vector<16xf32> to vector<1x16xf32>
      tpu.vector_store %arg11[%swap3A_419, %swap3A_420], %swap3A_423 {strides = array<i32>} : memref<128x128xf32, #tpu.memory_space<vmem>>, vector<1x16xf32>,
      %broadcast_in_dim3A_424 = arith.constant 0.000000e+00 : f32
      %broadcast_in_dim3A_425 = vector.broadcast %broadcast_in_dim3A_424 : f32 to vector<16xf32>
      %swap3A_426 = arith.constant 4 : i32
      %swap3A_427 = arith.index_cast %swap3A_426 : i32 to index
      %swap3A_428 = arith.constant 112 : index
      %swap3A_429 = tpu.vector_load %arg11[%swap3A_427, %swap3A_428] {strides = array<i32>} : memref<128x128xf32, #tpu.memory_space<vmem>>, vector<1x16xf32>,
      %swap3A_430 = vector.shape_cast %swap3A_429 : vector<1x16xf32> to vector<16xf32>
      %swap3A_431 = vector.shape_cast %broadcast_in_dim3A_425 : vector<16xf32> to vector<1x16xf32>
      tpu.vector_store %arg11[%swap3A_427, %swap3A_428], %swap3A_431 {strides = array<i32>} : memref<128x128xf32, #tpu.memory_space<vmem>>, vector<1x16xf32>,
      %broadcast_in_dim3A_432 = arith.constant 0.000000e+00 : f32
      %broadcast_in_dim3A_433 = vector.broadcast %broadcast_in_dim3A_432 : f32 to vector<16xf32>
      %swap3A_434 = arith.constant 5 : i32
      %swap3A_435 = arith.index_cast %swap3A_434 : i32 to index
      %swap3A_436 = arith.constant 0 : index
      %swap3A_437 = tpu.vector_load %arg11[%swap3A_435, %swap3A_436] {strides = array<i32>} : memref<128x128xf32, #tpu.memory_space<vmem>>, vector<1x16xf32>,
      %swap3A_438 = vector.shape_cast %swap3A_437 : vector<1x16xf32> to vector<16xf32>
      %swap3A_439 = vector.shape_cast %broadcast_in_dim3A_433 : vector<16xf32> to vector<1x16xf32>
      tpu.vector_store %arg11[%swap3A_435, %swap3A_436], %swap3A_439 {strides = array<i32>} : memref<128x128xf32, #tpu.memory_space<vmem>>, vector<1x16xf32>,
      %broadcast_in_dim3A_440 = arith.constant 0.000000e+00 : f32
      %broadcast_in_dim3A_441 = vector.broadcast %broadcast_in_dim3A_440 : f32 to vector<16xf32>
      %swap3A_442 = arith.constant 5 : i32
      %swap3A_443 = arith.index_cast %swap3A_442 : i32 to index
      %swap3A_444 = arith.constant 16 : index
      %swap3A_445 = tpu.vector_load %arg11[%swap3A_443, %swap3A_444] {strides = array<i32>} : memref<128x128xf32, #tpu.memory_space<vmem>>, vector<1x16xf32>,
      %swap3A_446 = vector.shape_cast %swap3A_445 : vector<1x16xf32> to vector<16xf32>
      %swap3A_447 = vector.shape_cast %broadcast_in_dim3A_441 : vector<16xf32> to vector<1x16xf32>
      tpu.vector_store %arg11[%swap3A_443, %swap3A_444], %swap3A_447 {strides = array<i32>} : memref<128x128xf32, #tpu.memory_space<vmem>>, vector<1x16xf32>,
      %broadcast_in_dim3A_448 = arith.constant 0.000000e+00 : f32
      %broadcast_in_dim3A_449 = vector.broadcast %broadcast_in_dim3A_448 : f32 to vector<16xf32>
      %swap3A_450 = arith.constant 5 : i32
      %swap3A_451 = arith.index_cast %swap3A_450 : i32 to index
      %swap3A_452 = arith.constant 32 : index
      %swap3A_453 = tpu.vector_load %arg11[%swap3A_451, %swap3A_452] {strides = array<i32>} : memref<128x128xf32, #tpu.memory_space<vmem>>, vector<1x16xf32>,
      %swap3A_454 = vector.shape_cast %swap3A_453 : vector<1x16xf32> to vector<16xf32>
      %swap3A_455 = vector.shape_cast %broadcast_in_dim3A_449 : vector<16xf32> to vector<1x16xf32>
      tpu.vector_store %arg11[%swap3A_451, %swap3A_452], %swap3A_455 {strides = array<i32>} : memref<128x128xf32, #tpu.memory_space<vmem>>, vector<1x16xf32>,
      %broadcast_in_dim3A_456 = arith.constant 0.000000e+00 : f32
      %broadcast_in_dim3A_457 = vector.broadcast %broadcast_in_dim3A_456 : f32 to vector<16xf32>
      %swap3A_458 = arith.constant 5 : i32
      %swap3A_459 = arith.index_cast %swap3A_458 : i32 to index
      %swap3A_460 = arith.constant 48 : index
      %swap3A_461 = tpu.vector_load %arg11[%swap3A_459, %swap3A_460] {strides = array<i32>} : memref<128x128xf32, #tpu.memory_space<vmem>>, vector<1x16xf32>,
      %swap3A_462 = vector.shape_cast %swap3A_461 : vector<1x16xf32> to vector<16xf32>
      %swap3A_463 = vector.shape_cast %broadcast_in_dim3A_457 : vector<16xf32> to vector<1x16xf32>
      tpu.vector_store %arg11[%swap3A_459, %swap3A_460], %swap3A_463 {strides = array<i32>} : memref<128x128xf32, #tpu.memory_space<vmem>>, vector<1x16xf32>,
      %broadcast_in_dim3A_464 = arith.constant 0.000000e+00 : f32
      %broadcast_in_dim3A_465 = vector.broadcast %broadcast_in_dim3A_464 : f32 to vector<16xf32>
      %swap3A_466 = arith.constant 5 : i32
      %swap3A_467 = arith.index_cast %swap3A_466 : i32 to index
      %swap3A_468 = arith.constant 64 : index
      %swap3A_469 = tpu.vector_load %arg11[%swap3A_467, %swap3A_468] {strides = array<i32>} : memref<128x128xf32, #tpu.memory_space<vmem>>, vector<1x16xf32>,
      %swap3A_470 = vector.shape_cast %swap3A_469 : vector<1x16xf32> to vector<16xf32>
      %swap3A_471 = vector.shape_cast %broadcast_in_dim3A_465 : vector<16xf32> to vector<1x16xf32>
      tpu.vector_store %arg11[%swap3A_467, %swap3A_468], %swap3A_471 {strides = array<i32>} : memref<128x128xf32, #tpu.memory_space<vmem>>, vector<1x16xf32>,
      %broadcast_in_dim3A_472 = arith.constant 0.000000e+00 : f32
      %broadcast_in_dim3A_473 = vector.broadcast %broadcast_in_dim3A_472 : f32 to vector<16xf32>
      %swap3A_474 = arith.constant 5 : i32
      %swap3A_475 = arith.index_cast %swap3A_474 : i32 to index
      %swap3A_476 = arith.constant 80 : index
      %swap3A_477 = tpu.vector_load %arg11[%swap3A_475, %swap3A_476] {strides = array<i32>} : memref<128x128xf32, #tpu.memory_space<vmem>>, vector<1x16xf32>,
      %swap3A_478 = vector.shape_cast %swap3A_477 : vector<1x16xf32> to vector<16xf32>
      %swap3A_479 = vector.shape_cast %broadcast_in_dim3A_473 : vector<16xf32> to vector<1x16xf32>
      tpu.vector_store %arg11[%swap3A_475, %swap3A_476], %swap3A_479 {strides = array<i32>} : memref<128x128xf32, #tpu.memory_space<vmem>>, vector<1x16xf32>,
      %broadcast_in_dim3A_480 = arith.constant 0.000000e+00 : f32
      %broadcast_in_dim3A_481 = vector.broadcast %broadcast_in_dim3A_480 : f32 to vector<16xf32>
      %swap3A_482 = arith.constant 5 : i32
      %swap3A_483 = arith.index_cast %swap3A_482 : i32 to index
      %swap3A_484 = arith.constant 96 : index
      %swap3A_485 = tpu.vector_load %arg11[%swap3A_483, %swap3A_484] {strides = array<i32>} : memref<128x128xf32, #tpu.memory_space<vmem>>, vector<1x16xf32>,
      %swap3A_486 = vector.shape_cast %swap3A_485 : vector<1x16xf32> to vector<16xf32>
      %swap3A_487 = vector.shape_cast %broadcast_in_dim3A_481 : vector<16xf32> to vector<1x16xf32>
      tpu.vector_store %arg11[%swap3A_483, %swap3A_484], %swap3A_487 {strides = array<i32>} : memref<128x128xf32, #tpu.memory_space<vmem>>, vector<1x16xf32>,
      %broadcast_in_dim3A_488 = arith.constant 0.000000e+00 : f32
      %broadcast_in_dim3A_489 = vector.broadcast %broadcast_in_dim3A_488 : f32 to vector<16xf32>
      %swap3A_490 = arith.constant 5 : i32
      %swap3A_491 = arith.index_cast %swap3A_490 : i32 to index
      %swap3A_492 = arith.constant 112 : index
      %swap3A_493 = tpu.vector_load %arg11[%swap3A_491, %swap3A_492] {strides = array<i32>} : memref<128x128xf32, #tpu.memory_space<vmem>>, vector<1x16xf32>,
      %swap3A_494 = vector.shape_cast %swap3A_493 : vector<1x16xf32> to vector<16xf32>
      %swap3A_495 = vector.shape_cast %broadcast_in_dim3A_489 : vector<16xf32> to vector<1x16xf32>
      tpu.vector_store %arg11[%swap3A_491, %swap3A_492], %swap3A_495 {strides = array<i32>} : memref<128x128xf32, #tpu.memory_space<vmem>>, vector<1x16xf32>,
      %broadcast_in_dim3A_496 = arith.constant 0.000000e+00 : f32
      %broadcast_in_dim3A_497 = vector.broadcast %broadcast_in_dim3A_496 : f32 to vector<16xf32>
      %swap3A_498 = arith.constant 6 : i32
      %swap3A_499 = arith.index_cast %swap3A_498 : i32 to index
      %swap3A_500 = arith.constant 0 : index
      %swap3A_501 = tpu.vector_load %arg11[%swap3A_499, %swap3A_500] {strides = array<i32>} : memref<128x128xf32, #tpu.memory_space<vmem>>, vector<1x16xf32>,
      %swap3A_502 = vector.shape_cast %swap3A_501 : vector<1x16xf32> to vector<16xf32>
      %swap3A_503 = vector.shape_cast %broadcast_in_dim3A_497 : vector<16xf32> to vector<1x16xf32>
      tpu.vector_store %arg11[%swap3A_499, %swap3A_500], %swap3A_503 {strides = array<i32>} : memref<128x128xf32, #tpu.memory_space<vmem>>, vector<1x16xf32>,
      %broadcast_in_dim3A_504 = arith.constant 0.000000e+00 : f32
      %broadcast_in_dim3A_505 = vector.broadcast %broadcast_in_dim3A_504 : f32 to vector<16xf32>
      %swap3A_506 = arith.constant 6 : i32
      %swap3A_507 = arith.index_cast %swap3A_506 : i32 to index
      %swap3A_508 = arith.constant 16 : index
      %swap3A_509 = tpu.vector_load %arg11[%swap3A_507, %swap3A_508] {strides = array<i32>} : memref<128x128xf32, #tpu.memory_space<vmem>>, vector<1x16xf32>,
      %swap3A_510 = vector.shape_cast %swap3A_509 : vector<1x16xf32> to vector<16xf32>
      %swap3A_511 = vector.shape_cast %broadcast_in_dim3A_505 : vector<16xf32> to vector<1x16xf32>
      tpu.vector_store %arg11[%swap3A_507, %swap3A_508], %swap3A_511 {strides = array<i32>} : memref<128x128xf32, #tpu.memory_space<vmem>>, vector<1x16xf32>,
      %broadcast_in_dim3A_512 = arith.constant 0.000000e+00 : f32
      %broadcast_in_dim3A_513 = vector.broadcast %broadcast_in_dim3A_512 : f32 to vector<16xf32>
      %swap3A_514 = arith.constant 6 : i32
      %swap3A_515 = arith.index_cast %swap3A_514 : i32 to index
      %swap3A_516 = arith.constant 32 : index
      %swap3A_517 = tpu.vector_load %arg11[%swap3A_515, %swap3A_516] {strides = array<i32>} : memref<128x128xf32, #tpu.memory_space<vmem>>, vector<1x16xf32>,
      %swap3A_518 = vector.shape_cast %swap3A_517 : vector<1x16xf32> to vector<16xf32>
      %swap3A_519 = vector.shape_cast %broadcast_in_dim3A_513 : vector<16xf32> to vector<1x16xf32>
      tpu.vector_store %arg11[%swap3A_515, %swap3A_516], %swap3A_519 {strides = array<i32>} : memref<128x128xf32, #tpu.memory_space<vmem>>, vector<1x16xf32>,
      %broadcast_in_dim3A_520 = arith.constant 0.000000e+00 : f32
      %broadcast_in_dim3A_521 = vector.broadcast %broadcast_in_dim3A_520 : f32 to vector<16xf32>
      %swap3A_522 = arith.constant 6 : i32
      %swap3A_523 = arith.index_cast %swap3A_522 : i32 to index
      %swap3A_524 = arith.constant 48 : index
      %swap3A_525 = tpu.vector_load %arg11[%swap3A_523, %swap3A_524] {strides = array<i32>} : memref<128x128xf32, #tpu.memory_space<vmem>>, vector<1x16xf32>,
      %swap3A_526 = vector.shape_cast %swap3A_525 : vector<1x16xf32> to vector<16xf32>
      %swap3A_527 = vector.shape_cast %broadcast_in_dim3A_521 : vector<16xf32> to vector<1x16xf32>
      tpu.vector_store %arg11[%swap3A_523, %swap3A_524], %swap3A_527 {strides = array<i32>} : memref<128x128xf32, #tpu.memory_space<vmem>>, vector<1x16xf32>,
      %broadcast_in_dim3A_528 = arith.constant 0.000000e+00 : f32
      %broadcast_in_dim3A_529 = vector.broadcast %broadcast_in_dim3A_528 : f32 to vector<16xf32>
      %swap3A_530 = arith.constant 6 : i32
      %swap3A_531 = arith.index_cast %swap3A_530 : i32 to index
      %swap3A_532 = arith.constant 64 : index
      %swap3A_533 = tpu.vector_load %arg11[%swap3A_531, %swap3A_532] {strides = array<i32>} : memref<128x128xf32, #tpu.memory_space<vmem>>, vector<1x16xf32>,
      %swap3A_534 = vector.shape_cast %swap3A_533 : vector<1x16xf32> to vector<16xf32>
      %swap3A_535 = vector.shape_cast %broadcast_in_dim3A_529 : vector<16xf32> to vector<1x16xf32>
      tpu.vector_store %arg11[%swap3A_531, %swap3A_532], %swap3A_535 {strides = array<i32>} : memref<128x128xf32, #tpu.memory_space<vmem>>, vector<1x16xf32>,
      %broadcast_in_dim3A_536 = arith.constant 0.000000e+00 : f32
      %broadcast_in_dim3A_537 = vector.broadcast %broadcast_in_dim3A_536 : f32 to vector<16xf32>
      %swap3A_538 = arith.constant 6 : i32
      %swap3A_539 = arith.index_cast %swap3A_538 : i32 to index
      %swap3A_540 = arith.constant 80 : index
      %swap3A_541 = tpu.vector_load %arg11[%swap3A_539, %swap3A_540] {strides = array<i32>} : memref<128x128xf32, #tpu.memory_space<vmem>>, vector<1x16xf32>,
      %swap3A_542 = vector.shape_cast %swap3A_541 : vector<1x16xf32> to vector<16xf32>
      %swap3A_543 = vector.shape_cast %broadcast_in_dim3A_537 : vector<16xf32> to vector<1x16xf32>
      tpu.vector_store %arg11[%swap3A_539, %swap3A_540], %swap3A_543 {strides = array<i32>} : memref<128x128xf32, #tpu.memory_space<vmem>>, vector<1x16xf32>,
      %broadcast_in_dim3A_544 = arith.constant 0.000000e+00 : f32
      %broadcast_in_dim3A_545 = vector.broadcast %broadcast_in_dim3A_544 : f32 to vector<16xf32>
      %swap3A_546 = arith.constant 6 : i32
      %swap3A_547 = arith.index_cast %swap3A_546 : i32 to index
      %swap3A_548 = arith.constant 96 : index
      %swap3A_549 = tpu.vector_load %arg11[%swap3A_547, %swap3A_548] {strides = array<i32>} : memref<128x128xf32, #tpu.memory_space<vmem>>, vector<1x16xf32>,
      %swap3A_550 = vector.shape_cast %swap3A_549 : vector<1x16xf32> to vector<16xf32>
      %swap3A_551 = vector.shape_cast %broadcast_in_dim3A_545 : vector<16xf32> to vector<1x16xf32>
      tpu.vector_store %arg11[%swap3A_547, %swap3A_548], %swap3A_551 {strides = array<i32>} : memref<128x128xf32, #tpu.memory_space<vmem>>, vector<1x16xf32>,
      %broadcast_in_dim3A_552 = arith.constant 0.000000e+00 : f32
      %broadcast_in_dim3A_553 = vector.broadcast %broadcast_in_dim3A_552 : f32 to vector<16xf32>
      %swap3A_554 = arith.constant 6 : i32
      %swap3A_555 = arith.index_cast %swap3A_554 : i32 to index
      %swap3A_556 = arith.constant 112 : index
      %swap3A_557 = tpu.vector_load %arg11[%swap3A_555, %swap3A_556] {strides = array<i32>} : memref<128x128xf32, #tpu.memory_space<vmem>>, vector<1x16xf32>,
      %swap3A_558 = vector.shape_cast %swap3A_557 : vector<1x16xf32> to vector<16xf32>
      %swap3A_559 = vector.shape_cast %broadcast_in_dim3A_553 : vector<16xf32> to vector<1x16xf32>
      tpu.vector_store %arg11[%swap3A_555, %swap3A_556], %swap3A_559 {strides = array<i32>} : memref<128x128xf32, #tpu.memory_space<vmem>>, vector<1x16xf32>,
      %broadcast_in_dim3A_560 = arith.constant 0.000000e+00 : f32
      %broadcast_in_dim3A_561 = vector.broadcast %broadcast_in_dim3A_560 : f32 to vector<16xf32>
      %swap3A_562 = arith.constant 7 : i32
      %swap3A_563 = arith.index_cast %swap3A_562 : i32 to index
      %swap3A_564 = arith.constant 0 : index
      %swap3A_565 = tpu.vector_load %arg11[%swap3A_563, %swap3A_564] {strides = array<i32>} : memref<128x128xf32, #tpu.memory_space<vmem>>, vector<1x16xf32>,
      %swap3A_566 = vector.shape_cast %swap3A_565 : vector<1x16xf32> to vector<16xf32>
      %swap3A_567 = vector.shape_cast %broadcast_in_dim3A_561 : vector<16xf32> to vector<1x16xf32>
      tpu.vector_store %arg11[%swap3A_563, %swap3A_564], %swap3A_567 {strides = array<i32>} : memref<128x128xf32, #tpu.memory_space<vmem>>, vector<1x16xf32>,
      %broadcast_in_dim3A_568 = arith.constant 0.000000e+00 : f32
      %broadcast_in_dim3A_569 = vector.broadcast %broadcast_in_dim3A_568 : f32 to vector<16xf32>
      %swap3A_570 = arith.constant 7 : i32
      %swap3A_571 = arith.index_cast %swap3A_570 : i32 to index
      %swap3A_572 = arith.constant 16 : index
      %swap3A_573 = tpu.vector_load %arg11[%swap3A_571, %swap3A_572] {strides = array<i32>} : memref<128x128xf32, #tpu.memory_space<vmem>>, vector<1x16xf32>,
      %swap3A_574 = vector.shape_cast %swap3A_573 : vector<1x16xf32> to vector<16xf32>
      %swap3A_575 = vector.shape_cast %broadcast_in_dim3A_569 : vector<16xf32> to vector<1x16xf32>
      tpu.vector_store %arg11[%swap3A_571, %swap3A_572], %swap3A_575 {strides = array<i32>} : memref<128x128xf32, #tpu.memory_space<vmem>>, vector<1x16xf32>,
      %broadcast_in_dim3A_576 = arith.constant 0.000000e+00 : f32
      %broadcast_in_dim3A_577 = vector.broadcast %broadcast_in_dim3A_576 : f32 to vector<16xf32>
      %swap3A_578 = arith.constant 7 : i32
      %swap3A_579 = arith.index_cast %swap3A_578 : i32 to index
      %swap3A_580 = arith.constant 32 : index
      %swap3A_581 = tpu.vector_load %arg11[%swap3A_579, %swap3A_580] {strides = array<i32>} : memref<128x128xf32, #tpu.memory_space<vmem>>, vector<1x16xf32>,
      %swap3A_582 = vector.shape_cast %swap3A_581 : vector<1x16xf32> to vector<16xf32>
      %swap3A_583 = vector.shape_cast %broadcast_in_dim3A_577 : vector<16xf32> to vector<1x16xf32>
      tpu.vector_store %arg11[%swap3A_579, %swap3A_580], %swap3A_583 {strides = array<i32>} : memref<128x128xf32, #tpu.memory_space<vmem>>, vector<1x16xf32>,
      %broadcast_in_dim3A_584 = arith.constant 0.000000e+00 : f32
      %broadcast_in_dim3A_585 = vector.broadcast %broadcast_in_dim3A_584 : f32 to vector<16xf32>
      %swap3A_586 = arith.constant 7 : i32
      %swap3A_587 = arith.index_cast %swap3A_586 : i32 to index
      %swap3A_588 = arith.constant 48 : index
      %swap3A_589 = tpu.vector_load %arg11[%swap3A_587, %swap3A_588] {strides = array<i32>} : memref<128x128xf32, #tpu.memory_space<vmem>>, vector<1x16xf32>,
      %swap3A_590 = vector.shape_cast %swap3A_589 : vector<1x16xf32> to vector<16xf32>
      %swap3A_591 = vector.shape_cast %broadcast_in_dim3A_585 : vector<16xf32> to vector<1x16xf32>
      tpu.vector_store %arg11[%swap3A_587, %swap3A_588], %swap3A_591 {strides = array<i32>} : memref<128x128xf32, #tpu.memory_space<vmem>>, vector<1x16xf32>,
      %broadcast_in_dim3A_592 = arith.constant 0.000000e+00 : f32
      %broadcast_in_dim3A_593 = vector.broadcast %broadcast_in_dim3A_592 : f32 to vector<16xf32>
      %swap3A_594 = arith.constant 7 : i32
      %swap3A_595 = arith.index_cast %swap3A_594 : i32 to index
      %swap3A_596 = arith.constant 64 : index
      %swap3A_597 = tpu.vector_load %arg11[%swap3A_595, %swap3A_596] {strides = array<i32>} : memref<128x128xf32, #tpu.memory_space<vmem>>, vector<1x16xf32>,
      %swap3A_598 = vector.shape_cast %swap3A_597 : vector<1x16xf32> to vector<16xf32>
      %swap3A_599 = vector.shape_cast %broadcast_in_dim3A_593 : vector<16xf32> to vector<1x16xf32>
      tpu.vector_store %arg11[%swap3A_595, %swap3A_596], %swap3A_599 {strides = array<i32>} : memref<128x128xf32, #tpu.memory_space<vmem>>, vector<1x16xf32>,
      %broadcast_in_dim3A_600 = arith.constant 0.000000e+00 : f32
      %broadcast_in_dim3A_601 = vector.broadcast %broadcast_in_dim3A_600 : f32 to vector<16xf32>
      %swap3A_602 = arith.constant 7 : i32
      %swap3A_603 = arith.index_cast %swap3A_602 : i32 to index
      %swap3A_604 = arith.constant 80 : index
      %swap3A_605 = tpu.vector_load %arg11[%swap3A_603, %swap3A_604] {strides = array<i32>} : memref<128x128xf32, #tpu.memory_space<vmem>>, vector<1x16xf32>,
      %swap3A_606 = vector.shape_cast %swap3A_605 : vector<1x16xf32> to vector<16xf32>
      %swap3A_607 = vector.shape_cast %broadcast_in_dim3A_601 : vector<16xf32> to vector<1x16xf32>
      tpu.vector_store %arg11[%swap3A_603, %swap3A_604], %swap3A_607 {strides = array<i32>} : memref<128x128xf32, #tpu.memory_space<vmem>>, vector<1x16xf32>,
      %broadcast_in_dim3A_608 = arith.constant 0.000000e+00 : f32
      %broadcast_in_dim3A_609 = vector.broadcast %broadcast_in_dim3A_608 : f32 to vector<16xf32>
      %swap3A_610 = arith.constant 7 : i32
      %swap3A_611 = arith.index_cast %swap3A_610 : i32 to index
      %swap3A_612 = arith.constant 96 : index
      %swap3A_613 = tpu.vector_load %arg11[%swap3A_611, %swap3A_612] {strides = array<i32>} : memref<128x128xf32, #tpu.memory_space<vmem>>, vector<1x16xf32>,
      %swap3A_614 = vector.shape_cast %swap3A_613 : vector<1x16xf32> to vector<16xf32>
      %swap3A_615 = vector.shape_cast %broadcast_in_dim3A_609 : vector<16xf32> to vector<1x16xf32>
      tpu.vector_store %arg11[%swap3A_611, %swap3A_612], %swap3A_615 {strides = array<i32>} : memref<128x128xf32, #tpu.memory_space<vmem>>, vector<1x16xf32>,
      %broadcast_in_dim3A_616 = arith.constant 0.000000e+00 : f32
      %broadcast_in_dim3A_617 = vector.broadcast %broadcast_in_dim3A_616 : f32 to vector<16xf32>
      %swap3A_618 = arith.constant 7 : i32
      %swap3A_619 = arith.index_cast %swap3A_618 : i32 to index
      %swap3A_620 = arith.constant 112 : index
      %swap3A_621 = tpu.vector_load %arg11[%swap3A_619, %swap3A_620] {strides = array<i32>} : memref<128x128xf32, #tpu.memory_space<vmem>>, vector<1x16xf32>,
      %swap3A_622 = vector.shape_cast %swap3A_621 : vector<1x16xf32> to vector<16xf32>
      %swap3A_623 = vector.shape_cast %broadcast_in_dim3A_617 : vector<16xf32> to vector<1x16xf32>
      tpu.vector_store %arg11[%swap3A_619, %swap3A_620], %swap3A_623 {strides = array<i32>} : memref<128x128xf32, #tpu.memory_space<vmem>>, vector<1x16xf32>,
      "tpu.region"() ({
        %run_scoped3A = tpu.sem_alloc : memref<!tpu.dma_semaphore, #tpu.memory_space<semaphore_mem>>
        %dma_start3A_624 = arith.constant 0 : i32
        %dma_start3A_625 = arith.constant 0 : i32
        %dma_start3A_626 = tpu.memref_slice %arg11[%dma_start3A_624, %dma_start3A_625] : memref<128x128xf32, #tpu.memory_space<vmem>> -> memref<8x128xf32, #tpu.memory_space<vmem>>
        %dma_start3A_627 = arith.constant 10000 : i32
        %dma_start3A_628 = arith.constant 0 : i32
        %dma_start3A_629 = tpu.memref_slice %arg6[%dma_start3A_627, %dma_start3A_628] : memref<10008x128xf32, #tpu.memory_space<vmem_shared>> -> memref<8x128xf32, #tpu.memory_space<vmem_shared>>
        %dma_start3A_630 = arith.constant 10000 : i32
        %dma_start3A_631 = arith.constant 0 : i32
        %dma_start3A_632 = tpu.memref_slice %arg6[%dma_start3A_630, %dma_start3A_631] : memref<10008x128xf32, #tpu.memory_space<vmem_shared>> -> memref<8x128xf32, #tpu.memory_space<vmem_shared>>
        %dma_start3A_633 = arith.constant 0 : i32
        %dma_start3A_634 = arith.constant 0 : i32
        %dma_start3A_635 = tpu.memref_slice %arg11[%dma_start3A_633, %dma_start3A_634] : memref<128x128xf32, #tpu.memory_space<vmem>> -> memref<8x128xf32, #tpu.memory_space<vmem>>
        tpu.enqueue_dma source(%dma_start3A_635 : memref<8x128xf32, #tpu.memory_space<vmem>>) target(%dma_start3A_632 : memref<8x128xf32, #tpu.memory_space<vmem_shared>>) target_semaphore(%run_scoped3A : memref<!tpu.dma_semaphore, #tpu.memory_space<semaphore_mem>>)
        %dma_wait3A_636 = arith.constant 0 : i32
        %dma_wait3A_637 = arith.constant 0 : i32
        %dma_wait3A_638 = tpu.memref_slice %arg11[%dma_wait3A_636, %dma_wait3A_637] : memref<128x128xf32, #tpu.memory_space<vmem>> -> memref<8x128xf32, #tpu.memory_space<vmem>>
        %dma_wait3A_639 = arith.constant 10000 : i32
        %dma_wait3A_640 = arith.constant 0 : i32
        %dma_wait3A_641 = tpu.memref_slice %arg6[%dma_wait3A_639, %dma_wait3A_640] : memref<10008x128xf32, #tpu.memory_space<vmem_shared>> -> memref<8x128xf32, #tpu.memory_space<vmem_shared>>
        %dma_wait3A_642 = arith.constant 10000 : i32
        %dma_wait3A_643 = arith.constant 0 : i32
        %dma_wait3A_644 = tpu.memref_slice %arg6[%dma_wait3A_642, %dma_wait3A_643] : memref<10008x128xf32, #tpu.memory_space<vmem_shared>> -> memref<8x128xf32, #tpu.memory_space<vmem_shared>>
        %dma_wait3A_645 = arith.constant 0 : i32
        %dma_wait3A_646 = arith.constant 0 : i32
        %dma_wait3A_647 = tpu.memref_slice %arg11[%dma_wait3A_645, %dma_wait3A_646] : memref<128x128xf32, #tpu.memory_space<vmem>> -> memref<8x128xf32, #tpu.memory_space<vmem>>
        tpu.wait_dma2 semaphore(%run_scoped3A : memref<!tpu.dma_semaphore, #tpu.memory_space<semaphore_mem>>) src(%dma_wait3A_647 : memref<8x128xf32, #tpu.memory_space<vmem>>) dst(%dma_wait3A_644 : memref<8x128xf32, #tpu.memory_space<vmem_shared>>)
        tpu.yield
      }) : () -> ()
    } else {
    }
    %dma_wait3A = arith.constant 0 : i32
    %dma_wait3A_29 = tpu.memref_slice %arg4[%arg1, %dma_wait3A] : memref<16x10112xi32, #tpu.memory_space<hbm>> -> memref<1x10112xi32, #tpu.memory_space<hbm>>
    %dma_wait3A_30 = tpu.memref_squeeze %dma_wait3A_29 : memref<1x10112xi32, #tpu.memory_space<hbm>> -> memref<10112xi32, #tpu.memory_space<hbm>>
    %dma_wait3A_31 = arith.constant 0 : i32
    %dma_wait3A_32 = tpu.memref_slice %arg4[%arg1, %dma_wait3A_31] : memref<16x10112xi32, #tpu.memory_space<hbm>> -> memref<1x10112xi32, #tpu.memory_space<hbm>>
    %dma_wait3A_33 = tpu.memref_squeeze %dma_wait3A_32 : memref<1x10112xi32, #tpu.memory_space<hbm>> -> memref<10112xi32, #tpu.memory_space<hbm>>
    tpu.wait_dma2 semaphore(%arg13 : memref<!tpu.dma_semaphore, #tpu.memory_space<semaphore_mem>>) src(%dma_wait3A_33 : memref<10112xi32, #tpu.memory_space<hbm>>) dst(%arg9 : memref<10112xi32, #tpu.memory_space<vmem>>)
    %dma_start3A_34 = arith.constant 0 : i32
    %dma_start3A_35 = arith.constant 0 : i32
    %dma_start3A_36 = tpu.memref_slice %arg2[%dma_start3A_34, %dma_start3A_35] : memref<20000x128xf32, #tpu.memory_space<hbm>> -> memref<20000x128xf32, #tpu.memory_space<hbm>>
    tpu.enqueue_indirect_dma source(%dma_start3A_36 : memref<20000x128xf32, #tpu.memory_space<hbm>>) target(%arg11 : memref<128x128xf32, #tpu.memory_space<vmem>>) offsets(%arg7 : memref<128xi32, #tpu.memory_space<vmem>>) semaphore(%arg14 : memref<!tpu.dma_semaphore, #tpu.memory_space<semaphore_mem>>)
    %dma_start3A_37 = arith.constant 0 : i32
    %dma_start3A_38 = arith.constant 0 : i32
    %dma_start3A_39 = tpu.memref_slice %arg2[%dma_start3A_37, %dma_start3A_38] : memref<20000x128xf32, #tpu.memory_space<hbm>> -> memref<20000x128xf32, #tpu.memory_space<hbm>>
    tpu.enqueue_indirect_dma source(%dma_start3A_39 : memref<20000x128xf32, #tpu.memory_space<hbm>>) target(%arg12 : memref<128x128xf32, #tpu.memory_space<vmem>>) offsets(%arg8 : memref<128xi32, #tpu.memory_space<vmem>>) semaphore(%arg15 : memref<!tpu.dma_semaphore, #tpu.memory_space<semaphore_mem>>)
    %barrier3A = arith.constant 0 : index
    tpu.barrier barrier_id(%barrier3A)
    %scan3A = arith.constant 0 : i32
    %scan3A_40 = arith.constant 0 : i32
    %scan3A_41 = arith.constant 39 : i32
    %scan3A_42 = arith.addi %scan3A_40, %scan3A_41 : i32
    %scan3A_43 = arith.constant 1 : i32
    scf.for %scan3A_113 = %scan3A_40 to %scan3A_42 step %scan3A_43  : i32 {
      %mul3A_114 = arith.constant 2 : i32
      %mul3A_115 = arith.muli %mul3A_114, %scan3A_113 : i32
      %dma_wait3A_116 = arith.constant 0 : i32
      %dma_wait3A_117 = arith.constant 0 : i32
      %dma_wait3A_118 = tpu.memref_slice %arg2[%dma_wait3A_116, %dma_wait3A_117] : memref<20000x128xf32, #tpu.memory_space<hbm>> -> memref<20000x128xf32, #tpu.memory_space<hbm>>
      tpu.wait_indirect_dma semaphore(%arg14 : memref<!tpu.dma_semaphore, #tpu.memory_space<semaphore_mem>>) src(%dma_wait3A_118 : memref<20000x128xf32, #tpu.memory_space<hbm>>) dst(%arg11 : memref<128x128xf32, #tpu.memory_space<vmem>>)
      %add3A_119 = arith.constant 2 : i32
      %add3A_120 = arith.addi %mul3A_115, %add3A_119 : i32
      %lt3A_121 = arith.constant 79 : i32
      %lt3A_122 = arith.cmpi slt, %add3A_120, %lt3A_121 : i32
      %convert_element_type3A_123 = arith.extui %lt3A_122 : i1 to i32
      %cond3A_124 = arith.constant 0 : i32
      %cond3A_125 = arith.cmpi ne, %convert_element_type3A_123, %cond3A_124 : i32
      scf.if %cond3A_125 {
        %add3A_328 = arith.constant 2 : i32
        %add3A_329 = arith.addi %mul3A_115, %add3A_328 : i32
        %mul3A_330 = arith.constant 10112 : i32
        %mul3A_331 = arith.muli %add3A, %mul3A_330 : i32
        %mul3A_332 = arith.constant 128 : i32
        %mul3A_333 = arith.muli %add3A_329, %mul3A_332 : i32
        %add3A_334 = arith.addi %mul3A_331, %mul3A_333 : i32
        %dma_start3A_335 = tpu.memref_slice %arg3[%add3A_334] : memref<323584xi32, #tpu.memory_space<hbm>> -> memref<128xi32, #tpu.memory_space<hbm>>
        %dma_start3A_336 = tpu.memref_slice %arg3[%add3A_334] : memref<323584xi32, #tpu.memory_space<hbm>> -> memref<128xi32, #tpu.memory_space<hbm>>
        tpu.enqueue_dma source(%dma_start3A_336 : memref<128xi32, #tpu.memory_space<hbm>>) target(%arg7 : memref<128xi32, #tpu.memory_space<vmem>>) target_semaphore(%arg16 : memref<!tpu.dma_semaphore, #tpu.memory_space<semaphore_mem>>)
      } else {
      }
      %mul3A_126 = arith.constant 128 : i32
      %mul3A_127 = arith.muli %mul3A_115, %mul3A_126 : i32
      %add3A_128 = arith.constant 0 : i32
      %add3A_129 = arith.addi %mul3A_127, %add3A_128 : i32
      %get3A_130 = arith.index_cast %add3A_129 : i32 to index
      %get3A_131 = tpu.vector_load %arg9[%get3A_130] {strides = array<i32>} : memref<10112xi32, #tpu.memory_space<vmem>>, vector<16xi32>,
      %get3A_132 = vector.shape_cast %get3A_131 : vector<16xi32> to vector<16xi32>
      %swap3A_133 = arith.constant 0 : index
      %swap3A_134 = tpu.vector_load %arg10[%swap3A_133] {strides = array<i32>} : memref<128xi32, #tpu.memory_space<vmem>>, vector<16xi32>,
      %swap3A_135 = vector.shape_cast %swap3A_134 : vector<16xi32> to vector<16xi32>
      %swap3A_136 = vector.shape_cast %get3A_132 : vector<16xi32> to vector<16xi32>
      tpu.vector_store %arg10[%swap3A_133], %swap3A_136 {strides = array<i32>} : memref<128xi32, #tpu.memory_space<vmem>>, vector<16xi32>,
      %mul3A_137 = arith.constant 128 : i32
      %mul3A_138 = arith.muli %mul3A_115, %mul3A_137 : i32
      %add3A_139 = arith.constant 16 : i32
      %add3A_140 = arith.addi %mul3A_138, %add3A_139 : i32
      %get3A_141 = arith.index_cast %add3A_140 : i32 to index
      %get3A_142 = tpu.vector_load %arg9[%get3A_141] {strides = array<i32>} : memref<10112xi32, #tpu.memory_space<vmem>>, vector<16xi32>,
      %get3A_143 = vector.shape_cast %get3A_142 : vector<16xi32> to vector<16xi32>
      %swap3A_144 = arith.constant 16 : index
      %swap3A_145 = tpu.vector_load %arg10[%swap3A_144] {strides = array<i32>} : memref<128xi32, #tpu.memory_space<vmem>>, vector<16xi32>,
      %swap3A_146 = vector.shape_cast %swap3A_145 : vector<16xi32> to vector<16xi32>
      %swap3A_147 = vector.shape_cast %get3A_143 : vector<16xi32> to vector<16xi32>
      tpu.vector_store %arg10[%swap3A_144], %swap3A_147 {strides = array<i32>} : memref<128xi32, #tpu.memory_space<vmem>>, vector<16xi32>,
      %mul3A_148 = arith.constant 128 : i32
      %mul3A_149 = arith.muli %mul3A_115, %mul3A_148 : i32
      %add3A_150 = arith.constant 32 : i32
      %add3A_151 = arith.addi %mul3A_149, %add3A_150 : i32
      %get3A_152 = arith.index_cast %add3A_151 : i32 to index
      %get3A_153 = tpu.vector_load %arg9[%get3A_152] {strides = array<i32>} : memref<10112xi32, #tpu.memory_space<vmem>>, vector<16xi32>,
      %get3A_154 = vector.shape_cast %get3A_153 : vector<16xi32> to vector<16xi32>
      %swap3A_155 = arith.constant 32 : index
      %swap3A_156 = tpu.vector_load %arg10[%swap3A_155] {strides = array<i32>} : memref<128xi32, #tpu.memory_space<vmem>>, vector<16xi32>,
      %swap3A_157 = vector.shape_cast %swap3A_156 : vector<16xi32> to vector<16xi32>
      %swap3A_158 = vector.shape_cast %get3A_154 : vector<16xi32> to vector<16xi32>
      tpu.vector_store %arg10[%swap3A_155], %swap3A_158 {strides = array<i32>} : memref<128xi32, #tpu.memory_space<vmem>>, vector<16xi32>,
      %mul3A_159 = arith.constant 128 : i32
      %mul3A_160 = arith.muli %mul3A_115, %mul3A_159 : i32
      %add3A_161 = arith.constant 48 : i32
      %add3A_162 = arith.addi %mul3A_160, %add3A_161 : i32
      %get3A_163 = arith.index_cast %add3A_162 : i32 to index
      %get3A_164 = tpu.vector_load %arg9[%get3A_163] {strides = array<i32>} : memref<10112xi32, #tpu.memory_space<vmem>>, vector<16xi32>,
      %get3A_165 = vector.shape_cast %get3A_164 : vector<16xi32> to vector<16xi32>
      %swap3A_166 = arith.constant 48 : index
      %swap3A_167 = tpu.vector_load %arg10[%swap3A_166] {strides = array<i32>} : memref<128xi32, #tpu.memory_space<vmem>>, vector<16xi32>,
      %swap3A_168 = vector.shape_cast %swap3A_167 : vector<16xi32> to vector<16xi32>
      %swap3A_169 = vector.shape_cast %get3A_165 : vector<16xi32> to vector<16xi32>
      tpu.vector_store %arg10[%swap3A_166], %swap3A_169 {strides = array<i32>} : memref<128xi32, #tpu.memory_space<vmem>>, vector<16xi32>,
      %mul3A_170 = arith.constant 128 : i32
      %mul3A_171 = arith.muli %mul3A_115, %mul3A_170 : i32
      %add3A_172 = arith.constant 64 : i32
      %add3A_173 = arith.addi %mul3A_171, %add3A_172 : i32
      %get3A_174 = arith.index_cast %add3A_173 : i32 to index
      %get3A_175 = tpu.vector_load %arg9[%get3A_174] {strides = array<i32>} : memref<10112xi32, #tpu.memory_space<vmem>>, vector<16xi32>,
      %get3A_176 = vector.shape_cast %get3A_175 : vector<16xi32> to vector<16xi32>
      %swap3A_177 = arith.constant 64 : index
      %swap3A_178 = tpu.vector_load %arg10[%swap3A_177] {strides = array<i32>} : memref<128xi32, #tpu.memory_space<vmem>>, vector<16xi32>,
      %swap3A_179 = vector.shape_cast %swap3A_178 : vector<16xi32> to vector<16xi32>
      %swap3A_180 = vector.shape_cast %get3A_176 : vector<16xi32> to vector<16xi32>
      tpu.vector_store %arg10[%swap3A_177], %swap3A_180 {strides = array<i32>} : memref<128xi32, #tpu.memory_space<vmem>>, vector<16xi32>,
      %mul3A_181 = arith.constant 128 : i32
      %mul3A_182 = arith.muli %mul3A_115, %mul3A_181 : i32
      %add3A_183 = arith.constant 80 : i32
      %add3A_184 = arith.addi %mul3A_182, %add3A_183 : i32
      %get3A_185 = arith.index_cast %add3A_184 : i32 to index
      %get3A_186 = tpu.vector_load %arg9[%get3A_185] {strides = array<i32>} : memref<10112xi32, #tpu.memory_space<vmem>>, vector<16xi32>,
      %get3A_187 = vector.shape_cast %get3A_186 : vector<16xi32> to vector<16xi32>
      %swap3A_188 = arith.constant 80 : index
      %swap3A_189 = tpu.vector_load %arg10[%swap3A_188] {strides = array<i32>} : memref<128xi32, #tpu.memory_space<vmem>>, vector<16xi32>,
      %swap3A_190 = vector.shape_cast %swap3A_189 : vector<16xi32> to vector<16xi32>
      %swap3A_191 = vector.shape_cast %get3A_187 : vector<16xi32> to vector<16xi32>
      tpu.vector_store %arg10[%swap3A_188], %swap3A_191 {strides = array<i32>} : memref<128xi32, #tpu.memory_space<vmem>>, vector<16xi32>,
      %mul3A_192 = arith.constant 128 : i32
      %mul3A_193 = arith.muli %mul3A_115, %mul3A_192 : i32
      %add3A_194 = arith.constant 96 : i32
      %add3A_195 = arith.addi %mul3A_193, %add3A_194 : i32
      %get3A_196 = arith.index_cast %add3A_195 : i32 to index
      %get3A_197 = tpu.vector_load %arg9[%get3A_196] {strides = array<i32>} : memref<10112xi32, #tpu.memory_space<vmem>>, vector<16xi32>,
      %get3A_198 = vector.shape_cast %get3A_197 : vector<16xi32> to vector<16xi32>
      %swap3A_199 = arith.constant 96 : index
      %swap3A_200 = tpu.vector_load %arg10[%swap3A_199] {strides = array<i32>} : memref<128xi32, #tpu.memory_space<vmem>>, vector<16xi32>,
      %swap3A_201 = vector.shape_cast %swap3A_200 : vector<16xi32> to vector<16xi32>
      %swap3A_202 = vector.shape_cast %get3A_198 : vector<16xi32> to vector<16xi32>
      tpu.vector_store %arg10[%swap3A_199], %swap3A_202 {strides = array<i32>} : memref<128xi32, #tpu.memory_space<vmem>>, vector<16xi32>,
      %mul3A_203 = arith.constant 128 : i32
      %mul3A_204 = arith.muli %mul3A_115, %mul3A_203 : i32
      %add3A_205 = arith.constant 112 : i32
      %add3A_206 = arith.addi %mul3A_204, %add3A_205 : i32
      %get3A_207 = arith.index_cast %add3A_206 : i32 to index
      %get3A_208 = tpu.vector_load %arg9[%get3A_207] {strides = array<i32>} : memref<10112xi32, #tpu.memory_space<vmem>>, vector<16xi32>,
      %get3A_209 = vector.shape_cast %get3A_208 : vector<16xi32> to vector<16xi32>
      %swap3A_210 = arith.constant 112 : index
      %swap3A_211 = tpu.vector_load %arg10[%swap3A_210] {strides = array<i32>} : memref<128xi32, #tpu.memory_space<vmem>>, vector<16xi32>,
      %swap3A_212 = vector.shape_cast %swap3A_211 : vector<16xi32> to vector<16xi32>
      %swap3A_213 = vector.shape_cast %get3A_209 : vector<16xi32> to vector<16xi32>
      tpu.vector_store %arg10[%swap3A_210], %swap3A_213 {strides = array<i32>} : memref<128xi32, #tpu.memory_space<vmem>>, vector<16xi32>,
      "tpu.region"() ({
        %run_scoped3A = tpu.sem_alloc : memref<!tpu.dma_semaphore, #tpu.memory_space<semaphore_mem>>
        %dma_start3A_328 = arith.constant 0 : i32
        %dma_start3A_329 = arith.constant 0 : i32
        %dma_start3A_330 = tpu.memref_slice %arg6[%dma_start3A_328, %dma_start3A_329] : memref<10008x128xf32, #tpu.memory_space<vmem_shared>> -> memref<10008x128xf32, #tpu.memory_space<vmem_shared>>
        tpu.enqueue_indirect_dma source(%arg11 : memref<128x128xf32, #tpu.memory_space<vmem>>) target(%dma_start3A_330 : memref<10008x128xf32, #tpu.memory_space<vmem_shared>>) offsets(%arg10 : memref<128xi32, #tpu.memory_space<vmem>>) semaphore(%run_scoped3A : memref<!tpu.dma_semaphore, #tpu.memory_space<semaphore_mem>>) {add = true}
        %dma_wait3A_331 = arith.constant 0 : i32
        %dma_wait3A_332 = arith.constant 0 : i32
        %dma_wait3A_333 = tpu.memref_slice %arg6[%dma_wait3A_331, %dma_wait3A_332] : memref<10008x128xf32, #tpu.memory_space<vmem_shared>> -> memref<10008x128xf32, #tpu.memory_space<vmem_shared>>
        tpu.wait_indirect_dma semaphore(%run_scoped3A : memref<!tpu.dma_semaphore, #tpu.memory_space<semaphore_mem>>) src(%arg11 : memref<128x128xf32, #tpu.memory_space<vmem>>) dst(%dma_wait3A_333 : memref<10008x128xf32, #tpu.memory_space<vmem_shared>>)
        tpu.yield
      }) : () -> ()
      %add3A_214 = arith.constant 2 : i32
      %add3A_215 = arith.addi %mul3A_115, %add3A_214 : i32
      %lt3A_216 = arith.constant 79 : i32
      %lt3A_217 = arith.cmpi slt, %add3A_215, %lt3A_216 : i32
      %convert_element_type3A_218 = arith.extui %lt3A_217 : i1 to i32
      %cond3A_219 = arith.constant 0 : i32
      %cond3A_220 = arith.cmpi ne, %convert_element_type3A_218, %cond3A_219 : i32
      scf.if %cond3A_220 {
        %add3A_328 = arith.constant 2 : i32
        %add3A_329 = arith.addi %mul3A_115, %add3A_328 : i32
        %mul3A_330 = arith.constant 10112 : i32
        %mul3A_331 = arith.muli %add3A, %mul3A_330 : i32
        %mul3A_332 = arith.constant 128 : i32
        %mul3A_333 = arith.muli %add3A_329, %mul3A_332 : i32
        %add3A_334 = arith.addi %mul3A_331, %mul3A_333 : i32
        %dma_wait3A_335 = tpu.memref_slice %arg3[%add3A_334] : memref<323584xi32, #tpu.memory_space<hbm>> -> memref<128xi32, #tpu.memory_space<hbm>>
        %dma_wait3A_336 = tpu.memref_slice %arg3[%add3A_334] : memref<323584xi32, #tpu.memory_space<hbm>> -> memref<128xi32, #tpu.memory_space<hbm>>
        tpu.wait_dma2 semaphore(%arg16 : memref<!tpu.dma_semaphore, #tpu.memory_space<semaphore_mem>>) src(%dma_wait3A_336 : memref<128xi32, #tpu.memory_space<hbm>>) dst(%arg7 : memref<128xi32, #tpu.memory_space<vmem>>)
        %dma_start3A_337 = arith.constant 0 : i32
        %dma_start3A_338 = arith.constant 0 : i32
        %dma_start3A_339 = tpu.memref_slice %arg2[%dma_start3A_337, %dma_start3A_338] : memref<20000x128xf32, #tpu.memory_space<hbm>> -> memref<20000x128xf32, #tpu.memory_space<hbm>>
        tpu.enqueue_indirect_dma source(%dma_start3A_339 : memref<20000x128xf32, #tpu.memory_space<hbm>>) target(%arg11 : memref<128x128xf32, #tpu.memory_space<vmem>>) offsets(%arg7 : memref<128xi32, #tpu.memory_space<vmem>>) semaphore(%arg14 : memref<!tpu.dma_semaphore, #tpu.memory_space<semaphore_mem>>)
      } else {
      }
      %add3A_221 = arith.constant 1 : i32
      %add3A_222 = arith.addi %mul3A_115, %add3A_221 : i32
      %dma_wait3A_223 = arith.constant 0 : i32
      %dma_wait3A_224 = arith.constant 0 : i32
      %dma_wait3A_225 = tpu.memref_slice %arg2[%dma_wait3A_223, %dma_wait3A_224] : memref<20000x128xf32, #tpu.memory_space<hbm>> -> memref<20000x128xf32, #tpu.memory_space<hbm>>
      tpu.wait_indirect_dma semaphore(%arg15 : memref<!tpu.dma_semaphore, #tpu.memory_space<semaphore_mem>>) src(%dma_wait3A_225 : memref<20000x128xf32, #tpu.memory_space<hbm>>) dst(%arg12 : memref<128x128xf32, #tpu.memory_space<vmem>>)
      %add3A_226 = arith.constant 2 : i32
      %add3A_227 = arith.addi %add3A_222, %add3A_226 : i32
      %lt3A_228 = arith.constant 79 : i32
      %lt3A_229 = arith.cmpi slt, %add3A_227, %lt3A_228 : i32
      %convert_element_type3A_230 = arith.extui %lt3A_229 : i1 to i32
      %cond3A_231 = arith.constant 0 : i32
      %cond3A_232 = arith.cmpi ne, %convert_element_type3A_230, %cond3A_231 : i32
      scf.if %cond3A_232 {
        %add3A_328 = arith.constant 2 : i32
        %add3A_329 = arith.addi %add3A_222, %add3A_328 : i32
        %mul3A_330 = arith.constant 10112 : i32
        %mul3A_331 = arith.muli %add3A, %mul3A_330 : i32
        %mul3A_332 = arith.constant 128 : i32
        %mul3A_333 = arith.muli %add3A_329, %mul3A_332 : i32
        %add3A_334 = arith.addi %mul3A_331, %mul3A_333 : i32
        %dma_start3A_335 = tpu.memref_slice %arg3[%add3A_334] : memref<323584xi32, #tpu.memory_space<hbm>> -> memref<128xi32, #tpu.memory_space<hbm>>
        %dma_start3A_336 = tpu.memref_slice %arg3[%add3A_334] : memref<323584xi32, #tpu.memory_space<hbm>> -> memref<128xi32, #tpu.memory_space<hbm>>
        tpu.enqueue_dma source(%dma_start3A_336 : memref<128xi32, #tpu.memory_space<hbm>>) target(%arg8 : memref<128xi32, #tpu.memory_space<vmem>>) target_semaphore(%arg17 : memref<!tpu.dma_semaphore, #tpu.memory_space<semaphore_mem>>)
      } else {
      }
      %mul3A_233 = arith.constant 128 : i32
      %mul3A_234 = arith.muli %add3A_222, %mul3A_233 : i32
      %add3A_235 = arith.constant 0 : i32
      %add3A_236 = arith.addi %mul3A_234, %add3A_235 : i32
      %get3A_237 = arith.index_cast %add3A_236 : i32 to index
      %get3A_238 = tpu.vector_load %arg9[%get3A_237] {strides = array<i32>} : memref<10112xi32, #tpu.memory_space<vmem>>, vector<16xi32>,
      %get3A_239 = vector.shape_cast %get3A_238 : vector<16xi32> to vector<16xi32>
      %swap3A_240 = arith.constant 0 : index
      %swap3A_241 = tpu.vector_load %arg10[%swap3A_240] {strides = array<i32>} : memref<128xi32, #tpu.memory_space<vmem>>, vector<16xi32>,
      %swap3A_242 = vector.shape_cast %swap3A_241 : vector<16xi32> to vector<16xi32>
      %swap3A_243 = vector.shape_cast %get3A_239 : vector<16xi32> to vector<16xi32>
      tpu.vector_store %arg10[%swap3A_240], %swap3A_243 {strides = array<i32>} : memref<128xi32, #tpu.memory_space<vmem>>, vector<16xi32>,
      %mul3A_244 = arith.constant 128 : i32
      %mul3A_245 = arith.muli %add3A_222, %mul3A_244 : i32
      %add3A_246 = arith.constant 16 : i32
      %add3A_247 = arith.addi %mul3A_245, %add3A_246 : i32
      %get3A_248 = arith.index_cast %add3A_247 : i32 to index
      %get3A_249 = tpu.vector_load %arg9[%get3A_248] {strides = array<i32>} : memref<10112xi32, #tpu.memory_space<vmem>>, vector<16xi32>,
      %get3A_250 = vector.shape_cast %get3A_249 : vector<16xi32> to vector<16xi32>
      %swap3A_251 = arith.constant 16 : index
      %swap3A_252 = tpu.vector_load %arg10[%swap3A_251] {strides = array<i32>} : memref<128xi32, #tpu.memory_space<vmem>>, vector<16xi32>,
      %swap3A_253 = vector.shape_cast %swap3A_252 : vector<16xi32> to vector<16xi32>
      %swap3A_254 = vector.shape_cast %get3A_250 : vector<16xi32> to vector<16xi32>
      tpu.vector_store %arg10[%swap3A_251], %swap3A_254 {strides = array<i32>} : memref<128xi32, #tpu.memory_space<vmem>>, vector<16xi32>,
      %mul3A_255 = arith.constant 128 : i32
      %mul3A_256 = arith.muli %add3A_222, %mul3A_255 : i32
      %add3A_257 = arith.constant 32 : i32
      %add3A_258 = arith.addi %mul3A_256, %add3A_257 : i32
      %get3A_259 = arith.index_cast %add3A_258 : i32 to index
      %get3A_260 = tpu.vector_load %arg9[%get3A_259] {strides = array<i32>} : memref<10112xi32, #tpu.memory_space<vmem>>, vector<16xi32>,
      %get3A_261 = vector.shape_cast %get3A_260 : vector<16xi32> to vector<16xi32>
      %swap3A_262 = arith.constant 32 : index
      %swap3A_263 = tpu.vector_load %arg10[%swap3A_262] {strides = array<i32>} : memref<128xi32, #tpu.memory_space<vmem>>, vector<16xi32>,
      %swap3A_264 = vector.shape_cast %swap3A_263 : vector<16xi32> to vector<16xi32>
      %swap3A_265 = vector.shape_cast %get3A_261 : vector<16xi32> to vector<16xi32>
      tpu.vector_store %arg10[%swap3A_262], %swap3A_265 {strides = array<i32>} : memref<128xi32, #tpu.memory_space<vmem>>, vector<16xi32>,
      %mul3A_266 = arith.constant 128 : i32
      %mul3A_267 = arith.muli %add3A_222, %mul3A_266 : i32
      %add3A_268 = arith.constant 48 : i32
      %add3A_269 = arith.addi %mul3A_267, %add3A_268 : i32
      %get3A_270 = arith.index_cast %add3A_269 : i32 to index
      %get3A_271 = tpu.vector_load %arg9[%get3A_270] {strides = array<i32>} : memref<10112xi32, #tpu.memory_space<vmem>>, vector<16xi32>,
      %get3A_272 = vector.shape_cast %get3A_271 : vector<16xi32> to vector<16xi32>
      %swap3A_273 = arith.constant 48 : index
      %swap3A_274 = tpu.vector_load %arg10[%swap3A_273] {strides = array<i32>} : memref<128xi32, #tpu.memory_space<vmem>>, vector<16xi32>,
      %swap3A_275 = vector.shape_cast %swap3A_274 : vector<16xi32> to vector<16xi32>
      %swap3A_276 = vector.shape_cast %get3A_272 : vector<16xi32> to vector<16xi32>
      tpu.vector_store %arg10[%swap3A_273], %swap3A_276 {strides = array<i32>} : memref<128xi32, #tpu.memory_space<vmem>>, vector<16xi32>,
      %mul3A_277 = arith.constant 128 : i32
      %mul3A_278 = arith.muli %add3A_222, %mul3A_277 : i32
      %add3A_279 = arith.constant 64 : i32
      %add3A_280 = arith.addi %mul3A_278, %add3A_279 : i32
      %get3A_281 = arith.index_cast %add3A_280 : i32 to index
      %get3A_282 = tpu.vector_load %arg9[%get3A_281] {strides = array<i32>} : memref<10112xi32, #tpu.memory_space<vmem>>, vector<16xi32>,
      %get3A_283 = vector.shape_cast %get3A_282 : vector<16xi32> to vector<16xi32>
      %swap3A_284 = arith.constant 64 : index
      %swap3A_285 = tpu.vector_load %arg10[%swap3A_284] {strides = array<i32>} : memref<128xi32, #tpu.memory_space<vmem>>, vector<16xi32>,
      %swap3A_286 = vector.shape_cast %swap3A_285 : vector<16xi32> to vector<16xi32>
      %swap3A_287 = vector.shape_cast %get3A_283 : vector<16xi32> to vector<16xi32>
      tpu.vector_store %arg10[%swap3A_284], %swap3A_287 {strides = array<i32>} : memref<128xi32, #tpu.memory_space<vmem>>, vector<16xi32>,
      %mul3A_288 = arith.constant 128 : i32
      %mul3A_289 = arith.muli %add3A_222, %mul3A_288 : i32
      %add3A_290 = arith.constant 80 : i32
      %add3A_291 = arith.addi %mul3A_289, %add3A_290 : i32
      %get3A_292 = arith.index_cast %add3A_291 : i32 to index
      %get3A_293 = tpu.vector_load %arg9[%get3A_292] {strides = array<i32>} : memref<10112xi32, #tpu.memory_space<vmem>>, vector<16xi32>,
      %get3A_294 = vector.shape_cast %get3A_293 : vector<16xi32> to vector<16xi32>
      %swap3A_295 = arith.constant 80 : index
      %swap3A_296 = tpu.vector_load %arg10[%swap3A_295] {strides = array<i32>} : memref<128xi32, #tpu.memory_space<vmem>>, vector<16xi32>,
      %swap3A_297 = vector.shape_cast %swap3A_296 : vector<16xi32> to vector<16xi32>
      %swap3A_298 = vector.shape_cast %get3A_294 : vector<16xi32> to vector<16xi32>
      tpu.vector_store %arg10[%swap3A_295], %swap3A_298 {strides = array<i32>} : memref<128xi32, #tpu.memory_space<vmem>>, vector<16xi32>,
      %mul3A_299 = arith.constant 128 : i32
      %mul3A_300 = arith.muli %add3A_222, %mul3A_299 : i32
      %add3A_301 = arith.constant 96 : i32
      %add3A_302 = arith.addi %mul3A_300, %add3A_301 : i32
      %get3A_303 = arith.index_cast %add3A_302 : i32 to index
      %get3A_304 = tpu.vector_load %arg9[%get3A_303] {strides = array<i32>} : memref<10112xi32, #tpu.memory_space<vmem>>, vector<16xi32>,
      %get3A_305 = vector.shape_cast %get3A_304 : vector<16xi32> to vector<16xi32>
      %swap3A_306 = arith.constant 96 : index
      %swap3A_307 = tpu.vector_load %arg10[%swap3A_306] {strides = array<i32>} : memref<128xi32, #tpu.memory_space<vmem>>, vector<16xi32>,
      %swap3A_308 = vector.shape_cast %swap3A_307 : vector<16xi32> to vector<16xi32>
      %swap3A_309 = vector.shape_cast %get3A_305 : vector<16xi32> to vector<16xi32>
      tpu.vector_store %arg10[%swap3A_306], %swap3A_309 {strides = array<i32>} : memref<128xi32, #tpu.memory_space<vmem>>, vector<16xi32>,
      %mul3A_310 = arith.constant 128 : i32
      %mul3A_311 = arith.muli %add3A_222, %mul3A_310 : i32
      %add3A_312 = arith.constant 112 : i32
      %add3A_313 = arith.addi %mul3A_311, %add3A_312 : i32
      %get3A_314 = arith.index_cast %add3A_313 : i32 to index
      %get3A_315 = tpu.vector_load %arg9[%get3A_314] {strides = array<i32>} : memref<10112xi32, #tpu.memory_space<vmem>>, vector<16xi32>,
      %get3A_316 = vector.shape_cast %get3A_315 : vector<16xi32> to vector<16xi32>
      %swap3A_317 = arith.constant 112 : index
      %swap3A_318 = tpu.vector_load %arg10[%swap3A_317] {strides = array<i32>} : memref<128xi32, #tpu.memory_space<vmem>>, vector<16xi32>,
      %swap3A_319 = vector.shape_cast %swap3A_318 : vector<16xi32> to vector<16xi32>
      %swap3A_320 = vector.shape_cast %get3A_316 : vector<16xi32> to vector<16xi32>
      tpu.vector_store %arg10[%swap3A_317], %swap3A_320 {strides = array<i32>} : memref<128xi32, #tpu.memory_space<vmem>>, vector<16xi32>,
      "tpu.region"() ({
        %run_scoped3A = tpu.sem_alloc : memref<!tpu.dma_semaphore, #tpu.memory_space<semaphore_mem>>
        %dma_start3A_328 = arith.constant 0 : i32
        %dma_start3A_329 = arith.constant 0 : i32
        %dma_start3A_330 = tpu.memref_slice %arg6[%dma_start3A_328, %dma_start3A_329] : memref<10008x128xf32, #tpu.memory_space<vmem_shared>> -> memref<10008x128xf32, #tpu.memory_space<vmem_shared>>
        tpu.enqueue_indirect_dma source(%arg12 : memref<128x128xf32, #tpu.memory_space<vmem>>) target(%dma_start3A_330 : memref<10008x128xf32, #tpu.memory_space<vmem_shared>>) offsets(%arg10 : memref<128xi32, #tpu.memory_space<vmem>>) semaphore(%run_scoped3A : memref<!tpu.dma_semaphore, #tpu.memory_space<semaphore_mem>>) {add = true}
        %dma_wait3A_331 = arith.constant 0 : i32
        %dma_wait3A_332 = arith.constant 0 : i32
        %dma_wait3A_333 = tpu.memref_slice %arg6[%dma_wait3A_331, %dma_wait3A_332] : memref<10008x128xf32, #tpu.memory_space<vmem_shared>> -> memref<10008x128xf32, #tpu.memory_space<vmem_shared>>
        tpu.wait_indirect_dma semaphore(%run_scoped3A : memref<!tpu.dma_semaphore, #tpu.memory_space<semaphore_mem>>) src(%arg12 : memref<128x128xf32, #tpu.memory_space<vmem>>) dst(%dma_wait3A_333 : memref<10008x128xf32, #tpu.memory_space<vmem_shared>>)
        tpu.yield
      }) : () -> ()
      %add3A_321 = arith.constant 2 : i32
      %add3A_322 = arith.addi %add3A_222, %add3A_321 : i32
      %lt3A_323 = arith.constant 79 : i32
      %lt3A_324 = arith.cmpi slt, %add3A_322, %lt3A_323 : i32
      %convert_element_type3A_325 = arith.extui %lt3A_324 : i1 to i32
      %cond3A_326 = arith.constant 0 : i32
      %cond3A_327 = arith.cmpi ne, %convert_element_type3A_325, %cond3A_326 : i32
      scf.if %cond3A_327 {
        %add3A_328 = arith.constant 2 : i32
        %add3A_329 = arith.addi %add3A_222, %add3A_328 : i32
        %mul3A_330 = arith.constant 10112 : i32
        %mul3A_331 = arith.muli %add3A, %mul3A_330 : i32
        %mul3A_332 = arith.constant 128 : i32
        %mul3A_333 = arith.muli %add3A_329, %mul3A_332 : i32
        %add3A_334 = arith.addi %mul3A_331, %mul3A_333 : i32
        %dma_wait3A_335 = tpu.memref_slice %arg3[%add3A_334] : memref<323584xi32, #tpu.memory_space<hbm>> -> memref<128xi32, #tpu.memory_space<hbm>>
        %dma_wait3A_336 = tpu.memref_slice %arg3[%add3A_334] : memref<323584xi32, #tpu.memory_space<hbm>> -> memref<128xi32, #tpu.memory_space<hbm>>
        tpu.wait_dma2 semaphore(%arg17 : memref<!tpu.dma_semaphore, #tpu.memory_space<semaphore_mem>>) src(%dma_wait3A_336 : memref<128xi32, #tpu.memory_space<hbm>>) dst(%arg8 : memref<128xi32, #tpu.memory_space<vmem>>)
        %dma_start3A_337 = arith.constant 0 : i32
        %dma_start3A_338 = arith.constant 0 : i32
        %dma_start3A_339 = tpu.memref_slice %arg2[%dma_start3A_337, %dma_start3A_338] : memref<20000x128xf32, #tpu.memory_space<hbm>> -> memref<20000x128xf32, #tpu.memory_space<hbm>>
        tpu.enqueue_indirect_dma source(%dma_start3A_339 : memref<20000x128xf32, #tpu.memory_space<hbm>>) target(%arg12 : memref<128x128xf32, #tpu.memory_space<vmem>>) offsets(%arg8 : memref<128xi32, #tpu.memory_space<vmem>>) semaphore(%arg15 : memref<!tpu.dma_semaphore, #tpu.memory_space<semaphore_mem>>)
      } else {
      }
    }
    %scan3A_44 = arith.constant 39 : i32
    %dma_wait3A_45 = arith.constant 0 : i32
    %dma_wait3A_46 = arith.constant 0 : i32
    %dma_wait3A_47 = tpu.memref_slice %arg2[%dma_wait3A_45, %dma_wait3A_46] : memref<20000x128xf32, #tpu.memory_space<hbm>> -> memref<20000x128xf32, #tpu.memory_space<hbm>>
    tpu.wait_indirect_dma semaphore(%arg14 : memref<!tpu.dma_semaphore, #tpu.memory_space<semaphore_mem>>) src(%dma_wait3A_47 : memref<20000x128xf32, #tpu.memory_space<hbm>>) dst(%arg11 : memref<128x128xf32, #tpu.memory_space<vmem>>)
    %get3A = arith.constant 9984 : index
    %get3A_48 = tpu.vector_load %arg9[%get3A] {strides = array<i32>} : memref<10112xi32, #tpu.memory_space<vmem>>, vector<16xi32>,
    %get3A_49 = vector.shape_cast %get3A_48 : vector<16xi32> to vector<16xi32>
    %swap3A = arith.constant 0 : index
    %swap3A_50 = tpu.vector_load %arg10[%swap3A] {strides = array<i32>} : memref<128xi32, #tpu.memory_space<vmem>>, vector<16xi32>,
    %swap3A_51 = vector.shape_cast %swap3A_50 : vector<16xi32> to vector<16xi32>
    %swap3A_52 = vector.shape_cast %get3A_49 : vector<16xi32> to vector<16xi32>
    tpu.vector_store %arg10[%swap3A], %swap3A_52 {strides = array<i32>} : memref<128xi32, #tpu.memory_space<vmem>>, vector<16xi32>,
    %get3A_53 = arith.constant 10000 : index
    %get3A_54 = tpu.vector_load %arg9[%get3A_53] {strides = array<i32>} : memref<10112xi32, #tpu.memory_space<vmem>>, vector<16xi32>,
    %get3A_55 = vector.shape_cast %get3A_54 : vector<16xi32> to vector<16xi32>
    %swap3A_56 = arith.constant 16 : index
    %swap3A_57 = tpu.vector_load %arg10[%swap3A_56] {strides = array<i32>} : memref<128xi32, #tpu.memory_space<vmem>>, vector<16xi32>,
    %swap3A_58 = vector.shape_cast %swap3A_57 : vector<16xi32> to vector<16xi32>
    %swap3A_59 = vector.shape_cast %get3A_55 : vector<16xi32> to vector<16xi32>
    tpu.vector_store %arg10[%swap3A_56], %swap3A_59 {strides = array<i32>} : memref<128xi32, #tpu.memory_space<vmem>>, vector<16xi32>,
    %get3A_60 = arith.constant 10016 : index
    %get3A_61 = tpu.vector_load %arg9[%get3A_60] {strides = array<i32>} : memref<10112xi32, #tpu.memory_space<vmem>>, vector<16xi32>,
    %get3A_62 = vector.shape_cast %get3A_61 : vector<16xi32> to vector<16xi32>
    %swap3A_63 = arith.constant 32 : index
    %swap3A_64 = tpu.vector_load %arg10[%swap3A_63] {strides = array<i32>} : memref<128xi32, #tpu.memory_space<vmem>>, vector<16xi32>,
    %swap3A_65 = vector.shape_cast %swap3A_64 : vector<16xi32> to vector<16xi32>
    %swap3A_66 = vector.shape_cast %get3A_62 : vector<16xi32> to vector<16xi32>
    tpu.vector_store %arg10[%swap3A_63], %swap3A_66 {strides = array<i32>} : memref<128xi32, #tpu.memory_space<vmem>>, vector<16xi32>,
    %get3A_67 = arith.constant 10032 : index
    %get3A_68 = tpu.vector_load %arg9[%get3A_67] {strides = array<i32>} : memref<10112xi32, #tpu.memory_space<vmem>>, vector<16xi32>,
    %get3A_69 = vector.shape_cast %get3A_68 : vector<16xi32> to vector<16xi32>
    %swap3A_70 = arith.constant 48 : index
    %swap3A_71 = tpu.vector_load %arg10[%swap3A_70] {strides = array<i32>} : memref<128xi32, #tpu.memory_space<vmem>>, vector<16xi32>,
    %swap3A_72 = vector.shape_cast %swap3A_71 : vector<16xi32> to vector<16xi32>
    %swap3A_73 = vector.shape_cast %get3A_69 : vector<16xi32> to vector<16xi32>
    tpu.vector_store %arg10[%swap3A_70], %swap3A_73 {strides = array<i32>} : memref<128xi32, #tpu.memory_space<vmem>>, vector<16xi32>,
    %get3A_74 = arith.constant 10048 : index
    %get3A_75 = tpu.vector_load %arg9[%get3A_74] {strides = array<i32>} : memref<10112xi32, #tpu.memory_space<vmem>>, vector<16xi32>,
    %get3A_76 = vector.shape_cast %get3A_75 : vector<16xi32> to vector<16xi32>
    %swap3A_77 = arith.constant 64 : index
    %swap3A_78 = tpu.vector_load %arg10[%swap3A_77] {strides = array<i32>} : memref<128xi32, #tpu.memory_space<vmem>>, vector<16xi32>,
    %swap3A_79 = vector.shape_cast %swap3A_78 : vector<16xi32> to vector<16xi32>
    %swap3A_80 = vector.shape_cast %get3A_76 : vector<16xi32> to vector<16xi32>
    tpu.vector_store %arg10[%swap3A_77], %swap3A_80 {strides = array<i32>} : memref<128xi32, #tpu.memory_space<vmem>>, vector<16xi32>,
    %get3A_81 = arith.constant 10064 : index
    %get3A_82 = tpu.vector_load %arg9[%get3A_81] {strides = array<i32>} : memref<10112xi32, #tpu.memory_space<vmem>>, vector<16xi32>,
    %get3A_83 = vector.shape_cast %get3A_82 : vector<16xi32> to vector<16xi32>
    %swap3A_84 = arith.constant 80 : index
    %swap3A_85 = tpu.vector_load %arg10[%swap3A_84] {strides = array<i32>} : memref<128xi32, #tpu.memory_space<vmem>>, vector<16xi32>,
    %swap3A_86 = vector.shape_cast %swap3A_85 : vector<16xi32> to vector<16xi32>
    %swap3A_87 = vector.shape_cast %get3A_83 : vector<16xi32> to vector<16xi32>
    tpu.vector_store %arg10[%swap3A_84], %swap3A_87 {strides = array<i32>} : memref<128xi32, #tpu.memory_space<vmem>>, vector<16xi32>,
    %get3A_88 = arith.constant 10080 : index
    %get3A_89 = tpu.vector_load %arg9[%get3A_88] {strides = array<i32>} : memref<10112xi32, #tpu.memory_space<vmem>>, vector<16xi32>,
    %get3A_90 = vector.shape_cast %get3A_89 : vector<16xi32> to vector<16xi32>
    %swap3A_91 = arith.constant 96 : index
    %swap3A_92 = tpu.vector_load %arg10[%swap3A_91] {strides = array<i32>} : memref<128xi32, #tpu.memory_space<vmem>>, vector<16xi32>,
    %swap3A_93 = vector.shape_cast %swap3A_92 : vector<16xi32> to vector<16xi32>
    %swap3A_94 = vector.shape_cast %get3A_90 : vector<16xi32> to vector<16xi32>
    tpu.vector_store %arg10[%swap3A_91], %swap3A_94 {strides = array<i32>} : memref<128xi32, #tpu.memory_space<vmem>>, vector<16xi32>,
    %get3A_95 = arith.constant 10096 : index
    %get3A_96 = tpu.vector_load %arg9[%get3A_95] {strides = array<i32>} : memref<10112xi32, #tpu.memory_space<vmem>>, vector<16xi32>,
    %get3A_97 = vector.shape_cast %get3A_96 : vector<16xi32> to vector<16xi32>
    %swap3A_98 = arith.constant 112 : index
    %swap3A_99 = tpu.vector_load %arg10[%swap3A_98] {strides = array<i32>} : memref<128xi32, #tpu.memory_space<vmem>>, vector<16xi32>,
    %swap3A_100 = vector.shape_cast %swap3A_99 : vector<16xi32> to vector<16xi32>
    %swap3A_101 = vector.shape_cast %get3A_97 : vector<16xi32> to vector<16xi32>
    tpu.vector_store %arg10[%swap3A_98], %swap3A_101 {strides = array<i32>} : memref<128xi32, #tpu.memory_space<vmem>>, vector<16xi32>,
    "tpu.region"() ({
      %run_scoped3A = tpu.sem_alloc : memref<!tpu.dma_semaphore, #tpu.memory_space<semaphore_mem>>
      %dma_start3A_113 = arith.constant 0 : i32
      %dma_start3A_114 = arith.constant 0 : i32
      %dma_start3A_115 = tpu.memref_slice %arg6[%dma_start3A_113, %dma_start3A_114] : memref<10008x128xf32, #tpu.memory_space<vmem_shared>> -> memref<10008x128xf32, #tpu.memory_space<vmem_shared>>
      tpu.enqueue_indirect_dma source(%arg11 : memref<128x128xf32, #tpu.memory_space<vmem>>) target(%dma_start3A_115 : memref<10008x128xf32, #tpu.memory_space<vmem_shared>>) offsets(%arg10 : memref<128xi32, #tpu.memory_space<vmem>>) semaphore(%run_scoped3A : memref<!tpu.dma_semaphore, #tpu.memory_space<semaphore_mem>>) {add = true}
      %dma_wait3A_116 = arith.constant 0 : i32
      %dma_wait3A_117 = arith.constant 0 : i32
      %dma_wait3A_118 = tpu.memref_slice %arg6[%dma_wait3A_116, %dma_wait3A_117] : memref<10008x128xf32, #tpu.memory_space<vmem_shared>> -> memref<10008x128xf32, #tpu.memory_space<vmem_shared>>
      tpu.wait_indirect_dma semaphore(%run_scoped3A : memref<!tpu.dma_semaphore, #tpu.memory_space<semaphore_mem>>) src(%arg11 : memref<128x128xf32, #tpu.memory_space<vmem>>) dst(%dma_wait3A_118 : memref<10008x128xf32, #tpu.memory_space<vmem_shared>>)
      tpu.yield
    }) : () -> ()
    %barrier3A_102 = arith.constant 0 : index
    tpu.barrier barrier_id(%barrier3A_102)
    %lt3A_103 = arith.constant 15 : i32
    %lt3A_104 = arith.cmpi slt, %arg1, %lt3A_103 : i32
    %convert_element_type3A_105 = arith.extui %lt3A_104 : i1 to i32
    %cond3A_106 = arith.constant 0 : i32
    %cond3A_107 = arith.cmpi ne, %convert_element_type3A_105, %cond3A_106 : i32
    scf.if %cond3A_107 {
      %add3A_113 = arith.addi %mul3A_4, %mul3A_2 : i32
      "tpu.region"() ({
        %run_scoped3A = tpu.sem_alloc : memref<!tpu.dma_semaphore, #tpu.memory_space<semaphore_mem>>
        %dma_start3A_114 = arith.constant 0 : i32
        %dma_start3A_115 = tpu.memref_slice %arg5[%add3A_113, %dma_start3A_114] : memref<20000x128xf32, #tpu.memory_space<hbm>> -> memref<624x128xf32, #tpu.memory_space<hbm>>
        %dma_start3A_116 = arith.constant 0 : i32
        %dma_start3A_117 = tpu.memref_slice %arg6[%mul3A_2, %dma_start3A_116] : memref<10008x128xf32, #tpu.memory_space<vmem_shared>> -> memref<624x128xf32, #tpu.memory_space<vmem_shared>>
        tpu.enqueue_dma source(%dma_start3A_117 : memref<624x128xf32, #tpu.memory_space<vmem_shared>>) target(%dma_start3A_115 : memref<624x128xf32, #tpu.memory_space<hbm>>) target_semaphore(%run_scoped3A : memref<!tpu.dma_semaphore, #tpu.memory_space<semaphore_mem>>)
        %dma_wait3A_118 = arith.constant 0 : i32
        %dma_wait3A_119 = tpu.memref_slice %arg5[%add3A_113, %dma_wait3A_118] : memref<20000x128xf32, #tpu.memory_space<hbm>> -> memref<624x128xf32, #tpu.memory_space<hbm>>
        %dma_wait3A_120 = arith.constant 0 : i32
        %dma_wait3A_121 = tpu.memref_slice %arg6[%mul3A_2, %dma_wait3A_120] : memref<10008x128xf32, #tpu.memory_space<vmem_shared>> -> memref<624x128xf32, #tpu.memory_space<vmem_shared>>
        tpu.wait_dma2 semaphore(%run_scoped3A : memref<!tpu.dma_semaphore, #tpu.memory_space<semaphore_mem>>) src(%dma_wait3A_121 : memref<624x128xf32, #tpu.memory_space<vmem_shared>>) dst(%dma_wait3A_119 : memref<624x128xf32, #tpu.memory_space<hbm>>)
        tpu.yield
      }) : () -> ()
    } else {
    }
    %eq3A_108 = arith.constant 15 : i32
    %eq3A_109 = arith.cmpi eq, %arg1, %eq3A_108 : i32
    %convert_element_type3A_110 = arith.extui %eq3A_109 : i1 to i32
    %cond3A_111 = arith.constant 0 : i32
    %cond3A_112 = arith.cmpi ne, %convert_element_type3A_110, %cond3A_111 : i32
    scf.if %cond3A_112 {
      %add3A_113 = arith.addi %mul3A_4, %mul3A_2 : i32
      "tpu.region"() ({
        %run_scoped3A = tpu.sem_alloc : memref<!tpu.dma_semaphore, #tpu.memory_space<semaphore_mem>>
        %dma_start3A_114 = arith.constant 0 : i32
        %dma_start3A_115 = tpu.memref_slice %arg5[%add3A_113, %dma_start3A_114] : memref<20000x128xf32, #tpu.memory_space<hbm>> -> memref<640x128xf32, #tpu.memory_space<hbm>>
        %dma_start3A_116 = arith.constant 0 : i32
        %dma_start3A_117 = tpu.memref_slice %arg6[%mul3A_2, %dma_start3A_116] : memref<10008x128xf32, #tpu.memory_space<vmem_shared>> -> memref<640x128xf32, #tpu.memory_space<vmem_shared>>
        tpu.enqueue_dma source(%dma_start3A_117 : memref<640x128xf32, #tpu.memory_space<vmem_shared>>) target(%dma_start3A_115 : memref<640x128xf32, #tpu.memory_space<hbm>>) target_semaphore(%run_scoped3A : memref<!tpu.dma_semaphore, #tpu.memory_space<semaphore_mem>>)
        %dma_wait3A_118 = arith.constant 0 : i32
        %dma_wait3A_119 = tpu.memref_slice %arg5[%add3A_113, %dma_wait3A_118] : memref<20000x128xf32, #tpu.memory_space<hbm>> -> memref<640x128xf32, #tpu.memory_space<hbm>>
        %dma_wait3A_120 = arith.constant 0 : i32
        %dma_wait3A_121 = tpu.memref_slice %arg6[%mul3A_2, %dma_wait3A_120] : memref<10008x128xf32, #tpu.memory_space<vmem_shared>> -> memref<640x128xf32, #tpu.memory_space<vmem_shared>>
        tpu.wait_dma2 semaphore(%run_scoped3A : memref<!tpu.dma_semaphore, #tpu.memory_space<semaphore_mem>>) src(%dma_wait3A_121 : memref<640x128xf32, #tpu.memory_space<vmem_shared>>) dst(%dma_wait3A_119 : memref<640x128xf32, #tpu.memory_space<hbm>>)
        tpu.yield
      }) : () -> ()
    } else {
    }
    return
  }
}

#map = affine_map<(d0, d1) -> (0, 0)>
#map1 = affine_map<(d0, d1) -> (0)>
module attributes {stable_mosaic.version = 14 : i64} {
  func.func @_sc_agg_body(%arg0: i32, %arg1: i32, %arg2: memref<20000x128xf32, #tpu.memory_space<hbm>>, %arg3: memref<323584xi32, #tpu.memory_space<hbm>>, %arg4: memref<16x10112xi32, #tpu.memory_space<hbm>>, %arg5: memref<20000x128xf32, #tpu.memory_space<hbm>>, %arg6: memref<10008x128xf32, #tpu.memory_space<vmem_shared>>, %arg7: memref<128xi32, #tpu.memory_space<vmem>>, %arg8: memref<128xi32, #tpu.memory_space<vmem>>, %arg9: memref<10112xi32, #tpu.memory_space<vmem>>, %arg10: memref<128xi32, #tpu.memory_space<vmem>>, %arg11: memref<128x128xf32, #tpu.memory_space<vmem>>, %arg12: memref<128x128xf32, #tpu.memory_space<vmem>>, %arg13: memref<!tpu.dma_semaphore, #tpu.memory_space<semaphore_mem>>, %arg14: memref<!tpu.dma_semaphore, #tpu.memory_space<semaphore_mem>>, %arg15: memref<!tpu.dma_semaphore, #tpu.memory_space<semaphore_mem>>, %arg16: memref<!tpu.dma_semaphore, #tpu.memory_space<semaphore_mem>>, %arg17: memref<!tpu.dma_semaphore, #tpu.memory_space<semaphore_mem>>) attributes {dimension_semantics = [#tpu.dimension_semantics<core_parallel>, #tpu.dimension_semantics<subcore_parallel>], iteration_bounds = array<i64: 2, 16>, scalar_prefetch = 0 : i64, scratch_operands = 12 : i64, tpu.core_type = #tpu.core_type<sc_vector_subcore>, window_params = [{transform_indices = #map}, {transform_indices = #map1}, {transform_indices = #map}, {transform_indices = #map}]} {
    %mul3A = arith.constant 16 : i32
    %mul3A_0 = arith.muli %arg0, %mul3A : i32
    %add3A = arith.addi %mul3A_0, %arg1 : i32
    %mul3A_1 = arith.constant 624 : i32
    %mul3A_2 = arith.muli %arg1, %mul3A_1 : i32
    %mul3A_3 = arith.constant 10000 : i32
    %mul3A_4 = arith.muli %arg0, %mul3A_3 : i32
    %dma_start3A = arith.constant 0 : i32
    %dma_start3A_5 = tpu.memref_slice %arg4[%arg1, %dma_start3A] : memref<16x10112xi32, #tpu.memory_space<hbm>> -> memref<1x10112xi32, #tpu.memory_space<hbm>>
    %dma_start3A_6 = tpu.memref_squeeze %dma_start3A_5 : memref<1x10112xi32, #tpu.memory_space<hbm>> -> memref<10112xi32, #tpu.memory_space<hbm>>
    %dma_start3A_7 = arith.constant 0 : i32
    %dma_start3A_8 = tpu.memref_slice %arg4[%arg1, %dma_start3A_7] : memref<16x10112xi32, #tpu.memory_space<hbm>> -> memref<1x10112xi32, #tpu.memory_space<hbm>>
    %dma_start3A_9 = tpu.memref_squeeze %dma_start3A_8 : memref<1x10112xi32, #tpu.memory_space<hbm>> -> memref<10112xi32, #tpu.memory_space<hbm>>
    tpu.enqueue_dma source(%dma_start3A_9 : memref<10112xi32, #tpu.memory_space<hbm>>) target(%arg9 : memref<10112xi32, #tpu.memory_space<vmem>>) target_semaphore(%arg13 : memref<!tpu.dma_semaphore, #tpu.memory_space<semaphore_mem>>)
    %mul3A_10 = arith.constant 10112 : i32
    %mul3A_11 = arith.muli %add3A, %mul3A_10 : i32
    %add3A_12 = arith.constant 0 : i32
    %add3A_13 = arith.addi %mul3A_11, %add3A_12 : i32
    "tpu.region"() ({
      %run_scoped3A = tpu.sem_alloc : memref<!tpu.dma_semaphore, #tpu.memory_space<semaphore_mem>>
      %dma_start3A_113 = tpu.memref_slice %arg3[%add3A_13] : memref<323584xi32, #tpu.memory_space<hbm>> -> memref<128xi32, #tpu.memory_space<hbm>>
      %dma_start3A_114 = tpu.memref_slice %arg3[%add3A_13] : memref<323584xi32, #tpu.memory_space<hbm>> -> memref<128xi32, #tpu.memory_space<hbm>>
      tpu.enqueue_dma source(%dma_start3A_114 : memref<128xi32, #tpu.memory_space<hbm>>) target(%arg7 : memref<128xi32, #tpu.memory_space<vmem>>) target_semaphore(%run_scoped3A : memref<!tpu.dma_semaphore, #tpu.memory_space<semaphore_mem>>)
      %dma_wait3A_115 = tpu.memref_slice %arg3[%add3A_13] : memref<323584xi32, #tpu.memory_space<hbm>> -> memref<128xi32, #tpu.memory_space<hbm>>
      %dma_wait3A_116 = tpu.memref_slice %arg3[%add3A_13] : memref<323584xi32, #tpu.memory_space<hbm>> -> memref<128xi32, #tpu.memory_space<hbm>>
      tpu.wait_dma2 semaphore(%run_scoped3A : memref<!tpu.dma_semaphore, #tpu.memory_space<semaphore_mem>>) src(%dma_wait3A_116 : memref<128xi32, #tpu.memory_space<hbm>>) dst(%arg7 : memref<128xi32, #tpu.memory_space<vmem>>)
      tpu.yield
    }) : () -> ()
    %mul3A_14 = arith.constant 10112 : i32
    %mul3A_15 = arith.muli %add3A, %mul3A_14 : i32
    %add3A_16 = arith.constant 128 : i32
    %add3A_17 = arith.addi %mul3A_15, %add3A_16 : i32
    "tpu.region"() ({
      %run_scoped3A = tpu.sem_alloc : memref<!tpu.dma_semaphore, #tpu.memory_space<semaphore_mem>>
      %dma_start3A_113 = tpu.memref_slice %arg3[%add3A_17] : memref<323584xi32, #tpu.memory_space<hbm>> -> memref<128xi32, #tpu.memory_space<hbm>>
      %dma_start3A_114 = tpu.memref_slice %arg3[%add3A_17] : memref<323584xi32, #tpu.memory_space<hbm>> -> memref<128xi32, #tpu.memory_space<hbm>>
      tpu.enqueue_dma source(%dma_start3A_114 : memref<128xi32, #tpu.memory_space<hbm>>) target(%arg8 : memref<128xi32, #tpu.memory_space<vmem>>) target_semaphore(%run_scoped3A : memref<!tpu.dma_semaphore, #tpu.memory_space<semaphore_mem>>)
      %dma_wait3A_115 = tpu.memref_slice %arg3[%add3A_17] : memref<323584xi32, #tpu.memory_space<hbm>> -> memref<128xi32, #tpu.memory_space<hbm>>
      %dma_wait3A_116 = tpu.memref_slice %arg3[%add3A_17] : memref<323584xi32, #tpu.memory_space<hbm>> -> memref<128xi32, #tpu.memory_space<hbm>>
      tpu.wait_dma2 semaphore(%run_scoped3A : memref<!tpu.dma_semaphore, #tpu.memory_space<semaphore_mem>>) src(%dma_wait3A_116 : memref<128xi32, #tpu.memory_space<hbm>>) dst(%arg8 : memref<128xi32, #tpu.memory_space<vmem>>)
      tpu.yield
    }) : () -> ()
    %lt3A = arith.constant 15 : i32
    %lt3A_18 = arith.cmpi slt, %arg1, %lt3A : i32
    %convert_element_type3A = arith.extui %lt3A_18 : i1 to i32
    %cond3A = arith.constant 0 : i32
    %cond3A_19 = arith.cmpi ne, %convert_element_type3A, %cond3A : i32
    scf.if %cond3A_19 {
      %add3A_113 = arith.addi %mul3A_4, %mul3A_2 : i32
      "tpu.region"() ({
        %run_scoped3A = tpu.sem_alloc : memref<!tpu.dma_semaphore, #tpu.memory_space<semaphore_mem>>
        %dma_start3A_114 = arith.constant 0 : i32
        %dma_start3A_115 = tpu.memref_slice %arg6[%mul3A_2, %dma_start3A_114] : memref<10008x128xf32, #tpu.memory_space<vmem_shared>> -> memref<624x128xf32, #tpu.memory_space<vmem_shared>>
        %dma_start3A_116 = arith.constant 0 : i32
        %dma_start3A_117 = tpu.memref_slice %arg2[%add3A_113, %dma_start3A_116] : memref<20000x128xf32, #tpu.memory_space<hbm>> -> memref<624x128xf32, #tpu.memory_space<hbm>>
        tpu.enqueue_dma source(%dma_start3A_117 : memref<624x128xf32, #tpu.memory_space<hbm>>) target(%dma_start3A_115 : memref<624x128xf32, #tpu.memory_space<vmem_shared>>) target_semaphore(%run_scoped3A : memref<!tpu.dma_semaphore, #tpu.memory_space<semaphore_mem>>)
        %dma_wait3A_118 = arith.constant 0 : i32
        %dma_wait3A_119 = tpu.memref_slice %arg6[%mul3A_2, %dma_wait3A_118] : memref<10008x128xf32, #tpu.memory_space<vmem_shared>> -> memref<624x128xf32, #tpu.memory_space<vmem_shared>>
        %dma_wait3A_120 = arith.constant 0 : i32
        %dma_wait3A_121 = tpu.memref_slice %arg2[%add3A_113, %dma_wait3A_120] : memref<20000x128xf32, #tpu.memory_space<hbm>> -> memref<624x128xf32, #tpu.memory_space<hbm>>
        tpu.wait_dma2 semaphore(%run_scoped3A : memref<!tpu.dma_semaphore, #tpu.memory_space<semaphore_mem>>) src(%dma_wait3A_121 : memref<624x128xf32, #tpu.memory_space<hbm>>) dst(%dma_wait3A_119 : memref<624x128xf32, #tpu.memory_space<vmem_shared>>)
        tpu.yield
      }) : () -> ()
    } else {
    }
    %eq3A = arith.constant 15 : i32
    %eq3A_20 = arith.cmpi eq, %arg1, %eq3A : i32
    %convert_element_type3A_21 = arith.extui %eq3A_20 : i1 to i32
    %cond3A_22 = arith.constant 0 : i32
    %cond3A_23 = arith.cmpi ne, %convert_element_type3A_21, %cond3A_22 : i32
    scf.if %cond3A_23 {
      %add3A_113 = arith.addi %mul3A_4, %mul3A_2 : i32
      "tpu.region"() ({
        %run_scoped3A = tpu.sem_alloc : memref<!tpu.dma_semaphore, #tpu.memory_space<semaphore_mem>>
        %dma_start3A_114 = arith.constant 0 : i32
        %dma_start3A_115 = tpu.memref_slice %arg6[%mul3A_2, %dma_start3A_114] : memref<10008x128xf32, #tpu.memory_space<vmem_shared>> -> memref<640x128xf32, #tpu.memory_space<vmem_shared>>
        %dma_start3A_116 = arith.constant 0 : i32
        %dma_start3A_117 = tpu.memref_slice %arg2[%add3A_113, %dma_start3A_116] : memref<20000x128xf32, #tpu.memory_space<hbm>> -> memref<640x128xf32, #tpu.memory_space<hbm>>
        tpu.enqueue_dma source(%dma_start3A_117 : memref<640x128xf32, #tpu.memory_space<hbm>>) target(%dma_start3A_115 : memref<640x128xf32, #tpu.memory_space<vmem_shared>>) target_semaphore(%run_scoped3A : memref<!tpu.dma_semaphore, #tpu.memory_space<semaphore_mem>>)
        %dma_wait3A_118 = arith.constant 0 : i32
        %dma_wait3A_119 = tpu.memref_slice %arg6[%mul3A_2, %dma_wait3A_118] : memref<10008x128xf32, #tpu.memory_space<vmem_shared>> -> memref<640x128xf32, #tpu.memory_space<vmem_shared>>
        %dma_wait3A_120 = arith.constant 0 : i32
        %dma_wait3A_121 = tpu.memref_slice %arg2[%add3A_113, %dma_wait3A_120] : memref<20000x128xf32, #tpu.memory_space<hbm>> -> memref<640x128xf32, #tpu.memory_space<hbm>>
        tpu.wait_dma2 semaphore(%run_scoped3A : memref<!tpu.dma_semaphore, #tpu.memory_space<semaphore_mem>>) src(%dma_wait3A_121 : memref<640x128xf32, #tpu.memory_space<hbm>>) dst(%dma_wait3A_119 : memref<640x128xf32, #tpu.memory_space<vmem_shared>>)
        tpu.yield
      }) : () -> ()
    } else {
    }
    %eq3A_24 = arith.constant 0 : i32
    %eq3A_25 = arith.cmpi eq, %arg1, %eq3A_24 : i32
    %convert_element_type3A_26 = arith.extui %eq3A_25 : i1 to i32
    %cond3A_27 = arith.constant 0 : i32
    %cond3A_28 = arith.cmpi ne, %convert_element_type3A_26, %cond3A_27 : i32
    scf.if %cond3A_28 {
      %broadcast_in_dim3A = arith.constant 0.000000e+00 : f32
      %broadcast_in_dim3A_113 = vector.broadcast %broadcast_in_dim3A : f32 to vector<16xf32>
      %swap3A_114 = arith.constant 0 : i32
      %swap3A_115 = arith.index_cast %swap3A_114 : i32 to index
      %swap3A_116 = arith.constant 0 : index
      %swap3A_117 = tpu.vector_load %arg11[%swap3A_115, %swap3A_116] {strides = array<i32>} : memref<128x128xf32, #tpu.memory_space<vmem>>, vector<1x16xf32>,
      %swap3A_118 = vector.shape_cast %swap3A_117 : vector<1x16xf32> to vector<16xf32>
      %swap3A_119 = vector.shape_cast %broadcast_in_dim3A_113 : vector<16xf32> to vector<1x16xf32>
      tpu.vector_store %arg11[%swap3A_115, %swap3A_116], %swap3A_119 {strides = array<i32>} : memref<128x128xf32, #tpu.memory_space<vmem>>, vector<1x16xf32>,
      %broadcast_in_dim3A_120 = arith.constant 0.000000e+00 : f32
      %broadcast_in_dim3A_121 = vector.broadcast %broadcast_in_dim3A_120 : f32 to vector<16xf32>
      %swap3A_122 = arith.constant 0 : i32
      %swap3A_123 = arith.index_cast %swap3A_122 : i32 to index
      %swap3A_124 = arith.constant 16 : index
      %swap3A_125 = tpu.vector_load %arg11[%swap3A_123, %swap3A_124] {strides = array<i32>} : memref<128x128xf32, #tpu.memory_space<vmem>>, vector<1x16xf32>,
      %swap3A_126 = vector.shape_cast %swap3A_125 : vector<1x16xf32> to vector<16xf32>
      %swap3A_127 = vector.shape_cast %broadcast_in_dim3A_121 : vector<16xf32> to vector<1x16xf32>
      tpu.vector_store %arg11[%swap3A_123, %swap3A_124], %swap3A_127 {strides = array<i32>} : memref<128x128xf32, #tpu.memory_space<vmem>>, vector<1x16xf32>,
      %broadcast_in_dim3A_128 = arith.constant 0.000000e+00 : f32
      %broadcast_in_dim3A_129 = vector.broadcast %broadcast_in_dim3A_128 : f32 to vector<16xf32>
      %swap3A_130 = arith.constant 0 : i32
      %swap3A_131 = arith.index_cast %swap3A_130 : i32 to index
      %swap3A_132 = arith.constant 32 : index
      %swap3A_133 = tpu.vector_load %arg11[%swap3A_131, %swap3A_132] {strides = array<i32>} : memref<128x128xf32, #tpu.memory_space<vmem>>, vector<1x16xf32>,
      %swap3A_134 = vector.shape_cast %swap3A_133 : vector<1x16xf32> to vector<16xf32>
      %swap3A_135 = vector.shape_cast %broadcast_in_dim3A_129 : vector<16xf32> to vector<1x16xf32>
      tpu.vector_store %arg11[%swap3A_131, %swap3A_132], %swap3A_135 {strides = array<i32>} : memref<128x128xf32, #tpu.memory_space<vmem>>, vector<1x16xf32>,
      %broadcast_in_dim3A_136 = arith.constant 0.000000e+00 : f32
      %broadcast_in_dim3A_137 = vector.broadcast %broadcast_in_dim3A_136 : f32 to vector<16xf32>
      %swap3A_138 = arith.constant 0 : i32
      %swap3A_139 = arith.index_cast %swap3A_138 : i32 to index
      %swap3A_140 = arith.constant 48 : index
      %swap3A_141 = tpu.vector_load %arg11[%swap3A_139, %swap3A_140] {strides = array<i32>} : memref<128x128xf32, #tpu.memory_space<vmem>>, vector<1x16xf32>,
      %swap3A_142 = vector.shape_cast %swap3A_141 : vector<1x16xf32> to vector<16xf32>
      %swap3A_143 = vector.shape_cast %broadcast_in_dim3A_137 : vector<16xf32> to vector<1x16xf32>
      tpu.vector_store %arg11[%swap3A_139, %swap3A_140], %swap3A_143 {strides = array<i32>} : memref<128x128xf32, #tpu.memory_space<vmem>>, vector<1x16xf32>,
      %broadcast_in_dim3A_144 = arith.constant 0.000000e+00 : f32
      %broadcast_in_dim3A_145 = vector.broadcast %broadcast_in_dim3A_144 : f32 to vector<16xf32>
      %swap3A_146 = arith.constant 0 : i32
      %swap3A_147 = arith.index_cast %swap3A_146 : i32 to index
      %swap3A_148 = arith.constant 64 : index
      %swap3A_149 = tpu.vector_load %arg11[%swap3A_147, %swap3A_148] {strides = array<i32>} : memref<128x128xf32, #tpu.memory_space<vmem>>, vector<1x16xf32>,
      %swap3A_150 = vector.shape_cast %swap3A_149 : vector<1x16xf32> to vector<16xf32>
      %swap3A_151 = vector.shape_cast %broadcast_in_dim3A_145 : vector<16xf32> to vector<1x16xf32>
      tpu.vector_store %arg11[%swap3A_147, %swap3A_148], %swap3A_151 {strides = array<i32>} : memref<128x128xf32, #tpu.memory_space<vmem>>, vector<1x16xf32>,
      %broadcast_in_dim3A_152 = arith.constant 0.000000e+00 : f32
      %broadcast_in_dim3A_153 = vector.broadcast %broadcast_in_dim3A_152 : f32 to vector<16xf32>
      %swap3A_154 = arith.constant 0 : i32
      %swap3A_155 = arith.index_cast %swap3A_154 : i32 to index
      %swap3A_156 = arith.constant 80 : index
      %swap3A_157 = tpu.vector_load %arg11[%swap3A_155, %swap3A_156] {strides = array<i32>} : memref<128x128xf32, #tpu.memory_space<vmem>>, vector<1x16xf32>,
      %swap3A_158 = vector.shape_cast %swap3A_157 : vector<1x16xf32> to vector<16xf32>
      %swap3A_159 = vector.shape_cast %broadcast_in_dim3A_153 : vector<16xf32> to vector<1x16xf32>
      tpu.vector_store %arg11[%swap3A_155, %swap3A_156], %swap3A_159 {strides = array<i32>} : memref<128x128xf32, #tpu.memory_space<vmem>>, vector<1x16xf32>,
      %broadcast_in_dim3A_160 = arith.constant 0.000000e+00 : f32
      %broadcast_in_dim3A_161 = vector.broadcast %broadcast_in_dim3A_160 : f32 to vector<16xf32>
      %swap3A_162 = arith.constant 0 : i32
      %swap3A_163 = arith.index_cast %swap3A_162 : i32 to index
      %swap3A_164 = arith.constant 96 : index
      %swap3A_165 = tpu.vector_load %arg11[%swap3A_163, %swap3A_164] {strides = array<i32>} : memref<128x128xf32, #tpu.memory_space<vmem>>, vector<1x16xf32>,
      %swap3A_166 = vector.shape_cast %swap3A_165 : vector<1x16xf32> to vector<16xf32>
      %swap3A_167 = vector.shape_cast %broadcast_in_dim3A_161 : vector<16xf32> to vector<1x16xf32>
      tpu.vector_store %arg11[%swap3A_163, %swap3A_164], %swap3A_167 {strides = array<i32>} : memref<128x128xf32, #tpu.memory_space<vmem>>, vector<1x16xf32>,
      %broadcast_in_dim3A_168 = arith.constant 0.000000e+00 : f32
      %broadcast_in_dim3A_169 = vector.broadcast %broadcast_in_dim3A_168 : f32 to vector<16xf32>
      %swap3A_170 = arith.constant 0 : i32
      %swap3A_171 = arith.index_cast %swap3A_170 : i32 to index
      %swap3A_172 = arith.constant 112 : index
      %swap3A_173 = tpu.vector_load %arg11[%swap3A_171, %swap3A_172] {strides = array<i32>} : memref<128x128xf32, #tpu.memory_space<vmem>>, vector<1x16xf32>,
      %swap3A_174 = vector.shape_cast %swap3A_173 : vector<1x16xf32> to vector<16xf32>
      %swap3A_175 = vector.shape_cast %broadcast_in_dim3A_169 : vector<16xf32> to vector<1x16xf32>
      tpu.vector_store %arg11[%swap3A_171, %swap3A_172], %swap3A_175 {strides = array<i32>} : memref<128x128xf32, #tpu.memory_space<vmem>>, vector<1x16xf32>,
      %broadcast_in_dim3A_176 = arith.constant 0.000000e+00 : f32
      %broadcast_in_dim3A_177 = vector.broadcast %broadcast_in_dim3A_176 : f32 to vector<16xf32>
      %swap3A_178 = arith.constant 1 : i32
      %swap3A_179 = arith.index_cast %swap3A_178 : i32 to index
      %swap3A_180 = arith.constant 0 : index
      %swap3A_181 = tpu.vector_load %arg11[%swap3A_179, %swap3A_180] {strides = array<i32>} : memref<128x128xf32, #tpu.memory_space<vmem>>, vector<1x16xf32>,
      %swap3A_182 = vector.shape_cast %swap3A_181 : vector<1x16xf32> to vector<16xf32>
      %swap3A_183 = vector.shape_cast %broadcast_in_dim3A_177 : vector<16xf32> to vector<1x16xf32>
      tpu.vector_store %arg11[%swap3A_179, %swap3A_180], %swap3A_183 {strides = array<i32>} : memref<128x128xf32, #tpu.memory_space<vmem>>, vector<1x16xf32>,
      %broadcast_in_dim3A_184 = arith.constant 0.000000e+00 : f32
      %broadcast_in_dim3A_185 = vector.broadcast %broadcast_in_dim3A_184 : f32 to vector<16xf32>
      %swap3A_186 = arith.constant 1 : i32
      %swap3A_187 = arith.index_cast %swap3A_186 : i32 to index
      %swap3A_188 = arith.constant 16 : index
      %swap3A_189 = tpu.vector_load %arg11[%swap3A_187, %swap3A_188] {strides = array<i32>} : memref<128x128xf32, #tpu.memory_space<vmem>>, vector<1x16xf32>,
      %swap3A_190 = vector.shape_cast %swap3A_189 : vector<1x16xf32> to vector<16xf32>
      %swap3A_191 = vector.shape_cast %broadcast_in_dim3A_185 : vector<16xf32> to vector<1x16xf32>
      tpu.vector_store %arg11[%swap3A_187, %swap3A_188], %swap3A_191 {strides = array<i32>} : memref<128x128xf32, #tpu.memory_space<vmem>>, vector<1x16xf32>,
      %broadcast_in_dim3A_192 = arith.constant 0.000000e+00 : f32
      %broadcast_in_dim3A_193 = vector.broadcast %broadcast_in_dim3A_192 : f32 to vector<16xf32>
      %swap3A_194 = arith.constant 1 : i32
      %swap3A_195 = arith.index_cast %swap3A_194 : i32 to index
      %swap3A_196 = arith.constant 32 : index
      %swap3A_197 = tpu.vector_load %arg11[%swap3A_195, %swap3A_196] {strides = array<i32>} : memref<128x128xf32, #tpu.memory_space<vmem>>, vector<1x16xf32>,
      %swap3A_198 = vector.shape_cast %swap3A_197 : vector<1x16xf32> to vector<16xf32>
      %swap3A_199 = vector.shape_cast %broadcast_in_dim3A_193 : vector<16xf32> to vector<1x16xf32>
      tpu.vector_store %arg11[%swap3A_195, %swap3A_196], %swap3A_199 {strides = array<i32>} : memref<128x128xf32, #tpu.memory_space<vmem>>, vector<1x16xf32>,
      %broadcast_in_dim3A_200 = arith.constant 0.000000e+00 : f32
      %broadcast_in_dim3A_201 = vector.broadcast %broadcast_in_dim3A_200 : f32 to vector<16xf32>
      %swap3A_202 = arith.constant 1 : i32
      %swap3A_203 = arith.index_cast %swap3A_202 : i32 to index
      %swap3A_204 = arith.constant 48 : index
      %swap3A_205 = tpu.vector_load %arg11[%swap3A_203, %swap3A_204] {strides = array<i32>} : memref<128x128xf32, #tpu.memory_space<vmem>>, vector<1x16xf32>,
      %swap3A_206 = vector.shape_cast %swap3A_205 : vector<1x16xf32> to vector<16xf32>
      %swap3A_207 = vector.shape_cast %broadcast_in_dim3A_201 : vector<16xf32> to vector<1x16xf32>
      tpu.vector_store %arg11[%swap3A_203, %swap3A_204], %swap3A_207 {strides = array<i32>} : memref<128x128xf32, #tpu.memory_space<vmem>>, vector<1x16xf32>,
      %broadcast_in_dim3A_208 = arith.constant 0.000000e+00 : f32
      %broadcast_in_dim3A_209 = vector.broadcast %broadcast_in_dim3A_208 : f32 to vector<16xf32>
      %swap3A_210 = arith.constant 1 : i32
      %swap3A_211 = arith.index_cast %swap3A_210 : i32 to index
      %swap3A_212 = arith.constant 64 : index
      %swap3A_213 = tpu.vector_load %arg11[%swap3A_211, %swap3A_212] {strides = array<i32>} : memref<128x128xf32, #tpu.memory_space<vmem>>, vector<1x16xf32>,
      %swap3A_214 = vector.shape_cast %swap3A_213 : vector<1x16xf32> to vector<16xf32>
      %swap3A_215 = vector.shape_cast %broadcast_in_dim3A_209 : vector<16xf32> to vector<1x16xf32>
      tpu.vector_store %arg11[%swap3A_211, %swap3A_212], %swap3A_215 {strides = array<i32>} : memref<128x128xf32, #tpu.memory_space<vmem>>, vector<1x16xf32>,
      %broadcast_in_dim3A_216 = arith.constant 0.000000e+00 : f32
      %broadcast_in_dim3A_217 = vector.broadcast %broadcast_in_dim3A_216 : f32 to vector<16xf32>
      %swap3A_218 = arith.constant 1 : i32
      %swap3A_219 = arith.index_cast %swap3A_218 : i32 to index
      %swap3A_220 = arith.constant 80 : index
      %swap3A_221 = tpu.vector_load %arg11[%swap3A_219, %swap3A_220] {strides = array<i32>} : memref<128x128xf32, #tpu.memory_space<vmem>>, vector<1x16xf32>,
      %swap3A_222 = vector.shape_cast %swap3A_221 : vector<1x16xf32> to vector<16xf32>
      %swap3A_223 = vector.shape_cast %broadcast_in_dim3A_217 : vector<16xf32> to vector<1x16xf32>
      tpu.vector_store %arg11[%swap3A_219, %swap3A_220], %swap3A_223 {strides = array<i32>} : memref<128x128xf32, #tpu.memory_space<vmem>>, vector<1x16xf32>,
      %broadcast_in_dim3A_224 = arith.constant 0.000000e+00 : f32
      %broadcast_in_dim3A_225 = vector.broadcast %broadcast_in_dim3A_224 : f32 to vector<16xf32>
      %swap3A_226 = arith.constant 1 : i32
      %swap3A_227 = arith.index_cast %swap3A_226 : i32 to index
      %swap3A_228 = arith.constant 96 : index
      %swap3A_229 = tpu.vector_load %arg11[%swap3A_227, %swap3A_228] {strides = array<i32>} : memref<128x128xf32, #tpu.memory_space<vmem>>, vector<1x16xf32>,
      %swap3A_230 = vector.shape_cast %swap3A_229 : vector<1x16xf32> to vector<16xf32>
      %swap3A_231 = vector.shape_cast %broadcast_in_dim3A_225 : vector<16xf32> to vector<1x16xf32>
      tpu.vector_store %arg11[%swap3A_227, %swap3A_228], %swap3A_231 {strides = array<i32>} : memref<128x128xf32, #tpu.memory_space<vmem>>, vector<1x16xf32>,
      %broadcast_in_dim3A_232 = arith.constant 0.000000e+00 : f32
      %broadcast_in_dim3A_233 = vector.broadcast %broadcast_in_dim3A_232 : f32 to vector<16xf32>
      %swap3A_234 = arith.constant 1 : i32
      %swap3A_235 = arith.index_cast %swap3A_234 : i32 to index
      %swap3A_236 = arith.constant 112 : index
      %swap3A_237 = tpu.vector_load %arg11[%swap3A_235, %swap3A_236] {strides = array<i32>} : memref<128x128xf32, #tpu.memory_space<vmem>>, vector<1x16xf32>,
      %swap3A_238 = vector.shape_cast %swap3A_237 : vector<1x16xf32> to vector<16xf32>
      %swap3A_239 = vector.shape_cast %broadcast_in_dim3A_233 : vector<16xf32> to vector<1x16xf32>
      tpu.vector_store %arg11[%swap3A_235, %swap3A_236], %swap3A_239 {strides = array<i32>} : memref<128x128xf32, #tpu.memory_space<vmem>>, vector<1x16xf32>,
      %broadcast_in_dim3A_240 = arith.constant 0.000000e+00 : f32
      %broadcast_in_dim3A_241 = vector.broadcast %broadcast_in_dim3A_240 : f32 to vector<16xf32>
      %swap3A_242 = arith.constant 2 : i32
      %swap3A_243 = arith.index_cast %swap3A_242 : i32 to index
      %swap3A_244 = arith.constant 0 : index
      %swap3A_245 = tpu.vector_load %arg11[%swap3A_243, %swap3A_244] {strides = array<i32>} : memref<128x128xf32, #tpu.memory_space<vmem>>, vector<1x16xf32>,
      %swap3A_246 = vector.shape_cast %swap3A_245 : vector<1x16xf32> to vector<16xf32>
      %swap3A_247 = vector.shape_cast %broadcast_in_dim3A_241 : vector<16xf32> to vector<1x16xf32>
      tpu.vector_store %arg11[%swap3A_243, %swap3A_244], %swap3A_247 {strides = array<i32>} : memref<128x128xf32, #tpu.memory_space<vmem>>, vector<1x16xf32>,
      %broadcast_in_dim3A_248 = arith.constant 0.000000e+00 : f32
      %broadcast_in_dim3A_249 = vector.broadcast %broadcast_in_dim3A_248 : f32 to vector<16xf32>
      %swap3A_250 = arith.constant 2 : i32
      %swap3A_251 = arith.index_cast %swap3A_250 : i32 to index
      %swap3A_252 = arith.constant 16 : index
      %swap3A_253 = tpu.vector_load %arg11[%swap3A_251, %swap3A_252] {strides = array<i32>} : memref<128x128xf32, #tpu.memory_space<vmem>>, vector<1x16xf32>,
      %swap3A_254 = vector.shape_cast %swap3A_253 : vector<1x16xf32> to vector<16xf32>
      %swap3A_255 = vector.shape_cast %broadcast_in_dim3A_249 : vector<16xf32> to vector<1x16xf32>
      tpu.vector_store %arg11[%swap3A_251, %swap3A_252], %swap3A_255 {strides = array<i32>} : memref<128x128xf32, #tpu.memory_space<vmem>>, vector<1x16xf32>,
      %broadcast_in_dim3A_256 = arith.constant 0.000000e+00 : f32
      %broadcast_in_dim3A_257 = vector.broadcast %broadcast_in_dim3A_256 : f32 to vector<16xf32>
      %swap3A_258 = arith.constant 2 : i32
      %swap3A_259 = arith.index_cast %swap3A_258 : i32 to index
      %swap3A_260 = arith.constant 32 : index
      %swap3A_261 = tpu.vector_load %arg11[%swap3A_259, %swap3A_260] {strides = array<i32>} : memref<128x128xf32, #tpu.memory_space<vmem>>, vector<1x16xf32>,
      %swap3A_262 = vector.shape_cast %swap3A_261 : vector<1x16xf32> to vector<16xf32>
      %swap3A_263 = vector.shape_cast %broadcast_in_dim3A_257 : vector<16xf32> to vector<1x16xf32>
      tpu.vector_store %arg11[%swap3A_259, %swap3A_260], %swap3A_263 {strides = array<i32>} : memref<128x128xf32, #tpu.memory_space<vmem>>, vector<1x16xf32>,
      %broadcast_in_dim3A_264 = arith.constant 0.000000e+00 : f32
      %broadcast_in_dim3A_265 = vector.broadcast %broadcast_in_dim3A_264 : f32 to vector<16xf32>
      %swap3A_266 = arith.constant 2 : i32
      %swap3A_267 = arith.index_cast %swap3A_266 : i32 to index
      %swap3A_268 = arith.constant 48 : index
      %swap3A_269 = tpu.vector_load %arg11[%swap3A_267, %swap3A_268] {strides = array<i32>} : memref<128x128xf32, #tpu.memory_space<vmem>>, vector<1x16xf32>,
      %swap3A_270 = vector.shape_cast %swap3A_269 : vector<1x16xf32> to vector<16xf32>
      %swap3A_271 = vector.shape_cast %broadcast_in_dim3A_265 : vector<16xf32> to vector<1x16xf32>
      tpu.vector_store %arg11[%swap3A_267, %swap3A_268], %swap3A_271 {strides = array<i32>} : memref<128x128xf32, #tpu.memory_space<vmem>>, vector<1x16xf32>,
      %broadcast_in_dim3A_272 = arith.constant 0.000000e+00 : f32
      %broadcast_in_dim3A_273 = vector.broadcast %broadcast_in_dim3A_272 : f32 to vector<16xf32>
      %swap3A_274 = arith.constant 2 : i32
      %swap3A_275 = arith.index_cast %swap3A_274 : i32 to index
      %swap3A_276 = arith.constant 64 : index
      %swap3A_277 = tpu.vector_load %arg11[%swap3A_275, %swap3A_276] {strides = array<i32>} : memref<128x128xf32, #tpu.memory_space<vmem>>, vector<1x16xf32>,
      %swap3A_278 = vector.shape_cast %swap3A_277 : vector<1x16xf32> to vector<16xf32>
      %swap3A_279 = vector.shape_cast %broadcast_in_dim3A_273 : vector<16xf32> to vector<1x16xf32>
      tpu.vector_store %arg11[%swap3A_275, %swap3A_276], %swap3A_279 {strides = array<i32>} : memref<128x128xf32, #tpu.memory_space<vmem>>, vector<1x16xf32>,
      %broadcast_in_dim3A_280 = arith.constant 0.000000e+00 : f32
      %broadcast_in_dim3A_281 = vector.broadcast %broadcast_in_dim3A_280 : f32 to vector<16xf32>
      %swap3A_282 = arith.constant 2 : i32
      %swap3A_283 = arith.index_cast %swap3A_282 : i32 to index
      %swap3A_284 = arith.constant 80 : index
      %swap3A_285 = tpu.vector_load %arg11[%swap3A_283, %swap3A_284] {strides = array<i32>} : memref<128x128xf32, #tpu.memory_space<vmem>>, vector<1x16xf32>,
      %swap3A_286 = vector.shape_cast %swap3A_285 : vector<1x16xf32> to vector<16xf32>
      %swap3A_287 = vector.shape_cast %broadcast_in_dim3A_281 : vector<16xf32> to vector<1x16xf32>
      tpu.vector_store %arg11[%swap3A_283, %swap3A_284], %swap3A_287 {strides = array<i32>} : memref<128x128xf32, #tpu.memory_space<vmem>>, vector<1x16xf32>,
      %broadcast_in_dim3A_288 = arith.constant 0.000000e+00 : f32
      %broadcast_in_dim3A_289 = vector.broadcast %broadcast_in_dim3A_288 : f32 to vector<16xf32>
      %swap3A_290 = arith.constant 2 : i32
      %swap3A_291 = arith.index_cast %swap3A_290 : i32 to index
      %swap3A_292 = arith.constant 96 : index
      %swap3A_293 = tpu.vector_load %arg11[%swap3A_291, %swap3A_292] {strides = array<i32>} : memref<128x128xf32, #tpu.memory_space<vmem>>, vector<1x16xf32>,
      %swap3A_294 = vector.shape_cast %swap3A_293 : vector<1x16xf32> to vector<16xf32>
      %swap3A_295 = vector.shape_cast %broadcast_in_dim3A_289 : vector<16xf32> to vector<1x16xf32>
      tpu.vector_store %arg11[%swap3A_291, %swap3A_292], %swap3A_295 {strides = array<i32>} : memref<128x128xf32, #tpu.memory_space<vmem>>, vector<1x16xf32>,
      %broadcast_in_dim3A_296 = arith.constant 0.000000e+00 : f32
      %broadcast_in_dim3A_297 = vector.broadcast %broadcast_in_dim3A_296 : f32 to vector<16xf32>
      %swap3A_298 = arith.constant 2 : i32
      %swap3A_299 = arith.index_cast %swap3A_298 : i32 to index
      %swap3A_300 = arith.constant 112 : index
      %swap3A_301 = tpu.vector_load %arg11[%swap3A_299, %swap3A_300] {strides = array<i32>} : memref<128x128xf32, #tpu.memory_space<vmem>>, vector<1x16xf32>,
      %swap3A_302 = vector.shape_cast %swap3A_301 : vector<1x16xf32> to vector<16xf32>
      %swap3A_303 = vector.shape_cast %broadcast_in_dim3A_297 : vector<16xf32> to vector<1x16xf32>
      tpu.vector_store %arg11[%swap3A_299, %swap3A_300], %swap3A_303 {strides = array<i32>} : memref<128x128xf32, #tpu.memory_space<vmem>>, vector<1x16xf32>,
      %broadcast_in_dim3A_304 = arith.constant 0.000000e+00 : f32
      %broadcast_in_dim3A_305 = vector.broadcast %broadcast_in_dim3A_304 : f32 to vector<16xf32>
      %swap3A_306 = arith.constant 3 : i32
      %swap3A_307 = arith.index_cast %swap3A_306 : i32 to index
      %swap3A_308 = arith.constant 0 : index
      %swap3A_309 = tpu.vector_load %arg11[%swap3A_307, %swap3A_308] {strides = array<i32>} : memref<128x128xf32, #tpu.memory_space<vmem>>, vector<1x16xf32>,
      %swap3A_310 = vector.shape_cast %swap3A_309 : vector<1x16xf32> to vector<16xf32>
      %swap3A_311 = vector.shape_cast %broadcast_in_dim3A_305 : vector<16xf32> to vector<1x16xf32>
      tpu.vector_store %arg11[%swap3A_307, %swap3A_308], %swap3A_311 {strides = array<i32>} : memref<128x128xf32, #tpu.memory_space<vmem>>, vector<1x16xf32>,
      %broadcast_in_dim3A_312 = arith.constant 0.000000e+00 : f32
      %broadcast_in_dim3A_313 = vector.broadcast %broadcast_in_dim3A_312 : f32 to vector<16xf32>
      %swap3A_314 = arith.constant 3 : i32
      %swap3A_315 = arith.index_cast %swap3A_314 : i32 to index
      %swap3A_316 = arith.constant 16 : index
      %swap3A_317 = tpu.vector_load %arg11[%swap3A_315, %swap3A_316] {strides = array<i32>} : memref<128x128xf32, #tpu.memory_space<vmem>>, vector<1x16xf32>,
      %swap3A_318 = vector.shape_cast %swap3A_317 : vector<1x16xf32> to vector<16xf32>
      %swap3A_319 = vector.shape_cast %broadcast_in_dim3A_313 : vector<16xf32> to vector<1x16xf32>
      tpu.vector_store %arg11[%swap3A_315, %swap3A_316], %swap3A_319 {strides = array<i32>} : memref<128x128xf32, #tpu.memory_space<vmem>>, vector<1x16xf32>,
      %broadcast_in_dim3A_320 = arith.constant 0.000000e+00 : f32
      %broadcast_in_dim3A_321 = vector.broadcast %broadcast_in_dim3A_320 : f32 to vector<16xf32>
      %swap3A_322 = arith.constant 3 : i32
      %swap3A_323 = arith.index_cast %swap3A_322 : i32 to index
      %swap3A_324 = arith.constant 32 : index
      %swap3A_325 = tpu.vector_load %arg11[%swap3A_323, %swap3A_324] {strides = array<i32>} : memref<128x128xf32, #tpu.memory_space<vmem>>, vector<1x16xf32>,
      %swap3A_326 = vector.shape_cast %swap3A_325 : vector<1x16xf32> to vector<16xf32>
      %swap3A_327 = vector.shape_cast %broadcast_in_dim3A_321 : vector<16xf32> to vector<1x16xf32>
      tpu.vector_store %arg11[%swap3A_323, %swap3A_324], %swap3A_327 {strides = array<i32>} : memref<128x128xf32, #tpu.memory_space<vmem>>, vector<1x16xf32>,
      %broadcast_in_dim3A_328 = arith.constant 0.000000e+00 : f32
      %broadcast_in_dim3A_329 = vector.broadcast %broadcast_in_dim3A_328 : f32 to vector<16xf32>
      %swap3A_330 = arith.constant 3 : i32
      %swap3A_331 = arith.index_cast %swap3A_330 : i32 to index
      %swap3A_332 = arith.constant 48 : index
      %swap3A_333 = tpu.vector_load %arg11[%swap3A_331, %swap3A_332] {strides = array<i32>} : memref<128x128xf32, #tpu.memory_space<vmem>>, vector<1x16xf32>,
      %swap3A_334 = vector.shape_cast %swap3A_333 : vector<1x16xf32> to vector<16xf32>
      %swap3A_335 = vector.shape_cast %broadcast_in_dim3A_329 : vector<16xf32> to vector<1x16xf32>
      tpu.vector_store %arg11[%swap3A_331, %swap3A_332], %swap3A_335 {strides = array<i32>} : memref<128x128xf32, #tpu.memory_space<vmem>>, vector<1x16xf32>,
      %broadcast_in_dim3A_336 = arith.constant 0.000000e+00 : f32
      %broadcast_in_dim3A_337 = vector.broadcast %broadcast_in_dim3A_336 : f32 to vector<16xf32>
      %swap3A_338 = arith.constant 3 : i32
      %swap3A_339 = arith.index_cast %swap3A_338 : i32 to index
      %swap3A_340 = arith.constant 64 : index
      %swap3A_341 = tpu.vector_load %arg11[%swap3A_339, %swap3A_340] {strides = array<i32>} : memref<128x128xf32, #tpu.memory_space<vmem>>, vector<1x16xf32>,
      %swap3A_342 = vector.shape_cast %swap3A_341 : vector<1x16xf32> to vector<16xf32>
      %swap3A_343 = vector.shape_cast %broadcast_in_dim3A_337 : vector<16xf32> to vector<1x16xf32>
      tpu.vector_store %arg11[%swap3A_339, %swap3A_340], %swap3A_343 {strides = array<i32>} : memref<128x128xf32, #tpu.memory_space<vmem>>, vector<1x16xf32>,
      %broadcast_in_dim3A_344 = arith.constant 0.000000e+00 : f32
      %broadcast_in_dim3A_345 = vector.broadcast %broadcast_in_dim3A_344 : f32 to vector<16xf32>
      %swap3A_346 = arith.constant 3 : i32
      %swap3A_347 = arith.index_cast %swap3A_346 : i32 to index
      %swap3A_348 = arith.constant 80 : index
      %swap3A_349 = tpu.vector_load %arg11[%swap3A_347, %swap3A_348] {strides = array<i32>} : memref<128x128xf32, #tpu.memory_space<vmem>>, vector<1x16xf32>,
      %swap3A_350 = vector.shape_cast %swap3A_349 : vector<1x16xf32> to vector<16xf32>
      %swap3A_351 = vector.shape_cast %broadcast_in_dim3A_345 : vector<16xf32> to vector<1x16xf32>
      tpu.vector_store %arg11[%swap3A_347, %swap3A_348], %swap3A_351 {strides = array<i32>} : memref<128x128xf32, #tpu.memory_space<vmem>>, vector<1x16xf32>,
      %broadcast_in_dim3A_352 = arith.constant 0.000000e+00 : f32
      %broadcast_in_dim3A_353 = vector.broadcast %broadcast_in_dim3A_352 : f32 to vector<16xf32>
      %swap3A_354 = arith.constant 3 : i32
      %swap3A_355 = arith.index_cast %swap3A_354 : i32 to index
      %swap3A_356 = arith.constant 96 : index
      %swap3A_357 = tpu.vector_load %arg11[%swap3A_355, %swap3A_356] {strides = array<i32>} : memref<128x128xf32, #tpu.memory_space<vmem>>, vector<1x16xf32>,
      %swap3A_358 = vector.shape_cast %swap3A_357 : vector<1x16xf32> to vector<16xf32>
      %swap3A_359 = vector.shape_cast %broadcast_in_dim3A_353 : vector<16xf32> to vector<1x16xf32>
      tpu.vector_store %arg11[%swap3A_355, %swap3A_356], %swap3A_359 {strides = array<i32>} : memref<128x128xf32, #tpu.memory_space<vmem>>, vector<1x16xf32>,
      %broadcast_in_dim3A_360 = arith.constant 0.000000e+00 : f32
      %broadcast_in_dim3A_361 = vector.broadcast %broadcast_in_dim3A_360 : f32 to vector<16xf32>
      %swap3A_362 = arith.constant 3 : i32
      %swap3A_363 = arith.index_cast %swap3A_362 : i32 to index
      %swap3A_364 = arith.constant 112 : index
      %swap3A_365 = tpu.vector_load %arg11[%swap3A_363, %swap3A_364] {strides = array<i32>} : memref<128x128xf32, #tpu.memory_space<vmem>>, vector<1x16xf32>,
      %swap3A_366 = vector.shape_cast %swap3A_365 : vector<1x16xf32> to vector<16xf32>
      %swap3A_367 = vector.shape_cast %broadcast_in_dim3A_361 : vector<16xf32> to vector<1x16xf32>
      tpu.vector_store %arg11[%swap3A_363, %swap3A_364], %swap3A_367 {strides = array<i32>} : memref<128x128xf32, #tpu.memory_space<vmem>>, vector<1x16xf32>,
      %broadcast_in_dim3A_368 = arith.constant 0.000000e+00 : f32
      %broadcast_in_dim3A_369 = vector.broadcast %broadcast_in_dim3A_368 : f32 to vector<16xf32>
      %swap3A_370 = arith.constant 4 : i32
      %swap3A_371 = arith.index_cast %swap3A_370 : i32 to index
      %swap3A_372 = arith.constant 0 : index
      %swap3A_373 = tpu.vector_load %arg11[%swap3A_371, %swap3A_372] {strides = array<i32>} : memref<128x128xf32, #tpu.memory_space<vmem>>, vector<1x16xf32>,
      %swap3A_374 = vector.shape_cast %swap3A_373 : vector<1x16xf32> to vector<16xf32>
      %swap3A_375 = vector.shape_cast %broadcast_in_dim3A_369 : vector<16xf32> to vector<1x16xf32>
      tpu.vector_store %arg11[%swap3A_371, %swap3A_372], %swap3A_375 {strides = array<i32>} : memref<128x128xf32, #tpu.memory_space<vmem>>, vector<1x16xf32>,
      %broadcast_in_dim3A_376 = arith.constant 0.000000e+00 : f32
      %broadcast_in_dim3A_377 = vector.broadcast %broadcast_in_dim3A_376 : f32 to vector<16xf32>
      %swap3A_378 = arith.constant 4 : i32
      %swap3A_379 = arith.index_cast %swap3A_378 : i32 to index
      %swap3A_380 = arith.constant 16 : index
      %swap3A_381 = tpu.vector_load %arg11[%swap3A_379, %swap3A_380] {strides = array<i32>} : memref<128x128xf32, #tpu.memory_space<vmem>>, vector<1x16xf32>,
      %swap3A_382 = vector.shape_cast %swap3A_381 : vector<1x16xf32> to vector<16xf32>
      %swap3A_383 = vector.shape_cast %broadcast_in_dim3A_377 : vector<16xf32> to vector<1x16xf32>
      tpu.vector_store %arg11[%swap3A_379, %swap3A_380], %swap3A_383 {strides = array<i32>} : memref<128x128xf32, #tpu.memory_space<vmem>>, vector<1x16xf32>,
      %broadcast_in_dim3A_384 = arith.constant 0.000000e+00 : f32
      %broadcast_in_dim3A_385 = vector.broadcast %broadcast_in_dim3A_384 : f32 to vector<16xf32>
      %swap3A_386 = arith.constant 4 : i32
      %swap3A_387 = arith.index_cast %swap3A_386 : i32 to index
      %swap3A_388 = arith.constant 32 : index
      %swap3A_389 = tpu.vector_load %arg11[%swap3A_387, %swap3A_388] {strides = array<i32>} : memref<128x128xf32, #tpu.memory_space<vmem>>, vector<1x16xf32>,
      %swap3A_390 = vector.shape_cast %swap3A_389 : vector<1x16xf32> to vector<16xf32>
      %swap3A_391 = vector.shape_cast %broadcast_in_dim3A_385 : vector<16xf32> to vector<1x16xf32>
      tpu.vector_store %arg11[%swap3A_387, %swap3A_388], %swap3A_391 {strides = array<i32>} : memref<128x128xf32, #tpu.memory_space<vmem>>, vector<1x16xf32>,
      %broadcast_in_dim3A_392 = arith.constant 0.000000e+00 : f32
      %broadcast_in_dim3A_393 = vector.broadcast %broadcast_in_dim3A_392 : f32 to vector<16xf32>
      %swap3A_394 = arith.constant 4 : i32
      %swap3A_395 = arith.index_cast %swap3A_394 : i32 to index
      %swap3A_396 = arith.constant 48 : index
      %swap3A_397 = tpu.vector_load %arg11[%swap3A_395, %swap3A_396] {strides = array<i32>} : memref<128x128xf32, #tpu.memory_space<vmem>>, vector<1x16xf32>,
      %swap3A_398 = vector.shape_cast %swap3A_397 : vector<1x16xf32> to vector<16xf32>
      %swap3A_399 = vector.shape_cast %broadcast_in_dim3A_393 : vector<16xf32> to vector<1x16xf32>
      tpu.vector_store %arg11[%swap3A_395, %swap3A_396], %swap3A_399 {strides = array<i32>} : memref<128x128xf32, #tpu.memory_space<vmem>>, vector<1x16xf32>,
      %broadcast_in_dim3A_400 = arith.constant 0.000000e+00 : f32
      %broadcast_in_dim3A_401 = vector.broadcast %broadcast_in_dim3A_400 : f32 to vector<16xf32>
      %swap3A_402 = arith.constant 4 : i32
      %swap3A_403 = arith.index_cast %swap3A_402 : i32 to index
      %swap3A_404 = arith.constant 64 : index
      %swap3A_405 = tpu.vector_load %arg11[%swap3A_403, %swap3A_404] {strides = array<i32>} : memref<128x128xf32, #tpu.memory_space<vmem>>, vector<1x16xf32>,
      %swap3A_406 = vector.shape_cast %swap3A_405 : vector<1x16xf32> to vector<16xf32>
      %swap3A_407 = vector.shape_cast %broadcast_in_dim3A_401 : vector<16xf32> to vector<1x16xf32>
      tpu.vector_store %arg11[%swap3A_403, %swap3A_404], %swap3A_407 {strides = array<i32>} : memref<128x128xf32, #tpu.memory_space<vmem>>, vector<1x16xf32>,
      %broadcast_in_dim3A_408 = arith.constant 0.000000e+00 : f32
      %broadcast_in_dim3A_409 = vector.broadcast %broadcast_in_dim3A_408 : f32 to vector<16xf32>
      %swap3A_410 = arith.constant 4 : i32
      %swap3A_411 = arith.index_cast %swap3A_410 : i32 to index
      %swap3A_412 = arith.constant 80 : index
      %swap3A_413 = tpu.vector_load %arg11[%swap3A_411, %swap3A_412] {strides = array<i32>} : memref<128x128xf32, #tpu.memory_space<vmem>>, vector<1x16xf32>,
      %swap3A_414 = vector.shape_cast %swap3A_413 : vector<1x16xf32> to vector<16xf32>
      %swap3A_415 = vector.shape_cast %broadcast_in_dim3A_409 : vector<16xf32> to vector<1x16xf32>
      tpu.vector_store %arg11[%swap3A_411, %swap3A_412], %swap3A_415 {strides = array<i32>} : memref<128x128xf32, #tpu.memory_space<vmem>>, vector<1x16xf32>,
      %broadcast_in_dim3A_416 = arith.constant 0.000000e+00 : f32
      %broadcast_in_dim3A_417 = vector.broadcast %broadcast_in_dim3A_416 : f32 to vector<16xf32>
      %swap3A_418 = arith.constant 4 : i32
      %swap3A_419 = arith.index_cast %swap3A_418 : i32 to index
      %swap3A_420 = arith.constant 96 : index
      %swap3A_421 = tpu.vector_load %arg11[%swap3A_419, %swap3A_420] {strides = array<i32>} : memref<128x128xf32, #tpu.memory_space<vmem>>, vector<1x16xf32>,
      %swap3A_422 = vector.shape_cast %swap3A_421 : vector<1x16xf32> to vector<16xf32>
      %swap3A_423 = vector.shape_cast %broadcast_in_dim3A_417 : vector<16xf32> to vector<1x16xf32>
      tpu.vector_store %arg11[%swap3A_419, %swap3A_420], %swap3A_423 {strides = array<i32>} : memref<128x128xf32, #tpu.memory_space<vmem>>, vector<1x16xf32>,
      %broadcast_in_dim3A_424 = arith.constant 0.000000e+00 : f32
      %broadcast_in_dim3A_425 = vector.broadcast %broadcast_in_dim3A_424 : f32 to vector<16xf32>
      %swap3A_426 = arith.constant 4 : i32
      %swap3A_427 = arith.index_cast %swap3A_426 : i32 to index
      %swap3A_428 = arith.constant 112 : index
      %swap3A_429 = tpu.vector_load %arg11[%swap3A_427, %swap3A_428] {strides = array<i32>} : memref<128x128xf32, #tpu.memory_space<vmem>>, vector<1x16xf32>,
      %swap3A_430 = vector.shape_cast %swap3A_429 : vector<1x16xf32> to vector<16xf32>
      %swap3A_431 = vector.shape_cast %broadcast_in_dim3A_425 : vector<16xf32> to vector<1x16xf32>
      tpu.vector_store %arg11[%swap3A_427, %swap3A_428], %swap3A_431 {strides = array<i32>} : memref<128x128xf32, #tpu.memory_space<vmem>>, vector<1x16xf32>,
      %broadcast_in_dim3A_432 = arith.constant 0.000000e+00 : f32
      %broadcast_in_dim3A_433 = vector.broadcast %broadcast_in_dim3A_432 : f32 to vector<16xf32>
      %swap3A_434 = arith.constant 5 : i32
      %swap3A_435 = arith.index_cast %swap3A_434 : i32 to index
      %swap3A_436 = arith.constant 0 : index
      %swap3A_437 = tpu.vector_load %arg11[%swap3A_435, %swap3A_436] {strides = array<i32>} : memref<128x128xf32, #tpu.memory_space<vmem>>, vector<1x16xf32>,
      %swap3A_438 = vector.shape_cast %swap3A_437 : vector<1x16xf32> to vector<16xf32>
      %swap3A_439 = vector.shape_cast %broadcast_in_dim3A_433 : vector<16xf32> to vector<1x16xf32>
      tpu.vector_store %arg11[%swap3A_435, %swap3A_436], %swap3A_439 {strides = array<i32>} : memref<128x128xf32, #tpu.memory_space<vmem>>, vector<1x16xf32>,
      %broadcast_in_dim3A_440 = arith.constant 0.000000e+00 : f32
      %broadcast_in_dim3A_441 = vector.broadcast %broadcast_in_dim3A_440 : f32 to vector<16xf32>
      %swap3A_442 = arith.constant 5 : i32
      %swap3A_443 = arith.index_cast %swap3A_442 : i32 to index
      %swap3A_444 = arith.constant 16 : index
      %swap3A_445 = tpu.vector_load %arg11[%swap3A_443, %swap3A_444] {strides = array<i32>} : memref<128x128xf32, #tpu.memory_space<vmem>>, vector<1x16xf32>,
      %swap3A_446 = vector.shape_cast %swap3A_445 : vector<1x16xf32> to vector<16xf32>
      %swap3A_447 = vector.shape_cast %broadcast_in_dim3A_441 : vector<16xf32> to vector<1x16xf32>
      tpu.vector_store %arg11[%swap3A_443, %swap3A_444], %swap3A_447 {strides = array<i32>} : memref<128x128xf32, #tpu.memory_space<vmem>>, vector<1x16xf32>,
      %broadcast_in_dim3A_448 = arith.constant 0.000000e+00 : f32
      %broadcast_in_dim3A_449 = vector.broadcast %broadcast_in_dim3A_448 : f32 to vector<16xf32>
      %swap3A_450 = arith.constant 5 : i32
      %swap3A_451 = arith.index_cast %swap3A_450 : i32 to index
      %swap3A_452 = arith.constant 32 : index
      %swap3A_453 = tpu.vector_load %arg11[%swap3A_451, %swap3A_452] {strides = array<i32>} : memref<128x128xf32, #tpu.memory_space<vmem>>, vector<1x16xf32>,
      %swap3A_454 = vector.shape_cast %swap3A_453 : vector<1x16xf32> to vector<16xf32>
      %swap3A_455 = vector.shape_cast %broadcast_in_dim3A_449 : vector<16xf32> to vector<1x16xf32>
      tpu.vector_store %arg11[%swap3A_451, %swap3A_452], %swap3A_455 {strides = array<i32>} : memref<128x128xf32, #tpu.memory_space<vmem>>, vector<1x16xf32>,
      %broadcast_in_dim3A_456 = arith.constant 0.000000e+00 : f32
      %broadcast_in_dim3A_457 = vector.broadcast %broadcast_in_dim3A_456 : f32 to vector<16xf32>
      %swap3A_458 = arith.constant 5 : i32
      %swap3A_459 = arith.index_cast %swap3A_458 : i32 to index
      %swap3A_460 = arith.constant 48 : index
      %swap3A_461 = tpu.vector_load %arg11[%swap3A_459, %swap3A_460] {strides = array<i32>} : memref<128x128xf32, #tpu.memory_space<vmem>>, vector<1x16xf32>,
      %swap3A_462 = vector.shape_cast %swap3A_461 : vector<1x16xf32> to vector<16xf32>
      %swap3A_463 = vector.shape_cast %broadcast_in_dim3A_457 : vector<16xf32> to vector<1x16xf32>
      tpu.vector_store %arg11[%swap3A_459, %swap3A_460], %swap3A_463 {strides = array<i32>} : memref<128x128xf32, #tpu.memory_space<vmem>>, vector<1x16xf32>,
      %broadcast_in_dim3A_464 = arith.constant 0.000000e+00 : f32
      %broadcast_in_dim3A_465 = vector.broadcast %broadcast_in_dim3A_464 : f32 to vector<16xf32>
      %swap3A_466 = arith.constant 5 : i32
      %swap3A_467 = arith.index_cast %swap3A_466 : i32 to index
      %swap3A_468 = arith.constant 64 : index
      %swap3A_469 = tpu.vector_load %arg11[%swap3A_467, %swap3A_468] {strides = array<i32>} : memref<128x128xf32, #tpu.memory_space<vmem>>, vector<1x16xf32>,
      %swap3A_470 = vector.shape_cast %swap3A_469 : vector<1x16xf32> to vector<16xf32>
      %swap3A_471 = vector.shape_cast %broadcast_in_dim3A_465 : vector<16xf32> to vector<1x16xf32>
      tpu.vector_store %arg11[%swap3A_467, %swap3A_468], %swap3A_471 {strides = array<i32>} : memref<128x128xf32, #tpu.memory_space<vmem>>, vector<1x16xf32>,
      %broadcast_in_dim3A_472 = arith.constant 0.000000e+00 : f32
      %broadcast_in_dim3A_473 = vector.broadcast %broadcast_in_dim3A_472 : f32 to vector<16xf32>
      %swap3A_474 = arith.constant 5 : i32
      %swap3A_475 = arith.index_cast %swap3A_474 : i32 to index
      %swap3A_476 = arith.constant 80 : index
      %swap3A_477 = tpu.vector_load %arg11[%swap3A_475, %swap3A_476] {strides = array<i32>} : memref<128x128xf32, #tpu.memory_space<vmem>>, vector<1x16xf32>,
      %swap3A_478 = vector.shape_cast %swap3A_477 : vector<1x16xf32> to vector<16xf32>
      %swap3A_479 = vector.shape_cast %broadcast_in_dim3A_473 : vector<16xf32> to vector<1x16xf32>
      tpu.vector_store %arg11[%swap3A_475, %swap3A_476], %swap3A_479 {strides = array<i32>} : memref<128x128xf32, #tpu.memory_space<vmem>>, vector<1x16xf32>,
      %broadcast_in_dim3A_480 = arith.constant 0.000000e+00 : f32
      %broadcast_in_dim3A_481 = vector.broadcast %broadcast_in_dim3A_480 : f32 to vector<16xf32>
      %swap3A_482 = arith.constant 5 : i32
      %swap3A_483 = arith.index_cast %swap3A_482 : i32 to index
      %swap3A_484 = arith.constant 96 : index
      %swap3A_485 = tpu.vector_load %arg11[%swap3A_483, %swap3A_484] {strides = array<i32>} : memref<128x128xf32, #tpu.memory_space<vmem>>, vector<1x16xf32>,
      %swap3A_486 = vector.shape_cast %swap3A_485 : vector<1x16xf32> to vector<16xf32>
      %swap3A_487 = vector.shape_cast %broadcast_in_dim3A_481 : vector<16xf32> to vector<1x16xf32>
      tpu.vector_store %arg11[%swap3A_483, %swap3A_484], %swap3A_487 {strides = array<i32>} : memref<128x128xf32, #tpu.memory_space<vmem>>, vector<1x16xf32>,
      %broadcast_in_dim3A_488 = arith.constant 0.000000e+00 : f32
      %broadcast_in_dim3A_489 = vector.broadcast %broadcast_in_dim3A_488 : f32 to vector<16xf32>
      %swap3A_490 = arith.constant 5 : i32
      %swap3A_491 = arith.index_cast %swap3A_490 : i32 to index
      %swap3A_492 = arith.constant 112 : index
      %swap3A_493 = tpu.vector_load %arg11[%swap3A_491, %swap3A_492] {strides = array<i32>} : memref<128x128xf32, #tpu.memory_space<vmem>>, vector<1x16xf32>,
      %swap3A_494 = vector.shape_cast %swap3A_493 : vector<1x16xf32> to vector<16xf32>
      %swap3A_495 = vector.shape_cast %broadcast_in_dim3A_489 : vector<16xf32> to vector<1x16xf32>
      tpu.vector_store %arg11[%swap3A_491, %swap3A_492], %swap3A_495 {strides = array<i32>} : memref<128x128xf32, #tpu.memory_space<vmem>>, vector<1x16xf32>,
      %broadcast_in_dim3A_496 = arith.constant 0.000000e+00 : f32
      %broadcast_in_dim3A_497 = vector.broadcast %broadcast_in_dim3A_496 : f32 to vector<16xf32>
      %swap3A_498 = arith.constant 6 : i32
      %swap3A_499 = arith.index_cast %swap3A_498 : i32 to index
      %swap3A_500 = arith.constant 0 : index
      %swap3A_501 = tpu.vector_load %arg11[%swap3A_499, %swap3A_500] {strides = array<i32>} : memref<128x128xf32, #tpu.memory_space<vmem>>, vector<1x16xf32>,
      %swap3A_502 = vector.shape_cast %swap3A_501 : vector<1x16xf32> to vector<16xf32>
      %swap3A_503 = vector.shape_cast %broadcast_in_dim3A_497 : vector<16xf32> to vector<1x16xf32>
      tpu.vector_store %arg11[%swap3A_499, %swap3A_500], %swap3A_503 {strides = array<i32>} : memref<128x128xf32, #tpu.memory_space<vmem>>, vector<1x16xf32>,
      %broadcast_in_dim3A_504 = arith.constant 0.000000e+00 : f32
      %broadcast_in_dim3A_505 = vector.broadcast %broadcast_in_dim3A_504 : f32 to vector<16xf32>
      %swap3A_506 = arith.constant 6 : i32
      %swap3A_507 = arith.index_cast %swap3A_506 : i32 to index
      %swap3A_508 = arith.constant 16 : index
      %swap3A_509 = tpu.vector_load %arg11[%swap3A_507, %swap3A_508] {strides = array<i32>} : memref<128x128xf32, #tpu.memory_space<vmem>>, vector<1x16xf32>,
      %swap3A_510 = vector.shape_cast %swap3A_509 : vector<1x16xf32> to vector<16xf32>
      %swap3A_511 = vector.shape_cast %broadcast_in_dim3A_505 : vector<16xf32> to vector<1x16xf32>
      tpu.vector_store %arg11[%swap3A_507, %swap3A_508], %swap3A_511 {strides = array<i32>} : memref<128x128xf32, #tpu.memory_space<vmem>>, vector<1x16xf32>,
      %broadcast_in_dim3A_512 = arith.constant 0.000000e+00 : f32
      %broadcast_in_dim3A_513 = vector.broadcast %broadcast_in_dim3A_512 : f32 to vector<16xf32>
      %swap3A_514 = arith.constant 6 : i32
      %swap3A_515 = arith.index_cast %swap3A_514 : i32 to index
      %swap3A_516 = arith.constant 32 : index
      %swap3A_517 = tpu.vector_load %arg11[%swap3A_515, %swap3A_516] {strides = array<i32>} : memref<128x128xf32, #tpu.memory_space<vmem>>, vector<1x16xf32>,
      %swap3A_518 = vector.shape_cast %swap3A_517 : vector<1x16xf32> to vector<16xf32>
      %swap3A_519 = vector.shape_cast %broadcast_in_dim3A_513 : vector<16xf32> to vector<1x16xf32>
      tpu.vector_store %arg11[%swap3A_515, %swap3A_516], %swap3A_519 {strides = array<i32>} : memref<128x128xf32, #tpu.memory_space<vmem>>, vector<1x16xf32>,
      %broadcast_in_dim3A_520 = arith.constant 0.000000e+00 : f32
      %broadcast_in_dim3A_521 = vector.broadcast %broadcast_in_dim3A_520 : f32 to vector<16xf32>
      %swap3A_522 = arith.constant 6 : i32
      %swap3A_523 = arith.index_cast %swap3A_522 : i32 to index
      %swap3A_524 = arith.constant 48 : index
      %swap3A_525 = tpu.vector_load %arg11[%swap3A_523, %swap3A_524] {strides = array<i32>} : memref<128x128xf32, #tpu.memory_space<vmem>>, vector<1x16xf32>,
      %swap3A_526 = vector.shape_cast %swap3A_525 : vector<1x16xf32> to vector<16xf32>
      %swap3A_527 = vector.shape_cast %broadcast_in_dim3A_521 : vector<16xf32> to vector<1x16xf32>
      tpu.vector_store %arg11[%swap3A_523, %swap3A_524], %swap3A_527 {strides = array<i32>} : memref<128x128xf32, #tpu.memory_space<vmem>>, vector<1x16xf32>,
      %broadcast_in_dim3A_528 = arith.constant 0.000000e+00 : f32
      %broadcast_in_dim3A_529 = vector.broadcast %broadcast_in_dim3A_528 : f32 to vector<16xf32>
      %swap3A_530 = arith.constant 6 : i32
      %swap3A_531 = arith.index_cast %swap3A_530 : i32 to index
      %swap3A_532 = arith.constant 64 : index
      %swap3A_533 = tpu.vector_load %arg11[%swap3A_531, %swap3A_532] {strides = array<i32>} : memref<128x128xf32, #tpu.memory_space<vmem>>, vector<1x16xf32>,
      %swap3A_534 = vector.shape_cast %swap3A_533 : vector<1x16xf32> to vector<16xf32>
      %swap3A_535 = vector.shape_cast %broadcast_in_dim3A_529 : vector<16xf32> to vector<1x16xf32>
      tpu.vector_store %arg11[%swap3A_531, %swap3A_532], %swap3A_535 {strides = array<i32>} : memref<128x128xf32, #tpu.memory_space<vmem>>, vector<1x16xf32>,
      %broadcast_in_dim3A_536 = arith.constant 0.000000e+00 : f32
      %broadcast_in_dim3A_537 = vector.broadcast %broadcast_in_dim3A_536 : f32 to vector<16xf32>
      %swap3A_538 = arith.constant 6 : i32
      %swap3A_539 = arith.index_cast %swap3A_538 : i32 to index
      %swap3A_540 = arith.constant 80 : index
      %swap3A_541 = tpu.vector_load %arg11[%swap3A_539, %swap3A_540] {strides = array<i32>} : memref<128x128xf32, #tpu.memory_space<vmem>>, vector<1x16xf32>,
      %swap3A_542 = vector.shape_cast %swap3A_541 : vector<1x16xf32> to vector<16xf32>
      %swap3A_543 = vector.shape_cast %broadcast_in_dim3A_537 : vector<16xf32> to vector<1x16xf32>
      tpu.vector_store %arg11[%swap3A_539, %swap3A_540], %swap3A_543 {strides = array<i32>} : memref<128x128xf32, #tpu.memory_space<vmem>>, vector<1x16xf32>,
      %broadcast_in_dim3A_544 = arith.constant 0.000000e+00 : f32
      %broadcast_in_dim3A_545 = vector.broadcast %broadcast_in_dim3A_544 : f32 to vector<16xf32>
      %swap3A_546 = arith.constant 6 : i32
      %swap3A_547 = arith.index_cast %swap3A_546 : i32 to index
      %swap3A_548 = arith.constant 96 : index
      %swap3A_549 = tpu.vector_load %arg11[%swap3A_547, %swap3A_548] {strides = array<i32>} : memref<128x128xf32, #tpu.memory_space<vmem>>, vector<1x16xf32>,
      %swap3A_550 = vector.shape_cast %swap3A_549 : vector<1x16xf32> to vector<16xf32>
      %swap3A_551 = vector.shape_cast %broadcast_in_dim3A_545 : vector<16xf32> to vector<1x16xf32>
      tpu.vector_store %arg11[%swap3A_547, %swap3A_548], %swap3A_551 {strides = array<i32>} : memref<128x128xf32, #tpu.memory_space<vmem>>, vector<1x16xf32>,
      %broadcast_in_dim3A_552 = arith.constant 0.000000e+00 : f32
      %broadcast_in_dim3A_553 = vector.broadcast %broadcast_in_dim3A_552 : f32 to vector<16xf32>
      %swap3A_554 = arith.constant 6 : i32
      %swap3A_555 = arith.index_cast %swap3A_554 : i32 to index
      %swap3A_556 = arith.constant 112 : index
      %swap3A_557 = tpu.vector_load %arg11[%swap3A_555, %swap3A_556] {strides = array<i32>} : memref<128x128xf32, #tpu.memory_space<vmem>>, vector<1x16xf32>,
      %swap3A_558 = vector.shape_cast %swap3A_557 : vector<1x16xf32> to vector<16xf32>
      %swap3A_559 = vector.shape_cast %broadcast_in_dim3A_553 : vector<16xf32> to vector<1x16xf32>
      tpu.vector_store %arg11[%swap3A_555, %swap3A_556], %swap3A_559 {strides = array<i32>} : memref<128x128xf32, #tpu.memory_space<vmem>>, vector<1x16xf32>,
      %broadcast_in_dim3A_560 = arith.constant 0.000000e+00 : f32
      %broadcast_in_dim3A_561 = vector.broadcast %broadcast_in_dim3A_560 : f32 to vector<16xf32>
      %swap3A_562 = arith.constant 7 : i32
      %swap3A_563 = arith.index_cast %swap3A_562 : i32 to index
      %swap3A_564 = arith.constant 0 : index
      %swap3A_565 = tpu.vector_load %arg11[%swap3A_563, %swap3A_564] {strides = array<i32>} : memref<128x128xf32, #tpu.memory_space<vmem>>, vector<1x16xf32>,
      %swap3A_566 = vector.shape_cast %swap3A_565 : vector<1x16xf32> to vector<16xf32>
      %swap3A_567 = vector.shape_cast %broadcast_in_dim3A_561 : vector<16xf32> to vector<1x16xf32>
      tpu.vector_store %arg11[%swap3A_563, %swap3A_564], %swap3A_567 {strides = array<i32>} : memref<128x128xf32, #tpu.memory_space<vmem>>, vector<1x16xf32>,
      %broadcast_in_dim3A_568 = arith.constant 0.000000e+00 : f32
      %broadcast_in_dim3A_569 = vector.broadcast %broadcast_in_dim3A_568 : f32 to vector<16xf32>
      %swap3A_570 = arith.constant 7 : i32
      %swap3A_571 = arith.index_cast %swap3A_570 : i32 to index
      %swap3A_572 = arith.constant 16 : index
      %swap3A_573 = tpu.vector_load %arg11[%swap3A_571, %swap3A_572] {strides = array<i32>} : memref<128x128xf32, #tpu.memory_space<vmem>>, vector<1x16xf32>,
      %swap3A_574 = vector.shape_cast %swap3A_573 : vector<1x16xf32> to vector<16xf32>
      %swap3A_575 = vector.shape_cast %broadcast_in_dim3A_569 : vector<16xf32> to vector<1x16xf32>
      tpu.vector_store %arg11[%swap3A_571, %swap3A_572], %swap3A_575 {strides = array<i32>} : memref<128x128xf32, #tpu.memory_space<vmem>>, vector<1x16xf32>,
      %broadcast_in_dim3A_576 = arith.constant 0.000000e+00 : f32
      %broadcast_in_dim3A_577 = vector.broadcast %broadcast_in_dim3A_576 : f32 to vector<16xf32>
      %swap3A_578 = arith.constant 7 : i32
      %swap3A_579 = arith.index_cast %swap3A_578 : i32 to index
      %swap3A_580 = arith.constant 32 : index
      %swap3A_581 = tpu.vector_load %arg11[%swap3A_579, %swap3A_580] {strides = array<i32>} : memref<128x128xf32, #tpu.memory_space<vmem>>, vector<1x16xf32>,
      %swap3A_582 = vector.shape_cast %swap3A_581 : vector<1x16xf32> to vector<16xf32>
      %swap3A_583 = vector.shape_cast %broadcast_in_dim3A_577 : vector<16xf32> to vector<1x16xf32>
      tpu.vector_store %arg11[%swap3A_579, %swap3A_580], %swap3A_583 {strides = array<i32>} : memref<128x128xf32, #tpu.memory_space<vmem>>, vector<1x16xf32>,
      %broadcast_in_dim3A_584 = arith.constant 0.000000e+00 : f32
      %broadcast_in_dim3A_585 = vector.broadcast %broadcast_in_dim3A_584 : f32 to vector<16xf32>
      %swap3A_586 = arith.constant 7 : i32
      %swap3A_587 = arith.index_cast %swap3A_586 : i32 to index
      %swap3A_588 = arith.constant 48 : index
      %swap3A_589 = tpu.vector_load %arg11[%swap3A_587, %swap3A_588] {strides = array<i32>} : memref<128x128xf32, #tpu.memory_space<vmem>>, vector<1x16xf32>,
      %swap3A_590 = vector.shape_cast %swap3A_589 : vector<1x16xf32> to vector<16xf32>
      %swap3A_591 = vector.shape_cast %broadcast_in_dim3A_585 : vector<16xf32> to vector<1x16xf32>
      tpu.vector_store %arg11[%swap3A_587, %swap3A_588], %swap3A_591 {strides = array<i32>} : memref<128x128xf32, #tpu.memory_space<vmem>>, vector<1x16xf32>,
      %broadcast_in_dim3A_592 = arith.constant 0.000000e+00 : f32
      %broadcast_in_dim3A_593 = vector.broadcast %broadcast_in_dim3A_592 : f32 to vector<16xf32>
      %swap3A_594 = arith.constant 7 : i32
      %swap3A_595 = arith.index_cast %swap3A_594 : i32 to index
      %swap3A_596 = arith.constant 64 : index
      %swap3A_597 = tpu.vector_load %arg11[%swap3A_595, %swap3A_596] {strides = array<i32>} : memref<128x128xf32, #tpu.memory_space<vmem>>, vector<1x16xf32>,
      %swap3A_598 = vector.shape_cast %swap3A_597 : vector<1x16xf32> to vector<16xf32>
      %swap3A_599 = vector.shape_cast %broadcast_in_dim3A_593 : vector<16xf32> to vector<1x16xf32>
      tpu.vector_store %arg11[%swap3A_595, %swap3A_596], %swap3A_599 {strides = array<i32>} : memref<128x128xf32, #tpu.memory_space<vmem>>, vector<1x16xf32>,
      %broadcast_in_dim3A_600 = arith.constant 0.000000e+00 : f32
      %broadcast_in_dim3A_601 = vector.broadcast %broadcast_in_dim3A_600 : f32 to vector<16xf32>
      %swap3A_602 = arith.constant 7 : i32
      %swap3A_603 = arith.index_cast %swap3A_602 : i32 to index
      %swap3A_604 = arith.constant 80 : index
      %swap3A_605 = tpu.vector_load %arg11[%swap3A_603, %swap3A_604] {strides = array<i32>} : memref<128x128xf32, #tpu.memory_space<vmem>>, vector<1x16xf32>,
      %swap3A_606 = vector.shape_cast %swap3A_605 : vector<1x16xf32> to vector<16xf32>
      %swap3A_607 = vector.shape_cast %broadcast_in_dim3A_601 : vector<16xf32> to vector<1x16xf32>
      tpu.vector_store %arg11[%swap3A_603, %swap3A_604], %swap3A_607 {strides = array<i32>} : memref<128x128xf32, #tpu.memory_space<vmem>>, vector<1x16xf32>,
      %broadcast_in_dim3A_608 = arith.constant 0.000000e+00 : f32
      %broadcast_in_dim3A_609 = vector.broadcast %broadcast_in_dim3A_608 : f32 to vector<16xf32>
      %swap3A_610 = arith.constant 7 : i32
      %swap3A_611 = arith.index_cast %swap3A_610 : i32 to index
      %swap3A_612 = arith.constant 96 : index
      %swap3A_613 = tpu.vector_load %arg11[%swap3A_611, %swap3A_612] {strides = array<i32>} : memref<128x128xf32, #tpu.memory_space<vmem>>, vector<1x16xf32>,
      %swap3A_614 = vector.shape_cast %swap3A_613 : vector<1x16xf32> to vector<16xf32>
      %swap3A_615 = vector.shape_cast %broadcast_in_dim3A_609 : vector<16xf32> to vector<1x16xf32>
      tpu.vector_store %arg11[%swap3A_611, %swap3A_612], %swap3A_615 {strides = array<i32>} : memref<128x128xf32, #tpu.memory_space<vmem>>, vector<1x16xf32>,
      %broadcast_in_dim3A_616 = arith.constant 0.000000e+00 : f32
      %broadcast_in_dim3A_617 = vector.broadcast %broadcast_in_dim3A_616 : f32 to vector<16xf32>
      %swap3A_618 = arith.constant 7 : i32
      %swap3A_619 = arith.index_cast %swap3A_618 : i32 to index
      %swap3A_620 = arith.constant 112 : index
      %swap3A_621 = tpu.vector_load %arg11[%swap3A_619, %swap3A_620] {strides = array<i32>} : memref<128x128xf32, #tpu.memory_space<vmem>>, vector<1x16xf32>,
      %swap3A_622 = vector.shape_cast %swap3A_621 : vector<1x16xf32> to vector<16xf32>
      %swap3A_623 = vector.shape_cast %broadcast_in_dim3A_617 : vector<16xf32> to vector<1x16xf32>
      tpu.vector_store %arg11[%swap3A_619, %swap3A_620], %swap3A_623 {strides = array<i32>} : memref<128x128xf32, #tpu.memory_space<vmem>>, vector<1x16xf32>,
      "tpu.region"() ({
        %run_scoped3A = tpu.sem_alloc : memref<!tpu.dma_semaphore, #tpu.memory_space<semaphore_mem>>
        %dma_start3A_624 = arith.constant 0 : i32
        %dma_start3A_625 = arith.constant 0 : i32
        %dma_start3A_626 = tpu.memref_slice %arg11[%dma_start3A_624, %dma_start3A_625] : memref<128x128xf32, #tpu.memory_space<vmem>> -> memref<8x128xf32, #tpu.memory_space<vmem>>
        %dma_start3A_627 = arith.constant 10000 : i32
        %dma_start3A_628 = arith.constant 0 : i32
        %dma_start3A_629 = tpu.memref_slice %arg6[%dma_start3A_627, %dma_start3A_628] : memref<10008x128xf32, #tpu.memory_space<vmem_shared>> -> memref<8x128xf32, #tpu.memory_space<vmem_shared>>
        %dma_start3A_630 = arith.constant 10000 : i32
        %dma_start3A_631 = arith.constant 0 : i32
        %dma_start3A_632 = tpu.memref_slice %arg6[%dma_start3A_630, %dma_start3A_631] : memref<10008x128xf32, #tpu.memory_space<vmem_shared>> -> memref<8x128xf32, #tpu.memory_space<vmem_shared>>
        %dma_start3A_633 = arith.constant 0 : i32
        %dma_start3A_634 = arith.constant 0 : i32
        %dma_start3A_635 = tpu.memref_slice %arg11[%dma_start3A_633, %dma_start3A_634] : memref<128x128xf32, #tpu.memory_space<vmem>> -> memref<8x128xf32, #tpu.memory_space<vmem>>
        tpu.enqueue_dma source(%dma_start3A_635 : memref<8x128xf32, #tpu.memory_space<vmem>>) target(%dma_start3A_632 : memref<8x128xf32, #tpu.memory_space<vmem_shared>>) target_semaphore(%run_scoped3A : memref<!tpu.dma_semaphore, #tpu.memory_space<semaphore_mem>>)
        %dma_wait3A_636 = arith.constant 0 : i32
        %dma_wait3A_637 = arith.constant 0 : i32
        %dma_wait3A_638 = tpu.memref_slice %arg11[%dma_wait3A_636, %dma_wait3A_637] : memref<128x128xf32, #tpu.memory_space<vmem>> -> memref<8x128xf32, #tpu.memory_space<vmem>>
        %dma_wait3A_639 = arith.constant 10000 : i32
        %dma_wait3A_640 = arith.constant 0 : i32
        %dma_wait3A_641 = tpu.memref_slice %arg6[%dma_wait3A_639, %dma_wait3A_640] : memref<10008x128xf32, #tpu.memory_space<vmem_shared>> -> memref<8x128xf32, #tpu.memory_space<vmem_shared>>
        %dma_wait3A_642 = arith.constant 10000 : i32
        %dma_wait3A_643 = arith.constant 0 : i32
        %dma_wait3A_644 = tpu.memref_slice %arg6[%dma_wait3A_642, %dma_wait3A_643] : memref<10008x128xf32, #tpu.memory_space<vmem_shared>> -> memref<8x128xf32, #tpu.memory_space<vmem_shared>>
        %dma_wait3A_645 = arith.constant 0 : i32
        %dma_wait3A_646 = arith.constant 0 : i32
        %dma_wait3A_647 = tpu.memref_slice %arg11[%dma_wait3A_645, %dma_wait3A_646] : memref<128x128xf32, #tpu.memory_space<vmem>> -> memref<8x128xf32, #tpu.memory_space<vmem>>
        tpu.wait_dma2 semaphore(%run_scoped3A : memref<!tpu.dma_semaphore, #tpu.memory_space<semaphore_mem>>) src(%dma_wait3A_647 : memref<8x128xf32, #tpu.memory_space<vmem>>) dst(%dma_wait3A_644 : memref<8x128xf32, #tpu.memory_space<vmem_shared>>)
        tpu.yield
      }) : () -> ()
    } else {
    }
    %dma_wait3A = arith.constant 0 : i32
    %dma_wait3A_29 = tpu.memref_slice %arg4[%arg1, %dma_wait3A] : memref<16x10112xi32, #tpu.memory_space<hbm>> -> memref<1x10112xi32, #tpu.memory_space<hbm>>
    %dma_wait3A_30 = tpu.memref_squeeze %dma_wait3A_29 : memref<1x10112xi32, #tpu.memory_space<hbm>> -> memref<10112xi32, #tpu.memory_space<hbm>>
    %dma_wait3A_31 = arith.constant 0 : i32
    %dma_wait3A_32 = tpu.memref_slice %arg4[%arg1, %dma_wait3A_31] : memref<16x10112xi32, #tpu.memory_space<hbm>> -> memref<1x10112xi32, #tpu.memory_space<hbm>>
    %dma_wait3A_33 = tpu.memref_squeeze %dma_wait3A_32 : memref<1x10112xi32, #tpu.memory_space<hbm>> -> memref<10112xi32, #tpu.memory_space<hbm>>
    tpu.wait_dma2 semaphore(%arg13 : memref<!tpu.dma_semaphore, #tpu.memory_space<semaphore_mem>>) src(%dma_wait3A_33 : memref<10112xi32, #tpu.memory_space<hbm>>) dst(%arg9 : memref<10112xi32, #tpu.memory_space<vmem>>)
    %dma_start3A_34 = arith.constant 0 : i32
    %dma_start3A_35 = arith.constant 0 : i32
    %dma_start3A_36 = tpu.memref_slice %arg2[%dma_start3A_34, %dma_start3A_35] : memref<20000x128xf32, #tpu.memory_space<hbm>> -> memref<20000x128xf32, #tpu.memory_space<hbm>>
    tpu.enqueue_indirect_dma source(%dma_start3A_36 : memref<20000x128xf32, #tpu.memory_space<hbm>>) target(%arg11 : memref<128x128xf32, #tpu.memory_space<vmem>>) offsets(%arg7 : memref<128xi32, #tpu.memory_space<vmem>>) semaphore(%arg14 : memref<!tpu.dma_semaphore, #tpu.memory_space<semaphore_mem>>)
    %dma_start3A_37 = arith.constant 0 : i32
    %dma_start3A_38 = arith.constant 0 : i32
    %dma_start3A_39 = tpu.memref_slice %arg2[%dma_start3A_37, %dma_start3A_38] : memref<20000x128xf32, #tpu.memory_space<hbm>> -> memref<20000x128xf32, #tpu.memory_space<hbm>>
    tpu.enqueue_indirect_dma source(%dma_start3A_39 : memref<20000x128xf32, #tpu.memory_space<hbm>>) target(%arg12 : memref<128x128xf32, #tpu.memory_space<vmem>>) offsets(%arg8 : memref<128xi32, #tpu.memory_space<vmem>>) semaphore(%arg15 : memref<!tpu.dma_semaphore, #tpu.memory_space<semaphore_mem>>)
    %barrier3A = arith.constant 0 : index
    tpu.barrier barrier_id(%barrier3A)
    %scan3A = arith.constant 0 : i32
    %scan3A_40 = arith.constant 0 : i32
    %scan3A_41 = arith.constant 39 : i32
    %scan3A_42 = arith.addi %scan3A_40, %scan3A_41 : i32
    %scan3A_43 = arith.constant 1 : i32
    scf.for %scan3A_113 = %scan3A_40 to %scan3A_42 step %scan3A_43  : i32 {
      %mul3A_114 = arith.constant 2 : i32
      %mul3A_115 = arith.muli %mul3A_114, %scan3A_113 : i32
      %dma_wait3A_116 = arith.constant 0 : i32
      %dma_wait3A_117 = arith.constant 0 : i32
      %dma_wait3A_118 = tpu.memref_slice %arg2[%dma_wait3A_116, %dma_wait3A_117] : memref<20000x128xf32, #tpu.memory_space<hbm>> -> memref<20000x128xf32, #tpu.memory_space<hbm>>
      tpu.wait_indirect_dma semaphore(%arg14 : memref<!tpu.dma_semaphore, #tpu.memory_space<semaphore_mem>>) src(%dma_wait3A_118 : memref<20000x128xf32, #tpu.memory_space<hbm>>) dst(%arg11 : memref<128x128xf32, #tpu.memory_space<vmem>>)
      %add3A_119 = arith.constant 2 : i32
      %add3A_120 = arith.addi %mul3A_115, %add3A_119 : i32
      %lt3A_121 = arith.constant 79 : i32
      %lt3A_122 = arith.cmpi slt, %add3A_120, %lt3A_121 : i32
      %convert_element_type3A_123 = arith.extui %lt3A_122 : i1 to i32
      %cond3A_124 = arith.constant 0 : i32
      %cond3A_125 = arith.cmpi ne, %convert_element_type3A_123, %cond3A_124 : i32
      scf.if %cond3A_125 {
        %add3A_328 = arith.constant 2 : i32
        %add3A_329 = arith.addi %mul3A_115, %add3A_328 : i32
        %mul3A_330 = arith.constant 10112 : i32
        %mul3A_331 = arith.muli %add3A, %mul3A_330 : i32
        %mul3A_332 = arith.constant 128 : i32
        %mul3A_333 = arith.muli %add3A_329, %mul3A_332 : i32
        %add3A_334 = arith.addi %mul3A_331, %mul3A_333 : i32
        %dma_start3A_335 = tpu.memref_slice %arg3[%add3A_334] : memref<323584xi32, #tpu.memory_space<hbm>> -> memref<128xi32, #tpu.memory_space<hbm>>
        %dma_start3A_336 = tpu.memref_slice %arg3[%add3A_334] : memref<323584xi32, #tpu.memory_space<hbm>> -> memref<128xi32, #tpu.memory_space<hbm>>
        tpu.enqueue_dma source(%dma_start3A_336 : memref<128xi32, #tpu.memory_space<hbm>>) target(%arg7 : memref<128xi32, #tpu.memory_space<vmem>>) target_semaphore(%arg16 : memref<!tpu.dma_semaphore, #tpu.memory_space<semaphore_mem>>)
      } else {
      }
      %mul3A_126 = arith.constant 128 : i32
      %mul3A_127 = arith.muli %mul3A_115, %mul3A_126 : i32
      %add3A_128 = arith.constant 0 : i32
      %add3A_129 = arith.addi %mul3A_127, %add3A_128 : i32
      %get3A_130 = arith.index_cast %add3A_129 : i32 to index
      %get3A_131 = tpu.vector_load %arg9[%get3A_130] {strides = array<i32>} : memref<10112xi32, #tpu.memory_space<vmem>>, vector<16xi32>,
      %get3A_132 = vector.shape_cast %get3A_131 : vector<16xi32> to vector<16xi32>
      %swap3A_133 = arith.constant 0 : index
      %swap3A_134 = tpu.vector_load %arg10[%swap3A_133] {strides = array<i32>} : memref<128xi32, #tpu.memory_space<vmem>>, vector<16xi32>,
      %swap3A_135 = vector.shape_cast %swap3A_134 : vector<16xi32> to vector<16xi32>
      %swap3A_136 = vector.shape_cast %get3A_132 : vector<16xi32> to vector<16xi32>
      tpu.vector_store %arg10[%swap3A_133], %swap3A_136 {strides = array<i32>} : memref<128xi32, #tpu.memory_space<vmem>>, vector<16xi32>,
      %mul3A_137 = arith.constant 128 : i32
      %mul3A_138 = arith.muli %mul3A_115, %mul3A_137 : i32
      %add3A_139 = arith.constant 16 : i32
      %add3A_140 = arith.addi %mul3A_138, %add3A_139 : i32
      %get3A_141 = arith.index_cast %add3A_140 : i32 to index
      %get3A_142 = tpu.vector_load %arg9[%get3A_141] {strides = array<i32>} : memref<10112xi32, #tpu.memory_space<vmem>>, vector<16xi32>,
      %get3A_143 = vector.shape_cast %get3A_142 : vector<16xi32> to vector<16xi32>
      %swap3A_144 = arith.constant 16 : index
      %swap3A_145 = tpu.vector_load %arg10[%swap3A_144] {strides = array<i32>} : memref<128xi32, #tpu.memory_space<vmem>>, vector<16xi32>,
      %swap3A_146 = vector.shape_cast %swap3A_145 : vector<16xi32> to vector<16xi32>
      %swap3A_147 = vector.shape_cast %get3A_143 : vector<16xi32> to vector<16xi32>
      tpu.vector_store %arg10[%swap3A_144], %swap3A_147 {strides = array<i32>} : memref<128xi32, #tpu.memory_space<vmem>>, vector<16xi32>,
      %mul3A_148 = arith.constant 128 : i32
      %mul3A_149 = arith.muli %mul3A_115, %mul3A_148 : i32
      %add3A_150 = arith.constant 32 : i32
      %add3A_151 = arith.addi %mul3A_149, %add3A_150 : i32
      %get3A_152 = arith.index_cast %add3A_151 : i32 to index
      %get3A_153 = tpu.vector_load %arg9[%get3A_152] {strides = array<i32>} : memref<10112xi32, #tpu.memory_space<vmem>>, vector<16xi32>,
      %get3A_154 = vector.shape_cast %get3A_153 : vector<16xi32> to vector<16xi32>
      %swap3A_155 = arith.constant 32 : index
      %swap3A_156 = tpu.vector_load %arg10[%swap3A_155] {strides = array<i32>} : memref<128xi32, #tpu.memory_space<vmem>>, vector<16xi32>,
      %swap3A_157 = vector.shape_cast %swap3A_156 : vector<16xi32> to vector<16xi32>
      %swap3A_158 = vector.shape_cast %get3A_154 : vector<16xi32> to vector<16xi32>
      tpu.vector_store %arg10[%swap3A_155], %swap3A_158 {strides = array<i32>} : memref<128xi32, #tpu.memory_space<vmem>>, vector<16xi32>,
      %mul3A_159 = arith.constant 128 : i32
      %mul3A_160 = arith.muli %mul3A_115, %mul3A_159 : i32
      %add3A_161 = arith.constant 48 : i32
      %add3A_162 = arith.addi %mul3A_160, %add3A_161 : i32
      %get3A_163 = arith.index_cast %add3A_162 : i32 to index
      %get3A_164 = tpu.vector_load %arg9[%get3A_163] {strides = array<i32>} : memref<10112xi32, #tpu.memory_space<vmem>>, vector<16xi32>,
      %get3A_165 = vector.shape_cast %get3A_164 : vector<16xi32> to vector<16xi32>
      %swap3A_166 = arith.constant 48 : index
      %swap3A_167 = tpu.vector_load %arg10[%swap3A_166] {strides = array<i32>} : memref<128xi32, #tpu.memory_space<vmem>>, vector<16xi32>,
      %swap3A_168 = vector.shape_cast %swap3A_167 : vector<16xi32> to vector<16xi32>
      %swap3A_169 = vector.shape_cast %get3A_165 : vector<16xi32> to vector<16xi32>
      tpu.vector_store %arg10[%swap3A_166], %swap3A_169 {strides = array<i32>} : memref<128xi32, #tpu.memory_space<vmem>>, vector<16xi32>,
      %mul3A_170 = arith.constant 128 : i32
      %mul3A_171 = arith.muli %mul3A_115, %mul3A_170 : i32
      %add3A_172 = arith.constant 64 : i32
      %add3A_173 = arith.addi %mul3A_171, %add3A_172 : i32
      %get3A_174 = arith.index_cast %add3A_173 : i32 to index
      %get3A_175 = tpu.vector_load %arg9[%get3A_174] {strides = array<i32>} : memref<10112xi32, #tpu.memory_space<vmem>>, vector<16xi32>,
      %get3A_176 = vector.shape_cast %get3A_175 : vector<16xi32> to vector<16xi32>
      %swap3A_177 = arith.constant 64 : index
      %swap3A_178 = tpu.vector_load %arg10[%swap3A_177] {strides = array<i32>} : memref<128xi32, #tpu.memory_space<vmem>>, vector<16xi32>,
      %swap3A_179 = vector.shape_cast %swap3A_178 : vector<16xi32> to vector<16xi32>
      %swap3A_180 = vector.shape_cast %get3A_176 : vector<16xi32> to vector<16xi32>
      tpu.vector_store %arg10[%swap3A_177], %swap3A_180 {strides = array<i32>} : memref<128xi32, #tpu.memory_space<vmem>>, vector<16xi32>,
      %mul3A_181 = arith.constant 128 : i32
      %mul3A_182 = arith.muli %mul3A_115, %mul3A_181 : i32
      %add3A_183 = arith.constant 80 : i32
      %add3A_184 = arith.addi %mul3A_182, %add3A_183 : i32
      %get3A_185 = arith.index_cast %add3A_184 : i32 to index
      %get3A_186 = tpu.vector_load %arg9[%get3A_185] {strides = array<i32>} : memref<10112xi32, #tpu.memory_space<vmem>>, vector<16xi32>,
      %get3A_187 = vector.shape_cast %get3A_186 : vector<16xi32> to vector<16xi32>
      %swap3A_188 = arith.constant 80 : index
      %swap3A_189 = tpu.vector_load %arg10[%swap3A_188] {strides = array<i32>} : memref<128xi32, #tpu.memory_space<vmem>>, vector<16xi32>,
      %swap3A_190 = vector.shape_cast %swap3A_189 : vector<16xi32> to vector<16xi32>
      %swap3A_191 = vector.shape_cast %get3A_187 : vector<16xi32> to vector<16xi32>
      tpu.vector_store %arg10[%swap3A_188], %swap3A_191 {strides = array<i32>} : memref<128xi32, #tpu.memory_space<vmem>>, vector<16xi32>,
      %mul3A_192 = arith.constant 128 : i32
      %mul3A_193 = arith.muli %mul3A_115, %mul3A_192 : i32
      %add3A_194 = arith.constant 96 : i32
      %add3A_195 = arith.addi %mul3A_193, %add3A_194 : i32
      %get3A_196 = arith.index_cast %add3A_195 : i32 to index
      %get3A_197 = tpu.vector_load %arg9[%get3A_196] {strides = array<i32>} : memref<10112xi32, #tpu.memory_space<vmem>>, vector<16xi32>,
      %get3A_198 = vector.shape_cast %get3A_197 : vector<16xi32> to vector<16xi32>
      %swap3A_199 = arith.constant 96 : index
      %swap3A_200 = tpu.vector_load %arg10[%swap3A_199] {strides = array<i32>} : memref<128xi32, #tpu.memory_space<vmem>>, vector<16xi32>,
      %swap3A_201 = vector.shape_cast %swap3A_200 : vector<16xi32> to vector<16xi32>
      %swap3A_202 = vector.shape_cast %get3A_198 : vector<16xi32> to vector<16xi32>
      tpu.vector_store %arg10[%swap3A_199], %swap3A_202 {strides = array<i32>} : memref<128xi32, #tpu.memory_space<vmem>>, vector<16xi32>,
      %mul3A_203 = arith.constant 128 : i32
      %mul3A_204 = arith.muli %mul3A_115, %mul3A_203 : i32
      %add3A_205 = arith.constant 112 : i32
      %add3A_206 = arith.addi %mul3A_204, %add3A_205 : i32
      %get3A_207 = arith.index_cast %add3A_206 : i32 to index
      %get3A_208 = tpu.vector_load %arg9[%get3A_207] {strides = array<i32>} : memref<10112xi32, #tpu.memory_space<vmem>>, vector<16xi32>,
      %get3A_209 = vector.shape_cast %get3A_208 : vector<16xi32> to vector<16xi32>
      %swap3A_210 = arith.constant 112 : index
      %swap3A_211 = tpu.vector_load %arg10[%swap3A_210] {strides = array<i32>} : memref<128xi32, #tpu.memory_space<vmem>>, vector<16xi32>,
      %swap3A_212 = vector.shape_cast %swap3A_211 : vector<16xi32> to vector<16xi32>
      %swap3A_213 = vector.shape_cast %get3A_209 : vector<16xi32> to vector<16xi32>
      tpu.vector_store %arg10[%swap3A_210], %swap3A_213 {strides = array<i32>} : memref<128xi32, #tpu.memory_space<vmem>>, vector<16xi32>,
      "tpu.region"() ({
        %run_scoped3A = tpu.sem_alloc : memref<!tpu.dma_semaphore, #tpu.memory_space<semaphore_mem>>
        %dma_start3A_328 = arith.constant 0 : i32
        %dma_start3A_329 = arith.constant 0 : i32
        %dma_start3A_330 = tpu.memref_slice %arg6[%dma_start3A_328, %dma_start3A_329] : memref<10008x128xf32, #tpu.memory_space<vmem_shared>> -> memref<10008x128xf32, #tpu.memory_space<vmem_shared>>
        tpu.enqueue_indirect_dma source(%arg11 : memref<128x128xf32, #tpu.memory_space<vmem>>) target(%dma_start3A_330 : memref<10008x128xf32, #tpu.memory_space<vmem_shared>>) offsets(%arg10 : memref<128xi32, #tpu.memory_space<vmem>>) semaphore(%run_scoped3A : memref<!tpu.dma_semaphore, #tpu.memory_space<semaphore_mem>>) {add = true}
        %dma_wait3A_331 = arith.constant 0 : i32
        %dma_wait3A_332 = arith.constant 0 : i32
        %dma_wait3A_333 = tpu.memref_slice %arg6[%dma_wait3A_331, %dma_wait3A_332] : memref<10008x128xf32, #tpu.memory_space<vmem_shared>> -> memref<10008x128xf32, #tpu.memory_space<vmem_shared>>
        tpu.wait_indirect_dma semaphore(%run_scoped3A : memref<!tpu.dma_semaphore, #tpu.memory_space<semaphore_mem>>) src(%arg11 : memref<128x128xf32, #tpu.memory_space<vmem>>) dst(%dma_wait3A_333 : memref<10008x128xf32, #tpu.memory_space<vmem_shared>>)
        tpu.yield
      }) : () -> ()
      %add3A_214 = arith.constant 2 : i32
      %add3A_215 = arith.addi %mul3A_115, %add3A_214 : i32
      %lt3A_216 = arith.constant 79 : i32
      %lt3A_217 = arith.cmpi slt, %add3A_215, %lt3A_216 : i32
      %convert_element_type3A_218 = arith.extui %lt3A_217 : i1 to i32
      %cond3A_219 = arith.constant 0 : i32
      %cond3A_220 = arith.cmpi ne, %convert_element_type3A_218, %cond3A_219 : i32
      scf.if %cond3A_220 {
        %add3A_328 = arith.constant 2 : i32
        %add3A_329 = arith.addi %mul3A_115, %add3A_328 : i32
        %mul3A_330 = arith.constant 10112 : i32
        %mul3A_331 = arith.muli %add3A, %mul3A_330 : i32
        %mul3A_332 = arith.constant 128 : i32
        %mul3A_333 = arith.muli %add3A_329, %mul3A_332 : i32
        %add3A_334 = arith.addi %mul3A_331, %mul3A_333 : i32
        %dma_wait3A_335 = tpu.memref_slice %arg3[%add3A_334] : memref<323584xi32, #tpu.memory_space<hbm>> -> memref<128xi32, #tpu.memory_space<hbm>>
        %dma_wait3A_336 = tpu.memref_slice %arg3[%add3A_334] : memref<323584xi32, #tpu.memory_space<hbm>> -> memref<128xi32, #tpu.memory_space<hbm>>
        tpu.wait_dma2 semaphore(%arg16 : memref<!tpu.dma_semaphore, #tpu.memory_space<semaphore_mem>>) src(%dma_wait3A_336 : memref<128xi32, #tpu.memory_space<hbm>>) dst(%arg7 : memref<128xi32, #tpu.memory_space<vmem>>)
        %dma_start3A_337 = arith.constant 0 : i32
        %dma_start3A_338 = arith.constant 0 : i32
        %dma_start3A_339 = tpu.memref_slice %arg2[%dma_start3A_337, %dma_start3A_338] : memref<20000x128xf32, #tpu.memory_space<hbm>> -> memref<20000x128xf32, #tpu.memory_space<hbm>>
        tpu.enqueue_indirect_dma source(%dma_start3A_339 : memref<20000x128xf32, #tpu.memory_space<hbm>>) target(%arg11 : memref<128x128xf32, #tpu.memory_space<vmem>>) offsets(%arg7 : memref<128xi32, #tpu.memory_space<vmem>>) semaphore(%arg14 : memref<!tpu.dma_semaphore, #tpu.memory_space<semaphore_mem>>)
      } else {
      }
      %add3A_221 = arith.constant 1 : i32
      %add3A_222 = arith.addi %mul3A_115, %add3A_221 : i32
      %dma_wait3A_223 = arith.constant 0 : i32
      %dma_wait3A_224 = arith.constant 0 : i32
      %dma_wait3A_225 = tpu.memref_slice %arg2[%dma_wait3A_223, %dma_wait3A_224] : memref<20000x128xf32, #tpu.memory_space<hbm>> -> memref<20000x128xf32, #tpu.memory_space<hbm>>
      tpu.wait_indirect_dma semaphore(%arg15 : memref<!tpu.dma_semaphore, #tpu.memory_space<semaphore_mem>>) src(%dma_wait3A_225 : memref<20000x128xf32, #tpu.memory_space<hbm>>) dst(%arg12 : memref<128x128xf32, #tpu.memory_space<vmem>>)
      %add3A_226 = arith.constant 2 : i32
      %add3A_227 = arith.addi %add3A_222, %add3A_226 : i32
      %lt3A_228 = arith.constant 79 : i32
      %lt3A_229 = arith.cmpi slt, %add3A_227, %lt3A_228 : i32
      %convert_element_type3A_230 = arith.extui %lt3A_229 : i1 to i32
      %cond3A_231 = arith.constant 0 : i32
      %cond3A_232 = arith.cmpi ne, %convert_element_type3A_230, %cond3A_231 : i32
      scf.if %cond3A_232 {
        %add3A_328 = arith.constant 2 : i32
        %add3A_329 = arith.addi %add3A_222, %add3A_328 : i32
        %mul3A_330 = arith.constant 10112 : i32
        %mul3A_331 = arith.muli %add3A, %mul3A_330 : i32
        %mul3A_332 = arith.constant 128 : i32
        %mul3A_333 = arith.muli %add3A_329, %mul3A_332 : i32
        %add3A_334 = arith.addi %mul3A_331, %mul3A_333 : i32
        %dma_start3A_335 = tpu.memref_slice %arg3[%add3A_334] : memref<323584xi32, #tpu.memory_space<hbm>> -> memref<128xi32, #tpu.memory_space<hbm>>
        %dma_start3A_336 = tpu.memref_slice %arg3[%add3A_334] : memref<323584xi32, #tpu.memory_space<hbm>> -> memref<128xi32, #tpu.memory_space<hbm>>
        tpu.enqueue_dma source(%dma_start3A_336 : memref<128xi32, #tpu.memory_space<hbm>>) target(%arg8 : memref<128xi32, #tpu.memory_space<vmem>>) target_semaphore(%arg17 : memref<!tpu.dma_semaphore, #tpu.memory_space<semaphore_mem>>)
      } else {
      }
      %mul3A_233 = arith.constant 128 : i32
      %mul3A_234 = arith.muli %add3A_222, %mul3A_233 : i32
      %add3A_235 = arith.constant 0 : i32
      %add3A_236 = arith.addi %mul3A_234, %add3A_235 : i32
      %get3A_237 = arith.index_cast %add3A_236 : i32 to index
      %get3A_238 = tpu.vector_load %arg9[%get3A_237] {strides = array<i32>} : memref<10112xi32, #tpu.memory_space<vmem>>, vector<16xi32>,
      %get3A_239 = vector.shape_cast %get3A_238 : vector<16xi32> to vector<16xi32>
      %swap3A_240 = arith.constant 0 : index
      %swap3A_241 = tpu.vector_load %arg10[%swap3A_240] {strides = array<i32>} : memref<128xi32, #tpu.memory_space<vmem>>, vector<16xi32>,
      %swap3A_242 = vector.shape_cast %swap3A_241 : vector<16xi32> to vector<16xi32>
      %swap3A_243 = vector.shape_cast %get3A_239 : vector<16xi32> to vector<16xi32>
      tpu.vector_store %arg10[%swap3A_240], %swap3A_243 {strides = array<i32>} : memref<128xi32, #tpu.memory_space<vmem>>, vector<16xi32>,
      %mul3A_244 = arith.constant 128 : i32
      %mul3A_245 = arith.muli %add3A_222, %mul3A_244 : i32
      %add3A_246 = arith.constant 16 : i32
      %add3A_247 = arith.addi %mul3A_245, %add3A_246 : i32
      %get3A_248 = arith.index_cast %add3A_247 : i32 to index
      %get3A_249 = tpu.vector_load %arg9[%get3A_248] {strides = array<i32>} : memref<10112xi32, #tpu.memory_space<vmem>>, vector<16xi32>,
      %get3A_250 = vector.shape_cast %get3A_249 : vector<16xi32> to vector<16xi32>
      %swap3A_251 = arith.constant 16 : index
      %swap3A_252 = tpu.vector_load %arg10[%swap3A_251] {strides = array<i32>} : memref<128xi32, #tpu.memory_space<vmem>>, vector<16xi32>,
      %swap3A_253 = vector.shape_cast %swap3A_252 : vector<16xi32> to vector<16xi32>
      %swap3A_254 = vector.shape_cast %get3A_250 : vector<16xi32> to vector<16xi32>
      tpu.vector_store %arg10[%swap3A_251], %swap3A_254 {strides = array<i32>} : memref<128xi32, #tpu.memory_space<vmem>>, vector<16xi32>,
      %mul3A_255 = arith.constant 128 : i32
      %mul3A_256 = arith.muli %add3A_222, %mul3A_255 : i32
      %add3A_257 = arith.constant 32 : i32
      %add3A_258 = arith.addi %mul3A_256, %add3A_257 : i32
      %get3A_259 = arith.index_cast %add3A_258 : i32 to index
      %get3A_260 = tpu.vector_load %arg9[%get3A_259] {strides = array<i32>} : memref<10112xi32, #tpu.memory_space<vmem>>, vector<16xi32>,
      %get3A_261 = vector.shape_cast %get3A_260 : vector<16xi32> to vector<16xi32>
      %swap3A_262 = arith.constant 32 : index
      %swap3A_263 = tpu.vector_load %arg10[%swap3A_262] {strides = array<i32>} : memref<128xi32, #tpu.memory_space<vmem>>, vector<16xi32>,
      %swap3A_264 = vector.shape_cast %swap3A_263 : vector<16xi32> to vector<16xi32>
      %swap3A_265 = vector.shape_cast %get3A_261 : vector<16xi32> to vector<16xi32>
      tpu.vector_store %arg10[%swap3A_262], %swap3A_265 {strides = array<i32>} : memref<128xi32, #tpu.memory_space<vmem>>, vector<16xi32>,
      %mul3A_266 = arith.constant 128 : i32
      %mul3A_267 = arith.muli %add3A_222, %mul3A_266 : i32
      %add3A_268 = arith.constant 48 : i32
      %add3A_269 = arith.addi %mul3A_267, %add3A_268 : i32
      %get3A_270 = arith.index_cast %add3A_269 : i32 to index
      %get3A_271 = tpu.vector_load %arg9[%get3A_270] {strides = array<i32>} : memref<10112xi32, #tpu.memory_space<vmem>>, vector<16xi32>,
      %get3A_272 = vector.shape_cast %get3A_271 : vector<16xi32> to vector<16xi32>
      %swap3A_273 = arith.constant 48 : index
      %swap3A_274 = tpu.vector_load %arg10[%swap3A_273] {strides = array<i32>} : memref<128xi32, #tpu.memory_space<vmem>>, vector<16xi32>,
      %swap3A_275 = vector.shape_cast %swap3A_274 : vector<16xi32> to vector<16xi32>
      %swap3A_276 = vector.shape_cast %get3A_272 : vector<16xi32> to vector<16xi32>
      tpu.vector_store %arg10[%swap3A_273], %swap3A_276 {strides = array<i32>} : memref<128xi32, #tpu.memory_space<vmem>>, vector<16xi32>,
      %mul3A_277 = arith.constant 128 : i32
      %mul3A_278 = arith.muli %add3A_222, %mul3A_277 : i32
      %add3A_279 = arith.constant 64 : i32
      %add3A_280 = arith.addi %mul3A_278, %add3A_279 : i32
      %get3A_281 = arith.index_cast %add3A_280 : i32 to index
      %get3A_282 = tpu.vector_load %arg9[%get3A_281] {strides = array<i32>} : memref<10112xi32, #tpu.memory_space<vmem>>, vector<16xi32>,
      %get3A_283 = vector.shape_cast %get3A_282 : vector<16xi32> to vector<16xi32>
      %swap3A_284 = arith.constant 64 : index
      %swap3A_285 = tpu.vector_load %arg10[%swap3A_284] {strides = array<i32>} : memref<128xi32, #tpu.memory_space<vmem>>, vector<16xi32>,
      %swap3A_286 = vector.shape_cast %swap3A_285 : vector<16xi32> to vector<16xi32>
      %swap3A_287 = vector.shape_cast %get3A_283 : vector<16xi32> to vector<16xi32>
      tpu.vector_store %arg10[%swap3A_284], %swap3A_287 {strides = array<i32>} : memref<128xi32, #tpu.memory_space<vmem>>, vector<16xi32>,
      %mul3A_288 = arith.constant 128 : i32
      %mul3A_289 = arith.muli %add3A_222, %mul3A_288 : i32
      %add3A_290 = arith.constant 80 : i32
      %add3A_291 = arith.addi %mul3A_289, %add3A_290 : i32
      %get3A_292 = arith.index_cast %add3A_291 : i32 to index
      %get3A_293 = tpu.vector_load %arg9[%get3A_292] {strides = array<i32>} : memref<10112xi32, #tpu.memory_space<vmem>>, vector<16xi32>,
      %get3A_294 = vector.shape_cast %get3A_293 : vector<16xi32> to vector<16xi32>
      %swap3A_295 = arith.constant 80 : index
      %swap3A_296 = tpu.vector_load %arg10[%swap3A_295] {strides = array<i32>} : memref<128xi32, #tpu.memory_space<vmem>>, vector<16xi32>,
      %swap3A_297 = vector.shape_cast %swap3A_296 : vector<16xi32> to vector<16xi32>
      %swap3A_298 = vector.shape_cast %get3A_294 : vector<16xi32> to vector<16xi32>
      tpu.vector_store %arg10[%swap3A_295], %swap3A_298 {strides = array<i32>} : memref<128xi32, #tpu.memory_space<vmem>>, vector<16xi32>,
      %mul3A_299 = arith.constant 128 : i32
      %mul3A_300 = arith.muli %add3A_222, %mul3A_299 : i32
      %add3A_301 = arith.constant 96 : i32
      %add3A_302 = arith.addi %mul3A_300, %add3A_301 : i32
      %get3A_303 = arith.index_cast %add3A_302 : i32 to index
      %get3A_304 = tpu.vector_load %arg9[%get3A_303] {strides = array<i32>} : memref<10112xi32, #tpu.memory_space<vmem>>, vector<16xi32>,
      %get3A_305 = vector.shape_cast %get3A_304 : vector<16xi32> to vector<16xi32>
      %swap3A_306 = arith.constant 96 : index
      %swap3A_307 = tpu.vector_load %arg10[%swap3A_306] {strides = array<i32>} : memref<128xi32, #tpu.memory_space<vmem>>, vector<16xi32>,
      %swap3A_308 = vector.shape_cast %swap3A_307 : vector<16xi32> to vector<16xi32>
      %swap3A_309 = vector.shape_cast %get3A_305 : vector<16xi32> to vector<16xi32>
      tpu.vector_store %arg10[%swap3A_306], %swap3A_309 {strides = array<i32>} : memref<128xi32, #tpu.memory_space<vmem>>, vector<16xi32>,
      %mul3A_310 = arith.constant 128 : i32
      %mul3A_311 = arith.muli %add3A_222, %mul3A_310 : i32
      %add3A_312 = arith.constant 112 : i32
      %add3A_313 = arith.addi %mul3A_311, %add3A_312 : i32
      %get3A_314 = arith.index_cast %add3A_313 : i32 to index
      %get3A_315 = tpu.vector_load %arg9[%get3A_314] {strides = array<i32>} : memref<10112xi32, #tpu.memory_space<vmem>>, vector<16xi32>,
      %get3A_316 = vector.shape_cast %get3A_315 : vector<16xi32> to vector<16xi32>
      %swap3A_317 = arith.constant 112 : index
      %swap3A_318 = tpu.vector_load %arg10[%swap3A_317] {strides = array<i32>} : memref<128xi32, #tpu.memory_space<vmem>>, vector<16xi32>,
      %swap3A_319 = vector.shape_cast %swap3A_318 : vector<16xi32> to vector<16xi32>
      %swap3A_320 = vector.shape_cast %get3A_316 : vector<16xi32> to vector<16xi32>
      tpu.vector_store %arg10[%swap3A_317], %swap3A_320 {strides = array<i32>} : memref<128xi32, #tpu.memory_space<vmem>>, vector<16xi32>,
      "tpu.region"() ({
        %run_scoped3A = tpu.sem_alloc : memref<!tpu.dma_semaphore, #tpu.memory_space<semaphore_mem>>
        %dma_start3A_328 = arith.constant 0 : i32
        %dma_start3A_329 = arith.constant 0 : i32
        %dma_start3A_330 = tpu.memref_slice %arg6[%dma_start3A_328, %dma_start3A_329] : memref<10008x128xf32, #tpu.memory_space<vmem_shared>> -> memref<10008x128xf32, #tpu.memory_space<vmem_shared>>
        tpu.enqueue_indirect_dma source(%arg12 : memref<128x128xf32, #tpu.memory_space<vmem>>) target(%dma_start3A_330 : memref<10008x128xf32, #tpu.memory_space<vmem_shared>>) offsets(%arg10 : memref<128xi32, #tpu.memory_space<vmem>>) semaphore(%run_scoped3A : memref<!tpu.dma_semaphore, #tpu.memory_space<semaphore_mem>>) {add = true}
        %dma_wait3A_331 = arith.constant 0 : i32
        %dma_wait3A_332 = arith.constant 0 : i32
        %dma_wait3A_333 = tpu.memref_slice %arg6[%dma_wait3A_331, %dma_wait3A_332] : memref<10008x128xf32, #tpu.memory_space<vmem_shared>> -> memref<10008x128xf32, #tpu.memory_space<vmem_shared>>
        tpu.wait_indirect_dma semaphore(%run_scoped3A : memref<!tpu.dma_semaphore, #tpu.memory_space<semaphore_mem>>) src(%arg12 : memref<128x128xf32, #tpu.memory_space<vmem>>) dst(%dma_wait3A_333 : memref<10008x128xf32, #tpu.memory_space<vmem_shared>>)
        tpu.yield
      }) : () -> ()
      %add3A_321 = arith.constant 2 : i32
      %add3A_322 = arith.addi %add3A_222, %add3A_321 : i32
      %lt3A_323 = arith.constant 79 : i32
      %lt3A_324 = arith.cmpi slt, %add3A_322, %lt3A_323 : i32
      %convert_element_type3A_325 = arith.extui %lt3A_324 : i1 to i32
      %cond3A_326 = arith.constant 0 : i32
      %cond3A_327 = arith.cmpi ne, %convert_element_type3A_325, %cond3A_326 : i32
      scf.if %cond3A_327 {
        %add3A_328 = arith.constant 2 : i32
        %add3A_329 = arith.addi %add3A_222, %add3A_328 : i32
        %mul3A_330 = arith.constant 10112 : i32
        %mul3A_331 = arith.muli %add3A, %mul3A_330 : i32
        %mul3A_332 = arith.constant 128 : i32
        %mul3A_333 = arith.muli %add3A_329, %mul3A_332 : i32
        %add3A_334 = arith.addi %mul3A_331, %mul3A_333 : i32
        %dma_wait3A_335 = tpu.memref_slice %arg3[%add3A_334] : memref<323584xi32, #tpu.memory_space<hbm>> -> memref<128xi32, #tpu.memory_space<hbm>>
        %dma_wait3A_336 = tpu.memref_slice %arg3[%add3A_334] : memref<323584xi32, #tpu.memory_space<hbm>> -> memref<128xi32, #tpu.memory_space<hbm>>
        tpu.wait_dma2 semaphore(%arg17 : memref<!tpu.dma_semaphore, #tpu.memory_space<semaphore_mem>>) src(%dma_wait3A_336 : memref<128xi32, #tpu.memory_space<hbm>>) dst(%arg8 : memref<128xi32, #tpu.memory_space<vmem>>)
        %dma_start3A_337 = arith.constant 0 : i32
        %dma_start3A_338 = arith.constant 0 : i32
        %dma_start3A_339 = tpu.memref_slice %arg2[%dma_start3A_337, %dma_start3A_338] : memref<20000x128xf32, #tpu.memory_space<hbm>> -> memref<20000x128xf32, #tpu.memory_space<hbm>>
        tpu.enqueue_indirect_dma source(%dma_start3A_339 : memref<20000x128xf32, #tpu.memory_space<hbm>>) target(%arg12 : memref<128x128xf32, #tpu.memory_space<vmem>>) offsets(%arg8 : memref<128xi32, #tpu.memory_space<vmem>>) semaphore(%arg15 : memref<!tpu.dma_semaphore, #tpu.memory_space<semaphore_mem>>)
      } else {
      }
    }
    %scan3A_44 = arith.constant 39 : i32
    %dma_wait3A_45 = arith.constant 0 : i32
    %dma_wait3A_46 = arith.constant 0 : i32
    %dma_wait3A_47 = tpu.memref_slice %arg2[%dma_wait3A_45, %dma_wait3A_46] : memref<20000x128xf32, #tpu.memory_space<hbm>> -> memref<20000x128xf32, #tpu.memory_space<hbm>>
    tpu.wait_indirect_dma semaphore(%arg14 : memref<!tpu.dma_semaphore, #tpu.memory_space<semaphore_mem>>) src(%dma_wait3A_47 : memref<20000x128xf32, #tpu.memory_space<hbm>>) dst(%arg11 : memref<128x128xf32, #tpu.memory_space<vmem>>)
    %get3A = arith.constant 9984 : index
    %get3A_48 = tpu.vector_load %arg9[%get3A] {strides = array<i32>} : memref<10112xi32, #tpu.memory_space<vmem>>, vector<16xi32>,
    %get3A_49 = vector.shape_cast %get3A_48 : vector<16xi32> to vector<16xi32>
    %swap3A = arith.constant 0 : index
    %swap3A_50 = tpu.vector_load %arg10[%swap3A] {strides = array<i32>} : memref<128xi32, #tpu.memory_space<vmem>>, vector<16xi32>,
    %swap3A_51 = vector.shape_cast %swap3A_50 : vector<16xi32> to vector<16xi32>
    %swap3A_52 = vector.shape_cast %get3A_49 : vector<16xi32> to vector<16xi32>
    tpu.vector_store %arg10[%swap3A], %swap3A_52 {strides = array<i32>} : memref<128xi32, #tpu.memory_space<vmem>>, vector<16xi32>,
    %get3A_53 = arith.constant 10000 : index
    %get3A_54 = tpu.vector_load %arg9[%get3A_53] {strides = array<i32>} : memref<10112xi32, #tpu.memory_space<vmem>>, vector<16xi32>,
    %get3A_55 = vector.shape_cast %get3A_54 : vector<16xi32> to vector<16xi32>
    %swap3A_56 = arith.constant 16 : index
    %swap3A_57 = tpu.vector_load %arg10[%swap3A_56] {strides = array<i32>} : memref<128xi32, #tpu.memory_space<vmem>>, vector<16xi32>,
    %swap3A_58 = vector.shape_cast %swap3A_57 : vector<16xi32> to vector<16xi32>
    %swap3A_59 = vector.shape_cast %get3A_55 : vector<16xi32> to vector<16xi32>
    tpu.vector_store %arg10[%swap3A_56], %swap3A_59 {strides = array<i32>} : memref<128xi32, #tpu.memory_space<vmem>>, vector<16xi32>,
    %get3A_60 = arith.constant 10016 : index
    %get3A_61 = tpu.vector_load %arg9[%get3A_60] {strides = array<i32>} : memref<10112xi32, #tpu.memory_space<vmem>>, vector<16xi32>,
    %get3A_62 = vector.shape_cast %get3A_61 : vector<16xi32> to vector<16xi32>
    %swap3A_63 = arith.constant 32 : index
    %swap3A_64 = tpu.vector_load %arg10[%swap3A_63] {strides = array<i32>} : memref<128xi32, #tpu.memory_space<vmem>>, vector<16xi32>,
    %swap3A_65 = vector.shape_cast %swap3A_64 : vector<16xi32> to vector<16xi32>
    %swap3A_66 = vector.shape_cast %get3A_62 : vector<16xi32> to vector<16xi32>
    tpu.vector_store %arg10[%swap3A_63], %swap3A_66 {strides = array<i32>} : memref<128xi32, #tpu.memory_space<vmem>>, vector<16xi32>,
    %get3A_67 = arith.constant 10032 : index
    %get3A_68 = tpu.vector_load %arg9[%get3A_67] {strides = array<i32>} : memref<10112xi32, #tpu.memory_space<vmem>>, vector<16xi32>,
    %get3A_69 = vector.shape_cast %get3A_68 : vector<16xi32> to vector<16xi32>
    %swap3A_70 = arith.constant 48 : index
    %swap3A_71 = tpu.vector_load %arg10[%swap3A_70] {strides = array<i32>} : memref<128xi32, #tpu.memory_space<vmem>>, vector<16xi32>,
    %swap3A_72 = vector.shape_cast %swap3A_71 : vector<16xi32> to vector<16xi32>
    %swap3A_73 = vector.shape_cast %get3A_69 : vector<16xi32> to vector<16xi32>
    tpu.vector_store %arg10[%swap3A_70], %swap3A_73 {strides = array<i32>} : memref<128xi32, #tpu.memory_space<vmem>>, vector<16xi32>,
    %get3A_74 = arith.constant 10048 : index
    %get3A_75 = tpu.vector_load %arg9[%get3A_74] {strides = array<i32>} : memref<10112xi32, #tpu.memory_space<vmem>>, vector<16xi32>,
    %get3A_76 = vector.shape_cast %get3A_75 : vector<16xi32> to vector<16xi32>
    %swap3A_77 = arith.constant 64 : index
    %swap3A_78 = tpu.vector_load %arg10[%swap3A_77] {strides = array<i32>} : memref<128xi32, #tpu.memory_space<vmem>>, vector<16xi32>,
    %swap3A_79 = vector.shape_cast %swap3A_78 : vector<16xi32> to vector<16xi32>
    %swap3A_80 = vector.shape_cast %get3A_76 : vector<16xi32> to vector<16xi32>
    tpu.vector_store %arg10[%swap3A_77], %swap3A_80 {strides = array<i32>} : memref<128xi32, #tpu.memory_space<vmem>>, vector<16xi32>,
    %get3A_81 = arith.constant 10064 : index
    %get3A_82 = tpu.vector_load %arg9[%get3A_81] {strides = array<i32>} : memref<10112xi32, #tpu.memory_space<vmem>>, vector<16xi32>,
    %get3A_83 = vector.shape_cast %get3A_82 : vector<16xi32> to vector<16xi32>
    %swap3A_84 = arith.constant 80 : index
    %swap3A_85 = tpu.vector_load %arg10[%swap3A_84] {strides = array<i32>} : memref<128xi32, #tpu.memory_space<vmem>>, vector<16xi32>,
    %swap3A_86 = vector.shape_cast %swap3A_85 : vector<16xi32> to vector<16xi32>
    %swap3A_87 = vector.shape_cast %get3A_83 : vector<16xi32> to vector<16xi32>
    tpu.vector_store %arg10[%swap3A_84], %swap3A_87 {strides = array<i32>} : memref<128xi32, #tpu.memory_space<vmem>>, vector<16xi32>,
    %get3A_88 = arith.constant 10080 : index
    %get3A_89 = tpu.vector_load %arg9[%get3A_88] {strides = array<i32>} : memref<10112xi32, #tpu.memory_space<vmem>>, vector<16xi32>,
    %get3A_90 = vector.shape_cast %get3A_89 : vector<16xi32> to vector<16xi32>
    %swap3A_91 = arith.constant 96 : index
    %swap3A_92 = tpu.vector_load %arg10[%swap3A_91] {strides = array<i32>} : memref<128xi32, #tpu.memory_space<vmem>>, vector<16xi32>,
    %swap3A_93 = vector.shape_cast %swap3A_92 : vector<16xi32> to vector<16xi32>
    %swap3A_94 = vector.shape_cast %get3A_90 : vector<16xi32> to vector<16xi32>
    tpu.vector_store %arg10[%swap3A_91], %swap3A_94 {strides = array<i32>} : memref<128xi32, #tpu.memory_space<vmem>>, vector<16xi32>,
    %get3A_95 = arith.constant 10096 : index
    %get3A_96 = tpu.vector_load %arg9[%get3A_95] {strides = array<i32>} : memref<10112xi32, #tpu.memory_space<vmem>>, vector<16xi32>,
    %get3A_97 = vector.shape_cast %get3A_96 : vector<16xi32> to vector<16xi32>
    %swap3A_98 = arith.constant 112 : index
    %swap3A_99 = tpu.vector_load %arg10[%swap3A_98] {strides = array<i32>} : memref<128xi32, #tpu.memory_space<vmem>>, vector<16xi32>,
    %swap3A_100 = vector.shape_cast %swap3A_99 : vector<16xi32> to vector<16xi32>
    %swap3A_101 = vector.shape_cast %get3A_97 : vector<16xi32> to vector<16xi32>
    tpu.vector_store %arg10[%swap3A_98], %swap3A_101 {strides = array<i32>} : memref<128xi32, #tpu.memory_space<vmem>>, vector<16xi32>,
    "tpu.region"() ({
      %run_scoped3A = tpu.sem_alloc : memref<!tpu.dma_semaphore, #tpu.memory_space<semaphore_mem>>
      %dma_start3A_113 = arith.constant 0 : i32
      %dma_start3A_114 = arith.constant 0 : i32
      %dma_start3A_115 = tpu.memref_slice %arg6[%dma_start3A_113, %dma_start3A_114] : memref<10008x128xf32, #tpu.memory_space<vmem_shared>> -> memref<10008x128xf32, #tpu.memory_space<vmem_shared>>
      tpu.enqueue_indirect_dma source(%arg11 : memref<128x128xf32, #tpu.memory_space<vmem>>) target(%dma_start3A_115 : memref<10008x128xf32, #tpu.memory_space<vmem_shared>>) offsets(%arg10 : memref<128xi32, #tpu.memory_space<vmem>>) semaphore(%run_scoped3A : memref<!tpu.dma_semaphore, #tpu.memory_space<semaphore_mem>>) {add = true}
      %dma_wait3A_116 = arith.constant 0 : i32
      %dma_wait3A_117 = arith.constant 0 : i32
      %dma_wait3A_118 = tpu.memref_slice %arg6[%dma_wait3A_116, %dma_wait3A_117] : memref<10008x128xf32, #tpu.memory_space<vmem_shared>> -> memref<10008x128xf32, #tpu.memory_space<vmem_shared>>
      tpu.wait_indirect_dma semaphore(%run_scoped3A : memref<!tpu.dma_semaphore, #tpu.memory_space<semaphore_mem>>) src(%arg11 : memref<128x128xf32, #tpu.memory_space<vmem>>) dst(%dma_wait3A_118 : memref<10008x128xf32, #tpu.memory_space<vmem_shared>>)
      tpu.yield
    }) : () -> ()
    %barrier3A_102 = arith.constant 0 : index
    tpu.barrier barrier_id(%barrier3A_102)
    %lt3A_103 = arith.constant 15 : i32
    %lt3A_104 = arith.cmpi slt, %arg1, %lt3A_103 : i32
    %convert_element_type3A_105 = arith.extui %lt3A_104 : i1 to i32
    %cond3A_106 = arith.constant 0 : i32
    %cond3A_107 = arith.cmpi ne, %convert_element_type3A_105, %cond3A_106 : i32
    scf.if %cond3A_107 {
      %add3A_113 = arith.addi %mul3A_4, %mul3A_2 : i32
      "tpu.region"() ({
        %run_scoped3A = tpu.sem_alloc : memref<!tpu.dma_semaphore, #tpu.memory_space<semaphore_mem>>
        %dma_start3A_114 = arith.constant 0 : i32
        %dma_start3A_115 = tpu.memref_slice %arg5[%add3A_113, %dma_start3A_114] : memref<20000x128xf32, #tpu.memory_space<hbm>> -> memref<624x128xf32, #tpu.memory_space<hbm>>
        %dma_start3A_116 = arith.constant 0 : i32
        %dma_start3A_117 = tpu.memref_slice %arg6[%mul3A_2, %dma_start3A_116] : memref<10008x128xf32, #tpu.memory_space<vmem_shared>> -> memref<624x128xf32, #tpu.memory_space<vmem_shared>>
        tpu.enqueue_dma source(%dma_start3A_117 : memref<624x128xf32, #tpu.memory_space<vmem_shared>>) target(%dma_start3A_115 : memref<624x128xf32, #tpu.memory_space<hbm>>) target_semaphore(%run_scoped3A : memref<!tpu.dma_semaphore, #tpu.memory_space<semaphore_mem>>)
        %dma_wait3A_118 = arith.constant 0 : i32
        %dma_wait3A_119 = tpu.memref_slice %arg5[%add3A_113, %dma_wait3A_118] : memref<20000x128xf32, #tpu.memory_space<hbm>> -> memref<624x128xf32, #tpu.memory_space<hbm>>
        %dma_wait3A_120 = arith.constant 0 : i32
        %dma_wait3A_121 = tpu.memref_slice %arg6[%mul3A_2, %dma_wait3A_120] : memref<10008x128xf32, #tpu.memory_space<vmem_shared>> -> memref<624x128xf32, #tpu.memory_space<vmem_shared>>
        tpu.wait_dma2 semaphore(%run_scoped3A : memref<!tpu.dma_semaphore, #tpu.memory_space<semaphore_mem>>) src(%dma_wait3A_121 : memref<624x128xf32, #tpu.memory_space<vmem_shared>>) dst(%dma_wait3A_119 : memref<624x128xf32, #tpu.memory_space<hbm>>)
        tpu.yield
      }) : () -> ()
    } else {
    }
    %eq3A_108 = arith.constant 15 : i32
    %eq3A_109 = arith.cmpi eq, %arg1, %eq3A_108 : i32
    %convert_element_type3A_110 = arith.extui %eq3A_109 : i1 to i32
    %cond3A_111 = arith.constant 0 : i32
    %cond3A_112 = arith.cmpi ne, %convert_element_type3A_110, %cond3A_111 : i32
    scf.if %cond3A_112 {
      %add3A_113 = arith.addi %mul3A_4, %mul3A_2 : i32
      "tpu.region"() ({
        %run_scoped3A = tpu.sem_alloc : memref<!tpu.dma_semaphore, #tpu.memory_space<semaphore_mem>>
        %dma_start3A_114 = arith.constant 0 : i32
        %dma_start3A_115 = tpu.memref_slice %arg5[%add3A_113, %dma_start3A_114] : memref<20000x128xf32, #tpu.memory_space<hbm>> -> memref<640x128xf32, #tpu.memory_space<hbm>>
        %dma_start3A_116 = arith.constant 0 : i32
        %dma_start3A_117 = tpu.memref_slice %arg6[%mul3A_2, %dma_start3A_116] : memref<10008x128xf32, #tpu.memory_space<vmem_shared>> -> memref<640x128xf32, #tpu.memory_space<vmem_shared>>
        tpu.enqueue_dma source(%dma_start3A_117 : memref<640x128xf32, #tpu.memory_space<vmem_shared>>) target(%dma_start3A_115 : memref<640x128xf32, #tpu.memory_space<hbm>>) target_semaphore(%run_scoped3A : memref<!tpu.dma_semaphore, #tpu.memory_space<semaphore_mem>>)
        %dma_wait3A_118 = arith.constant 0 : i32
        %dma_wait3A_119 = tpu.memref_slice %arg5[%add3A_113, %dma_wait3A_118] : memref<20000x128xf32, #tpu.memory_space<hbm>> -> memref<640x128xf32, #tpu.memory_space<hbm>>
        %dma_wait3A_120 = arith.constant 0 : i32
        %dma_wait3A_121 = tpu.memref_slice %arg6[%mul3A_2, %dma_wait3A_120] : memref<10008x128xf32, #tpu.memory_space<vmem_shared>> -> memref<640x128xf32, #tpu.memory_space<vmem_shared>>
        tpu.wait_dma2 semaphore(%run_scoped3A : memref<!tpu.dma_semaphore, #tpu.memory_space<semaphore_mem>>) src(%dma_wait3A_121 : memref<640x128xf32, #tpu.memory_space<vmem_shared>>) dst(%dma_wait3A_119 : memref<640x128xf32, #tpu.memory_space<hbm>>)
        tpu.yield
      }) : () -> ()
    } else {
    }
    return
  }
}

#map = affine_map<(d0, d1) -> (0, 0)>
#map1 = affine_map<(d0, d1) -> (0)>
module attributes {stable_mosaic.version = 14 : i64} {
  func.func @_sc_agg_body(%arg0: i32, %arg1: i32, %arg2: memref<20000x128xf32, #tpu.memory_space<hbm>>, %arg3: memref<323584xi32, #tpu.memory_space<hbm>>, %arg4: memref<16x10112xi32, #tpu.memory_space<hbm>>, %arg5: memref<20000x128xf32, #tpu.memory_space<hbm>>, %arg6: memref<10008x128xf32, #tpu.memory_space<vmem_shared>>, %arg7: memref<128xi32, #tpu.memory_space<vmem>>, %arg8: memref<128xi32, #tpu.memory_space<vmem>>, %arg9: memref<10112xi32, #tpu.memory_space<vmem>>, %arg10: memref<128xi32, #tpu.memory_space<vmem>>, %arg11: memref<128x128xf32, #tpu.memory_space<vmem>>, %arg12: memref<128x128xf32, #tpu.memory_space<vmem>>, %arg13: memref<!tpu.dma_semaphore, #tpu.memory_space<semaphore_mem>>, %arg14: memref<!tpu.dma_semaphore, #tpu.memory_space<semaphore_mem>>, %arg15: memref<!tpu.dma_semaphore, #tpu.memory_space<semaphore_mem>>, %arg16: memref<!tpu.dma_semaphore, #tpu.memory_space<semaphore_mem>>, %arg17: memref<!tpu.dma_semaphore, #tpu.memory_space<semaphore_mem>>) attributes {dimension_semantics = [#tpu.dimension_semantics<core_parallel>, #tpu.dimension_semantics<subcore_parallel>], iteration_bounds = array<i64: 2, 16>, scalar_prefetch = 0 : i64, scratch_operands = 12 : i64, tpu.core_type = #tpu.core_type<sc_vector_subcore>, window_params = [{transform_indices = #map}, {transform_indices = #map1}, {transform_indices = #map}, {transform_indices = #map}]} {
    %mul3A = arith.constant 16 : i32
    %mul3A_0 = arith.muli %arg0, %mul3A : i32
    %add3A = arith.addi %mul3A_0, %arg1 : i32
    %mul3A_1 = arith.constant 624 : i32
    %mul3A_2 = arith.muli %arg1, %mul3A_1 : i32
    %mul3A_3 = arith.constant 10000 : i32
    %mul3A_4 = arith.muli %arg0, %mul3A_3 : i32
    %dma_start3A = arith.constant 0 : i32
    %dma_start3A_5 = tpu.memref_slice %arg4[%arg1, %dma_start3A] : memref<16x10112xi32, #tpu.memory_space<hbm>> -> memref<1x10112xi32, #tpu.memory_space<hbm>>
    %dma_start3A_6 = tpu.memref_squeeze %dma_start3A_5 : memref<1x10112xi32, #tpu.memory_space<hbm>> -> memref<10112xi32, #tpu.memory_space<hbm>>
    %dma_start3A_7 = arith.constant 0 : i32
    %dma_start3A_8 = tpu.memref_slice %arg4[%arg1, %dma_start3A_7] : memref<16x10112xi32, #tpu.memory_space<hbm>> -> memref<1x10112xi32, #tpu.memory_space<hbm>>
    %dma_start3A_9 = tpu.memref_squeeze %dma_start3A_8 : memref<1x10112xi32, #tpu.memory_space<hbm>> -> memref<10112xi32, #tpu.memory_space<hbm>>
    tpu.enqueue_dma source(%dma_start3A_9 : memref<10112xi32, #tpu.memory_space<hbm>>) target(%arg9 : memref<10112xi32, #tpu.memory_space<vmem>>) target_semaphore(%arg13 : memref<!tpu.dma_semaphore, #tpu.memory_space<semaphore_mem>>)
    %mul3A_10 = arith.constant 10112 : i32
    %mul3A_11 = arith.muli %add3A, %mul3A_10 : i32
    %add3A_12 = arith.constant 0 : i32
    %add3A_13 = arith.addi %mul3A_11, %add3A_12 : i32
    "tpu.region"() ({
      %run_scoped3A = tpu.sem_alloc : memref<!tpu.dma_semaphore, #tpu.memory_space<semaphore_mem>>
      %dma_start3A_113 = tpu.memref_slice %arg3[%add3A_13] : memref<323584xi32, #tpu.memory_space<hbm>> -> memref<128xi32, #tpu.memory_space<hbm>>
      %dma_start3A_114 = tpu.memref_slice %arg3[%add3A_13] : memref<323584xi32, #tpu.memory_space<hbm>> -> memref<128xi32, #tpu.memory_space<hbm>>
      tpu.enqueue_dma source(%dma_start3A_114 : memref<128xi32, #tpu.memory_space<hbm>>) target(%arg7 : memref<128xi32, #tpu.memory_space<vmem>>) target_semaphore(%run_scoped3A : memref<!tpu.dma_semaphore, #tpu.memory_space<semaphore_mem>>)
      %dma_wait3A_115 = tpu.memref_slice %arg3[%add3A_13] : memref<323584xi32, #tpu.memory_space<hbm>> -> memref<128xi32, #tpu.memory_space<hbm>>
      %dma_wait3A_116 = tpu.memref_slice %arg3[%add3A_13] : memref<323584xi32, #tpu.memory_space<hbm>> -> memref<128xi32, #tpu.memory_space<hbm>>
      tpu.wait_dma2 semaphore(%run_scoped3A : memref<!tpu.dma_semaphore, #tpu.memory_space<semaphore_mem>>) src(%dma_wait3A_116 : memref<128xi32, #tpu.memory_space<hbm>>) dst(%arg7 : memref<128xi32, #tpu.memory_space<vmem>>)
      tpu.yield
    }) : () -> ()
    %mul3A_14 = arith.constant 10112 : i32
    %mul3A_15 = arith.muli %add3A, %mul3A_14 : i32
    %add3A_16 = arith.constant 128 : i32
    %add3A_17 = arith.addi %mul3A_15, %add3A_16 : i32
    "tpu.region"() ({
      %run_scoped3A = tpu.sem_alloc : memref<!tpu.dma_semaphore, #tpu.memory_space<semaphore_mem>>
      %dma_start3A_113 = tpu.memref_slice %arg3[%add3A_17] : memref<323584xi32, #tpu.memory_space<hbm>> -> memref<128xi32, #tpu.memory_space<hbm>>
      %dma_start3A_114 = tpu.memref_slice %arg3[%add3A_17] : memref<323584xi32, #tpu.memory_space<hbm>> -> memref<128xi32, #tpu.memory_space<hbm>>
      tpu.enqueue_dma source(%dma_start3A_114 : memref<128xi32, #tpu.memory_space<hbm>>) target(%arg8 : memref<128xi32, #tpu.memory_space<vmem>>) target_semaphore(%run_scoped3A : memref<!tpu.dma_semaphore, #tpu.memory_space<semaphore_mem>>)
      %dma_wait3A_115 = tpu.memref_slice %arg3[%add3A_17] : memref<323584xi32, #tpu.memory_space<hbm>> -> memref<128xi32, #tpu.memory_space<hbm>>
      %dma_wait3A_116 = tpu.memref_slice %arg3[%add3A_17] : memref<323584xi32, #tpu.memory_space<hbm>> -> memref<128xi32, #tpu.memory_space<hbm>>
      tpu.wait_dma2 semaphore(%run_scoped3A : memref<!tpu.dma_semaphore, #tpu.memory_space<semaphore_mem>>) src(%dma_wait3A_116 : memref<128xi32, #tpu.memory_space<hbm>>) dst(%arg8 : memref<128xi32, #tpu.memory_space<vmem>>)
      tpu.yield
    }) : () -> ()
    %lt3A = arith.constant 15 : i32
    %lt3A_18 = arith.cmpi slt, %arg1, %lt3A : i32
    %convert_element_type3A = arith.extui %lt3A_18 : i1 to i32
    %cond3A = arith.constant 0 : i32
    %cond3A_19 = arith.cmpi ne, %convert_element_type3A, %cond3A : i32
    scf.if %cond3A_19 {
      %add3A_113 = arith.addi %mul3A_4, %mul3A_2 : i32
      "tpu.region"() ({
        %run_scoped3A = tpu.sem_alloc : memref<!tpu.dma_semaphore, #tpu.memory_space<semaphore_mem>>
        %dma_start3A_114 = arith.constant 0 : i32
        %dma_start3A_115 = tpu.memref_slice %arg6[%mul3A_2, %dma_start3A_114] : memref<10008x128xf32, #tpu.memory_space<vmem_shared>> -> memref<624x128xf32, #tpu.memory_space<vmem_shared>>
        %dma_start3A_116 = arith.constant 0 : i32
        %dma_start3A_117 = tpu.memref_slice %arg2[%add3A_113, %dma_start3A_116] : memref<20000x128xf32, #tpu.memory_space<hbm>> -> memref<624x128xf32, #tpu.memory_space<hbm>>
        tpu.enqueue_dma source(%dma_start3A_117 : memref<624x128xf32, #tpu.memory_space<hbm>>) target(%dma_start3A_115 : memref<624x128xf32, #tpu.memory_space<vmem_shared>>) target_semaphore(%run_scoped3A : memref<!tpu.dma_semaphore, #tpu.memory_space<semaphore_mem>>)
        %dma_wait3A_118 = arith.constant 0 : i32
        %dma_wait3A_119 = tpu.memref_slice %arg6[%mul3A_2, %dma_wait3A_118] : memref<10008x128xf32, #tpu.memory_space<vmem_shared>> -> memref<624x128xf32, #tpu.memory_space<vmem_shared>>
        %dma_wait3A_120 = arith.constant 0 : i32
        %dma_wait3A_121 = tpu.memref_slice %arg2[%add3A_113, %dma_wait3A_120] : memref<20000x128xf32, #tpu.memory_space<hbm>> -> memref<624x128xf32, #tpu.memory_space<hbm>>
        tpu.wait_dma2 semaphore(%run_scoped3A : memref<!tpu.dma_semaphore, #tpu.memory_space<semaphore_mem>>) src(%dma_wait3A_121 : memref<624x128xf32, #tpu.memory_space<hbm>>) dst(%dma_wait3A_119 : memref<624x128xf32, #tpu.memory_space<vmem_shared>>)
        tpu.yield
      }) : () -> ()
    } else {
    }
    %eq3A = arith.constant 15 : i32
    %eq3A_20 = arith.cmpi eq, %arg1, %eq3A : i32
    %convert_element_type3A_21 = arith.extui %eq3A_20 : i1 to i32
    %cond3A_22 = arith.constant 0 : i32
    %cond3A_23 = arith.cmpi ne, %convert_element_type3A_21, %cond3A_22 : i32
    scf.if %cond3A_23 {
      %add3A_113 = arith.addi %mul3A_4, %mul3A_2 : i32
      "tpu.region"() ({
        %run_scoped3A = tpu.sem_alloc : memref<!tpu.dma_semaphore, #tpu.memory_space<semaphore_mem>>
        %dma_start3A_114 = arith.constant 0 : i32
        %dma_start3A_115 = tpu.memref_slice %arg6[%mul3A_2, %dma_start3A_114] : memref<10008x128xf32, #tpu.memory_space<vmem_shared>> -> memref<640x128xf32, #tpu.memory_space<vmem_shared>>
        %dma_start3A_116 = arith.constant 0 : i32
        %dma_start3A_117 = tpu.memref_slice %arg2[%add3A_113, %dma_start3A_116] : memref<20000x128xf32, #tpu.memory_space<hbm>> -> memref<640x128xf32, #tpu.memory_space<hbm>>
        tpu.enqueue_dma source(%dma_start3A_117 : memref<640x128xf32, #tpu.memory_space<hbm>>) target(%dma_start3A_115 : memref<640x128xf32, #tpu.memory_space<vmem_shared>>) target_semaphore(%run_scoped3A : memref<!tpu.dma_semaphore, #tpu.memory_space<semaphore_mem>>)
        %dma_wait3A_118 = arith.constant 0 : i32
        %dma_wait3A_119 = tpu.memref_slice %arg6[%mul3A_2, %dma_wait3A_118] : memref<10008x128xf32, #tpu.memory_space<vmem_shared>> -> memref<640x128xf32, #tpu.memory_space<vmem_shared>>
        %dma_wait3A_120 = arith.constant 0 : i32
        %dma_wait3A_121 = tpu.memref_slice %arg2[%add3A_113, %dma_wait3A_120] : memref<20000x128xf32, #tpu.memory_space<hbm>> -> memref<640x128xf32, #tpu.memory_space<hbm>>
        tpu.wait_dma2 semaphore(%run_scoped3A : memref<!tpu.dma_semaphore, #tpu.memory_space<semaphore_mem>>) src(%dma_wait3A_121 : memref<640x128xf32, #tpu.memory_space<hbm>>) dst(%dma_wait3A_119 : memref<640x128xf32, #tpu.memory_space<vmem_shared>>)
        tpu.yield
      }) : () -> ()
    } else {
    }
    %eq3A_24 = arith.constant 0 : i32
    %eq3A_25 = arith.cmpi eq, %arg1, %eq3A_24 : i32
    %convert_element_type3A_26 = arith.extui %eq3A_25 : i1 to i32
    %cond3A_27 = arith.constant 0 : i32
    %cond3A_28 = arith.cmpi ne, %convert_element_type3A_26, %cond3A_27 : i32
    scf.if %cond3A_28 {
      %broadcast_in_dim3A = arith.constant 0.000000e+00 : f32
      %broadcast_in_dim3A_113 = vector.broadcast %broadcast_in_dim3A : f32 to vector<16xf32>
      %swap3A_114 = arith.constant 0 : i32
      %swap3A_115 = arith.index_cast %swap3A_114 : i32 to index
      %swap3A_116 = arith.constant 0 : index
      %swap3A_117 = tpu.vector_load %arg11[%swap3A_115, %swap3A_116] {strides = array<i32>} : memref<128x128xf32, #tpu.memory_space<vmem>>, vector<1x16xf32>,
      %swap3A_118 = vector.shape_cast %swap3A_117 : vector<1x16xf32> to vector<16xf32>
      %swap3A_119 = vector.shape_cast %broadcast_in_dim3A_113 : vector<16xf32> to vector<1x16xf32>
      tpu.vector_store %arg11[%swap3A_115, %swap3A_116], %swap3A_119 {strides = array<i32>} : memref<128x128xf32, #tpu.memory_space<vmem>>, vector<1x16xf32>,
      %broadcast_in_dim3A_120 = arith.constant 0.000000e+00 : f32
      %broadcast_in_dim3A_121 = vector.broadcast %broadcast_in_dim3A_120 : f32 to vector<16xf32>
      %swap3A_122 = arith.constant 0 : i32
      %swap3A_123 = arith.index_cast %swap3A_122 : i32 to index
      %swap3A_124 = arith.constant 16 : index
      %swap3A_125 = tpu.vector_load %arg11[%swap3A_123, %swap3A_124] {strides = array<i32>} : memref<128x128xf32, #tpu.memory_space<vmem>>, vector<1x16xf32>,
      %swap3A_126 = vector.shape_cast %swap3A_125 : vector<1x16xf32> to vector<16xf32>
      %swap3A_127 = vector.shape_cast %broadcast_in_dim3A_121 : vector<16xf32> to vector<1x16xf32>
      tpu.vector_store %arg11[%swap3A_123, %swap3A_124], %swap3A_127 {strides = array<i32>} : memref<128x128xf32, #tpu.memory_space<vmem>>, vector<1x16xf32>,
      %broadcast_in_dim3A_128 = arith.constant 0.000000e+00 : f32
      %broadcast_in_dim3A_129 = vector.broadcast %broadcast_in_dim3A_128 : f32 to vector<16xf32>
      %swap3A_130 = arith.constant 0 : i32
      %swap3A_131 = arith.index_cast %swap3A_130 : i32 to index
      %swap3A_132 = arith.constant 32 : index
      %swap3A_133 = tpu.vector_load %arg11[%swap3A_131, %swap3A_132] {strides = array<i32>} : memref<128x128xf32, #tpu.memory_space<vmem>>, vector<1x16xf32>,
      %swap3A_134 = vector.shape_cast %swap3A_133 : vector<1x16xf32> to vector<16xf32>
      %swap3A_135 = vector.shape_cast %broadcast_in_dim3A_129 : vector<16xf32> to vector<1x16xf32>
      tpu.vector_store %arg11[%swap3A_131, %swap3A_132], %swap3A_135 {strides = array<i32>} : memref<128x128xf32, #tpu.memory_space<vmem>>, vector<1x16xf32>,
      %broadcast_in_dim3A_136 = arith.constant 0.000000e+00 : f32
      %broadcast_in_dim3A_137 = vector.broadcast %broadcast_in_dim3A_136 : f32 to vector<16xf32>
      %swap3A_138 = arith.constant 0 : i32
      %swap3A_139 = arith.index_cast %swap3A_138 : i32 to index
      %swap3A_140 = arith.constant 48 : index
      %swap3A_141 = tpu.vector_load %arg11[%swap3A_139, %swap3A_140] {strides = array<i32>} : memref<128x128xf32, #tpu.memory_space<vmem>>, vector<1x16xf32>,
      %swap3A_142 = vector.shape_cast %swap3A_141 : vector<1x16xf32> to vector<16xf32>
      %swap3A_143 = vector.shape_cast %broadcast_in_dim3A_137 : vector<16xf32> to vector<1x16xf32>
      tpu.vector_store %arg11[%swap3A_139, %swap3A_140], %swap3A_143 {strides = array<i32>} : memref<128x128xf32, #tpu.memory_space<vmem>>, vector<1x16xf32>,
      %broadcast_in_dim3A_144 = arith.constant 0.000000e+00 : f32
      %broadcast_in_dim3A_145 = vector.broadcast %broadcast_in_dim3A_144 : f32 to vector<16xf32>
      %swap3A_146 = arith.constant 0 : i32
      %swap3A_147 = arith.index_cast %swap3A_146 : i32 to index
      %swap3A_148 = arith.constant 64 : index
      %swap3A_149 = tpu.vector_load %arg11[%swap3A_147, %swap3A_148] {strides = array<i32>} : memref<128x128xf32, #tpu.memory_space<vmem>>, vector<1x16xf32>,
      %swap3A_150 = vector.shape_cast %swap3A_149 : vector<1x16xf32> to vector<16xf32>
      %swap3A_151 = vector.shape_cast %broadcast_in_dim3A_145 : vector<16xf32> to vector<1x16xf32>
      tpu.vector_store %arg11[%swap3A_147, %swap3A_148], %swap3A_151 {strides = array<i32>} : memref<128x128xf32, #tpu.memory_space<vmem>>, vector<1x16xf32>,
      %broadcast_in_dim3A_152 = arith.constant 0.000000e+00 : f32
      %broadcast_in_dim3A_153 = vector.broadcast %broadcast_in_dim3A_152 : f32 to vector<16xf32>
      %swap3A_154 = arith.constant 0 : i32
      %swap3A_155 = arith.index_cast %swap3A_154 : i32 to index
      %swap3A_156 = arith.constant 80 : index
      %swap3A_157 = tpu.vector_load %arg11[%swap3A_155, %swap3A_156] {strides = array<i32>} : memref<128x128xf32, #tpu.memory_space<vmem>>, vector<1x16xf32>,
      %swap3A_158 = vector.shape_cast %swap3A_157 : vector<1x16xf32> to vector<16xf32>
      %swap3A_159 = vector.shape_cast %broadcast_in_dim3A_153 : vector<16xf32> to vector<1x16xf32>
      tpu.vector_store %arg11[%swap3A_155, %swap3A_156], %swap3A_159 {strides = array<i32>} : memref<128x128xf32, #tpu.memory_space<vmem>>, vector<1x16xf32>,
      %broadcast_in_dim3A_160 = arith.constant 0.000000e+00 : f32
      %broadcast_in_dim3A_161 = vector.broadcast %broadcast_in_dim3A_160 : f32 to vector<16xf32>
      %swap3A_162 = arith.constant 0 : i32
      %swap3A_163 = arith.index_cast %swap3A_162 : i32 to index
      %swap3A_164 = arith.constant 96 : index
      %swap3A_165 = tpu.vector_load %arg11[%swap3A_163, %swap3A_164] {strides = array<i32>} : memref<128x128xf32, #tpu.memory_space<vmem>>, vector<1x16xf32>,
      %swap3A_166 = vector.shape_cast %swap3A_165 : vector<1x16xf32> to vector<16xf32>
      %swap3A_167 = vector.shape_cast %broadcast_in_dim3A_161 : vector<16xf32> to vector<1x16xf32>
      tpu.vector_store %arg11[%swap3A_163, %swap3A_164], %swap3A_167 {strides = array<i32>} : memref<128x128xf32, #tpu.memory_space<vmem>>, vector<1x16xf32>,
      %broadcast_in_dim3A_168 = arith.constant 0.000000e+00 : f32
      %broadcast_in_dim3A_169 = vector.broadcast %broadcast_in_dim3A_168 : f32 to vector<16xf32>
      %swap3A_170 = arith.constant 0 : i32
      %swap3A_171 = arith.index_cast %swap3A_170 : i32 to index
      %swap3A_172 = arith.constant 112 : index
      %swap3A_173 = tpu.vector_load %arg11[%swap3A_171, %swap3A_172] {strides = array<i32>} : memref<128x128xf32, #tpu.memory_space<vmem>>, vector<1x16xf32>,
      %swap3A_174 = vector.shape_cast %swap3A_173 : vector<1x16xf32> to vector<16xf32>
      %swap3A_175 = vector.shape_cast %broadcast_in_dim3A_169 : vector<16xf32> to vector<1x16xf32>
      tpu.vector_store %arg11[%swap3A_171, %swap3A_172], %swap3A_175 {strides = array<i32>} : memref<128x128xf32, #tpu.memory_space<vmem>>, vector<1x16xf32>,
      %broadcast_in_dim3A_176 = arith.constant 0.000000e+00 : f32
      %broadcast_in_dim3A_177 = vector.broadcast %broadcast_in_dim3A_176 : f32 to vector<16xf32>
      %swap3A_178 = arith.constant 1 : i32
      %swap3A_179 = arith.index_cast %swap3A_178 : i32 to index
      %swap3A_180 = arith.constant 0 : index
      %swap3A_181 = tpu.vector_load %arg11[%swap3A_179, %swap3A_180] {strides = array<i32>} : memref<128x128xf32, #tpu.memory_space<vmem>>, vector<1x16xf32>,
      %swap3A_182 = vector.shape_cast %swap3A_181 : vector<1x16xf32> to vector<16xf32>
      %swap3A_183 = vector.shape_cast %broadcast_in_dim3A_177 : vector<16xf32> to vector<1x16xf32>
      tpu.vector_store %arg11[%swap3A_179, %swap3A_180], %swap3A_183 {strides = array<i32>} : memref<128x128xf32, #tpu.memory_space<vmem>>, vector<1x16xf32>,
      %broadcast_in_dim3A_184 = arith.constant 0.000000e+00 : f32
      %broadcast_in_dim3A_185 = vector.broadcast %broadcast_in_dim3A_184 : f32 to vector<16xf32>
      %swap3A_186 = arith.constant 1 : i32
      %swap3A_187 = arith.index_cast %swap3A_186 : i32 to index
      %swap3A_188 = arith.constant 16 : index
      %swap3A_189 = tpu.vector_load %arg11[%swap3A_187, %swap3A_188] {strides = array<i32>} : memref<128x128xf32, #tpu.memory_space<vmem>>, vector<1x16xf32>,
      %swap3A_190 = vector.shape_cast %swap3A_189 : vector<1x16xf32> to vector<16xf32>
      %swap3A_191 = vector.shape_cast %broadcast_in_dim3A_185 : vector<16xf32> to vector<1x16xf32>
      tpu.vector_store %arg11[%swap3A_187, %swap3A_188], %swap3A_191 {strides = array<i32>} : memref<128x128xf32, #tpu.memory_space<vmem>>, vector<1x16xf32>,
      %broadcast_in_dim3A_192 = arith.constant 0.000000e+00 : f32
      %broadcast_in_dim3A_193 = vector.broadcast %broadcast_in_dim3A_192 : f32 to vector<16xf32>
      %swap3A_194 = arith.constant 1 : i32
      %swap3A_195 = arith.index_cast %swap3A_194 : i32 to index
      %swap3A_196 = arith.constant 32 : index
      %swap3A_197 = tpu.vector_load %arg11[%swap3A_195, %swap3A_196] {strides = array<i32>} : memref<128x128xf32, #tpu.memory_space<vmem>>, vector<1x16xf32>,
      %swap3A_198 = vector.shape_cast %swap3A_197 : vector<1x16xf32> to vector<16xf32>
      %swap3A_199 = vector.shape_cast %broadcast_in_dim3A_193 : vector<16xf32> to vector<1x16xf32>
      tpu.vector_store %arg11[%swap3A_195, %swap3A_196], %swap3A_199 {strides = array<i32>} : memref<128x128xf32, #tpu.memory_space<vmem>>, vector<1x16xf32>,
      %broadcast_in_dim3A_200 = arith.constant 0.000000e+00 : f32
      %broadcast_in_dim3A_201 = vector.broadcast %broadcast_in_dim3A_200 : f32 to vector<16xf32>
      %swap3A_202 = arith.constant 1 : i32
      %swap3A_203 = arith.index_cast %swap3A_202 : i32 to index
      %swap3A_204 = arith.constant 48 : index
      %swap3A_205 = tpu.vector_load %arg11[%swap3A_203, %swap3A_204] {strides = array<i32>} : memref<128x128xf32, #tpu.memory_space<vmem>>, vector<1x16xf32>,
      %swap3A_206 = vector.shape_cast %swap3A_205 : vector<1x16xf32> to vector<16xf32>
      %swap3A_207 = vector.shape_cast %broadcast_in_dim3A_201 : vector<16xf32> to vector<1x16xf32>
      tpu.vector_store %arg11[%swap3A_203, %swap3A_204], %swap3A_207 {strides = array<i32>} : memref<128x128xf32, #tpu.memory_space<vmem>>, vector<1x16xf32>,
      %broadcast_in_dim3A_208 = arith.constant 0.000000e+00 : f32
      %broadcast_in_dim3A_209 = vector.broadcast %broadcast_in_dim3A_208 : f32 to vector<16xf32>
      %swap3A_210 = arith.constant 1 : i32
      %swap3A_211 = arith.index_cast %swap3A_210 : i32 to index
      %swap3A_212 = arith.constant 64 : index
      %swap3A_213 = tpu.vector_load %arg11[%swap3A_211, %swap3A_212] {strides = array<i32>} : memref<128x128xf32, #tpu.memory_space<vmem>>, vector<1x16xf32>,
      %swap3A_214 = vector.shape_cast %swap3A_213 : vector<1x16xf32> to vector<16xf32>
      %swap3A_215 = vector.shape_cast %broadcast_in_dim3A_209 : vector<16xf32> to vector<1x16xf32>
      tpu.vector_store %arg11[%swap3A_211, %swap3A_212], %swap3A_215 {strides = array<i32>} : memref<128x128xf32, #tpu.memory_space<vmem>>, vector<1x16xf32>,
      %broadcast_in_dim3A_216 = arith.constant 0.000000e+00 : f32
      %broadcast_in_dim3A_217 = vector.broadcast %broadcast_in_dim3A_216 : f32 to vector<16xf32>
      %swap3A_218 = arith.constant 1 : i32
      %swap3A_219 = arith.index_cast %swap3A_218 : i32 to index
      %swap3A_220 = arith.constant 80 : index
      %swap3A_221 = tpu.vector_load %arg11[%swap3A_219, %swap3A_220] {strides = array<i32>} : memref<128x128xf32, #tpu.memory_space<vmem>>, vector<1x16xf32>,
      %swap3A_222 = vector.shape_cast %swap3A_221 : vector<1x16xf32> to vector<16xf32>
      %swap3A_223 = vector.shape_cast %broadcast_in_dim3A_217 : vector<16xf32> to vector<1x16xf32>
      tpu.vector_store %arg11[%swap3A_219, %swap3A_220], %swap3A_223 {strides = array<i32>} : memref<128x128xf32, #tpu.memory_space<vmem>>, vector<1x16xf32>,
      %broadcast_in_dim3A_224 = arith.constant 0.000000e+00 : f32
      %broadcast_in_dim3A_225 = vector.broadcast %broadcast_in_dim3A_224 : f32 to vector<16xf32>
      %swap3A_226 = arith.constant 1 : i32
      %swap3A_227 = arith.index_cast %swap3A_226 : i32 to index
      %swap3A_228 = arith.constant 96 : index
      %swap3A_229 = tpu.vector_load %arg11[%swap3A_227, %swap3A_228] {strides = array<i32>} : memref<128x128xf32, #tpu.memory_space<vmem>>, vector<1x16xf32>,
      %swap3A_230 = vector.shape_cast %swap3A_229 : vector<1x16xf32> to vector<16xf32>
      %swap3A_231 = vector.shape_cast %broadcast_in_dim3A_225 : vector<16xf32> to vector<1x16xf32>
      tpu.vector_store %arg11[%swap3A_227, %swap3A_228], %swap3A_231 {strides = array<i32>} : memref<128x128xf32, #tpu.memory_space<vmem>>, vector<1x16xf32>,
      %broadcast_in_dim3A_232 = arith.constant 0.000000e+00 : f32
      %broadcast_in_dim3A_233 = vector.broadcast %broadcast_in_dim3A_232 : f32 to vector<16xf32>
      %swap3A_234 = arith.constant 1 : i32
      %swap3A_235 = arith.index_cast %swap3A_234 : i32 to index
      %swap3A_236 = arith.constant 112 : index
      %swap3A_237 = tpu.vector_load %arg11[%swap3A_235, %swap3A_236] {strides = array<i32>} : memref<128x128xf32, #tpu.memory_space<vmem>>, vector<1x16xf32>,
      %swap3A_238 = vector.shape_cast %swap3A_237 : vector<1x16xf32> to vector<16xf32>
      %swap3A_239 = vector.shape_cast %broadcast_in_dim3A_233 : vector<16xf32> to vector<1x16xf32>
      tpu.vector_store %arg11[%swap3A_235, %swap3A_236], %swap3A_239 {strides = array<i32>} : memref<128x128xf32, #tpu.memory_space<vmem>>, vector<1x16xf32>,
      %broadcast_in_dim3A_240 = arith.constant 0.000000e+00 : f32
      %broadcast_in_dim3A_241 = vector.broadcast %broadcast_in_dim3A_240 : f32 to vector<16xf32>
      %swap3A_242 = arith.constant 2 : i32
      %swap3A_243 = arith.index_cast %swap3A_242 : i32 to index
      %swap3A_244 = arith.constant 0 : index
      %swap3A_245 = tpu.vector_load %arg11[%swap3A_243, %swap3A_244] {strides = array<i32>} : memref<128x128xf32, #tpu.memory_space<vmem>>, vector<1x16xf32>,
      %swap3A_246 = vector.shape_cast %swap3A_245 : vector<1x16xf32> to vector<16xf32>
      %swap3A_247 = vector.shape_cast %broadcast_in_dim3A_241 : vector<16xf32> to vector<1x16xf32>
      tpu.vector_store %arg11[%swap3A_243, %swap3A_244], %swap3A_247 {strides = array<i32>} : memref<128x128xf32, #tpu.memory_space<vmem>>, vector<1x16xf32>,
      %broadcast_in_dim3A_248 = arith.constant 0.000000e+00 : f32
      %broadcast_in_dim3A_249 = vector.broadcast %broadcast_in_dim3A_248 : f32 to vector<16xf32>
      %swap3A_250 = arith.constant 2 : i32
      %swap3A_251 = arith.index_cast %swap3A_250 : i32 to index
      %swap3A_252 = arith.constant 16 : index
      %swap3A_253 = tpu.vector_load %arg11[%swap3A_251, %swap3A_252] {strides = array<i32>} : memref<128x128xf32, #tpu.memory_space<vmem>>, vector<1x16xf32>,
      %swap3A_254 = vector.shape_cast %swap3A_253 : vector<1x16xf32> to vector<16xf32>
      %swap3A_255 = vector.shape_cast %broadcast_in_dim3A_249 : vector<16xf32> to vector<1x16xf32>
      tpu.vector_store %arg11[%swap3A_251, %swap3A_252], %swap3A_255 {strides = array<i32>} : memref<128x128xf32, #tpu.memory_space<vmem>>, vector<1x16xf32>,
      %broadcast_in_dim3A_256 = arith.constant 0.000000e+00 : f32
      %broadcast_in_dim3A_257 = vector.broadcast %broadcast_in_dim3A_256 : f32 to vector<16xf32>
      %swap3A_258 = arith.constant 2 : i32
      %swap3A_259 = arith.index_cast %swap3A_258 : i32 to index
      %swap3A_260 = arith.constant 32 : index
      %swap3A_261 = tpu.vector_load %arg11[%swap3A_259, %swap3A_260] {strides = array<i32>} : memref<128x128xf32, #tpu.memory_space<vmem>>, vector<1x16xf32>,
      %swap3A_262 = vector.shape_cast %swap3A_261 : vector<1x16xf32> to vector<16xf32>
      %swap3A_263 = vector.shape_cast %broadcast_in_dim3A_257 : vector<16xf32> to vector<1x16xf32>
      tpu.vector_store %arg11[%swap3A_259, %swap3A_260], %swap3A_263 {strides = array<i32>} : memref<128x128xf32, #tpu.memory_space<vmem>>, vector<1x16xf32>,
      %broadcast_in_dim3A_264 = arith.constant 0.000000e+00 : f32
      %broadcast_in_dim3A_265 = vector.broadcast %broadcast_in_dim3A_264 : f32 to vector<16xf32>
      %swap3A_266 = arith.constant 2 : i32
      %swap3A_267 = arith.index_cast %swap3A_266 : i32 to index
      %swap3A_268 = arith.constant 48 : index
      %swap3A_269 = tpu.vector_load %arg11[%swap3A_267, %swap3A_268] {strides = array<i32>} : memref<128x128xf32, #tpu.memory_space<vmem>>, vector<1x16xf32>,
      %swap3A_270 = vector.shape_cast %swap3A_269 : vector<1x16xf32> to vector<16xf32>
      %swap3A_271 = vector.shape_cast %broadcast_in_dim3A_265 : vector<16xf32> to vector<1x16xf32>
      tpu.vector_store %arg11[%swap3A_267, %swap3A_268], %swap3A_271 {strides = array<i32>} : memref<128x128xf32, #tpu.memory_space<vmem>>, vector<1x16xf32>,
      %broadcast_in_dim3A_272 = arith.constant 0.000000e+00 : f32
      %broadcast_in_dim3A_273 = vector.broadcast %broadcast_in_dim3A_272 : f32 to vector<16xf32>
      %swap3A_274 = arith.constant 2 : i32
      %swap3A_275 = arith.index_cast %swap3A_274 : i32 to index
      %swap3A_276 = arith.constant 64 : index
      %swap3A_277 = tpu.vector_load %arg11[%swap3A_275, %swap3A_276] {strides = array<i32>} : memref<128x128xf32, #tpu.memory_space<vmem>>, vector<1x16xf32>,
      %swap3A_278 = vector.shape_cast %swap3A_277 : vector<1x16xf32> to vector<16xf32>
      %swap3A_279 = vector.shape_cast %broadcast_in_dim3A_273 : vector<16xf32> to vector<1x16xf32>
      tpu.vector_store %arg11[%swap3A_275, %swap3A_276], %swap3A_279 {strides = array<i32>} : memref<128x128xf32, #tpu.memory_space<vmem>>, vector<1x16xf32>,
      %broadcast_in_dim3A_280 = arith.constant 0.000000e+00 : f32
      %broadcast_in_dim3A_281 = vector.broadcast %broadcast_in_dim3A_280 : f32 to vector<16xf32>
      %swap3A_282 = arith.constant 2 : i32
      %swap3A_283 = arith.index_cast %swap3A_282 : i32 to index
      %swap3A_284 = arith.constant 80 : index
      %swap3A_285 = tpu.vector_load %arg11[%swap3A_283, %swap3A_284] {strides = array<i32>} : memref<128x128xf32, #tpu.memory_space<vmem>>, vector<1x16xf32>,
      %swap3A_286 = vector.shape_cast %swap3A_285 : vector<1x16xf32> to vector<16xf32>
      %swap3A_287 = vector.shape_cast %broadcast_in_dim3A_281 : vector<16xf32> to vector<1x16xf32>
      tpu.vector_store %arg11[%swap3A_283, %swap3A_284], %swap3A_287 {strides = array<i32>} : memref<128x128xf32, #tpu.memory_space<vmem>>, vector<1x16xf32>,
      %broadcast_in_dim3A_288 = arith.constant 0.000000e+00 : f32
      %broadcast_in_dim3A_289 = vector.broadcast %broadcast_in_dim3A_288 : f32 to vector<16xf32>
      %swap3A_290 = arith.constant 2 : i32
      %swap3A_291 = arith.index_cast %swap3A_290 : i32 to index
      %swap3A_292 = arith.constant 96 : index
      %swap3A_293 = tpu.vector_load %arg11[%swap3A_291, %swap3A_292] {strides = array<i32>} : memref<128x128xf32, #tpu.memory_space<vmem>>, vector<1x16xf32>,
      %swap3A_294 = vector.shape_cast %swap3A_293 : vector<1x16xf32> to vector<16xf32>
      %swap3A_295 = vector.shape_cast %broadcast_in_dim3A_289 : vector<16xf32> to vector<1x16xf32>
      tpu.vector_store %arg11[%swap3A_291, %swap3A_292], %swap3A_295 {strides = array<i32>} : memref<128x128xf32, #tpu.memory_space<vmem>>, vector<1x16xf32>,
      %broadcast_in_dim3A_296 = arith.constant 0.000000e+00 : f32
      %broadcast_in_dim3A_297 = vector.broadcast %broadcast_in_dim3A_296 : f32 to vector<16xf32>
      %swap3A_298 = arith.constant 2 : i32
      %swap3A_299 = arith.index_cast %swap3A_298 : i32 to index
      %swap3A_300 = arith.constant 112 : index
      %swap3A_301 = tpu.vector_load %arg11[%swap3A_299, %swap3A_300] {strides = array<i32>} : memref<128x128xf32, #tpu.memory_space<vmem>>, vector<1x16xf32>,
      %swap3A_302 = vector.shape_cast %swap3A_301 : vector<1x16xf32> to vector<16xf32>
      %swap3A_303 = vector.shape_cast %broadcast_in_dim3A_297 : vector<16xf32> to vector<1x16xf32>
      tpu.vector_store %arg11[%swap3A_299, %swap3A_300], %swap3A_303 {strides = array<i32>} : memref<128x128xf32, #tpu.memory_space<vmem>>, vector<1x16xf32>,
      %broadcast_in_dim3A_304 = arith.constant 0.000000e+00 : f32
      %broadcast_in_dim3A_305 = vector.broadcast %broadcast_in_dim3A_304 : f32 to vector<16xf32>
      %swap3A_306 = arith.constant 3 : i32
      %swap3A_307 = arith.index_cast %swap3A_306 : i32 to index
      %swap3A_308 = arith.constant 0 : index
      %swap3A_309 = tpu.vector_load %arg11[%swap3A_307, %swap3A_308] {strides = array<i32>} : memref<128x128xf32, #tpu.memory_space<vmem>>, vector<1x16xf32>,
      %swap3A_310 = vector.shape_cast %swap3A_309 : vector<1x16xf32> to vector<16xf32>
      %swap3A_311 = vector.shape_cast %broadcast_in_dim3A_305 : vector<16xf32> to vector<1x16xf32>
      tpu.vector_store %arg11[%swap3A_307, %swap3A_308], %swap3A_311 {strides = array<i32>} : memref<128x128xf32, #tpu.memory_space<vmem>>, vector<1x16xf32>,
      %broadcast_in_dim3A_312 = arith.constant 0.000000e+00 : f32
      %broadcast_in_dim3A_313 = vector.broadcast %broadcast_in_dim3A_312 : f32 to vector<16xf32>
      %swap3A_314 = arith.constant 3 : i32
      %swap3A_315 = arith.index_cast %swap3A_314 : i32 to index
      %swap3A_316 = arith.constant 16 : index
      %swap3A_317 = tpu.vector_load %arg11[%swap3A_315, %swap3A_316] {strides = array<i32>} : memref<128x128xf32, #tpu.memory_space<vmem>>, vector<1x16xf32>,
      %swap3A_318 = vector.shape_cast %swap3A_317 : vector<1x16xf32> to vector<16xf32>
      %swap3A_319 = vector.shape_cast %broadcast_in_dim3A_313 : vector<16xf32> to vector<1x16xf32>
      tpu.vector_store %arg11[%swap3A_315, %swap3A_316], %swap3A_319 {strides = array<i32>} : memref<128x128xf32, #tpu.memory_space<vmem>>, vector<1x16xf32>,
      %broadcast_in_dim3A_320 = arith.constant 0.000000e+00 : f32
      %broadcast_in_dim3A_321 = vector.broadcast %broadcast_in_dim3A_320 : f32 to vector<16xf32>
      %swap3A_322 = arith.constant 3 : i32
      %swap3A_323 = arith.index_cast %swap3A_322 : i32 to index
      %swap3A_324 = arith.constant 32 : index
      %swap3A_325 = tpu.vector_load %arg11[%swap3A_323, %swap3A_324] {strides = array<i32>} : memref<128x128xf32, #tpu.memory_space<vmem>>, vector<1x16xf32>,
      %swap3A_326 = vector.shape_cast %swap3A_325 : vector<1x16xf32> to vector<16xf32>
      %swap3A_327 = vector.shape_cast %broadcast_in_dim3A_321 : vector<16xf32> to vector<1x16xf32>
      tpu.vector_store %arg11[%swap3A_323, %swap3A_324], %swap3A_327 {strides = array<i32>} : memref<128x128xf32, #tpu.memory_space<vmem>>, vector<1x16xf32>,
      %broadcast_in_dim3A_328 = arith.constant 0.000000e+00 : f32
      %broadcast_in_dim3A_329 = vector.broadcast %broadcast_in_dim3A_328 : f32 to vector<16xf32>
      %swap3A_330 = arith.constant 3 : i32
      %swap3A_331 = arith.index_cast %swap3A_330 : i32 to index
      %swap3A_332 = arith.constant 48 : index
      %swap3A_333 = tpu.vector_load %arg11[%swap3A_331, %swap3A_332] {strides = array<i32>} : memref<128x128xf32, #tpu.memory_space<vmem>>, vector<1x16xf32>,
      %swap3A_334 = vector.shape_cast %swap3A_333 : vector<1x16xf32> to vector<16xf32>
      %swap3A_335 = vector.shape_cast %broadcast_in_dim3A_329 : vector<16xf32> to vector<1x16xf32>
      tpu.vector_store %arg11[%swap3A_331, %swap3A_332], %swap3A_335 {strides = array<i32>} : memref<128x128xf32, #tpu.memory_space<vmem>>, vector<1x16xf32>,
      %broadcast_in_dim3A_336 = arith.constant 0.000000e+00 : f32
      %broadcast_in_dim3A_337 = vector.broadcast %broadcast_in_dim3A_336 : f32 to vector<16xf32>
      %swap3A_338 = arith.constant 3 : i32
      %swap3A_339 = arith.index_cast %swap3A_338 : i32 to index
      %swap3A_340 = arith.constant 64 : index
      %swap3A_341 = tpu.vector_load %arg11[%swap3A_339, %swap3A_340] {strides = array<i32>} : memref<128x128xf32, #tpu.memory_space<vmem>>, vector<1x16xf32>,
      %swap3A_342 = vector.shape_cast %swap3A_341 : vector<1x16xf32> to vector<16xf32>
      %swap3A_343 = vector.shape_cast %broadcast_in_dim3A_337 : vector<16xf32> to vector<1x16xf32>
      tpu.vector_store %arg11[%swap3A_339, %swap3A_340], %swap3A_343 {strides = array<i32>} : memref<128x128xf32, #tpu.memory_space<vmem>>, vector<1x16xf32>,
      %broadcast_in_dim3A_344 = arith.constant 0.000000e+00 : f32
      %broadcast_in_dim3A_345 = vector.broadcast %broadcast_in_dim3A_344 : f32 to vector<16xf32>
      %swap3A_346 = arith.constant 3 : i32
      %swap3A_347 = arith.index_cast %swap3A_346 : i32 to index
      %swap3A_348 = arith.constant 80 : index
      %swap3A_349 = tpu.vector_load %arg11[%swap3A_347, %swap3A_348] {strides = array<i32>} : memref<128x128xf32, #tpu.memory_space<vmem>>, vector<1x16xf32>,
      %swap3A_350 = vector.shape_cast %swap3A_349 : vector<1x16xf32> to vector<16xf32>
      %swap3A_351 = vector.shape_cast %broadcast_in_dim3A_345 : vector<16xf32> to vector<1x16xf32>
      tpu.vector_store %arg11[%swap3A_347, %swap3A_348], %swap3A_351 {strides = array<i32>} : memref<128x128xf32, #tpu.memory_space<vmem>>, vector<1x16xf32>,
      %broadcast_in_dim3A_352 = arith.constant 0.000000e+00 : f32
      %broadcast_in_dim3A_353 = vector.broadcast %broadcast_in_dim3A_352 : f32 to vector<16xf32>
      %swap3A_354 = arith.constant 3 : i32
      %swap3A_355 = arith.index_cast %swap3A_354 : i32 to index
      %swap3A_356 = arith.constant 96 : index
      %swap3A_357 = tpu.vector_load %arg11[%swap3A_355, %swap3A_356] {strides = array<i32>} : memref<128x128xf32, #tpu.memory_space<vmem>>, vector<1x16xf32>,
      %swap3A_358 = vector.shape_cast %swap3A_357 : vector<1x16xf32> to vector<16xf32>
      %swap3A_359 = vector.shape_cast %broadcast_in_dim3A_353 : vector<16xf32> to vector<1x16xf32>
      tpu.vector_store %arg11[%swap3A_355, %swap3A_356], %swap3A_359 {strides = array<i32>} : memref<128x128xf32, #tpu.memory_space<vmem>>, vector<1x16xf32>,
      %broadcast_in_dim3A_360 = arith.constant 0.000000e+00 : f32
      %broadcast_in_dim3A_361 = vector.broadcast %broadcast_in_dim3A_360 : f32 to vector<16xf32>
      %swap3A_362 = arith.constant 3 : i32
      %swap3A_363 = arith.index_cast %swap3A_362 : i32 to index
      %swap3A_364 = arith.constant 112 : index
      %swap3A_365 = tpu.vector_load %arg11[%swap3A_363, %swap3A_364] {strides = array<i32>} : memref<128x128xf32, #tpu.memory_space<vmem>>, vector<1x16xf32>,
      %swap3A_366 = vector.shape_cast %swap3A_365 : vector<1x16xf32> to vector<16xf32>
      %swap3A_367 = vector.shape_cast %broadcast_in_dim3A_361 : vector<16xf32> to vector<1x16xf32>
      tpu.vector_store %arg11[%swap3A_363, %swap3A_364], %swap3A_367 {strides = array<i32>} : memref<128x128xf32, #tpu.memory_space<vmem>>, vector<1x16xf32>,
      %broadcast_in_dim3A_368 = arith.constant 0.000000e+00 : f32
      %broadcast_in_dim3A_369 = vector.broadcast %broadcast_in_dim3A_368 : f32 to vector<16xf32>
      %swap3A_370 = arith.constant 4 : i32
      %swap3A_371 = arith.index_cast %swap3A_370 : i32 to index
      %swap3A_372 = arith.constant 0 : index
      %swap3A_373 = tpu.vector_load %arg11[%swap3A_371, %swap3A_372] {strides = array<i32>} : memref<128x128xf32, #tpu.memory_space<vmem>>, vector<1x16xf32>,
      %swap3A_374 = vector.shape_cast %swap3A_373 : vector<1x16xf32> to vector<16xf32>
      %swap3A_375 = vector.shape_cast %broadcast_in_dim3A_369 : vector<16xf32> to vector<1x16xf32>
      tpu.vector_store %arg11[%swap3A_371, %swap3A_372], %swap3A_375 {strides = array<i32>} : memref<128x128xf32, #tpu.memory_space<vmem>>, vector<1x16xf32>,
      %broadcast_in_dim3A_376 = arith.constant 0.000000e+00 : f32
      %broadcast_in_dim3A_377 = vector.broadcast %broadcast_in_dim3A_376 : f32 to vector<16xf32>
      %swap3A_378 = arith.constant 4 : i32
      %swap3A_379 = arith.index_cast %swap3A_378 : i32 to index
      %swap3A_380 = arith.constant 16 : index
      %swap3A_381 = tpu.vector_load %arg11[%swap3A_379, %swap3A_380] {strides = array<i32>} : memref<128x128xf32, #tpu.memory_space<vmem>>, vector<1x16xf32>,
      %swap3A_382 = vector.shape_cast %swap3A_381 : vector<1x16xf32> to vector<16xf32>
      %swap3A_383 = vector.shape_cast %broadcast_in_dim3A_377 : vector<16xf32> to vector<1x16xf32>
      tpu.vector_store %arg11[%swap3A_379, %swap3A_380], %swap3A_383 {strides = array<i32>} : memref<128x128xf32, #tpu.memory_space<vmem>>, vector<1x16xf32>,
      %broadcast_in_dim3A_384 = arith.constant 0.000000e+00 : f32
      %broadcast_in_dim3A_385 = vector.broadcast %broadcast_in_dim3A_384 : f32 to vector<16xf32>
      %swap3A_386 = arith.constant 4 : i32
      %swap3A_387 = arith.index_cast %swap3A_386 : i32 to index
      %swap3A_388 = arith.constant 32 : index
      %swap3A_389 = tpu.vector_load %arg11[%swap3A_387, %swap3A_388] {strides = array<i32>} : memref<128x128xf32, #tpu.memory_space<vmem>>, vector<1x16xf32>,
      %swap3A_390 = vector.shape_cast %swap3A_389 : vector<1x16xf32> to vector<16xf32>
      %swap3A_391 = vector.shape_cast %broadcast_in_dim3A_385 : vector<16xf32> to vector<1x16xf32>
      tpu.vector_store %arg11[%swap3A_387, %swap3A_388], %swap3A_391 {strides = array<i32>} : memref<128x128xf32, #tpu.memory_space<vmem>>, vector<1x16xf32>,
      %broadcast_in_dim3A_392 = arith.constant 0.000000e+00 : f32
      %broadcast_in_dim3A_393 = vector.broadcast %broadcast_in_dim3A_392 : f32 to vector<16xf32>
      %swap3A_394 = arith.constant 4 : i32
      %swap3A_395 = arith.index_cast %swap3A_394 : i32 to index
      %swap3A_396 = arith.constant 48 : index
      %swap3A_397 = tpu.vector_load %arg11[%swap3A_395, %swap3A_396] {strides = array<i32>} : memref<128x128xf32, #tpu.memory_space<vmem>>, vector<1x16xf32>,
      %swap3A_398 = vector.shape_cast %swap3A_397 : vector<1x16xf32> to vector<16xf32>
      %swap3A_399 = vector.shape_cast %broadcast_in_dim3A_393 : vector<16xf32> to vector<1x16xf32>
      tpu.vector_store %arg11[%swap3A_395, %swap3A_396], %swap3A_399 {strides = array<i32>} : memref<128x128xf32, #tpu.memory_space<vmem>>, vector<1x16xf32>,
      %broadcast_in_dim3A_400 = arith.constant 0.000000e+00 : f32
      %broadcast_in_dim3A_401 = vector.broadcast %broadcast_in_dim3A_400 : f32 to vector<16xf32>
      %swap3A_402 = arith.constant 4 : i32
      %swap3A_403 = arith.index_cast %swap3A_402 : i32 to index
      %swap3A_404 = arith.constant 64 : index
      %swap3A_405 = tpu.vector_load %arg11[%swap3A_403, %swap3A_404] {strides = array<i32>} : memref<128x128xf32, #tpu.memory_space<vmem>>, vector<1x16xf32>,
      %swap3A_406 = vector.shape_cast %swap3A_405 : vector<1x16xf32> to vector<16xf32>
      %swap3A_407 = vector.shape_cast %broadcast_in_dim3A_401 : vector<16xf32> to vector<1x16xf32>
      tpu.vector_store %arg11[%swap3A_403, %swap3A_404], %swap3A_407 {strides = array<i32>} : memref<128x128xf32, #tpu.memory_space<vmem>>, vector<1x16xf32>,
      %broadcast_in_dim3A_408 = arith.constant 0.000000e+00 : f32
      %broadcast_in_dim3A_409 = vector.broadcast %broadcast_in_dim3A_408 : f32 to vector<16xf32>
      %swap3A_410 = arith.constant 4 : i32
      %swap3A_411 = arith.index_cast %swap3A_410 : i32 to index
      %swap3A_412 = arith.constant 80 : index
      %swap3A_413 = tpu.vector_load %arg11[%swap3A_411, %swap3A_412] {strides = array<i32>} : memref<128x128xf32, #tpu.memory_space<vmem>>, vector<1x16xf32>,
      %swap3A_414 = vector.shape_cast %swap3A_413 : vector<1x16xf32> to vector<16xf32>
      %swap3A_415 = vector.shape_cast %broadcast_in_dim3A_409 : vector<16xf32> to vector<1x16xf32>
      tpu.vector_store %arg11[%swap3A_411, %swap3A_412], %swap3A_415 {strides = array<i32>} : memref<128x128xf32, #tpu.memory_space<vmem>>, vector<1x16xf32>,
      %broadcast_in_dim3A_416 = arith.constant 0.000000e+00 : f32
      %broadcast_in_dim3A_417 = vector.broadcast %broadcast_in_dim3A_416 : f32 to vector<16xf32>
      %swap3A_418 = arith.constant 4 : i32
      %swap3A_419 = arith.index_cast %swap3A_418 : i32 to index
      %swap3A_420 = arith.constant 96 : index
      %swap3A_421 = tpu.vector_load %arg11[%swap3A_419, %swap3A_420] {strides = array<i32>} : memref<128x128xf32, #tpu.memory_space<vmem>>, vector<1x16xf32>,
      %swap3A_422 = vector.shape_cast %swap3A_421 : vector<1x16xf32> to vector<16xf32>
      %swap3A_423 = vector.shape_cast %broadcast_in_dim3A_417 : vector<16xf32> to vector<1x16xf32>
      tpu.vector_store %arg11[%swap3A_419, %swap3A_420], %swap3A_423 {strides = array<i32>} : memref<128x128xf32, #tpu.memory_space<vmem>>, vector<1x16xf32>,
      %broadcast_in_dim3A_424 = arith.constant 0.000000e+00 : f32
      %broadcast_in_dim3A_425 = vector.broadcast %broadcast_in_dim3A_424 : f32 to vector<16xf32>
      %swap3A_426 = arith.constant 4 : i32
      %swap3A_427 = arith.index_cast %swap3A_426 : i32 to index
      %swap3A_428 = arith.constant 112 : index
      %swap3A_429 = tpu.vector_load %arg11[%swap3A_427, %swap3A_428] {strides = array<i32>} : memref<128x128xf32, #tpu.memory_space<vmem>>, vector<1x16xf32>,
      %swap3A_430 = vector.shape_cast %swap3A_429 : vector<1x16xf32> to vector<16xf32>
      %swap3A_431 = vector.shape_cast %broadcast_in_dim3A_425 : vector<16xf32> to vector<1x16xf32>
      tpu.vector_store %arg11[%swap3A_427, %swap3A_428], %swap3A_431 {strides = array<i32>} : memref<128x128xf32, #tpu.memory_space<vmem>>, vector<1x16xf32>,
      %broadcast_in_dim3A_432 = arith.constant 0.000000e+00 : f32
      %broadcast_in_dim3A_433 = vector.broadcast %broadcast_in_dim3A_432 : f32 to vector<16xf32>
      %swap3A_434 = arith.constant 5 : i32
      %swap3A_435 = arith.index_cast %swap3A_434 : i32 to index
      %swap3A_436 = arith.constant 0 : index
      %swap3A_437 = tpu.vector_load %arg11[%swap3A_435, %swap3A_436] {strides = array<i32>} : memref<128x128xf32, #tpu.memory_space<vmem>>, vector<1x16xf32>,
      %swap3A_438 = vector.shape_cast %swap3A_437 : vector<1x16xf32> to vector<16xf32>
      %swap3A_439 = vector.shape_cast %broadcast_in_dim3A_433 : vector<16xf32> to vector<1x16xf32>
      tpu.vector_store %arg11[%swap3A_435, %swap3A_436], %swap3A_439 {strides = array<i32>} : memref<128x128xf32, #tpu.memory_space<vmem>>, vector<1x16xf32>,
      %broadcast_in_dim3A_440 = arith.constant 0.000000e+00 : f32
      %broadcast_in_dim3A_441 = vector.broadcast %broadcast_in_dim3A_440 : f32 to vector<16xf32>
      %swap3A_442 = arith.constant 5 : i32
      %swap3A_443 = arith.index_cast %swap3A_442 : i32 to index
      %swap3A_444 = arith.constant 16 : index
      %swap3A_445 = tpu.vector_load %arg11[%swap3A_443, %swap3A_444] {strides = array<i32>} : memref<128x128xf32, #tpu.memory_space<vmem>>, vector<1x16xf32>,
      %swap3A_446 = vector.shape_cast %swap3A_445 : vector<1x16xf32> to vector<16xf32>
      %swap3A_447 = vector.shape_cast %broadcast_in_dim3A_441 : vector<16xf32> to vector<1x16xf32>
      tpu.vector_store %arg11[%swap3A_443, %swap3A_444], %swap3A_447 {strides = array<i32>} : memref<128x128xf32, #tpu.memory_space<vmem>>, vector<1x16xf32>,
      %broadcast_in_dim3A_448 = arith.constant 0.000000e+00 : f32
      %broadcast_in_dim3A_449 = vector.broadcast %broadcast_in_dim3A_448 : f32 to vector<16xf32>
      %swap3A_450 = arith.constant 5 : i32
      %swap3A_451 = arith.index_cast %swap3A_450 : i32 to index
      %swap3A_452 = arith.constant 32 : index
      %swap3A_453 = tpu.vector_load %arg11[%swap3A_451, %swap3A_452] {strides = array<i32>} : memref<128x128xf32, #tpu.memory_space<vmem>>, vector<1x16xf32>,
      %swap3A_454 = vector.shape_cast %swap3A_453 : vector<1x16xf32> to vector<16xf32>
      %swap3A_455 = vector.shape_cast %broadcast_in_dim3A_449 : vector<16xf32> to vector<1x16xf32>
      tpu.vector_store %arg11[%swap3A_451, %swap3A_452], %swap3A_455 {strides = array<i32>} : memref<128x128xf32, #tpu.memory_space<vmem>>, vector<1x16xf32>,
      %broadcast_in_dim3A_456 = arith.constant 0.000000e+00 : f32
      %broadcast_in_dim3A_457 = vector.broadcast %broadcast_in_dim3A_456 : f32 to vector<16xf32>
      %swap3A_458 = arith.constant 5 : i32
      %swap3A_459 = arith.index_cast %swap3A_458 : i32 to index
      %swap3A_460 = arith.constant 48 : index
      %swap3A_461 = tpu.vector_load %arg11[%swap3A_459, %swap3A_460] {strides = array<i32>} : memref<128x128xf32, #tpu.memory_space<vmem>>, vector<1x16xf32>,
      %swap3A_462 = vector.shape_cast %swap3A_461 : vector<1x16xf32> to vector<16xf32>
      %swap3A_463 = vector.shape_cast %broadcast_in_dim3A_457 : vector<16xf32> to vector<1x16xf32>
      tpu.vector_store %arg11[%swap3A_459, %swap3A_460], %swap3A_463 {strides = array<i32>} : memref<128x128xf32, #tpu.memory_space<vmem>>, vector<1x16xf32>,
      %broadcast_in_dim3A_464 = arith.constant 0.000000e+00 : f32
      %broadcast_in_dim3A_465 = vector.broadcast %broadcast_in_dim3A_464 : f32 to vector<16xf32>
      %swap3A_466 = arith.constant 5 : i32
      %swap3A_467 = arith.index_cast %swap3A_466 : i32 to index
      %swap3A_468 = arith.constant 64 : index
      %swap3A_469 = tpu.vector_load %arg11[%swap3A_467, %swap3A_468] {strides = array<i32>} : memref<128x128xf32, #tpu.memory_space<vmem>>, vector<1x16xf32>,
      %swap3A_470 = vector.shape_cast %swap3A_469 : vector<1x16xf32> to vector<16xf32>
      %swap3A_471 = vector.shape_cast %broadcast_in_dim3A_465 : vector<16xf32> to vector<1x16xf32>
      tpu.vector_store %arg11[%swap3A_467, %swap3A_468], %swap3A_471 {strides = array<i32>} : memref<128x128xf32, #tpu.memory_space<vmem>>, vector<1x16xf32>,
      %broadcast_in_dim3A_472 = arith.constant 0.000000e+00 : f32
      %broadcast_in_dim3A_473 = vector.broadcast %broadcast_in_dim3A_472 : f32 to vector<16xf32>
      %swap3A_474 = arith.constant 5 : i32
      %swap3A_475 = arith.index_cast %swap3A_474 : i32 to index
      %swap3A_476 = arith.constant 80 : index
      %swap3A_477 = tpu.vector_load %arg11[%swap3A_475, %swap3A_476] {strides = array<i32>} : memref<128x128xf32, #tpu.memory_space<vmem>>, vector<1x16xf32>,
      %swap3A_478 = vector.shape_cast %swap3A_477 : vector<1x16xf32> to vector<16xf32>
      %swap3A_479 = vector.shape_cast %broadcast_in_dim3A_473 : vector<16xf32> to vector<1x16xf32>
      tpu.vector_store %arg11[%swap3A_475, %swap3A_476], %swap3A_479 {strides = array<i32>} : memref<128x128xf32, #tpu.memory_space<vmem>>, vector<1x16xf32>,
      %broadcast_in_dim3A_480 = arith.constant 0.000000e+00 : f32
      %broadcast_in_dim3A_481 = vector.broadcast %broadcast_in_dim3A_480 : f32 to vector<16xf32>
      %swap3A_482 = arith.constant 5 : i32
      %swap3A_483 = arith.index_cast %swap3A_482 : i32 to index
      %swap3A_484 = arith.constant 96 : index
      %swap3A_485 = tpu.vector_load %arg11[%swap3A_483, %swap3A_484] {strides = array<i32>} : memref<128x128xf32, #tpu.memory_space<vmem>>, vector<1x16xf32>,
      %swap3A_486 = vector.shape_cast %swap3A_485 : vector<1x16xf32> to vector<16xf32>
      %swap3A_487 = vector.shape_cast %broadcast_in_dim3A_481 : vector<16xf32> to vector<1x16xf32>
      tpu.vector_store %arg11[%swap3A_483, %swap3A_484], %swap3A_487 {strides = array<i32>} : memref<128x128xf32, #tpu.memory_space<vmem>>, vector<1x16xf32>,
      %broadcast_in_dim3A_488 = arith.constant 0.000000e+00 : f32
      %broadcast_in_dim3A_489 = vector.broadcast %broadcast_in_dim3A_488 : f32 to vector<16xf32>
      %swap3A_490 = arith.constant 5 : i32
      %swap3A_491 = arith.index_cast %swap3A_490 : i32 to index
      %swap3A_492 = arith.constant 112 : index
      %swap3A_493 = tpu.vector_load %arg11[%swap3A_491, %swap3A_492] {strides = array<i32>} : memref<128x128xf32, #tpu.memory_space<vmem>>, vector<1x16xf32>,
      %swap3A_494 = vector.shape_cast %swap3A_493 : vector<1x16xf32> to vector<16xf32>
      %swap3A_495 = vector.shape_cast %broadcast_in_dim3A_489 : vector<16xf32> to vector<1x16xf32>
      tpu.vector_store %arg11[%swap3A_491, %swap3A_492], %swap3A_495 {strides = array<i32>} : memref<128x128xf32, #tpu.memory_space<vmem>>, vector<1x16xf32>,
      %broadcast_in_dim3A_496 = arith.constant 0.000000e+00 : f32
      %broadcast_in_dim3A_497 = vector.broadcast %broadcast_in_dim3A_496 : f32 to vector<16xf32>
      %swap3A_498 = arith.constant 6 : i32
      %swap3A_499 = arith.index_cast %swap3A_498 : i32 to index
      %swap3A_500 = arith.constant 0 : index
      %swap3A_501 = tpu.vector_load %arg11[%swap3A_499, %swap3A_500] {strides = array<i32>} : memref<128x128xf32, #tpu.memory_space<vmem>>, vector<1x16xf32>,
      %swap3A_502 = vector.shape_cast %swap3A_501 : vector<1x16xf32> to vector<16xf32>
      %swap3A_503 = vector.shape_cast %broadcast_in_dim3A_497 : vector<16xf32> to vector<1x16xf32>
      tpu.vector_store %arg11[%swap3A_499, %swap3A_500], %swap3A_503 {strides = array<i32>} : memref<128x128xf32, #tpu.memory_space<vmem>>, vector<1x16xf32>,
      %broadcast_in_dim3A_504 = arith.constant 0.000000e+00 : f32
      %broadcast_in_dim3A_505 = vector.broadcast %broadcast_in_dim3A_504 : f32 to vector<16xf32>
      %swap3A_506 = arith.constant 6 : i32
      %swap3A_507 = arith.index_cast %swap3A_506 : i32 to index
      %swap3A_508 = arith.constant 16 : index
      %swap3A_509 = tpu.vector_load %arg11[%swap3A_507, %swap3A_508] {strides = array<i32>} : memref<128x128xf32, #tpu.memory_space<vmem>>, vector<1x16xf32>,
      %swap3A_510 = vector.shape_cast %swap3A_509 : vector<1x16xf32> to vector<16xf32>
      %swap3A_511 = vector.shape_cast %broadcast_in_dim3A_505 : vector<16xf32> to vector<1x16xf32>
      tpu.vector_store %arg11[%swap3A_507, %swap3A_508], %swap3A_511 {strides = array<i32>} : memref<128x128xf32, #tpu.memory_space<vmem>>, vector<1x16xf32>,
      %broadcast_in_dim3A_512 = arith.constant 0.000000e+00 : f32
      %broadcast_in_dim3A_513 = vector.broadcast %broadcast_in_dim3A_512 : f32 to vector<16xf32>
      %swap3A_514 = arith.constant 6 : i32
      %swap3A_515 = arith.index_cast %swap3A_514 : i32 to index
      %swap3A_516 = arith.constant 32 : index
      %swap3A_517 = tpu.vector_load %arg11[%swap3A_515, %swap3A_516] {strides = array<i32>} : memref<128x128xf32, #tpu.memory_space<vmem>>, vector<1x16xf32>,
      %swap3A_518 = vector.shape_cast %swap3A_517 : vector<1x16xf32> to vector<16xf32>
      %swap3A_519 = vector.shape_cast %broadcast_in_dim3A_513 : vector<16xf32> to vector<1x16xf32>
      tpu.vector_store %arg11[%swap3A_515, %swap3A_516], %swap3A_519 {strides = array<i32>} : memref<128x128xf32, #tpu.memory_space<vmem>>, vector<1x16xf32>,
      %broadcast_in_dim3A_520 = arith.constant 0.000000e+00 : f32
      %broadcast_in_dim3A_521 = vector.broadcast %broadcast_in_dim3A_520 : f32 to vector<16xf32>
      %swap3A_522 = arith.constant 6 : i32
      %swap3A_523 = arith.index_cast %swap3A_522 : i32 to index
      %swap3A_524 = arith.constant 48 : index
      %swap3A_525 = tpu.vector_load %arg11[%swap3A_523, %swap3A_524] {strides = array<i32>} : memref<128x128xf32, #tpu.memory_space<vmem>>, vector<1x16xf32>,
      %swap3A_526 = vector.shape_cast %swap3A_525 : vector<1x16xf32> to vector<16xf32>
      %swap3A_527 = vector.shape_cast %broadcast_in_dim3A_521 : vector<16xf32> to vector<1x16xf32>
      tpu.vector_store %arg11[%swap3A_523, %swap3A_524], %swap3A_527 {strides = array<i32>} : memref<128x128xf32, #tpu.memory_space<vmem>>, vector<1x16xf32>,
      %broadcast_in_dim3A_528 = arith.constant 0.000000e+00 : f32
      %broadcast_in_dim3A_529 = vector.broadcast %broadcast_in_dim3A_528 : f32 to vector<16xf32>
      %swap3A_530 = arith.constant 6 : i32
      %swap3A_531 = arith.index_cast %swap3A_530 : i32 to index
      %swap3A_532 = arith.constant 64 : index
      %swap3A_533 = tpu.vector_load %arg11[%swap3A_531, %swap3A_532] {strides = array<i32>} : memref<128x128xf32, #tpu.memory_space<vmem>>, vector<1x16xf32>,
      %swap3A_534 = vector.shape_cast %swap3A_533 : vector<1x16xf32> to vector<16xf32>
      %swap3A_535 = vector.shape_cast %broadcast_in_dim3A_529 : vector<16xf32> to vector<1x16xf32>
      tpu.vector_store %arg11[%swap3A_531, %swap3A_532], %swap3A_535 {strides = array<i32>} : memref<128x128xf32, #tpu.memory_space<vmem>>, vector<1x16xf32>,
      %broadcast_in_dim3A_536 = arith.constant 0.000000e+00 : f32
      %broadcast_in_dim3A_537 = vector.broadcast %broadcast_in_dim3A_536 : f32 to vector<16xf32>
      %swap3A_538 = arith.constant 6 : i32
      %swap3A_539 = arith.index_cast %swap3A_538 : i32 to index
      %swap3A_540 = arith.constant 80 : index
      %swap3A_541 = tpu.vector_load %arg11[%swap3A_539, %swap3A_540] {strides = array<i32>} : memref<128x128xf32, #tpu.memory_space<vmem>>, vector<1x16xf32>,
      %swap3A_542 = vector.shape_cast %swap3A_541 : vector<1x16xf32> to vector<16xf32>
      %swap3A_543 = vector.shape_cast %broadcast_in_dim3A_537 : vector<16xf32> to vector<1x16xf32>
      tpu.vector_store %arg11[%swap3A_539, %swap3A_540], %swap3A_543 {strides = array<i32>} : memref<128x128xf32, #tpu.memory_space<vmem>>, vector<1x16xf32>,
      %broadcast_in_dim3A_544 = arith.constant 0.000000e+00 : f32
      %broadcast_in_dim3A_545 = vector.broadcast %broadcast_in_dim3A_544 : f32 to vector<16xf32>
      %swap3A_546 = arith.constant 6 : i32
      %swap3A_547 = arith.index_cast %swap3A_546 : i32 to index
      %swap3A_548 = arith.constant 96 : index
      %swap3A_549 = tpu.vector_load %arg11[%swap3A_547, %swap3A_548] {strides = array<i32>} : memref<128x128xf32, #tpu.memory_space<vmem>>, vector<1x16xf32>,
      %swap3A_550 = vector.shape_cast %swap3A_549 : vector<1x16xf32> to vector<16xf32>
      %swap3A_551 = vector.shape_cast %broadcast_in_dim3A_545 : vector<16xf32> to vector<1x16xf32>
      tpu.vector_store %arg11[%swap3A_547, %swap3A_548], %swap3A_551 {strides = array<i32>} : memref<128x128xf32, #tpu.memory_space<vmem>>, vector<1x16xf32>,
      %broadcast_in_dim3A_552 = arith.constant 0.000000e+00 : f32
      %broadcast_in_dim3A_553 = vector.broadcast %broadcast_in_dim3A_552 : f32 to vector<16xf32>
      %swap3A_554 = arith.constant 6 : i32
      %swap3A_555 = arith.index_cast %swap3A_554 : i32 to index
      %swap3A_556 = arith.constant 112 : index
      %swap3A_557 = tpu.vector_load %arg11[%swap3A_555, %swap3A_556] {strides = array<i32>} : memref<128x128xf32, #tpu.memory_space<vmem>>, vector<1x16xf32>,
      %swap3A_558 = vector.shape_cast %swap3A_557 : vector<1x16xf32> to vector<16xf32>
      %swap3A_559 = vector.shape_cast %broadcast_in_dim3A_553 : vector<16xf32> to vector<1x16xf32>
      tpu.vector_store %arg11[%swap3A_555, %swap3A_556], %swap3A_559 {strides = array<i32>} : memref<128x128xf32, #tpu.memory_space<vmem>>, vector<1x16xf32>,
      %broadcast_in_dim3A_560 = arith.constant 0.000000e+00 : f32
      %broadcast_in_dim3A_561 = vector.broadcast %broadcast_in_dim3A_560 : f32 to vector<16xf32>
      %swap3A_562 = arith.constant 7 : i32
      %swap3A_563 = arith.index_cast %swap3A_562 : i32 to index
      %swap3A_564 = arith.constant 0 : index
      %swap3A_565 = tpu.vector_load %arg11[%swap3A_563, %swap3A_564] {strides = array<i32>} : memref<128x128xf32, #tpu.memory_space<vmem>>, vector<1x16xf32>,
      %swap3A_566 = vector.shape_cast %swap3A_565 : vector<1x16xf32> to vector<16xf32>
      %swap3A_567 = vector.shape_cast %broadcast_in_dim3A_561 : vector<16xf32> to vector<1x16xf32>
      tpu.vector_store %arg11[%swap3A_563, %swap3A_564], %swap3A_567 {strides = array<i32>} : memref<128x128xf32, #tpu.memory_space<vmem>>, vector<1x16xf32>,
      %broadcast_in_dim3A_568 = arith.constant 0.000000e+00 : f32
      %broadcast_in_dim3A_569 = vector.broadcast %broadcast_in_dim3A_568 : f32 to vector<16xf32>
      %swap3A_570 = arith.constant 7 : i32
      %swap3A_571 = arith.index_cast %swap3A_570 : i32 to index
      %swap3A_572 = arith.constant 16 : index
      %swap3A_573 = tpu.vector_load %arg11[%swap3A_571, %swap3A_572] {strides = array<i32>} : memref<128x128xf32, #tpu.memory_space<vmem>>, vector<1x16xf32>,
      %swap3A_574 = vector.shape_cast %swap3A_573 : vector<1x16xf32> to vector<16xf32>
      %swap3A_575 = vector.shape_cast %broadcast_in_dim3A_569 : vector<16xf32> to vector<1x16xf32>
      tpu.vector_store %arg11[%swap3A_571, %swap3A_572], %swap3A_575 {strides = array<i32>} : memref<128x128xf32, #tpu.memory_space<vmem>>, vector<1x16xf32>,
      %broadcast_in_dim3A_576 = arith.constant 0.000000e+00 : f32
      %broadcast_in_dim3A_577 = vector.broadcast %broadcast_in_dim3A_576 : f32 to vector<16xf32>
      %swap3A_578 = arith.constant 7 : i32
      %swap3A_579 = arith.index_cast %swap3A_578 : i32 to index
      %swap3A_580 = arith.constant 32 : index
      %swap3A_581 = tpu.vector_load %arg11[%swap3A_579, %swap3A_580] {strides = array<i32>} : memref<128x128xf32, #tpu.memory_space<vmem>>, vector<1x16xf32>,
      %swap3A_582 = vector.shape_cast %swap3A_581 : vector<1x16xf32> to vector<16xf32>
      %swap3A_583 = vector.shape_cast %broadcast_in_dim3A_577 : vector<16xf32> to vector<1x16xf32>
      tpu.vector_store %arg11[%swap3A_579, %swap3A_580], %swap3A_583 {strides = array<i32>} : memref<128x128xf32, #tpu.memory_space<vmem>>, vector<1x16xf32>,
      %broadcast_in_dim3A_584 = arith.constant 0.000000e+00 : f32
      %broadcast_in_dim3A_585 = vector.broadcast %broadcast_in_dim3A_584 : f32 to vector<16xf32>
      %swap3A_586 = arith.constant 7 : i32
      %swap3A_587 = arith.index_cast %swap3A_586 : i32 to index
      %swap3A_588 = arith.constant 48 : index
      %swap3A_589 = tpu.vector_load %arg11[%swap3A_587, %swap3A_588] {strides = array<i32>} : memref<128x128xf32, #tpu.memory_space<vmem>>, vector<1x16xf32>,
      %swap3A_590 = vector.shape_cast %swap3A_589 : vector<1x16xf32> to vector<16xf32>
      %swap3A_591 = vector.shape_cast %broadcast_in_dim3A_585 : vector<16xf32> to vector<1x16xf32>
      tpu.vector_store %arg11[%swap3A_587, %swap3A_588], %swap3A_591 {strides = array<i32>} : memref<128x128xf32, #tpu.memory_space<vmem>>, vector<1x16xf32>,
      %broadcast_in_dim3A_592 = arith.constant 0.000000e+00 : f32
      %broadcast_in_dim3A_593 = vector.broadcast %broadcast_in_dim3A_592 : f32 to vector<16xf32>
      %swap3A_594 = arith.constant 7 : i32
      %swap3A_595 = arith.index_cast %swap3A_594 : i32 to index
      %swap3A_596 = arith.constant 64 : index
      %swap3A_597 = tpu.vector_load %arg11[%swap3A_595, %swap3A_596] {strides = array<i32>} : memref<128x128xf32, #tpu.memory_space<vmem>>, vector<1x16xf32>,
      %swap3A_598 = vector.shape_cast %swap3A_597 : vector<1x16xf32> to vector<16xf32>
      %swap3A_599 = vector.shape_cast %broadcast_in_dim3A_593 : vector<16xf32> to vector<1x16xf32>
      tpu.vector_store %arg11[%swap3A_595, %swap3A_596], %swap3A_599 {strides = array<i32>} : memref<128x128xf32, #tpu.memory_space<vmem>>, vector<1x16xf32>,
      %broadcast_in_dim3A_600 = arith.constant 0.000000e+00 : f32
      %broadcast_in_dim3A_601 = vector.broadcast %broadcast_in_dim3A_600 : f32 to vector<16xf32>
      %swap3A_602 = arith.constant 7 : i32
      %swap3A_603 = arith.index_cast %swap3A_602 : i32 to index
      %swap3A_604 = arith.constant 80 : index
      %swap3A_605 = tpu.vector_load %arg11[%swap3A_603, %swap3A_604] {strides = array<i32>} : memref<128x128xf32, #tpu.memory_space<vmem>>, vector<1x16xf32>,
      %swap3A_606 = vector.shape_cast %swap3A_605 : vector<1x16xf32> to vector<16xf32>
      %swap3A_607 = vector.shape_cast %broadcast_in_dim3A_601 : vector<16xf32> to vector<1x16xf32>
      tpu.vector_store %arg11[%swap3A_603, %swap3A_604], %swap3A_607 {strides = array<i32>} : memref<128x128xf32, #tpu.memory_space<vmem>>, vector<1x16xf32>,
      %broadcast_in_dim3A_608 = arith.constant 0.000000e+00 : f32
      %broadcast_in_dim3A_609 = vector.broadcast %broadcast_in_dim3A_608 : f32 to vector<16xf32>
      %swap3A_610 = arith.constant 7 : i32
      %swap3A_611 = arith.index_cast %swap3A_610 : i32 to index
      %swap3A_612 = arith.constant 96 : index
      %swap3A_613 = tpu.vector_load %arg11[%swap3A_611, %swap3A_612] {strides = array<i32>} : memref<128x128xf32, #tpu.memory_space<vmem>>, vector<1x16xf32>,
      %swap3A_614 = vector.shape_cast %swap3A_613 : vector<1x16xf32> to vector<16xf32>
      %swap3A_615 = vector.shape_cast %broadcast_in_dim3A_609 : vector<16xf32> to vector<1x16xf32>
      tpu.vector_store %arg11[%swap3A_611, %swap3A_612], %swap3A_615 {strides = array<i32>} : memref<128x128xf32, #tpu.memory_space<vmem>>, vector<1x16xf32>,
      %broadcast_in_dim3A_616 = arith.constant 0.000000e+00 : f32
      %broadcast_in_dim3A_617 = vector.broadcast %broadcast_in_dim3A_616 : f32 to vector<16xf32>
      %swap3A_618 = arith.constant 7 : i32
      %swap3A_619 = arith.index_cast %swap3A_618 : i32 to index
      %swap3A_620 = arith.constant 112 : index
      %swap3A_621 = tpu.vector_load %arg11[%swap3A_619, %swap3A_620] {strides = array<i32>} : memref<128x128xf32, #tpu.memory_space<vmem>>, vector<1x16xf32>,
      %swap3A_622 = vector.shape_cast %swap3A_621 : vector<1x16xf32> to vector<16xf32>
      %swap3A_623 = vector.shape_cast %broadcast_in_dim3A_617 : vector<16xf32> to vector<1x16xf32>
      tpu.vector_store %arg11[%swap3A_619, %swap3A_620], %swap3A_623 {strides = array<i32>} : memref<128x128xf32, #tpu.memory_space<vmem>>, vector<1x16xf32>,
      "tpu.region"() ({
        %run_scoped3A = tpu.sem_alloc : memref<!tpu.dma_semaphore, #tpu.memory_space<semaphore_mem>>
        %dma_start3A_624 = arith.constant 0 : i32
        %dma_start3A_625 = arith.constant 0 : i32
        %dma_start3A_626 = tpu.memref_slice %arg11[%dma_start3A_624, %dma_start3A_625] : memref<128x128xf32, #tpu.memory_space<vmem>> -> memref<8x128xf32, #tpu.memory_space<vmem>>
        %dma_start3A_627 = arith.constant 10000 : i32
        %dma_start3A_628 = arith.constant 0 : i32
        %dma_start3A_629 = tpu.memref_slice %arg6[%dma_start3A_627, %dma_start3A_628] : memref<10008x128xf32, #tpu.memory_space<vmem_shared>> -> memref<8x128xf32, #tpu.memory_space<vmem_shared>>
        %dma_start3A_630 = arith.constant 10000 : i32
        %dma_start3A_631 = arith.constant 0 : i32
        %dma_start3A_632 = tpu.memref_slice %arg6[%dma_start3A_630, %dma_start3A_631] : memref<10008x128xf32, #tpu.memory_space<vmem_shared>> -> memref<8x128xf32, #tpu.memory_space<vmem_shared>>
        %dma_start3A_633 = arith.constant 0 : i32
        %dma_start3A_634 = arith.constant 0 : i32
        %dma_start3A_635 = tpu.memref_slice %arg11[%dma_start3A_633, %dma_start3A_634] : memref<128x128xf32, #tpu.memory_space<vmem>> -> memref<8x128xf32, #tpu.memory_space<vmem>>
        tpu.enqueue_dma source(%dma_start3A_635 : memref<8x128xf32, #tpu.memory_space<vmem>>) target(%dma_start3A_632 : memref<8x128xf32, #tpu.memory_space<vmem_shared>>) target_semaphore(%run_scoped3A : memref<!tpu.dma_semaphore, #tpu.memory_space<semaphore_mem>>)
        %dma_wait3A_636 = arith.constant 0 : i32
        %dma_wait3A_637 = arith.constant 0 : i32
        %dma_wait3A_638 = tpu.memref_slice %arg11[%dma_wait3A_636, %dma_wait3A_637] : memref<128x128xf32, #tpu.memory_space<vmem>> -> memref<8x128xf32, #tpu.memory_space<vmem>>
        %dma_wait3A_639 = arith.constant 10000 : i32
        %dma_wait3A_640 = arith.constant 0 : i32
        %dma_wait3A_641 = tpu.memref_slice %arg6[%dma_wait3A_639, %dma_wait3A_640] : memref<10008x128xf32, #tpu.memory_space<vmem_shared>> -> memref<8x128xf32, #tpu.memory_space<vmem_shared>>
        %dma_wait3A_642 = arith.constant 10000 : i32
        %dma_wait3A_643 = arith.constant 0 : i32
        %dma_wait3A_644 = tpu.memref_slice %arg6[%dma_wait3A_642, %dma_wait3A_643] : memref<10008x128xf32, #tpu.memory_space<vmem_shared>> -> memref<8x128xf32, #tpu.memory_space<vmem_shared>>
        %dma_wait3A_645 = arith.constant 0 : i32
        %dma_wait3A_646 = arith.constant 0 : i32
        %dma_wait3A_647 = tpu.memref_slice %arg11[%dma_wait3A_645, %dma_wait3A_646] : memref<128x128xf32, #tpu.memory_space<vmem>> -> memref<8x128xf32, #tpu.memory_space<vmem>>
        tpu.wait_dma2 semaphore(%run_scoped3A : memref<!tpu.dma_semaphore, #tpu.memory_space<semaphore_mem>>) src(%dma_wait3A_647 : memref<8x128xf32, #tpu.memory_space<vmem>>) dst(%dma_wait3A_644 : memref<8x128xf32, #tpu.memory_space<vmem_shared>>)
        tpu.yield
      }) : () -> ()
    } else {
    }
    %dma_wait3A = arith.constant 0 : i32
    %dma_wait3A_29 = tpu.memref_slice %arg4[%arg1, %dma_wait3A] : memref<16x10112xi32, #tpu.memory_space<hbm>> -> memref<1x10112xi32, #tpu.memory_space<hbm>>
    %dma_wait3A_30 = tpu.memref_squeeze %dma_wait3A_29 : memref<1x10112xi32, #tpu.memory_space<hbm>> -> memref<10112xi32, #tpu.memory_space<hbm>>
    %dma_wait3A_31 = arith.constant 0 : i32
    %dma_wait3A_32 = tpu.memref_slice %arg4[%arg1, %dma_wait3A_31] : memref<16x10112xi32, #tpu.memory_space<hbm>> -> memref<1x10112xi32, #tpu.memory_space<hbm>>
    %dma_wait3A_33 = tpu.memref_squeeze %dma_wait3A_32 : memref<1x10112xi32, #tpu.memory_space<hbm>> -> memref<10112xi32, #tpu.memory_space<hbm>>
    tpu.wait_dma2 semaphore(%arg13 : memref<!tpu.dma_semaphore, #tpu.memory_space<semaphore_mem>>) src(%dma_wait3A_33 : memref<10112xi32, #tpu.memory_space<hbm>>) dst(%arg9 : memref<10112xi32, #tpu.memory_space<vmem>>)
    %dma_start3A_34 = arith.constant 0 : i32
    %dma_start3A_35 = arith.constant 0 : i32
    %dma_start3A_36 = tpu.memref_slice %arg2[%dma_start3A_34, %dma_start3A_35] : memref<20000x128xf32, #tpu.memory_space<hbm>> -> memref<20000x128xf32, #tpu.memory_space<hbm>>
    tpu.enqueue_indirect_dma source(%dma_start3A_36 : memref<20000x128xf32, #tpu.memory_space<hbm>>) target(%arg11 : memref<128x128xf32, #tpu.memory_space<vmem>>) offsets(%arg7 : memref<128xi32, #tpu.memory_space<vmem>>) semaphore(%arg14 : memref<!tpu.dma_semaphore, #tpu.memory_space<semaphore_mem>>)
    %dma_start3A_37 = arith.constant 0 : i32
    %dma_start3A_38 = arith.constant 0 : i32
    %dma_start3A_39 = tpu.memref_slice %arg2[%dma_start3A_37, %dma_start3A_38] : memref<20000x128xf32, #tpu.memory_space<hbm>> -> memref<20000x128xf32, #tpu.memory_space<hbm>>
    tpu.enqueue_indirect_dma source(%dma_start3A_39 : memref<20000x128xf32, #tpu.memory_space<hbm>>) target(%arg12 : memref<128x128xf32, #tpu.memory_space<vmem>>) offsets(%arg8 : memref<128xi32, #tpu.memory_space<vmem>>) semaphore(%arg15 : memref<!tpu.dma_semaphore, #tpu.memory_space<semaphore_mem>>)
    %barrier3A = arith.constant 0 : index
    tpu.barrier barrier_id(%barrier3A)
    %scan3A = arith.constant 0 : i32
    %scan3A_40 = arith.constant 0 : i32
    %scan3A_41 = arith.constant 39 : i32
    %scan3A_42 = arith.addi %scan3A_40, %scan3A_41 : i32
    %scan3A_43 = arith.constant 1 : i32
    scf.for %scan3A_113 = %scan3A_40 to %scan3A_42 step %scan3A_43  : i32 {
      %mul3A_114 = arith.constant 2 : i32
      %mul3A_115 = arith.muli %mul3A_114, %scan3A_113 : i32
      %dma_wait3A_116 = arith.constant 0 : i32
      %dma_wait3A_117 = arith.constant 0 : i32
      %dma_wait3A_118 = tpu.memref_slice %arg2[%dma_wait3A_116, %dma_wait3A_117] : memref<20000x128xf32, #tpu.memory_space<hbm>> -> memref<20000x128xf32, #tpu.memory_space<hbm>>
      tpu.wait_indirect_dma semaphore(%arg14 : memref<!tpu.dma_semaphore, #tpu.memory_space<semaphore_mem>>) src(%dma_wait3A_118 : memref<20000x128xf32, #tpu.memory_space<hbm>>) dst(%arg11 : memref<128x128xf32, #tpu.memory_space<vmem>>)
      %add3A_119 = arith.constant 2 : i32
      %add3A_120 = arith.addi %mul3A_115, %add3A_119 : i32
      %lt3A_121 = arith.constant 79 : i32
      %lt3A_122 = arith.cmpi slt, %add3A_120, %lt3A_121 : i32
      %convert_element_type3A_123 = arith.extui %lt3A_122 : i1 to i32
      %cond3A_124 = arith.constant 0 : i32
      %cond3A_125 = arith.cmpi ne, %convert_element_type3A_123, %cond3A_124 : i32
      scf.if %cond3A_125 {
        %add3A_328 = arith.constant 2 : i32
        %add3A_329 = arith.addi %mul3A_115, %add3A_328 : i32
        %mul3A_330 = arith.constant 10112 : i32
        %mul3A_331 = arith.muli %add3A, %mul3A_330 : i32
        %mul3A_332 = arith.constant 128 : i32
        %mul3A_333 = arith.muli %add3A_329, %mul3A_332 : i32
        %add3A_334 = arith.addi %mul3A_331, %mul3A_333 : i32
        %dma_start3A_335 = tpu.memref_slice %arg3[%add3A_334] : memref<323584xi32, #tpu.memory_space<hbm>> -> memref<128xi32, #tpu.memory_space<hbm>>
        %dma_start3A_336 = tpu.memref_slice %arg3[%add3A_334] : memref<323584xi32, #tpu.memory_space<hbm>> -> memref<128xi32, #tpu.memory_space<hbm>>
        tpu.enqueue_dma source(%dma_start3A_336 : memref<128xi32, #tpu.memory_space<hbm>>) target(%arg7 : memref<128xi32, #tpu.memory_space<vmem>>) target_semaphore(%arg16 : memref<!tpu.dma_semaphore, #tpu.memory_space<semaphore_mem>>)
      } else {
      }
      %mul3A_126 = arith.constant 128 : i32
      %mul3A_127 = arith.muli %mul3A_115, %mul3A_126 : i32
      %add3A_128 = arith.constant 0 : i32
      %add3A_129 = arith.addi %mul3A_127, %add3A_128 : i32
      %get3A_130 = arith.index_cast %add3A_129 : i32 to index
      %get3A_131 = tpu.vector_load %arg9[%get3A_130] {strides = array<i32>} : memref<10112xi32, #tpu.memory_space<vmem>>, vector<16xi32>,
      %get3A_132 = vector.shape_cast %get3A_131 : vector<16xi32> to vector<16xi32>
      %swap3A_133 = arith.constant 0 : index
      %swap3A_134 = tpu.vector_load %arg10[%swap3A_133] {strides = array<i32>} : memref<128xi32, #tpu.memory_space<vmem>>, vector<16xi32>,
      %swap3A_135 = vector.shape_cast %swap3A_134 : vector<16xi32> to vector<16xi32>
      %swap3A_136 = vector.shape_cast %get3A_132 : vector<16xi32> to vector<16xi32>
      tpu.vector_store %arg10[%swap3A_133], %swap3A_136 {strides = array<i32>} : memref<128xi32, #tpu.memory_space<vmem>>, vector<16xi32>,
      %mul3A_137 = arith.constant 128 : i32
      %mul3A_138 = arith.muli %mul3A_115, %mul3A_137 : i32
      %add3A_139 = arith.constant 16 : i32
      %add3A_140 = arith.addi %mul3A_138, %add3A_139 : i32
      %get3A_141 = arith.index_cast %add3A_140 : i32 to index
      %get3A_142 = tpu.vector_load %arg9[%get3A_141] {strides = array<i32>} : memref<10112xi32, #tpu.memory_space<vmem>>, vector<16xi32>,
      %get3A_143 = vector.shape_cast %get3A_142 : vector<16xi32> to vector<16xi32>
      %swap3A_144 = arith.constant 16 : index
      %swap3A_145 = tpu.vector_load %arg10[%swap3A_144] {strides = array<i32>} : memref<128xi32, #tpu.memory_space<vmem>>, vector<16xi32>,
      %swap3A_146 = vector.shape_cast %swap3A_145 : vector<16xi32> to vector<16xi32>
      %swap3A_147 = vector.shape_cast %get3A_143 : vector<16xi32> to vector<16xi32>
      tpu.vector_store %arg10[%swap3A_144], %swap3A_147 {strides = array<i32>} : memref<128xi32, #tpu.memory_space<vmem>>, vector<16xi32>,
      %mul3A_148 = arith.constant 128 : i32
      %mul3A_149 = arith.muli %mul3A_115, %mul3A_148 : i32
      %add3A_150 = arith.constant 32 : i32
      %add3A_151 = arith.addi %mul3A_149, %add3A_150 : i32
      %get3A_152 = arith.index_cast %add3A_151 : i32 to index
      %get3A_153 = tpu.vector_load %arg9[%get3A_152] {strides = array<i32>} : memref<10112xi32, #tpu.memory_space<vmem>>, vector<16xi32>,
      %get3A_154 = vector.shape_cast %get3A_153 : vector<16xi32> to vector<16xi32>
      %swap3A_155 = arith.constant 32 : index
      %swap3A_156 = tpu.vector_load %arg10[%swap3A_155] {strides = array<i32>} : memref<128xi32, #tpu.memory_space<vmem>>, vector<16xi32>,
      %swap3A_157 = vector.shape_cast %swap3A_156 : vector<16xi32> to vector<16xi32>
      %swap3A_158 = vector.shape_cast %get3A_154 : vector<16xi32> to vector<16xi32>
      tpu.vector_store %arg10[%swap3A_155], %swap3A_158 {strides = array<i32>} : memref<128xi32, #tpu.memory_space<vmem>>, vector<16xi32>,
      %mul3A_159 = arith.constant 128 : i32
      %mul3A_160 = arith.muli %mul3A_115, %mul3A_159 : i32
      %add3A_161 = arith.constant 48 : i32
      %add3A_162 = arith.addi %mul3A_160, %add3A_161 : i32
      %get3A_163 = arith.index_cast %add3A_162 : i32 to index
      %get3A_164 = tpu.vector_load %arg9[%get3A_163] {strides = array<i32>} : memref<10112xi32, #tpu.memory_space<vmem>>, vector<16xi32>,
      %get3A_165 = vector.shape_cast %get3A_164 : vector<16xi32> to vector<16xi32>
      %swap3A_166 = arith.constant 48 : index
      %swap3A_167 = tpu.vector_load %arg10[%swap3A_166] {strides = array<i32>} : memref<128xi32, #tpu.memory_space<vmem>>, vector<16xi32>,
      %swap3A_168 = vector.shape_cast %swap3A_167 : vector<16xi32> to vector<16xi32>
      %swap3A_169 = vector.shape_cast %get3A_165 : vector<16xi32> to vector<16xi32>
      tpu.vector_store %arg10[%swap3A_166], %swap3A_169 {strides = array<i32>} : memref<128xi32, #tpu.memory_space<vmem>>, vector<16xi32>,
      %mul3A_170 = arith.constant 128 : i32
      %mul3A_171 = arith.muli %mul3A_115, %mul3A_170 : i32
      %add3A_172 = arith.constant 64 : i32
      %add3A_173 = arith.addi %mul3A_171, %add3A_172 : i32
      %get3A_174 = arith.index_cast %add3A_173 : i32 to index
      %get3A_175 = tpu.vector_load %arg9[%get3A_174] {strides = array<i32>} : memref<10112xi32, #tpu.memory_space<vmem>>, vector<16xi32>,
      %get3A_176 = vector.shape_cast %get3A_175 : vector<16xi32> to vector<16xi32>
      %swap3A_177 = arith.constant 64 : index
      %swap3A_178 = tpu.vector_load %arg10[%swap3A_177] {strides = array<i32>} : memref<128xi32, #tpu.memory_space<vmem>>, vector<16xi32>,
      %swap3A_179 = vector.shape_cast %swap3A_178 : vector<16xi32> to vector<16xi32>
      %swap3A_180 = vector.shape_cast %get3A_176 : vector<16xi32> to vector<16xi32>
      tpu.vector_store %arg10[%swap3A_177], %swap3A_180 {strides = array<i32>} : memref<128xi32, #tpu.memory_space<vmem>>, vector<16xi32>,
      %mul3A_181 = arith.constant 128 : i32
      %mul3A_182 = arith.muli %mul3A_115, %mul3A_181 : i32
      %add3A_183 = arith.constant 80 : i32
      %add3A_184 = arith.addi %mul3A_182, %add3A_183 : i32
      %get3A_185 = arith.index_cast %add3A_184 : i32 to index
      %get3A_186 = tpu.vector_load %arg9[%get3A_185] {strides = array<i32>} : memref<10112xi32, #tpu.memory_space<vmem>>, vector<16xi32>,
      %get3A_187 = vector.shape_cast %get3A_186 : vector<16xi32> to vector<16xi32>
      %swap3A_188 = arith.constant 80 : index
      %swap3A_189 = tpu.vector_load %arg10[%swap3A_188] {strides = array<i32>} : memref<128xi32, #tpu.memory_space<vmem>>, vector<16xi32>,
      %swap3A_190 = vector.shape_cast %swap3A_189 : vector<16xi32> to vector<16xi32>
      %swap3A_191 = vector.shape_cast %get3A_187 : vector<16xi32> to vector<16xi32>
      tpu.vector_store %arg10[%swap3A_188], %swap3A_191 {strides = array<i32>} : memref<128xi32, #tpu.memory_space<vmem>>, vector<16xi32>,
      %mul3A_192 = arith.constant 128 : i32
      %mul3A_193 = arith.muli %mul3A_115, %mul3A_192 : i32
      %add3A_194 = arith.constant 96 : i32
      %add3A_195 = arith.addi %mul3A_193, %add3A_194 : i32
      %get3A_196 = arith.index_cast %add3A_195 : i32 to index
      %get3A_197 = tpu.vector_load %arg9[%get3A_196] {strides = array<i32>} : memref<10112xi32, #tpu.memory_space<vmem>>, vector<16xi32>,
      %get3A_198 = vector.shape_cast %get3A_197 : vector<16xi32> to vector<16xi32>
      %swap3A_199 = arith.constant 96 : index
      %swap3A_200 = tpu.vector_load %arg10[%swap3A_199] {strides = array<i32>} : memref<128xi32, #tpu.memory_space<vmem>>, vector<16xi32>,
      %swap3A_201 = vector.shape_cast %swap3A_200 : vector<16xi32> to vector<16xi32>
      %swap3A_202 = vector.shape_cast %get3A_198 : vector<16xi32> to vector<16xi32>
      tpu.vector_store %arg10[%swap3A_199], %swap3A_202 {strides = array<i32>} : memref<128xi32, #tpu.memory_space<vmem>>, vector<16xi32>,
      %mul3A_203 = arith.constant 128 : i32
      %mul3A_204 = arith.muli %mul3A_115, %mul3A_203 : i32
      %add3A_205 = arith.constant 112 : i32
      %add3A_206 = arith.addi %mul3A_204, %add3A_205 : i32
      %get3A_207 = arith.index_cast %add3A_206 : i32 to index
      %get3A_208 = tpu.vector_load %arg9[%get3A_207] {strides = array<i32>} : memref<10112xi32, #tpu.memory_space<vmem>>, vector<16xi32>,
      %get3A_209 = vector.shape_cast %get3A_208 : vector<16xi32> to vector<16xi32>
      %swap3A_210 = arith.constant 112 : index
      %swap3A_211 = tpu.vector_load %arg10[%swap3A_210] {strides = array<i32>} : memref<128xi32, #tpu.memory_space<vmem>>, vector<16xi32>,
      %swap3A_212 = vector.shape_cast %swap3A_211 : vector<16xi32> to vector<16xi32>
      %swap3A_213 = vector.shape_cast %get3A_209 : vector<16xi32> to vector<16xi32>
      tpu.vector_store %arg10[%swap3A_210], %swap3A_213 {strides = array<i32>} : memref<128xi32, #tpu.memory_space<vmem>>, vector<16xi32>,
      "tpu.region"() ({
        %run_scoped3A = tpu.sem_alloc : memref<!tpu.dma_semaphore, #tpu.memory_space<semaphore_mem>>
        %dma_start3A_328 = arith.constant 0 : i32
        %dma_start3A_329 = arith.constant 0 : i32
        %dma_start3A_330 = tpu.memref_slice %arg6[%dma_start3A_328, %dma_start3A_329] : memref<10008x128xf32, #tpu.memory_space<vmem_shared>> -> memref<10008x128xf32, #tpu.memory_space<vmem_shared>>
        tpu.enqueue_indirect_dma source(%arg11 : memref<128x128xf32, #tpu.memory_space<vmem>>) target(%dma_start3A_330 : memref<10008x128xf32, #tpu.memory_space<vmem_shared>>) offsets(%arg10 : memref<128xi32, #tpu.memory_space<vmem>>) semaphore(%run_scoped3A : memref<!tpu.dma_semaphore, #tpu.memory_space<semaphore_mem>>) {add = true}
        %dma_wait3A_331 = arith.constant 0 : i32
        %dma_wait3A_332 = arith.constant 0 : i32
        %dma_wait3A_333 = tpu.memref_slice %arg6[%dma_wait3A_331, %dma_wait3A_332] : memref<10008x128xf32, #tpu.memory_space<vmem_shared>> -> memref<10008x128xf32, #tpu.memory_space<vmem_shared>>
        tpu.wait_indirect_dma semaphore(%run_scoped3A : memref<!tpu.dma_semaphore, #tpu.memory_space<semaphore_mem>>) src(%arg11 : memref<128x128xf32, #tpu.memory_space<vmem>>) dst(%dma_wait3A_333 : memref<10008x128xf32, #tpu.memory_space<vmem_shared>>)
        tpu.yield
      }) : () -> ()
      %add3A_214 = arith.constant 2 : i32
      %add3A_215 = arith.addi %mul3A_115, %add3A_214 : i32
      %lt3A_216 = arith.constant 79 : i32
      %lt3A_217 = arith.cmpi slt, %add3A_215, %lt3A_216 : i32
      %convert_element_type3A_218 = arith.extui %lt3A_217 : i1 to i32
      %cond3A_219 = arith.constant 0 : i32
      %cond3A_220 = arith.cmpi ne, %convert_element_type3A_218, %cond3A_219 : i32
      scf.if %cond3A_220 {
        %add3A_328 = arith.constant 2 : i32
        %add3A_329 = arith.addi %mul3A_115, %add3A_328 : i32
        %mul3A_330 = arith.constant 10112 : i32
        %mul3A_331 = arith.muli %add3A, %mul3A_330 : i32
        %mul3A_332 = arith.constant 128 : i32
        %mul3A_333 = arith.muli %add3A_329, %mul3A_332 : i32
        %add3A_334 = arith.addi %mul3A_331, %mul3A_333 : i32
        %dma_wait3A_335 = tpu.memref_slice %arg3[%add3A_334] : memref<323584xi32, #tpu.memory_space<hbm>> -> memref<128xi32, #tpu.memory_space<hbm>>
        %dma_wait3A_336 = tpu.memref_slice %arg3[%add3A_334] : memref<323584xi32, #tpu.memory_space<hbm>> -> memref<128xi32, #tpu.memory_space<hbm>>
        tpu.wait_dma2 semaphore(%arg16 : memref<!tpu.dma_semaphore, #tpu.memory_space<semaphore_mem>>) src(%dma_wait3A_336 : memref<128xi32, #tpu.memory_space<hbm>>) dst(%arg7 : memref<128xi32, #tpu.memory_space<vmem>>)
        %dma_start3A_337 = arith.constant 0 : i32
        %dma_start3A_338 = arith.constant 0 : i32
        %dma_start3A_339 = tpu.memref_slice %arg2[%dma_start3A_337, %dma_start3A_338] : memref<20000x128xf32, #tpu.memory_space<hbm>> -> memref<20000x128xf32, #tpu.memory_space<hbm>>
        tpu.enqueue_indirect_dma source(%dma_start3A_339 : memref<20000x128xf32, #tpu.memory_space<hbm>>) target(%arg11 : memref<128x128xf32, #tpu.memory_space<vmem>>) offsets(%arg7 : memref<128xi32, #tpu.memory_space<vmem>>) semaphore(%arg14 : memref<!tpu.dma_semaphore, #tpu.memory_space<semaphore_mem>>)
      } else {
      }
      %add3A_221 = arith.constant 1 : i32
      %add3A_222 = arith.addi %mul3A_115, %add3A_221 : i32
      %dma_wait3A_223 = arith.constant 0 : i32
      %dma_wait3A_224 = arith.constant 0 : i32
      %dma_wait3A_225 = tpu.memref_slice %arg2[%dma_wait3A_223, %dma_wait3A_224] : memref<20000x128xf32, #tpu.memory_space<hbm>> -> memref<20000x128xf32, #tpu.memory_space<hbm>>
      tpu.wait_indirect_dma semaphore(%arg15 : memref<!tpu.dma_semaphore, #tpu.memory_space<semaphore_mem>>) src(%dma_wait3A_225 : memref<20000x128xf32, #tpu.memory_space<hbm>>) dst(%arg12 : memref<128x128xf32, #tpu.memory_space<vmem>>)
      %add3A_226 = arith.constant 2 : i32
      %add3A_227 = arith.addi %add3A_222, %add3A_226 : i32
      %lt3A_228 = arith.constant 79 : i32
      %lt3A_229 = arith.cmpi slt, %add3A_227, %lt3A_228 : i32
      %convert_element_type3A_230 = arith.extui %lt3A_229 : i1 to i32
      %cond3A_231 = arith.constant 0 : i32
      %cond3A_232 = arith.cmpi ne, %convert_element_type3A_230, %cond3A_231 : i32
      scf.if %cond3A_232 {
        %add3A_328 = arith.constant 2 : i32
        %add3A_329 = arith.addi %add3A_222, %add3A_328 : i32
        %mul3A_330 = arith.constant 10112 : i32
        %mul3A_331 = arith.muli %add3A, %mul3A_330 : i32
        %mul3A_332 = arith.constant 128 : i32
        %mul3A_333 = arith.muli %add3A_329, %mul3A_332 : i32
        %add3A_334 = arith.addi %mul3A_331, %mul3A_333 : i32
        %dma_start3A_335 = tpu.memref_slice %arg3[%add3A_334] : memref<323584xi32, #tpu.memory_space<hbm>> -> memref<128xi32, #tpu.memory_space<hbm>>
        %dma_start3A_336 = tpu.memref_slice %arg3[%add3A_334] : memref<323584xi32, #tpu.memory_space<hbm>> -> memref<128xi32, #tpu.memory_space<hbm>>
        tpu.enqueue_dma source(%dma_start3A_336 : memref<128xi32, #tpu.memory_space<hbm>>) target(%arg8 : memref<128xi32, #tpu.memory_space<vmem>>) target_semaphore(%arg17 : memref<!tpu.dma_semaphore, #tpu.memory_space<semaphore_mem>>)
      } else {
      }
      %mul3A_233 = arith.constant 128 : i32
      %mul3A_234 = arith.muli %add3A_222, %mul3A_233 : i32
      %add3A_235 = arith.constant 0 : i32
      %add3A_236 = arith.addi %mul3A_234, %add3A_235 : i32
      %get3A_237 = arith.index_cast %add3A_236 : i32 to index
      %get3A_238 = tpu.vector_load %arg9[%get3A_237] {strides = array<i32>} : memref<10112xi32, #tpu.memory_space<vmem>>, vector<16xi32>,
      %get3A_239 = vector.shape_cast %get3A_238 : vector<16xi32> to vector<16xi32>
      %swap3A_240 = arith.constant 0 : index
      %swap3A_241 = tpu.vector_load %arg10[%swap3A_240] {strides = array<i32>} : memref<128xi32, #tpu.memory_space<vmem>>, vector<16xi32>,
      %swap3A_242 = vector.shape_cast %swap3A_241 : vector<16xi32> to vector<16xi32>
      %swap3A_243 = vector.shape_cast %get3A_239 : vector<16xi32> to vector<16xi32>
      tpu.vector_store %arg10[%swap3A_240], %swap3A_243 {strides = array<i32>} : memref<128xi32, #tpu.memory_space<vmem>>, vector<16xi32>,
      %mul3A_244 = arith.constant 128 : i32
      %mul3A_245 = arith.muli %add3A_222, %mul3A_244 : i32
      %add3A_246 = arith.constant 16 : i32
      %add3A_247 = arith.addi %mul3A_245, %add3A_246 : i32
      %get3A_248 = arith.index_cast %add3A_247 : i32 to index
      %get3A_249 = tpu.vector_load %arg9[%get3A_248] {strides = array<i32>} : memref<10112xi32, #tpu.memory_space<vmem>>, vector<16xi32>,
      %get3A_250 = vector.shape_cast %get3A_249 : vector<16xi32> to vector<16xi32>
      %swap3A_251 = arith.constant 16 : index
      %swap3A_252 = tpu.vector_load %arg10[%swap3A_251] {strides = array<i32>} : memref<128xi32, #tpu.memory_space<vmem>>, vector<16xi32>,
      %swap3A_253 = vector.shape_cast %swap3A_252 : vector<16xi32> to vector<16xi32>
      %swap3A_254 = vector.shape_cast %get3A_250 : vector<16xi32> to vector<16xi32>
      tpu.vector_store %arg10[%swap3A_251], %swap3A_254 {strides = array<i32>} : memref<128xi32, #tpu.memory_space<vmem>>, vector<16xi32>,
      %mul3A_255 = arith.constant 128 : i32
      %mul3A_256 = arith.muli %add3A_222, %mul3A_255 : i32
      %add3A_257 = arith.constant 32 : i32
      %add3A_258 = arith.addi %mul3A_256, %add3A_257 : i32
      %get3A_259 = arith.index_cast %add3A_258 : i32 to index
      %get3A_260 = tpu.vector_load %arg9[%get3A_259] {strides = array<i32>} : memref<10112xi32, #tpu.memory_space<vmem>>, vector<16xi32>,
      %get3A_261 = vector.shape_cast %get3A_260 : vector<16xi32> to vector<16xi32>
      %swap3A_262 = arith.constant 32 : index
      %swap3A_263 = tpu.vector_load %arg10[%swap3A_262] {strides = array<i32>} : memref<128xi32, #tpu.memory_space<vmem>>, vector<16xi32>,
      %swap3A_264 = vector.shape_cast %swap3A_263 : vector<16xi32> to vector<16xi32>
      %swap3A_265 = vector.shape_cast %get3A_261 : vector<16xi32> to vector<16xi32>
      tpu.vector_store %arg10[%swap3A_262], %swap3A_265 {strides = array<i32>} : memref<128xi32, #tpu.memory_space<vmem>>, vector<16xi32>,
      %mul3A_266 = arith.constant 128 : i32
      %mul3A_267 = arith.muli %add3A_222, %mul3A_266 : i32
      %add3A_268 = arith.constant 48 : i32
      %add3A_269 = arith.addi %mul3A_267, %add3A_268 : i32
      %get3A_270 = arith.index_cast %add3A_269 : i32 to index
      %get3A_271 = tpu.vector_load %arg9[%get3A_270] {strides = array<i32>} : memref<10112xi32, #tpu.memory_space<vmem>>, vector<16xi32>,
      %get3A_272 = vector.shape_cast %get3A_271 : vector<16xi32> to vector<16xi32>
      %swap3A_273 = arith.constant 48 : index
      %swap3A_274 = tpu.vector_load %arg10[%swap3A_273] {strides = array<i32>} : memref<128xi32, #tpu.memory_space<vmem>>, vector<16xi32>,
      %swap3A_275 = vector.shape_cast %swap3A_274 : vector<16xi32> to vector<16xi32>
      %swap3A_276 = vector.shape_cast %get3A_272 : vector<16xi32> to vector<16xi32>
      tpu.vector_store %arg10[%swap3A_273], %swap3A_276 {strides = array<i32>} : memref<128xi32, #tpu.memory_space<vmem>>, vector<16xi32>,
      %mul3A_277 = arith.constant 128 : i32
      %mul3A_278 = arith.muli %add3A_222, %mul3A_277 : i32
      %add3A_279 = arith.constant 64 : i32
      %add3A_280 = arith.addi %mul3A_278, %add3A_279 : i32
      %get3A_281 = arith.index_cast %add3A_280 : i32 to index
      %get3A_282 = tpu.vector_load %arg9[%get3A_281] {strides = array<i32>} : memref<10112xi32, #tpu.memory_space<vmem>>, vector<16xi32>,
      %get3A_283 = vector.shape_cast %get3A_282 : vector<16xi32> to vector<16xi32>
      %swap3A_284 = arith.constant 64 : index
      %swap3A_285 = tpu.vector_load %arg10[%swap3A_284] {strides = array<i32>} : memref<128xi32, #tpu.memory_space<vmem>>, vector<16xi32>,
      %swap3A_286 = vector.shape_cast %swap3A_285 : vector<16xi32> to vector<16xi32>
      %swap3A_287 = vector.shape_cast %get3A_283 : vector<16xi32> to vector<16xi32>
      tpu.vector_store %arg10[%swap3A_284], %swap3A_287 {strides = array<i32>} : memref<128xi32, #tpu.memory_space<vmem>>, vector<16xi32>,
      %mul3A_288 = arith.constant 128 : i32
      %mul3A_289 = arith.muli %add3A_222, %mul3A_288 : i32
      %add3A_290 = arith.constant 80 : i32
      %add3A_291 = arith.addi %mul3A_289, %add3A_290 : i32
      %get3A_292 = arith.index_cast %add3A_291 : i32 to index
      %get3A_293 = tpu.vector_load %arg9[%get3A_292] {strides = array<i32>} : memref<10112xi32, #tpu.memory_space<vmem>>, vector<16xi32>,
      %get3A_294 = vector.shape_cast %get3A_293 : vector<16xi32> to vector<16xi32>
      %swap3A_295 = arith.constant 80 : index
      %swap3A_296 = tpu.vector_load %arg10[%swap3A_295] {strides = array<i32>} : memref<128xi32, #tpu.memory_space<vmem>>, vector<16xi32>,
      %swap3A_297 = vector.shape_cast %swap3A_296 : vector<16xi32> to vector<16xi32>
      %swap3A_298 = vector.shape_cast %get3A_294 : vector<16xi32> to vector<16xi32>
      tpu.vector_store %arg10[%swap3A_295], %swap3A_298 {strides = array<i32>} : memref<128xi32, #tpu.memory_space<vmem>>, vector<16xi32>,
      %mul3A_299 = arith.constant 128 : i32
      %mul3A_300 = arith.muli %add3A_222, %mul3A_299 : i32
      %add3A_301 = arith.constant 96 : i32
      %add3A_302 = arith.addi %mul3A_300, %add3A_301 : i32
      %get3A_303 = arith.index_cast %add3A_302 : i32 to index
      %get3A_304 = tpu.vector_load %arg9[%get3A_303] {strides = array<i32>} : memref<10112xi32, #tpu.memory_space<vmem>>, vector<16xi32>,
      %get3A_305 = vector.shape_cast %get3A_304 : vector<16xi32> to vector<16xi32>
      %swap3A_306 = arith.constant 96 : index
      %swap3A_307 = tpu.vector_load %arg10[%swap3A_306] {strides = array<i32>} : memref<128xi32, #tpu.memory_space<vmem>>, vector<16xi32>,
      %swap3A_308 = vector.shape_cast %swap3A_307 : vector<16xi32> to vector<16xi32>
      %swap3A_309 = vector.shape_cast %get3A_305 : vector<16xi32> to vector<16xi32>
      tpu.vector_store %arg10[%swap3A_306], %swap3A_309 {strides = array<i32>} : memref<128xi32, #tpu.memory_space<vmem>>, vector<16xi32>,
      %mul3A_310 = arith.constant 128 : i32
      %mul3A_311 = arith.muli %add3A_222, %mul3A_310 : i32
      %add3A_312 = arith.constant 112 : i32
      %add3A_313 = arith.addi %mul3A_311, %add3A_312 : i32
      %get3A_314 = arith.index_cast %add3A_313 : i32 to index
      %get3A_315 = tpu.vector_load %arg9[%get3A_314] {strides = array<i32>} : memref<10112xi32, #tpu.memory_space<vmem>>, vector<16xi32>,
      %get3A_316 = vector.shape_cast %get3A_315 : vector<16xi32> to vector<16xi32>
      %swap3A_317 = arith.constant 112 : index
      %swap3A_318 = tpu.vector_load %arg10[%swap3A_317] {strides = array<i32>} : memref<128xi32, #tpu.memory_space<vmem>>, vector<16xi32>,
      %swap3A_319 = vector.shape_cast %swap3A_318 : vector<16xi32> to vector<16xi32>
      %swap3A_320 = vector.shape_cast %get3A_316 : vector<16xi32> to vector<16xi32>
      tpu.vector_store %arg10[%swap3A_317], %swap3A_320 {strides = array<i32>} : memref<128xi32, #tpu.memory_space<vmem>>, vector<16xi32>,
      "tpu.region"() ({
        %run_scoped3A = tpu.sem_alloc : memref<!tpu.dma_semaphore, #tpu.memory_space<semaphore_mem>>
        %dma_start3A_328 = arith.constant 0 : i32
        %dma_start3A_329 = arith.constant 0 : i32
        %dma_start3A_330 = tpu.memref_slice %arg6[%dma_start3A_328, %dma_start3A_329] : memref<10008x128xf32, #tpu.memory_space<vmem_shared>> -> memref<10008x128xf32, #tpu.memory_space<vmem_shared>>
        tpu.enqueue_indirect_dma source(%arg12 : memref<128x128xf32, #tpu.memory_space<vmem>>) target(%dma_start3A_330 : memref<10008x128xf32, #tpu.memory_space<vmem_shared>>) offsets(%arg10 : memref<128xi32, #tpu.memory_space<vmem>>) semaphore(%run_scoped3A : memref<!tpu.dma_semaphore, #tpu.memory_space<semaphore_mem>>) {add = true}
        %dma_wait3A_331 = arith.constant 0 : i32
        %dma_wait3A_332 = arith.constant 0 : i32
        %dma_wait3A_333 = tpu.memref_slice %arg6[%dma_wait3A_331, %dma_wait3A_332] : memref<10008x128xf32, #tpu.memory_space<vmem_shared>> -> memref<10008x128xf32, #tpu.memory_space<vmem_shared>>
        tpu.wait_indirect_dma semaphore(%run_scoped3A : memref<!tpu.dma_semaphore, #tpu.memory_space<semaphore_mem>>) src(%arg12 : memref<128x128xf32, #tpu.memory_space<vmem>>) dst(%dma_wait3A_333 : memref<10008x128xf32, #tpu.memory_space<vmem_shared>>)
        tpu.yield
      }) : () -> ()
      %add3A_321 = arith.constant 2 : i32
      %add3A_322 = arith.addi %add3A_222, %add3A_321 : i32
      %lt3A_323 = arith.constant 79 : i32
      %lt3A_324 = arith.cmpi slt, %add3A_322, %lt3A_323 : i32
      %convert_element_type3A_325 = arith.extui %lt3A_324 : i1 to i32
      %cond3A_326 = arith.constant 0 : i32
      %cond3A_327 = arith.cmpi ne, %convert_element_type3A_325, %cond3A_326 : i32
      scf.if %cond3A_327 {
        %add3A_328 = arith.constant 2 : i32
        %add3A_329 = arith.addi %add3A_222, %add3A_328 : i32
        %mul3A_330 = arith.constant 10112 : i32
        %mul3A_331 = arith.muli %add3A, %mul3A_330 : i32
        %mul3A_332 = arith.constant 128 : i32
        %mul3A_333 = arith.muli %add3A_329, %mul3A_332 : i32
        %add3A_334 = arith.addi %mul3A_331, %mul3A_333 : i32
        %dma_wait3A_335 = tpu.memref_slice %arg3[%add3A_334] : memref<323584xi32, #tpu.memory_space<hbm>> -> memref<128xi32, #tpu.memory_space<hbm>>
        %dma_wait3A_336 = tpu.memref_slice %arg3[%add3A_334] : memref<323584xi32, #tpu.memory_space<hbm>> -> memref<128xi32, #tpu.memory_space<hbm>>
        tpu.wait_dma2 semaphore(%arg17 : memref<!tpu.dma_semaphore, #tpu.memory_space<semaphore_mem>>) src(%dma_wait3A_336 : memref<128xi32, #tpu.memory_space<hbm>>) dst(%arg8 : memref<128xi32, #tpu.memory_space<vmem>>)
        %dma_start3A_337 = arith.constant 0 : i32
        %dma_start3A_338 = arith.constant 0 : i32
        %dma_start3A_339 = tpu.memref_slice %arg2[%dma_start3A_337, %dma_start3A_338] : memref<20000x128xf32, #tpu.memory_space<hbm>> -> memref<20000x128xf32, #tpu.memory_space<hbm>>
        tpu.enqueue_indirect_dma source(%dma_start3A_339 : memref<20000x128xf32, #tpu.memory_space<hbm>>) target(%arg12 : memref<128x128xf32, #tpu.memory_space<vmem>>) offsets(%arg8 : memref<128xi32, #tpu.memory_space<vmem>>) semaphore(%arg15 : memref<!tpu.dma_semaphore, #tpu.memory_space<semaphore_mem>>)
      } else {
      }
    }
    %scan3A_44 = arith.constant 39 : i32
    %dma_wait3A_45 = arith.constant 0 : i32
    %dma_wait3A_46 = arith.constant 0 : i32
    %dma_wait3A_47 = tpu.memref_slice %arg2[%dma_wait3A_45, %dma_wait3A_46] : memref<20000x128xf32, #tpu.memory_space<hbm>> -> memref<20000x128xf32, #tpu.memory_space<hbm>>
    tpu.wait_indirect_dma semaphore(%arg14 : memref<!tpu.dma_semaphore, #tpu.memory_space<semaphore_mem>>) src(%dma_wait3A_47 : memref<20000x128xf32, #tpu.memory_space<hbm>>) dst(%arg11 : memref<128x128xf32, #tpu.memory_space<vmem>>)
    %get3A = arith.constant 9984 : index
    %get3A_48 = tpu.vector_load %arg9[%get3A] {strides = array<i32>} : memref<10112xi32, #tpu.memory_space<vmem>>, vector<16xi32>,
    %get3A_49 = vector.shape_cast %get3A_48 : vector<16xi32> to vector<16xi32>
    %swap3A = arith.constant 0 : index
    %swap3A_50 = tpu.vector_load %arg10[%swap3A] {strides = array<i32>} : memref<128xi32, #tpu.memory_space<vmem>>, vector<16xi32>,
    %swap3A_51 = vector.shape_cast %swap3A_50 : vector<16xi32> to vector<16xi32>
    %swap3A_52 = vector.shape_cast %get3A_49 : vector<16xi32> to vector<16xi32>
    tpu.vector_store %arg10[%swap3A], %swap3A_52 {strides = array<i32>} : memref<128xi32, #tpu.memory_space<vmem>>, vector<16xi32>,
    %get3A_53 = arith.constant 10000 : index
    %get3A_54 = tpu.vector_load %arg9[%get3A_53] {strides = array<i32>} : memref<10112xi32, #tpu.memory_space<vmem>>, vector<16xi32>,
    %get3A_55 = vector.shape_cast %get3A_54 : vector<16xi32> to vector<16xi32>
    %swap3A_56 = arith.constant 16 : index
    %swap3A_57 = tpu.vector_load %arg10[%swap3A_56] {strides = array<i32>} : memref<128xi32, #tpu.memory_space<vmem>>, vector<16xi32>,
    %swap3A_58 = vector.shape_cast %swap3A_57 : vector<16xi32> to vector<16xi32>
    %swap3A_59 = vector.shape_cast %get3A_55 : vector<16xi32> to vector<16xi32>
    tpu.vector_store %arg10[%swap3A_56], %swap3A_59 {strides = array<i32>} : memref<128xi32, #tpu.memory_space<vmem>>, vector<16xi32>,
    %get3A_60 = arith.constant 10016 : index
    %get3A_61 = tpu.vector_load %arg9[%get3A_60] {strides = array<i32>} : memref<10112xi32, #tpu.memory_space<vmem>>, vector<16xi32>,
    %get3A_62 = vector.shape_cast %get3A_61 : vector<16xi32> to vector<16xi32>
    %swap3A_63 = arith.constant 32 : index
    %swap3A_64 = tpu.vector_load %arg10[%swap3A_63] {strides = array<i32>} : memref<128xi32, #tpu.memory_space<vmem>>, vector<16xi32>,
    %swap3A_65 = vector.shape_cast %swap3A_64 : vector<16xi32> to vector<16xi32>
    %swap3A_66 = vector.shape_cast %get3A_62 : vector<16xi32> to vector<16xi32>
    tpu.vector_store %arg10[%swap3A_63], %swap3A_66 {strides = array<i32>} : memref<128xi32, #tpu.memory_space<vmem>>, vector<16xi32>,
    %get3A_67 = arith.constant 10032 : index
    %get3A_68 = tpu.vector_load %arg9[%get3A_67] {strides = array<i32>} : memref<10112xi32, #tpu.memory_space<vmem>>, vector<16xi32>,
    %get3A_69 = vector.shape_cast %get3A_68 : vector<16xi32> to vector<16xi32>
    %swap3A_70 = arith.constant 48 : index
    %swap3A_71 = tpu.vector_load %arg10[%swap3A_70] {strides = array<i32>} : memref<128xi32, #tpu.memory_space<vmem>>, vector<16xi32>,
    %swap3A_72 = vector.shape_cast %swap3A_71 : vector<16xi32> to vector<16xi32>
    %swap3A_73 = vector.shape_cast %get3A_69 : vector<16xi32> to vector<16xi32>
    tpu.vector_store %arg10[%swap3A_70], %swap3A_73 {strides = array<i32>} : memref<128xi32, #tpu.memory_space<vmem>>, vector<16xi32>,
    %get3A_74 = arith.constant 10048 : index
    %get3A_75 = tpu.vector_load %arg9[%get3A_74] {strides = array<i32>} : memref<10112xi32, #tpu.memory_space<vmem>>, vector<16xi32>,
    %get3A_76 = vector.shape_cast %get3A_75 : vector<16xi32> to vector<16xi32>
    %swap3A_77 = arith.constant 64 : index
    %swap3A_78 = tpu.vector_load %arg10[%swap3A_77] {strides = array<i32>} : memref<128xi32, #tpu.memory_space<vmem>>, vector<16xi32>,
    %swap3A_79 = vector.shape_cast %swap3A_78 : vector<16xi32> to vector<16xi32>
    %swap3A_80 = vector.shape_cast %get3A_76 : vector<16xi32> to vector<16xi32>
    tpu.vector_store %arg10[%swap3A_77], %swap3A_80 {strides = array<i32>} : memref<128xi32, #tpu.memory_space<vmem>>, vector<16xi32>,
    %get3A_81 = arith.constant 10064 : index
    %get3A_82 = tpu.vector_load %arg9[%get3A_81] {strides = array<i32>} : memref<10112xi32, #tpu.memory_space<vmem>>, vector<16xi32>,
    %get3A_83 = vector.shape_cast %get3A_82 : vector<16xi32> to vector<16xi32>
    %swap3A_84 = arith.constant 80 : index
    %swap3A_85 = tpu.vector_load %arg10[%swap3A_84] {strides = array<i32>} : memref<128xi32, #tpu.memory_space<vmem>>, vector<16xi32>,
    %swap3A_86 = vector.shape_cast %swap3A_85 : vector<16xi32> to vector<16xi32>
    %swap3A_87 = vector.shape_cast %get3A_83 : vector<16xi32> to vector<16xi32>
    tpu.vector_store %arg10[%swap3A_84], %swap3A_87 {strides = array<i32>} : memref<128xi32, #tpu.memory_space<vmem>>, vector<16xi32>,
    %get3A_88 = arith.constant 10080 : index
    %get3A_89 = tpu.vector_load %arg9[%get3A_88] {strides = array<i32>} : memref<10112xi32, #tpu.memory_space<vmem>>, vector<16xi32>,
    %get3A_90 = vector.shape_cast %get3A_89 : vector<16xi32> to vector<16xi32>
    %swap3A_91 = arith.constant 96 : index
    %swap3A_92 = tpu.vector_load %arg10[%swap3A_91] {strides = array<i32>} : memref<128xi32, #tpu.memory_space<vmem>>, vector<16xi32>,
    %swap3A_93 = vector.shape_cast %swap3A_92 : vector<16xi32> to vector<16xi32>
    %swap3A_94 = vector.shape_cast %get3A_90 : vector<16xi32> to vector<16xi32>
    tpu.vector_store %arg10[%swap3A_91], %swap3A_94 {strides = array<i32>} : memref<128xi32, #tpu.memory_space<vmem>>, vector<16xi32>,
    %get3A_95 = arith.constant 10096 : index
    %get3A_96 = tpu.vector_load %arg9[%get3A_95] {strides = array<i32>} : memref<10112xi32, #tpu.memory_space<vmem>>, vector<16xi32>,
    %get3A_97 = vector.shape_cast %get3A_96 : vector<16xi32> to vector<16xi32>
    %swap3A_98 = arith.constant 112 : index
    %swap3A_99 = tpu.vector_load %arg10[%swap3A_98] {strides = array<i32>} : memref<128xi32, #tpu.memory_space<vmem>>, vector<16xi32>,
    %swap3A_100 = vector.shape_cast %swap3A_99 : vector<16xi32> to vector<16xi32>
    %swap3A_101 = vector.shape_cast %get3A_97 : vector<16xi32> to vector<16xi32>
    tpu.vector_store %arg10[%swap3A_98], %swap3A_101 {strides = array<i32>} : memref<128xi32, #tpu.memory_space<vmem>>, vector<16xi32>,
    "tpu.region"() ({
      %run_scoped3A = tpu.sem_alloc : memref<!tpu.dma_semaphore, #tpu.memory_space<semaphore_mem>>
      %dma_start3A_113 = arith.constant 0 : i32
      %dma_start3A_114 = arith.constant 0 : i32
      %dma_start3A_115 = tpu.memref_slice %arg6[%dma_start3A_113, %dma_start3A_114] : memref<10008x128xf32, #tpu.memory_space<vmem_shared>> -> memref<10008x128xf32, #tpu.memory_space<vmem_shared>>
      tpu.enqueue_indirect_dma source(%arg11 : memref<128x128xf32, #tpu.memory_space<vmem>>) target(%dma_start3A_115 : memref<10008x128xf32, #tpu.memory_space<vmem_shared>>) offsets(%arg10 : memref<128xi32, #tpu.memory_space<vmem>>) semaphore(%run_scoped3A : memref<!tpu.dma_semaphore, #tpu.memory_space<semaphore_mem>>) {add = true}
      %dma_wait3A_116 = arith.constant 0 : i32
      %dma_wait3A_117 = arith.constant 0 : i32
      %dma_wait3A_118 = tpu.memref_slice %arg6[%dma_wait3A_116, %dma_wait3A_117] : memref<10008x128xf32, #tpu.memory_space<vmem_shared>> -> memref<10008x128xf32, #tpu.memory_space<vmem_shared>>
      tpu.wait_indirect_dma semaphore(%run_scoped3A : memref<!tpu.dma_semaphore, #tpu.memory_space<semaphore_mem>>) src(%arg11 : memref<128x128xf32, #tpu.memory_space<vmem>>) dst(%dma_wait3A_118 : memref<10008x128xf32, #tpu.memory_space<vmem_shared>>)
      tpu.yield
    }) : () -> ()
    %barrier3A_102 = arith.constant 0 : index
    tpu.barrier barrier_id(%barrier3A_102)
    %lt3A_103 = arith.constant 15 : i32
    %lt3A_104 = arith.cmpi slt, %arg1, %lt3A_103 : i32
    %convert_element_type3A_105 = arith.extui %lt3A_104 : i1 to i32
    %cond3A_106 = arith.constant 0 : i32
    %cond3A_107 = arith.cmpi ne, %convert_element_type3A_105, %cond3A_106 : i32
    scf.if %cond3A_107 {
      %add3A_113 = arith.addi %mul3A_4, %mul3A_2 : i32
      "tpu.region"() ({
        %run_scoped3A = tpu.sem_alloc : memref<!tpu.dma_semaphore, #tpu.memory_space<semaphore_mem>>
        %dma_start3A_114 = arith.constant 0 : i32
        %dma_start3A_115 = tpu.memref_slice %arg5[%add3A_113, %dma_start3A_114] : memref<20000x128xf32, #tpu.memory_space<hbm>> -> memref<624x128xf32, #tpu.memory_space<hbm>>
        %dma_start3A_116 = arith.constant 0 : i32
        %dma_start3A_117 = tpu.memref_slice %arg6[%mul3A_2, %dma_start3A_116] : memref<10008x128xf32, #tpu.memory_space<vmem_shared>> -> memref<624x128xf32, #tpu.memory_space<vmem_shared>>
        tpu.enqueue_dma source(%dma_start3A_117 : memref<624x128xf32, #tpu.memory_space<vmem_shared>>) target(%dma_start3A_115 : memref<624x128xf32, #tpu.memory_space<hbm>>) target_semaphore(%run_scoped3A : memref<!tpu.dma_semaphore, #tpu.memory_space<semaphore_mem>>)
        %dma_wait3A_118 = arith.constant 0 : i32
        %dma_wait3A_119 = tpu.memref_slice %arg5[%add3A_113, %dma_wait3A_118] : memref<20000x128xf32, #tpu.memory_space<hbm>> -> memref<624x128xf32, #tpu.memory_space<hbm>>
        %dma_wait3A_120 = arith.constant 0 : i32
        %dma_wait3A_121 = tpu.memref_slice %arg6[%mul3A_2, %dma_wait3A_120] : memref<10008x128xf32, #tpu.memory_space<vmem_shared>> -> memref<624x128xf32, #tpu.memory_space<vmem_shared>>
        tpu.wait_dma2 semaphore(%run_scoped3A : memref<!tpu.dma_semaphore, #tpu.memory_space<semaphore_mem>>) src(%dma_wait3A_121 : memref<624x128xf32, #tpu.memory_space<vmem_shared>>) dst(%dma_wait3A_119 : memref<624x128xf32, #tpu.memory_space<hbm>>)
        tpu.yield
      }) : () -> ()
    } else {
    }
    %eq3A_108 = arith.constant 15 : i32
    %eq3A_109 = arith.cmpi eq, %arg1, %eq3A_108 : i32
    %convert_element_type3A_110 = arith.extui %eq3A_109 : i1 to i32
    %cond3A_111 = arith.constant 0 : i32
    %cond3A_112 = arith.cmpi ne, %convert_element_type3A_110, %cond3A_111 : i32
    scf.if %cond3A_112 {
      %add3A_113 = arith.addi %mul3A_4, %mul3A_2 : i32
      "tpu.region"() ({
        %run_scoped3A = tpu.sem_alloc : memref<!tpu.dma_semaphore, #tpu.memory_space<semaphore_mem>>
        %dma_start3A_114 = arith.constant 0 : i32
        %dma_start3A_115 = tpu.memref_slice %arg5[%add3A_113, %dma_start3A_114] : memref<20000x128xf32, #tpu.memory_space<hbm>> -> memref<640x128xf32, #tpu.memory_space<hbm>>
        %dma_start3A_116 = arith.constant 0 : i32
        %dma_start3A_117 = tpu.memref_slice %arg6[%mul3A_2, %dma_start3A_116] : memref<10008x128xf32, #tpu.memory_space<vmem_shared>> -> memref<640x128xf32, #tpu.memory_space<vmem_shared>>
        tpu.enqueue_dma source(%dma_start3A_117 : memref<640x128xf32, #tpu.memory_space<vmem_shared>>) target(%dma_start3A_115 : memref<640x128xf32, #tpu.memory_space<hbm>>) target_semaphore(%run_scoped3A : memref<!tpu.dma_semaphore, #tpu.memory_space<semaphore_mem>>)
        %dma_wait3A_118 = arith.constant 0 : i32
        %dma_wait3A_119 = tpu.memref_slice %arg5[%add3A_113, %dma_wait3A_118] : memref<20000x128xf32, #tpu.memory_space<hbm>> -> memref<640x128xf32, #tpu.memory_space<hbm>>
        %dma_wait3A_120 = arith.constant 0 : i32
        %dma_wait3A_121 = tpu.memref_slice %arg6[%mul3A_2, %dma_wait3A_120] : memref<10008x128xf32, #tpu.memory_space<vmem_shared>> -> memref<640x128xf32, #tpu.memory_space<vmem_shared>>
        tpu.wait_dma2 semaphore(%run_scoped3A : memref<!tpu.dma_semaphore, #tpu.memory_space<semaphore_mem>>) src(%dma_wait3A_121 : memref<640x128xf32, #tpu.memory_space<vmem_shared>>) dst(%dma_wait3A_119 : memref<640x128xf32, #tpu.memory_space<hbm>>)
        tpu.yield
      }) : () -> ()
    } else {
    }
    return
  }
}

module attributes {stable_mosaic.version = 14 : i64} {
  func.func @_mlp_body(%arg0: i32, %arg1: memref<2x2000x128xf32, #tpu.memory_space<vmem>>, %arg2: memref<256x256xf32, #tpu.memory_space<vmem>>, %arg3: memref<1x256xf32, #tpu.memory_space<vmem>>, %arg4: memref<256x256xf32, #tpu.memory_space<vmem>>, %arg5: memref<1x256xf32, #tpu.memory_space<vmem>>, %arg6: memref<1x1x2000xi32, #tpu.memory_space<vmem>>, %arg7: memref<2x2000x128xf32, #tpu.memory_space<vmem>>, %arg8: memref<64x256xf32, #tpu.memory_space<vmem>>) attributes {dimension_semantics = [#tpu.dimension_semantics<arbitrary>], iteration_bounds = array<i64: 5>, scalar_prefetch = 0 : i64, scratch_operands = 0 : i64, tpu.core_type = #tpu.core_type<tc>, window_params = [{transform_indices = @transform_0, window_bounds = array<i64: 2, 2000, 128>}, {pipeline_mode = #tpu.pipeline_mode<synchronous>, transform_indices = @transform_1, window_bounds = array<i64: 256, 256>}, {pipeline_mode = #tpu.pipeline_mode<synchronous>, transform_indices = @transform_2, window_bounds = array<i64: 1, 256>}, {pipeline_mode = #tpu.pipeline_mode<synchronous>, transform_indices = @transform_3, window_bounds = array<i64: 256, 256>}, {pipeline_mode = #tpu.pipeline_mode<synchronous>, transform_indices = @transform_4, window_bounds = array<i64: 1, 256>}, {transform_indices = @transform_5, window_bounds = array<i64: 1, 1, 2000>}, {transform_indices = @transform_6, window_bounds = array<i64: 2, 2000, 128>}, {pipeline_mode = #tpu.pipeline_mode<synchronous>, transform_indices = @transform_7, window_bounds = array<i64: 64, 256>}]} {
    %get3A = arith.constant 0 : index
    %get3A_0 = arith.constant 0 : index
    %get3A_1 = arith.constant 0 : index
    %get3A_2 = vector.load %arg1[%get3A, %get3A_0, %get3A_1] : memref<2x2000x128xf32, #tpu.memory_space<vmem>>, vector<1x2000x128xf32>
    %get3A_3 = vector.shape_cast %get3A_2 : vector<1x2000x128xf32> to vector<2000x128xf32>
    %convert_element_type3A = arith.truncf %get3A_3 : vector<2000x128xf32> to vector<2000x128xbf16>
    %get3A_4 = arith.constant 1 : index
    %get3A_5 = arith.constant 0 : index
    %get3A_6 = arith.constant 0 : index
    %get3A_7 = vector.load %arg1[%get3A_4, %get3A_5, %get3A_6] : memref<2x2000x128xf32, #tpu.memory_space<vmem>>, vector<1x2000x128xf32>
    %get3A_8 = vector.shape_cast %get3A_7 : vector<1x2000x128xf32> to vector<2000x128xf32>
    %convert_element_type3A_9 = arith.truncf %get3A_8 : vector<2000x128xf32> to vector<2000x128xbf16>
    %get3A_10 = arith.constant 0 : index
    %get3A_11 = arith.constant 0 : index
    %get3A_12 = vector.load %arg2[%get3A_10, %get3A_11] : memref<256x256xf32, #tpu.memory_space<vmem>>, vector<256x256xf32>
    %convert_element_type3A_13 = arith.truncf %get3A_12 : vector<256x256xf32> to vector<256x256xbf16>
    %slice3A = vector.extract_strided_slice %convert_element_type3A_13 {offsets = [0, 0], sizes = [128, 256], strides = [1, 1]} : vector<256x256xbf16> to vector<128x256xbf16>
    %dot_general3A = arith.constant dense<0.000000e+00> : vector<2000x256xf32>
    %dot_general3A_14 = tpu.matmul %convert_element_type3A, %slice3A, %dot_general3A {dimension_numbers = #tpu.dot_dimension_numbers<[1], [0], [0], [1], [0, 0, 1, 1], [], []>, transpose_lhs_hint = false} : vector<2000x128xbf16>, vector<128x256xbf16>, vector<2000x256xf32> -> vector<2000x256xf32>
    %slice3A_15 = vector.extract_strided_slice %convert_element_type3A_13 {offsets = [128, 0], sizes = [128, 256], strides = [1, 1]} : vector<256x256xbf16> to vector<128x256xbf16>
    %dot_general3A_16 = arith.constant dense<0.000000e+00> : vector<2000x256xf32>
    %dot_general3A_17 = tpu.matmul %convert_element_type3A_9, %slice3A_15, %dot_general3A_16 {dimension_numbers = #tpu.dot_dimension_numbers<[1], [0], [0], [1], [0, 0, 1, 1], [], []>, transpose_lhs_hint = false} : vector<2000x128xbf16>, vector<128x256xbf16>, vector<2000x256xf32> -> vector<2000x256xf32>
    %add3A = arith.addf %dot_general3A_14, %dot_general3A_17 : vector<2000x256xf32>
    %get3A_18 = arith.constant 0 : index
    %get3A_19 = arith.constant 0 : index
    %get3A_20 = vector.load %arg3[%get3A_18, %get3A_19] : memref<1x256xf32, #tpu.memory_space<vmem>>, vector<1x256xf32>
    %get3A_21 = vector.shape_cast %get3A_20 : vector<1x256xf32> to vector<256xf32>
    %broadcast_in_dim3A = vector.shape_cast %get3A_21 : vector<256xf32> to vector<1x256xf32>
    %add3A_22 = vector.broadcast %broadcast_in_dim3A : vector<1x256xf32> to vector<2000x256xf32>
    %add3A_23 = arith.addf %add3A, %add3A_22 : vector<2000x256xf32>
    %max3A = arith.constant 0.000000e+00 : f32
    %max3A_24 = vector.broadcast %max3A : f32 to vector<2000x256xf32>
    %max3A_25 = arith.maximumf %add3A_23, %max3A_24 : vector<2000x256xf32>
    %convert_element_type3A_26 = arith.truncf %max3A_25 : vector<2000x256xf32> to vector<2000x256xbf16>
    %get3A_27 = arith.constant 0 : index
    %get3A_28 = arith.constant 0 : index
    %get3A_29 = vector.load %arg4[%get3A_27, %get3A_28] : memref<256x256xf32, #tpu.memory_space<vmem>>, vector<256x256xf32>
    %convert_element_type3A_30 = arith.truncf %get3A_29 : vector<256x256xf32> to vector<256x256xbf16>
    %dot_general3A_31 = arith.constant dense<0.000000e+00> : vector<2000x256xf32>
    %dot_general3A_32 = tpu.matmul %convert_element_type3A_26, %convert_element_type3A_30, %dot_general3A_31 {dimension_numbers = #tpu.dot_dimension_numbers<[1], [0], [0], [1], [0, 0, 1, 1], [], []>, transpose_lhs_hint = false} : vector<2000x256xbf16>, vector<256x256xbf16>, vector<2000x256xf32> -> vector<2000x256xf32>
    %get3A_33 = arith.constant 0 : index
    %get3A_34 = arith.constant 0 : index
    %get3A_35 = vector.load %arg5[%get3A_33, %get3A_34] : memref<1x256xf32, #tpu.memory_space<vmem>>, vector<1x256xf32>
    %get3A_36 = vector.shape_cast %get3A_35 : vector<1x256xf32> to vector<256xf32>
    %broadcast_in_dim3A_37 = vector.shape_cast %get3A_36 : vector<256xf32> to vector<1x256xf32>
    %add3A_38 = vector.broadcast %broadcast_in_dim3A_37 : vector<1x256xf32> to vector<2000x256xf32>
    %add3A_39 = arith.addf %dot_general3A_32, %add3A_38 : vector<2000x256xf32>
    %max3A_40 = arith.constant 0.000000e+00 : f32
    %max3A_41 = vector.broadcast %max3A_40 : f32 to vector<2000x256xf32>
    %max3A_42 = arith.maximumf %add3A_39, %max3A_41 : vector<2000x256xf32>
    %get3A_43 = arith.constant 0 : index
    %get3A_44 = arith.constant 0 : index
    %get3A_45 = arith.constant 0 : index
    %get3A_46 = vector.load %arg6[%get3A_43, %get3A_44, %get3A_45] : memref<1x1x2000xi32, #tpu.memory_space<vmem>>, vector<1x1x2000xi32>
    %get3A_47 = vector.shape_cast %get3A_46 : vector<1x1x2000xi32> to vector<2000xi32>
    %iota3A = tpu.iota {dimensions = array<i32: 0>} : vector<64x2000xi32>
    %broadcast_in_dim3A_48 = vector.shape_cast %get3A_47 : vector<2000xi32> to vector<1x2000xi32>
    %eq3A = vector.broadcast %broadcast_in_dim3A_48 : vector<1x2000xi32> to vector<64x2000xi32>
    %eq3A_49 = arith.cmpi eq, %iota3A, %eq3A : vector<64x2000xi32>
    %convert_element_type3A_50 = arith.extui %eq3A_49 : vector<64x2000xi1> to vector<64x2000xi32>
    %convert_element_type3A_51 = arith.sitofp %convert_element_type3A_50 : vector<64x2000xi32> to vector<64x2000xf32>
    %dot_general3A_52 = arith.constant dense<0.000000e+00> : vector<64x256xf32>
    %dot_general3A_53 = tpu.matmul %convert_element_type3A_51, %max3A_42, %dot_general3A_52 {dimension_numbers = #tpu.dot_dimension_numbers<[1], [0], [0], [1], [0, 0, 1, 1], [], []>, transpose_lhs_hint = false} : vector<64x2000xf32>, vector<2000x256xf32>, vector<64x256xf32> -> vector<64x256xf32>
    %slice3A_54 = vector.extract_strided_slice %max3A_42 {offsets = [0, 0], sizes = [2000, 128], strides = [1, 1]} : vector<2000x256xf32> to vector<2000x128xf32>
    %swap3A = arith.constant 0 : index
    %swap3A_55 = arith.constant 0 : index
    %swap3A_56 = arith.constant 0 : index
    %swap3A_57 = vector.load %arg7[%swap3A, %swap3A_55, %swap3A_56] : memref<2x2000x128xf32, #tpu.memory_space<vmem>>, vector<1x2000x128xf32>
    %swap3A_58 = vector.shape_cast %swap3A_57 : vector<1x2000x128xf32> to vector<2000x128xf32>
    %swap3A_59 = vector.shape_cast %slice3A_54 : vector<2000x128xf32> to vector<1x2000x128xf32>
    tpu.vector_store %arg7[%swap3A, %swap3A_55, %swap3A_56], %swap3A_59 {strides = array<i32>} : memref<2x2000x128xf32, #tpu.memory_space<vmem>>, vector<1x2000x128xf32>,
    %slice3A_60 = vector.extract_strided_slice %max3A_42 {offsets = [0, 128], sizes = [2000, 128], strides = [1, 1]} : vector<2000x256xf32> to vector<2000x128xf32>
    %swap3A_61 = arith.constant 1 : index
    %swap3A_62 = arith.constant 0 : index
    %swap3A_63 = arith.constant 0 : index
    %swap3A_64 = vector.load %arg7[%swap3A_61, %swap3A_62, %swap3A_63] : memref<2x2000x128xf32, #tpu.memory_space<vmem>>, vector<1x2000x128xf32>
    %swap3A_65 = vector.shape_cast %swap3A_64 : vector<1x2000x128xf32> to vector<2000x128xf32>
    %swap3A_66 = vector.shape_cast %slice3A_60 : vector<2000x128xf32> to vector<1x2000x128xf32>
    tpu.vector_store %arg7[%swap3A_61, %swap3A_62, %swap3A_63], %swap3A_66 {strides = array<i32>} : memref<2x2000x128xf32, #tpu.memory_space<vmem>>, vector<1x2000x128xf32>,
    %eq3A_67 = arith.constant 0 : i32
    %eq3A_68 = arith.cmpi eq, %arg0, %eq3A_67 : i32
    %convert_element_type3A_69 = arith.extui %eq3A_68 : i1 to i32
    %cond3A = arith.constant 0 : i32
    %cond3A_70 = arith.cmpi ne, %convert_element_type3A_69, %cond3A : i32
    scf.if %cond3A_70 {
      %swap3A_75 = arith.constant 0 : index
      %swap3A_76 = arith.constant 0 : index
      %swap3A_77 = vector.load %arg8[%swap3A_75, %swap3A_76] : memref<64x256xf32, #tpu.memory_space<vmem>>, vector<64x256xf32>
      tpu.vector_store %arg8[%swap3A_75, %swap3A_76], %dot_general3A_53 {strides = array<i32>} : memref<64x256xf32, #tpu.memory_space<vmem>>, vector<64x256xf32>,
    } else {
    }
    %gt3A = arith.constant 0 : i32
    %gt3A_71 = arith.cmpi sgt, %arg0, %gt3A : i32
    %convert_element_type3A_72 = arith.extui %gt3A_71 : i1 to i32
    %cond3A_73 = arith.constant 0 : i32
    %cond3A_74 = arith.cmpi ne, %convert_element_type3A_72, %cond3A_73 : i32
    scf.if %cond3A_74 {
      %get3A_75 = arith.constant 0 : index
      %get3A_76 = arith.constant 0 : index
      %get3A_77 = vector.load %arg8[%get3A_75, %get3A_76] : memref<64x256xf32, #tpu.memory_space<vmem>>, vector<64x256xf32>
      %add3A_78 = arith.addf %get3A_77, %dot_general3A_53 : vector<64x256xf32>
      %swap3A_79 = arith.constant 0 : index
      %swap3A_80 = arith.constant 0 : index
      %swap3A_81 = vector.load %arg8[%swap3A_79, %swap3A_80] : memref<64x256xf32, #tpu.memory_space<vmem>>, vector<64x256xf32>
      tpu.vector_store %arg8[%swap3A_79, %swap3A_80], %add3A_78 {strides = array<i32>} : memref<64x256xf32, #tpu.memory_space<vmem>>, vector<64x256xf32>,
    } else {
    }
    return
  }
  func.func @transform_0(%arg0: i32) -> (i32, i32, i32) {
    %c0_i32 = arith.constant 0 : i32
    %c0_i32_0 = arith.constant 0 : i32
    %c0_i32_1 = arith.constant 0 : i32
    return %c0_i32, %arg0, %c0_i32_0 : i32, i32, i32
  }
  func.func @transform_1(%arg0: i32) -> (i32, i32) {
    %c0_i32 = arith.constant 0 : i32
    %c0_i32_0 = arith.constant 0 : i32
    %c0_i32_1 = arith.constant 0 : i32
    return %c0_i32, %c0_i32_0 : i32, i32
  }
  func.func @transform_2(%arg0: i32) -> (i32, i32) {
    %c0_i32 = arith.constant 0 : i32
    %c0_i32_0 = arith.constant 0 : i32
    %c0_i32_1 = arith.constant 0 : i32
    return %c0_i32, %c0_i32_0 : i32, i32
  }
  func.func @transform_3(%arg0: i32) -> (i32, i32) {
    %c0_i32 = arith.constant 0 : i32
    %c0_i32_0 = arith.constant 0 : i32
    %c0_i32_1 = arith.constant 0 : i32
    return %c0_i32, %c0_i32_0 : i32, i32
  }
  func.func @transform_4(%arg0: i32) -> (i32, i32) {
    %c0_i32 = arith.constant 0 : i32
    %c0_i32_0 = arith.constant 0 : i32
    %c0_i32_1 = arith.constant 0 : i32
    return %c0_i32, %c0_i32_0 : i32, i32
  }
  func.func @transform_5(%arg0: i32) -> (i32, i32, i32) {
    %c0_i32 = arith.constant 0 : i32
    %c0_i32_0 = arith.constant 0 : i32
    %c0_i32_1 = arith.constant 0 : i32
    return %arg0, %c0_i32, %c0_i32_0 : i32, i32, i32
  }
  func.func @transform_6(%arg0: i32) -> (i32, i32, i32) {
    %c0_i32 = arith.constant 0 : i32
    %c0_i32_0 = arith.constant 0 : i32
    %c0_i32_1 = arith.constant 0 : i32
    return %c0_i32, %arg0, %c0_i32_0 : i32, i32, i32
  }
  func.func @transform_7(%arg0: i32) -> (i32, i32) {
    %c0_i32 = arith.constant 0 : i32
    %c0_i32_0 = arith.constant 0 : i32
    %c0_i32_1 = arith.constant 0 : i32
    return %c0_i32, %c0_i32_0 : i32, i32
  }
}

module attributes {stable_mosaic.version = 14 : i64} {
  func.func @_mlp_pool_final_body(%arg0: i32, %arg1: memref<2x2000x128xf32, #tpu.memory_space<vmem>>, %arg2: memref<256x256xf32, #tpu.memory_space<vmem>>, %arg3: memref<1x256xf32, #tpu.memory_space<vmem>>, %arg4: memref<256x256xf32, #tpu.memory_space<vmem>>, %arg5: memref<1x256xf32, #tpu.memory_space<vmem>>, %arg6: memref<1x1x2000xi32, #tpu.memory_space<vmem>>, %arg7: memref<64x256xf32, #tpu.memory_space<vmem>>, %arg8: memref<64x256xf32, #tpu.memory_space<vmem>>, %arg9: memref<768x768xf32, #tpu.memory_space<vmem>>, %arg10: memref<1x768xf32, #tpu.memory_space<vmem>>, %arg11: memref<768x64xf32, #tpu.memory_space<vmem>>, %arg12: memref<1x64xf32, #tpu.memory_space<vmem>>, %arg13: memref<64x64xf32, #tpu.memory_space<vmem>>, %arg14: memref<64x256xf32, #tpu.memory_space<vmem>>) attributes {dimension_semantics = [#tpu.dimension_semantics<arbitrary>], iteration_bounds = array<i64: 5>, scalar_prefetch = 0 : i64, scratch_operands = 1 : i64, tpu.core_type = #tpu.core_type<tc>, window_params = [{transform_indices = @transform_0, window_bounds = array<i64: 2, 2000, 128>}, {pipeline_mode = #tpu.pipeline_mode<synchronous>, transform_indices = @transform_1, window_bounds = array<i64: 256, 256>}, {pipeline_mode = #tpu.pipeline_mode<synchronous>, transform_indices = @transform_2, window_bounds = array<i64: 1, 256>}, {pipeline_mode = #tpu.pipeline_mode<synchronous>, transform_indices = @transform_3, window_bounds = array<i64: 256, 256>}, {pipeline_mode = #tpu.pipeline_mode<synchronous>, transform_indices = @transform_4, window_bounds = array<i64: 1, 256>}, {transform_indices = @transform_5, window_bounds = array<i64: 1, 1, 2000>}, {pipeline_mode = #tpu.pipeline_mode<synchronous>, transform_indices = @transform_6, window_bounds = array<i64: 64, 256>}, {pipeline_mode = #tpu.pipeline_mode<synchronous>, transform_indices = @transform_7, window_bounds = array<i64: 64, 256>}, {pipeline_mode = #tpu.pipeline_mode<synchronous>, transform_indices = @transform_8, window_bounds = array<i64: 768, 768>}, {pipeline_mode = #tpu.pipeline_mode<synchronous>, transform_indices = @transform_9, window_bounds = array<i64: 1, 768>}, {pipeline_mode = #tpu.pipeline_mode<synchronous>, transform_indices = @transform_10, window_bounds = array<i64: 768, 64>}, {pipeline_mode = #tpu.pipeline_mode<synchronous>, transform_indices = @transform_11, window_bounds = array<i64: 1, 64>}, {pipeline_mode = #tpu.pipeline_mode<synchronous>, transform_indices = @transform_12, window_bounds = array<i64: 64, 64>}]} {
    %get3A = arith.constant 0 : index
    %get3A_0 = arith.constant 0 : index
    %get3A_1 = arith.constant 0 : index
    %get3A_2 = vector.load %arg1[%get3A, %get3A_0, %get3A_1] : memref<2x2000x128xf32, #tpu.memory_space<vmem>>, vector<1x2000x128xf32>
    %get3A_3 = vector.shape_cast %get3A_2 : vector<1x2000x128xf32> to vector<2000x128xf32>
    %convert_element_type3A = arith.truncf %get3A_3 : vector<2000x128xf32> to vector<2000x128xbf16>
    %get3A_4 = arith.constant 1 : index
    %get3A_5 = arith.constant 0 : index
    %get3A_6 = arith.constant 0 : index
    %get3A_7 = vector.load %arg1[%get3A_4, %get3A_5, %get3A_6] : memref<2x2000x128xf32, #tpu.memory_space<vmem>>, vector<1x2000x128xf32>
    %get3A_8 = vector.shape_cast %get3A_7 : vector<1x2000x128xf32> to vector<2000x128xf32>
    %convert_element_type3A_9 = arith.truncf %get3A_8 : vector<2000x128xf32> to vector<2000x128xbf16>
    %get3A_10 = arith.constant 0 : index
    %get3A_11 = arith.constant 0 : index
    %get3A_12 = vector.load %arg2[%get3A_10, %get3A_11] : memref<256x256xf32, #tpu.memory_space<vmem>>, vector<256x256xf32>
    %convert_element_type3A_13 = arith.truncf %get3A_12 : vector<256x256xf32> to vector<256x256xbf16>
    %slice3A = vector.extract_strided_slice %convert_element_type3A_13 {offsets = [0, 0], sizes = [128, 256], strides = [1, 1]} : vector<256x256xbf16> to vector<128x256xbf16>
    %dot_general3A = arith.constant dense<0.000000e+00> : vector<2000x256xf32>
    %dot_general3A_14 = tpu.matmul %convert_element_type3A, %slice3A, %dot_general3A {dimension_numbers = #tpu.dot_dimension_numbers<[1], [0], [0], [1], [0, 0, 1, 1], [], []>, transpose_lhs_hint = false} : vector<2000x128xbf16>, vector<128x256xbf16>, vector<2000x256xf32> -> vector<2000x256xf32>
    %slice3A_15 = vector.extract_strided_slice %convert_element_type3A_13 {offsets = [128, 0], sizes = [128, 256], strides = [1, 1]} : vector<256x256xbf16> to vector<128x256xbf16>
    %dot_general3A_16 = arith.constant dense<0.000000e+00> : vector<2000x256xf32>
    %dot_general3A_17 = tpu.matmul %convert_element_type3A_9, %slice3A_15, %dot_general3A_16 {dimension_numbers = #tpu.dot_dimension_numbers<[1], [0], [0], [1], [0, 0, 1, 1], [], []>, transpose_lhs_hint = false} : vector<2000x128xbf16>, vector<128x256xbf16>, vector<2000x256xf32> -> vector<2000x256xf32>
    %add3A = arith.addf %dot_general3A_14, %dot_general3A_17 : vector<2000x256xf32>
    %get3A_18 = arith.constant 0 : index
    %get3A_19 = arith.constant 0 : index
    %get3A_20 = vector.load %arg3[%get3A_18, %get3A_19] : memref<1x256xf32, #tpu.memory_space<vmem>>, vector<1x256xf32>
    %get3A_21 = vector.shape_cast %get3A_20 : vector<1x256xf32> to vector<256xf32>
    %broadcast_in_dim3A = vector.shape_cast %get3A_21 : vector<256xf32> to vector<1x256xf32>
    %add3A_22 = vector.broadcast %broadcast_in_dim3A : vector<1x256xf32> to vector<2000x256xf32>
    %add3A_23 = arith.addf %add3A, %add3A_22 : vector<2000x256xf32>
    %max3A = arith.constant 0.000000e+00 : f32
    %max3A_24 = vector.broadcast %max3A : f32 to vector<2000x256xf32>
    %max3A_25 = arith.maximumf %add3A_23, %max3A_24 : vector<2000x256xf32>
    %convert_element_type3A_26 = arith.truncf %max3A_25 : vector<2000x256xf32> to vector<2000x256xbf16>
    %get3A_27 = arith.constant 0 : index
    %get3A_28 = arith.constant 0 : index
    %get3A_29 = vector.load %arg4[%get3A_27, %get3A_28] : memref<256x256xf32, #tpu.memory_space<vmem>>, vector<256x256xf32>
    %convert_element_type3A_30 = arith.truncf %get3A_29 : vector<256x256xf32> to vector<256x256xbf16>
    %dot_general3A_31 = arith.constant dense<0.000000e+00> : vector<2000x256xf32>
    %dot_general3A_32 = tpu.matmul %convert_element_type3A_26, %convert_element_type3A_30, %dot_general3A_31 {dimension_numbers = #tpu.dot_dimension_numbers<[1], [0], [0], [1], [0, 0, 1, 1], [], []>, transpose_lhs_hint = false} : vector<2000x256xbf16>, vector<256x256xbf16>, vector<2000x256xf32> -> vector<2000x256xf32>
    %get3A_33 = arith.constant 0 : index
    %get3A_34 = arith.constant 0 : index
    %get3A_35 = vector.load %arg5[%get3A_33, %get3A_34] : memref<1x256xf32, #tpu.memory_space<vmem>>, vector<1x256xf32>
    %get3A_36 = vector.shape_cast %get3A_35 : vector<1x256xf32> to vector<256xf32>
    %broadcast_in_dim3A_37 = vector.shape_cast %get3A_36 : vector<256xf32> to vector<1x256xf32>
    %add3A_38 = vector.broadcast %broadcast_in_dim3A_37 : vector<1x256xf32> to vector<2000x256xf32>
    %add3A_39 = arith.addf %dot_general3A_32, %add3A_38 : vector<2000x256xf32>
    %max3A_40 = arith.constant 0.000000e+00 : f32
    %max3A_41 = vector.broadcast %max3A_40 : f32 to vector<2000x256xf32>
    %max3A_42 = arith.maximumf %add3A_39, %max3A_41 : vector<2000x256xf32>
    %get3A_43 = arith.constant 0 : index
    %get3A_44 = arith.constant 0 : index
    %get3A_45 = arith.constant 0 : index
    %get3A_46 = vector.load %arg6[%get3A_43, %get3A_44, %get3A_45] : memref<1x1x2000xi32, #tpu.memory_space<vmem>>, vector<1x1x2000xi32>
    %get3A_47 = vector.shape_cast %get3A_46 : vector<1x1x2000xi32> to vector<2000xi32>
    %iota3A = tpu.iota {dimensions = array<i32: 0>} : vector<64x2000xi32>
    %broadcast_in_dim3A_48 = vector.shape_cast %get3A_47 : vector<2000xi32> to vector<1x2000xi32>
    %eq3A = vector.broadcast %broadcast_in_dim3A_48 : vector<1x2000xi32> to vector<64x2000xi32>
    %eq3A_49 = arith.cmpi eq, %iota3A, %eq3A : vector<64x2000xi32>
    %convert_element_type3A_50 = arith.extui %eq3A_49 : vector<64x2000xi1> to vector<64x2000xi32>
    %convert_element_type3A_51 = arith.sitofp %convert_element_type3A_50 : vector<64x2000xi32> to vector<64x2000xf32>
    %dot_general3A_52 = arith.constant dense<0.000000e+00> : vector<64x256xf32>
    %dot_general3A_53 = tpu.matmul %convert_element_type3A_51, %max3A_42, %dot_general3A_52 {dimension_numbers = #tpu.dot_dimension_numbers<[1], [0], [0], [1], [0, 0, 1, 1], [], []>, transpose_lhs_hint = false} : vector<64x2000xf32>, vector<2000x256xf32>, vector<64x256xf32> -> vector<64x256xf32>
    %eq3A_54 = arith.constant 0 : i32
    %eq3A_55 = arith.cmpi eq, %arg0, %eq3A_54 : i32
    %convert_element_type3A_56 = arith.extui %eq3A_55 : i1 to i32
    %cond3A = arith.constant 0 : i32
    %cond3A_57 = arith.cmpi ne, %convert_element_type3A_56, %cond3A : i32
    scf.if %cond3A_57 {
      %swap3A = arith.constant 0 : index
      %swap3A_67 = arith.constant 0 : index
      %swap3A_68 = vector.load %arg14[%swap3A, %swap3A_67] : memref<64x256xf32, #tpu.memory_space<vmem>>, vector<64x256xf32>
      tpu.vector_store %arg14[%swap3A, %swap3A_67], %dot_general3A_53 {strides = array<i32>} : memref<64x256xf32, #tpu.memory_space<vmem>>, vector<64x256xf32>,
    } else {
    }
    %gt3A = arith.constant 0 : i32
    %gt3A_58 = arith.cmpi sgt, %arg0, %gt3A : i32
    %convert_element_type3A_59 = arith.extui %gt3A_58 : i1 to i32
    %cond3A_60 = arith.constant 0 : i32
    %cond3A_61 = arith.cmpi ne, %convert_element_type3A_59, %cond3A_60 : i32
    scf.if %cond3A_61 {
      %get3A_67 = arith.constant 0 : index
      %get3A_68 = arith.constant 0 : index
      %get3A_69 = vector.load %arg14[%get3A_67, %get3A_68] : memref<64x256xf32, #tpu.memory_space<vmem>>, vector<64x256xf32>
      %add3A_70 = arith.addf %get3A_69, %dot_general3A_53 : vector<64x256xf32>
      %swap3A = arith.constant 0 : index
      %swap3A_71 = arith.constant 0 : index
      %swap3A_72 = vector.load %arg14[%swap3A, %swap3A_71] : memref<64x256xf32, #tpu.memory_space<vmem>>, vector<64x256xf32>
      tpu.vector_store %arg14[%swap3A, %swap3A_71], %add3A_70 {strides = array<i32>} : memref<64x256xf32, #tpu.memory_space<vmem>>, vector<64x256xf32>,
    } else {
    }
    %eq3A_62 = arith.constant 4 : i32
    %eq3A_63 = arith.cmpi eq, %arg0, %eq3A_62 : i32
    %convert_element_type3A_64 = arith.extui %eq3A_63 : i1 to i32
    %cond3A_65 = arith.constant 0 : i32
    %cond3A_66 = arith.cmpi ne, %convert_element_type3A_64, %cond3A_65 : i32
    scf.if %cond3A_66 {
      %get3A_67 = arith.constant 0 : index
      %get3A_68 = arith.constant 0 : index
      %get3A_69 = vector.load %arg14[%get3A_67, %get3A_68] : memref<64x256xf32, #tpu.memory_space<vmem>>, vector<64x256xf32>
      %get3A_70 = arith.constant 0 : index
      %get3A_71 = arith.constant 0 : index
      %get3A_72 = vector.load %arg7[%get3A_70, %get3A_71] : memref<64x256xf32, #tpu.memory_space<vmem>>, vector<64x256xf32>
      %get3A_73 = arith.constant 0 : index
      %get3A_74 = arith.constant 0 : index
      %get3A_75 = vector.load %arg9[%get3A_73, %get3A_74] : memref<768x768xf32, #tpu.memory_space<vmem>>, vector<256x768xf32>
      %dot_general3A_76 = arith.constant dense<0.000000e+00> : vector<64x768xf32>
      %dot_general3A_77 = tpu.matmul %get3A_72, %get3A_75, %dot_general3A_76 {dimension_numbers = #tpu.dot_dimension_numbers<[1], [0], [0], [1], [0, 0, 1, 1], [], []>, transpose_lhs_hint = false} : vector<64x256xf32>, vector<256x768xf32>, vector<64x768xf32> -> vector<64x768xf32>
      %get3A_78 = arith.constant 0 : index
      %get3A_79 = arith.constant 0 : index
      %get3A_80 = vector.load %arg8[%get3A_78, %get3A_79] : memref<64x256xf32, #tpu.memory_space<vmem>>, vector<64x256xf32>
      %get3A_81 = arith.constant 256 : index
      %get3A_82 = arith.constant 0 : index
      %get3A_83 = vector.load %arg9[%get3A_81, %get3A_82] : memref<768x768xf32, #tpu.memory_space<vmem>>, vector<256x768xf32>
      %dot_general3A_84 = arith.constant dense<0.000000e+00> : vector<64x768xf32>
      %dot_general3A_85 = tpu.matmul %get3A_80, %get3A_83, %dot_general3A_84 {dimension_numbers = #tpu.dot_dimension_numbers<[1], [0], [0], [1], [0, 0, 1, 1], [], []>, transpose_lhs_hint = false} : vector<64x256xf32>, vector<256x768xf32>, vector<64x768xf32> -> vector<64x768xf32>
      %add3A_86 = arith.addf %dot_general3A_77, %dot_general3A_85 : vector<64x768xf32>
      %get3A_87 = arith.constant 512 : index
      %get3A_88 = arith.constant 0 : index
      %get3A_89 = vector.load %arg9[%get3A_87, %get3A_88] : memref<768x768xf32, #tpu.memory_space<vmem>>, vector<256x768xf32>
      %dot_general3A_90 = arith.constant dense<0.000000e+00> : vector<64x768xf32>
      %dot_general3A_91 = tpu.matmul %get3A_69, %get3A_89, %dot_general3A_90 {dimension_numbers = #tpu.dot_dimension_numbers<[1], [0], [0], [1], [0, 0, 1, 1], [], []>, transpose_lhs_hint = false} : vector<64x256xf32>, vector<256x768xf32>, vector<64x768xf32> -> vector<64x768xf32>
      %add3A_92 = arith.addf %add3A_86, %dot_general3A_91 : vector<64x768xf32>
      %get3A_93 = arith.constant 0 : index
      %get3A_94 = arith.constant 0 : index
      %get3A_95 = vector.load %arg10[%get3A_93, %get3A_94] : memref<1x768xf32, #tpu.memory_space<vmem>>, vector<1x768xf32>
      %get3A_96 = vector.shape_cast %get3A_95 : vector<1x768xf32> to vector<768xf32>
      %broadcast_in_dim3A_97 = vector.shape_cast %get3A_96 : vector<768xf32> to vector<1x768xf32>
      %add3A_98 = vector.broadcast %broadcast_in_dim3A_97 : vector<1x768xf32> to vector<64x768xf32>
      %add3A_99 = arith.addf %add3A_92, %add3A_98 : vector<64x768xf32>
      %max3A_100 = arith.constant 0.000000e+00 : f32
      %max3A_101 = vector.broadcast %max3A_100 : f32 to vector<64x768xf32>
      %max3A_102 = arith.maximumf %add3A_99, %max3A_101 : vector<64x768xf32>
      %get3A_103 = arith.constant 0 : index
      %get3A_104 = arith.constant 0 : index
      %get3A_105 = vector.load %arg11[%get3A_103, %get3A_104] : memref<768x64xf32, #tpu.memory_space<vmem>>, vector<768x64xf32>
      %dot_general3A_106 = arith.constant dense<0.000000e+00> : vector<64x64xf32>
      %dot_general3A_107 = tpu.matmul %max3A_102, %get3A_105, %dot_general3A_106 {dimension_numbers = #tpu.dot_dimension_numbers<[1], [0], [0], [1], [0, 0, 1, 1], [], []>, transpose_lhs_hint = false} : vector<64x768xf32>, vector<768x64xf32>, vector<64x64xf32> -> vector<64x64xf32>
      %get3A_108 = arith.constant 0 : index
      %get3A_109 = arith.constant 0 : index
      %get3A_110 = vector.load %arg12[%get3A_108, %get3A_109] : memref<1x64xf32, #tpu.memory_space<vmem>>, vector<1x64xf32>
      %get3A_111 = vector.shape_cast %get3A_110 : vector<1x64xf32> to vector<64xf32>
      %broadcast_in_dim3A_112 = vector.shape_cast %get3A_111 : vector<64xf32> to vector<1x64xf32>
      %add3A_113 = vector.broadcast %broadcast_in_dim3A_112 : vector<1x64xf32> to vector<64x64xf32>
      %add3A_114 = arith.addf %dot_general3A_107, %add3A_113 : vector<64x64xf32>
      %swap3A = arith.constant 0 : index
      %swap3A_115 = arith.constant 0 : index
      %swap3A_116 = vector.load %arg13[%swap3A, %swap3A_115] : memref<64x64xf32, #tpu.memory_space<vmem>>, vector<64x64xf32>
      tpu.vector_store %arg13[%swap3A, %swap3A_115], %add3A_114 {strides = array<i32>} : memref<64x64xf32, #tpu.memory_space<vmem>>, vector<64x64xf32>,
    } else {
    }
    return
  }
  func.func @transform_0(%arg0: i32) -> (i32, i32, i32) {
    %c0_i32 = arith.constant 0 : i32
    %c0_i32_0 = arith.constant 0 : i32
    %c0_i32_1 = arith.constant 0 : i32
    return %c0_i32, %arg0, %c0_i32_0 : i32, i32, i32
  }
  func.func @transform_1(%arg0: i32) -> (i32, i32) {
    %c0_i32 = arith.constant 0 : i32
    %c0_i32_0 = arith.constant 0 : i32
    %c0_i32_1 = arith.constant 0 : i32
    return %c0_i32, %c0_i32_0 : i32, i32
  }
  func.func @transform_2(%arg0: i32) -> (i32, i32) {
    %c0_i32 = arith.constant 0 : i32
    %c0_i32_0 = arith.constant 0 : i32
    %c0_i32_1 = arith.constant 0 : i32
    return %c0_i32, %c0_i32_0 : i32, i32
  }
  func.func @transform_3(%arg0: i32) -> (i32, i32) {
    %c0_i32 = arith.constant 0 : i32
    %c0_i32_0 = arith.constant 0 : i32
    %c0_i32_1 = arith.constant 0 : i32
    return %c0_i32, %c0_i32_0 : i32, i32
  }
  func.func @transform_4(%arg0: i32) -> (i32, i32) {
    %c0_i32 = arith.constant 0 : i32
    %c0_i32_0 = arith.constant 0 : i32
    %c0_i32_1 = arith.constant 0 : i32
    return %c0_i32, %c0_i32_0 : i32, i32
  }
  func.func @transform_5(%arg0: i32) -> (i32, i32, i32) {
    %c0_i32 = arith.constant 0 : i32
    %c0_i32_0 = arith.constant 0 : i32
    %c0_i32_1 = arith.constant 0 : i32
    return %arg0, %c0_i32, %c0_i32_0 : i32, i32, i32
  }
  func.func @transform_6(%arg0: i32) -> (i32, i32) {
    %c0_i32 = arith.constant 0 : i32
    %c0_i32_0 = arith.constant 0 : i32
    %c0_i32_1 = arith.constant 0 : i32
    return %c0_i32, %c0_i32_0 : i32, i32
  }
  func.func @transform_7(%arg0: i32) -> (i32, i32) {
    %c0_i32 = arith.constant 0 : i32
    %c0_i32_0 = arith.constant 0 : i32
    %c0_i32_1 = arith.constant 0 : i32
    return %c0_i32, %c0_i32_0 : i32, i32
  }
  func.func @transform_8(%arg0: i32) -> (i32, i32) {
    %c0_i32 = arith.constant 0 : i32
    %c0_i32_0 = arith.constant 0 : i32
    %c0_i32_1 = arith.constant 0 : i32
    return %c0_i32, %c0_i32_0 : i32, i32
  }
  func.func @transform_9(%arg0: i32) -> (i32, i32) {
    %c0_i32 = arith.constant 0 : i32
    %c0_i32_0 = arith.constant 0 : i32
    %c0_i32_1 = arith.constant 0 : i32
    return %c0_i32, %c0_i32_0 : i32, i32
  }
  func.func @transform_10(%arg0: i32) -> (i32, i32) {
    %c0_i32 = arith.constant 0 : i32
    %c0_i32_0 = arith.constant 0 : i32
    %c0_i32_1 = arith.constant 0 : i32
    return %c0_i32, %c0_i32_0 : i32, i32
  }
  func.func @transform_11(%arg0: i32) -> (i32, i32) {
    %c0_i32 = arith.constant 0 : i32
    %c0_i32_0 = arith.constant 0 : i32
    %c0_i32_1 = arith.constant 0 : i32
    return %c0_i32, %c0_i32_0 : i32, i32
  }
  func.func @transform_12(%arg0: i32) -> (i32, i32) {
    %c0_i32 = arith.constant 0 : i32
    %c0_i32_0 = arith.constant 0 : i32
    %c0_i32_1 = arith.constant 0 : i32
    return %c0_i32, %c0_i32_0 : i32, i32
  }
}

</mosaic_0001>

<sc_bundles>
// kernel: kernel.11.cloned.1.call-start
scs
__scs_entry_jumppad:
0x0: {  	(pc) =	sbr.rel $0x88, $3  }
0x1: {  	(tag) =	ssettag $0x0;
	lr =	simm.s32 $0x1  }
0x2: {  	[smem:$0x3F8E] =	sst lr;
	_ =	strace $0xD0000000  }
0x3: {  	_ = 	snop  }
0x4: {  	_ = 	snop  }
0x5: {  	_ = 	snop  }
0x6: {  	_ = 	snop  }
0x7: {  	_ = 	snop  }
__scs_overlays_trampoline_lowered:
0x8: {  	[smem:$0x3F9D] =	sst s0  }
0x9: {  	[smem:$0x3F9E] =	sst s1  }
0xa: {  	[smem:$0x3F9F] =	sst s2  }
0xb: {  	[smem:$0x3FA0] =	sst s3  }
0xc: {  	[smem:$0x3FA1] =	sst s4  }
0xd: {  	[smem:$0x3FA2] =	sst s5  }
0xe: {  	[smem:$0x3FA3] =	sst s6  }
0xf: {  	[smem:$0x3FA4] =	sst s7  }
0x10: {  	[smem:$0x3FA5] =	sst s8  }
0x11: {  	[smem:$0x3FA6] =	sst s9;
	s0 =	simm.s32 @!p0 $0x0  }
0x12: {  	s1 =	sld [smem:$0x3F8C];
	s0 =	simm.s32 @p0 $0x1  }
0x13: {  	[smem:$0x3FA7] =	sst s0;
	s0 =	simm.s32 @!p1 $0x0  }
0x14: {  	s2 =	sld [smem:$0x3F8B];
	s0 =	simm.s32 @p1 $0x1  }
0x15: {  	[smem:$0x3FA8] =	sst s0;
	s0 =	simm.s32 @!p2 $0x0  }
0x16: {  	s3 =	sld [smem:$0x3FDB];
	s0 =	simm.s32 @p2 $0x1  }
0x17: {  	s4 =	simm.s32 $0x1BF5;
	[smem:$0x3FAA] =	sst s0  }
0x18: {  	s0 =	sld [smem:$0x3F8D];
	_ =	swait.ge [sflag:s4], $0x0  }
0x19: {  	s7 =	sld [smem:$0x3F8E]  }
0x1a: {  	s8 =	sadd.s32 $0xFFFFE003, lr  }
0x1b: {  	s9 =	sadd.s32 $0xFFFFFEF7, lr;
	s5 =	simm.s32 $0xFFFFFFFF;
	p2 =	slt.u32 s8, $0xFFFFF086  }
0x1c: {  	p1 =	slt.u32 s9, $0xF7A;
	s5 =	simm.s32 @!p2 $0x0  }
0x1d: {  	s5 =	simm.s32 @p1 $0x1;
	p0 =	seq.s32 s7, s2  }
0x1e: {  	s7 =	smul.u32 @!p0 $0xF7A, s2;
	p2 =	seq.s32 @!p0 s5, $0x0  }
0x1f: {  	s9 =	smul.u32 $0xF7A, s1;
	s8 =	simm.s32 @!p0 $0x1BF5;
	p2 =	por !p2, p0  }
0x20: {  	[sflag:s8] =	ssyncset.s32 @!p0 $0xFFFFF086;
	s6 =	sadd.s32 @!p0 s3, s7;
	s7 =	simm.s32 @!p0 $0x108  }
0x21: {  	s3 =	sadd.s32 s3, s9;
	s6 =	sadd.s32 @!p0 $0x88, s6;
	s7 =	simm.s32 @p2 $0x1082  }
0x22: {  	[simem:s7], [sflag:s8] =	dma.local @!p0 [hbm:s6], $0xF7A  }
0x23: {  	s9 =	sor.u32 $0xD0000000, s2;
	s6 =	simm.s32 $0x108;
	_ =	swait.ge @!p0 [sflag:s8], $0x0  }
0x24: {  	s3 =	sadd.s32 $0x88, s3;
	s6 =	simm.s32 @!p1 $0x1082;
	[sflag:s4] =	ssyncset.s32 $0xFFFFF086  }
0x25: {  	[simem:s6], [sflag:s4] =	dma.local [hbm:s3], $0xF7A  }
0x26: {  	[smem:$0x3F8E] =	sst s1;
	(tag) =	ssettag s2;
	_ =	strace s9  }
0x27: {  	s1 =	sld [smem:$0x3F9E]  }
0x28: {  	s2 =	sld [smem:$0x3F9F]  }
0x29: {  	s4 =	sld [smem:$0x3FA1]  }
0x2a: {  	p0 =	seq.s32 s5, $0x0;
	s5 =	sld [smem:$0x3FA2]  }
0x2b: {  	s6 =	sld [smem:$0x3FA3]  }
0x2c: {  	s7 =	sld [smem:$0x3FA4]  }
0x2d: {  	s3 =	simm.s32 $0x108;
	s8 =	sld [smem:$0x3FA5]  }
0x2e: {  	s3 =	simm.s32 @!p0 $0x1082;
	s9 =	sld [smem:$0x3FA6]  }
0x2f: {  	lr =	sadd.s32 s0, s3;
	s0 =	sld [smem:$0x3F9D]  }
0x30: {  	s3 =	sld [smem:$0x3FA0]  }
0x31: {  	[smem:$0x3FA9] =	sst s10  }
0x32: {  	s10 =	sld [smem:$0x3FA7];
	_ =	sdelay $0x3  }
0x33: {  	p0 =	seq.s32 s10, $0x1;
	s10 =	sld [smem:$0x3FA9];
	_ =	sdelay $0x3  }
0x34: {  	[smem:$0x3FA9] =	sst s10  }
0x35: {  	s10 =	sld [smem:$0x3FA8];
	_ =	sdelay $0x3  }
0x36: {  	p1 =	seq.s32 s10, $0x1;
	s10 =	sld [smem:$0x3FA9];
	_ =	sdelay $0x3  }
0x37: {  	[smem:$0x3FA9] =	sst s10  }
0x38: {  	s10 =	sld [smem:$0x3FAA]  }
0x39: {  	_ = 	snop;
	(pc) =	sbr.ind lr, $3  }
0x3a: {  	_ = 	snop  }
0x3b: {  	_ = 	snop  }
0x3c: {  	p2 =	seq.s32 s10, $0x1;
	s10 =	sld [smem:$0x3FA9]  }
0x3d: {  	_ =	shalt  }
0x3e: {  	_ =	shalt  }
0x3f: {  	_ =	shalt  }
0x40: {  	_ =	shalt  }
0x41: {  	_ =	shalt  }
0x42: {  	_ =	shalt  }
0x43: {  	_ =	shalt  }
0x44: {  	_ =	shalt  }
0x45: {  	_ =	shalt  }
0x46: {  	_ =	shalt  }
0x47: {  	_ =	shalt  }
0x48: {  	_ =	shalt  }
0x49: {  	_ =	shalt  }
0x4a: {  	_ =	shalt  }
0x4b: {  	_ =	shalt  }
0x4c: {  	_ =	shalt  }
0x4d: {  	_ =	shalt  }
0x4e: {  	_ =	shalt  }
0x4f: {  	_ =	shalt  }
0x50: {  	_ =	shalt  }
0x51: {  	_ =	shalt  }
0x52: {  	_ =	shalt  }
0x53: {  	_ =	shalt  }
0x54: {  	_ =	shalt  }
0x55: {  	_ =	shalt  }
0x56: {  	_ =	shalt  }
0x57: {  	_ =	shalt  }
0x58: {  	_ =	shalt  }
0x59: {  	_ =	shalt  }
0x5a: {  	_ =	shalt  }
0x5b: {  	_ =	shalt  }
0x5c: {  	_ =	shalt  }
0x5d: {  	_ =	shalt  }
0x5e: {  	_ =	shalt  }
0x5f: {  	_ =	shalt  }
0x60: {  	_ =	shalt  }
0x61: {  	_ =	shalt  }
0x62: {  	_ =	shalt  }
0x63: {  	_ =	shalt  }
0x64: {  	_ =	shalt  }
0x65: {  	_ =	shalt  }
0x66: {  	_ =	shalt  }
0x67: {  	_ =	shalt  }
0x68: {  	_ =	shalt  }
0x69: {  	_ =	shalt  }
0x6a: {  	_ =	shalt  }
0x6b: {  	_ =	shalt  }
0x6c: {  	_ =	shalt  }
0x6d: {  	_ =	shalt  }
0x6e: {  	_ =	shalt  }
0x6f: {  	_ =	shalt  }
0x70: {  	_ =	shalt  }
0x71: {  	_ =	shalt  }
0x72: {  	_ =	shalt  }
0x73: {  	_ =	shalt  }
0x74: {  	_ =	shalt  }
0x75: {  	_ =	shalt  }
0x76: {  	_ =	shalt  }
0x77: {  	_ =	shalt  }
0x78: {  	_ =	shalt  }
0x79: {  	_ =	shalt  }
0x7a: {  	_ =	shalt  }
0x7b: {  	_ =	shalt  }
0x7c: {  	_ =	shalt  }
0x7d: {  	_ =	shalt  }
0x7e: {  	_ =	shalt  }
0x7f: {  	_ =	shalt  }
0x80: {  	_ =	shalt  }
0x81: {  	_ =	shalt  }
0x82: {  	_ =	shalt  }
0x83: {  	_ =	shalt  }
0x84: {  	_ =	shalt  }
0x85: {  	_ =	shalt  }
0x86: {  	_ =	shalt  }
0x87: {  	_ =	shalt  }
.Lfunc_end0:
.L_simem_size_0:
called_computation.1_lowered:
.L_overlay_start_0:
0x88: {  	s2 =	sld [smem:$0x3FD9]  }
0x89: {  	s3 =	sld [smem:$0x3FFE];
	_ =	sdelay $0x1  }
0x8a: {  	s1 =	srdreg.scid  }
0x8b: {  	s0 =	sand.u32 $0x1, s1  }
0x8c: {  	s16 =	sshll.u32 s0, $0xA;
	s2 =	sadd.s32 s3, s2  }
0x8d: {  	s2 =	sadd.s32 s2, s16  }
0x8e: {  	[smem:$0x3FB5] =	sst s2  }
0x8f: {  	_ = 	snop  }
0x90: {  	(tm) =	ssettm $0x1  }
0x91: {  	s17 =	sld [smem:$0x3FFB];
	_ =	sdelay $0x3  }
0x92: {  	_ =	strace s17  }
0x93: {  	s2 =	sld [smem:$0x3FFC];
	_ =	sdelay $0x3  }
0x94: {  	_ =	strace s2  }
0x95: {  	s2 =	sld [smem:$0x3FFD];
	_ =	sdelay $0x3  }
0x96: {  	_ =	strace s2  }
0x97: {  	_ =	strace $0x8FFFFFFF  }
0x98: {  	s18 =	sld [smem:$0x3FDB];
	_ =	sdelay $0x1  }
0x99: {  	s19 =	simm.s32 $_scs_section_size  }
0x9a: {  	s4 =	simm.s32 $_size__tile_overlayer_lowered;
	s5 =	simm.s32 $_tile_overlayer_lowered  }
0x9b: {  	s22 =	simm.s32 $0x1BFF;
	s21 =	sshll.u32 s5, $0x1;
	s2 =	sadd.s32 s19, s18  }
0x9c: {  	s6 =	simm.s32 $0x0;
	s20 =	sshll.u32 s4, $0x1;
	s4 =	sadd.s32 s21, s2  }
0x9d: {  	[timem:s6], [sflag:s22] =	dma.local [hbm:s4], s20  }
0x9e: {  	_ =	swait.ge [sflag:s22], s20  }
0x9f: {  	s3 =	ssub.s32 $0x0, s20;
	[sflag:s22] =	ssyncset.done $0x0  }
0xa0: {  	[sflag:s22] =	ssyncadd.s32 s3;
	_ =	sdelay $0x1  }
0xa1: {  	s23 =	simm.s32 $0x1B8B  }
0xa2: {  	_ =	swait.ge [sflag:s23], $0x1  }
0xa3: {  	[sflag:s23] =	ssyncset.done $0x0  }
0xa4: {  	s25 =	simm.s32 $0x1B8E;
	s24 =	sld [smem:$0x3FFE];
	[sflag:s23] =	ssyncadd.s32 $0xFFFFFFFF  }
0xa5: {  	s26 =	simm.s32 $execute0_lowered;
	[smem:$0x3FD2] =	sst s25  }
0xa6: {  	s4 =	sshll.u32 s26, $0x1;
	_ =	strace $0x80000049;
	[dreg:$0x1] =	wrdreg $0xFFFFFFFF  }
0xa7: {  	s28 =	simm.s32 $_size_execute0_lowered;
	s2 =	sadd.s32 s2, s4;
	[dreg:$0x0] =	wrdreg $0x0  }
0xa8: {  	s4 =	sshll.u32 s28, $0x1;
	[dreg:$0x2] =	wrdreg s2  }
0xa9: {  	[dreg:$0x3] =	wrdreg s4  }
0xaa: {  	[dreg:$0x4] =	wrdreg $0xC0  }
0xab: {  	_ =	task [dreg:s6], $0x5FFFF  }
0xac: {  	[dreg:$0x1] =	wrdreg $0xFFFFFFFF  }
0xad: {  	[dreg:$0x0] =	wrdreg $0x60  }
0xae: {  	[dreg:$0x2] =	wrdreg s24  }
0xaf: {  	[dreg:$0x3] =	wrdreg $0x0  }
0xb0: {  	[dreg:$0x4] =	wrdreg $0x9  }
0xb1: {  	_ =	task.clear_ibuf [dreg:s6], $0x5FFFF;
	_ =	strace $0x90000049  }
0xb2: {  	s29 =	simm.s32 $0x9;
	_ =	strace $0x8000004B  }
0xb3: {  	_ =	swait.ge [sflag:s29], $0x1  }
0xb4: {  	[sflag:s29] =	ssyncadd.s32 $0xFFFFFFFF  }
0xb5: {  	_ =	strace $0x9000004B  }
0xb6: {  	_ =	sfence  }
0xb7: {  	s30 =	sld [smem:$0x0];
	_ =	sdelay $0x2  }
0xb8: {  	s31 =	sshll.u32 s1, $0xD;
	s1 =	sshrl.u32 s1, $0x2  }
0xb9: {  	s3 =	sand.u32 $0x4000, s31;
	s1 =	sadd.s32 s1, s30  }
0xba: {  	s0 =	sor.u32 s3, s0;
	s1 =	sshll.u32 s1, $0x11  }
0xbb: {  	s0 =	sor.u32 s1, s0  }
0xbc: {  	s0 =	sadd.s32 $0x8F2B, s0  }
0xbd: {  	[sflag:s0] =	ssyncadd.remote.s32 $0x1  }
0xbe: {  	_ =	sfence.sel $0xFFFF  }
0xbf: {  	[dreg:$0x0] =	wrdreg $0xFFFFFFFF;
	(pc) =	sbr.abs _section_cstart, $3  }
0xc0: {  	[dreg:$0x1] =	wrdreg $0xFFFFFFFF  }
0xc1: {  	_ =	task.clear_ibuf [dreg:s6], $0x2FFFF;
	_ =	strace $0x9FFFFFFF  }
0xc2: {  	(tm) =	ssettm $0x7FFFFFFF  }
0xc3: {  	_ =	shalt  }
tec
execute0_lowered:
.L_overlay_start_1:
0x0: {  	(tag) =	ssettag $0x1  }
0x1: {  	s0 =	rddreg [dreg:$0x0]  }
0x2: {  	s1 =	rddreg [dreg:$0x1]  }
0x3: {  	s2 =	stileid.u32;
	s3 =	simm.s32 $0x0;
	s6 =	srdreg.scid  }
0x4: {  	s19 =	simm.s32 $0x80;
	s28 =	simm.s32 $0x161C0;
	s29 =	simm.s32 $0x1A1C0  }
0x5: {  	s30 =	simm.s32 $0x2;
	s31 =	simm.s32 $0x16140;
	s10 =	smul.u32 $0x270, s2  }
0x6: {  	s4 =	sshrl.u32 s2, $0x3;
	s5 =	sshll.u32 s2, $0x7;
	s13 =	smul.u32 $0x4E000, s2  }
0x7: {  	[smem:$0x7FF] =	sst s3;
	s9 =	sand.u32 $0x1, s6;
	s21 =	smul.u32 $0x2780, s2  }
0x8: {  	s23 =	sadd.s32 $0x138800, s1;
	p0 =	sne.s32 s2, $0xF;
	s4 =	smul.u32 $0x13C00, s4  }
0x9: {  	p2 =	seq.s32 s2, $0xF;
	s5 =	sand.u32 $0x380, s5;
	s12 =	smul.u32 $0x2710, s9  }
0xa: {  	p1 =	sne.s32 s2, $0x0;
	_ =	strace $0x8000004A;
	s14 =	smul.u32 $0x138800, s9  }
0xb: {  	s6 =	sshll.u32 s9, $0x4;
	s8 =	ssub.s32 $0x2, s9;
	s15 =	smul.u32 $0x27800, s9  }
0xc: {  	[dreg:$0x6] =	wrdreg s23;
	s23 =	simm.s32 $0x6;
	s6 =	sor.u32 s2, s6  }
0xd: {  	s11 =	sshrl.u32 s8, $0x1;
	s13 =	sshrl.u32 s13, $0x2;
	s5 =	sor.u32 s5, s4  }
0xe: {  	s4 =	sadd.s32 $0xD600, s0;
	s6 =	smul.u32 $0x2780, s6;
	s11 =	ssub.s32 s8, s11  }
0xf: {  	s10 =	sadd.s32 s10, s12;
	s9 =	sadd.s32 s13, s1;
	s14 =	sshrl.u32 s14, $0x3  }
0x10: {  	s12 =	sadd.s32 $0x124800, s1;
	s13 =	sadd.s32 s21, s15;
	s7 =	sshrl.u32 s5, $0x3  }
0x11: {  	s5 =	sadd.s32 $0x3800, s0;
	s10 =	sshll.u32 s10, $0x4;
	s16 =	sadd.s32 $0x24900, s14  }
0x12: {  	s25 =	sadd.s32 $0x180, s13;
	s21 =	sadd.s32 $0x100, s13;
	s7 =	sadd.s32 s7, s0  }
0x13: {  	s0 =	sadd.s32 $0x60800, s0;
	s6 =	sshrl.u32 s6, $0x3;
	s22 =	sadd.s32 s4, s10  }
0x14: {  	s24 =	sadd.s32 s4, s16;
	s26 =	sshrl.u32 s25, $0x3;
	s25 =	simm.s32 $0x5  }
0x15: {  	s6 =	sadd.s32 s5, s6;
	s7 =	sadd.s32 $0x5B800, s7;
	[dreg:$0x5] =	wrdreg s22  }
.Ltmp0:
0x16: {  	[dreg:$0x7] =	wrdreg s24;
	s14 =	sadd.s32 s0, s10;
	(pc) =	sbr.rel .LBB2_1-.Ltmp0, $4  }
0x17: {  	s15 =	sadd.s32 s0, s16;
	s16 =	smax.u32 s11, $0x1;
	s17 =	sadd.s32 s26, s5  }
0x18: {  	s22 =	simm.s32 $0x138C0;
	s24 =	simm.s32 $0x13940;
	s26 =	simm.s32 $0x1  }
0x19: {  	s0 =	simm.s32 $0x4;
	[dreg:$0x3] =	wrdreg s7;
	s20 =	sadd.s32 $0x10, s6  }
0x1a: {  	v0 =	vimm.f32 $0.0e+00;
	s11 =	simm.s32 $0x3;
	s10 =	simm.s32 $0x0;
	[dreg:$0x4] =	wrdreg s20  }
.LBB2_8:
0x1b: {  	_ =	swait.ge [sflag:s30], $0x4000  }
0x1c: {  	[sflag:s30] =	ssyncset.done $0x0  }
0x1d: {  	[sflag:s30] =	ssyncadd.s32 $0xFFFFC000  }
0x1e: {  	v1 =	vld [tilespmem:$0x160C0]  }
0x1f: {  	v2 =	vld [tilespmem:$0x160D0]  }
0x20: {  	v3 =	vld [tilespmem:$0x160E0]  }
0x21: {  	v4 =	vld [tilespmem:$0x160F0]  }
0x22: {  	v5 =	vld [tilespmem:$0x16100]  }
0x23: {  	[tilespmem:$0x16140] =	vst v1;
	v1 =	vld [tilespmem:$0x16110]  }
0x24: {  	[tilespmem:$0x16150] =	vst v2;
	v2 =	vld [tilespmem:$0x16120]  }
0x25: {  	[tilespmem:$0x16160] =	vst v3;
	v3 =	vld [tilespmem:$0x16130]  }
0x26: {  	[tilespmem:$0x16170] =	vst v4  }
0x27: {  	[tilespmem:$0x16180] =	vst v5  }
0x28: {  	[tilespmem:$0x16190] =	vst v1  }
0x29: {  	[tilespmem:$0x161A0] =	vst v2  }
0x2a: {  	[tilespmem:$0x161B0] =	vst v3  }
0x2b: {  	[spmem:s1] =	stream.indirect.scatter.add.f32 [tilespmem:s28], [sflag:$0x6], $0x80, s31, s19, $0xb8;
	[tilespmem:$0x1E1C0] =	vst v63  }
0x2c: {  	_ =	swait.ge [sflag:s23], $0x4000  }
0x2d: {  	[sflag:s23] =	ssyncset.done $0x0  }
0x2e: {  	[sflag:s23] =	ssyncadd.s32 $0xFFFFC000  }
0x2f: {  	s2 =	sshrl.u32 @p2 s12, $0x3;
	s7 =	simm.s32 @p2 $0x1FC6;
	[bflag:$0x0] =	sbarrier.arrive $0xFFFF  }
0x30: {  	[hbm:s15], [sflag:s7] =	dma.local @p2 [spmem:s2], $0x2800  }
0x31: {  	s2 =	simm.s32 @p2 $0x6  }
0x32: {  	s10 =	sadd.s32 $0x1, s10;
	s7 =	stileid.u32;
	_ =	swait.ge @p2 [sflag:s2], $0x2800  }
0x33: {  	p3 =	sne.s32 s10, s16;
	s7 =	sshll.u32 @!p2 s7, $0x6;
	[sflag:s2] =	ssyncset.done @p2 $0x0  }
0x34: {  	[sflag:s2] =	ssyncadd.s32 @p2 $0xFFFFD800;
	s2 =	sor.u32 @!p2 $0x1C06, s7;
	s7 =	sshrl.u32 @!p2 s9, $0x3  }
0x35: {  	[hbm:s14], [sflag:s2] =	dma.local @!p2 [spmem:s7], $0x2700  }
.Ltmp1:
0x36: {  	_ = 	snop;
	(pc) =	sbr.rel @!p3 .LBB2_9-.Ltmp1, $4  }
0x37: {  	s2 =	simm.s32 @!p2 $0x6  }
0x38: {  	_ =	swait.ge @!p2 [sflag:s2], $0x2700  }
0x39: {  	[sflag:s2] =	ssyncset.done @!p2 $0x0  }
0x3a: {  	[sflag:s2] =	ssyncadd.s32 @!p2 $0xFFFFD900  }
.LBB2_1:
0x3b: {  	s2 =	rddreg [dreg:$0x3];
	s7 =	simm.s32 $0x400;
	s8 =	simm.s32 $0x139C0  }
0x3c: {  	[tilespmem:s8], [sflag:$0x1] =	stream.strided.gather [hbm4b:s2+s19], $0x2780, s7, s19, $0x38;
	[tilespmem:$0x1E1C0] =	vst v63  }
0x3d: {  	_ = 	snop  }
0x3e: {  	[tilespmem:s22], [sflag:$0x6] =	stream.linear.gather [hbm4b:s6+s3], $0x80, $0x38;
	[tilespmem:$0x1E1C0] =	vst v63  }
0x3f: {  	_ =	swait.ge [sflag:s23], $0x80  }
0x40: {  	[sflag:s23] =	ssyncset.done $0x0  }
.Ltmp2:
0x41: {  	s20 =	rddreg [dreg:$0x4];
	[sflag:s23] =	ssyncadd.s32 $0xFFFFFF80;
	(pc) =	sbr.rel @p0 .LBB2_3-.Ltmp2, $4  }
0x42: {  	[tilespmem:s24], [sflag:$0x6] =	stream.linear.gather [hbm4b:s20+s3], $0x80, $0x38;
	[tilespmem:$0x1E1C0] =	vst v63  }
0x43: {  	_ =	swait.ge [sflag:s23], $0x80  }
0x44: {  	[sflag:s23] =	ssyncset.done $0x0  }
0x45: {  	[sflag:s23] =	ssyncadd.s32 $0xFFFFFF80  }
0x46: {  	s13 =	sshrl.u32 s12, $0x3  }
.Ltmp3:
0x47: {  	s2 =	rddreg [dreg:$0x7];
	s7 =	simm.s32 $0x1FC6;
	(pc) =	sbr.rel .LBB2_5-.Ltmp3, $4  }
0x48: {  	[spmem:s13], [sflag:s7] =	dma.local [hbm:s2], $0x2800  }
0x49: {  	_ =	swait.ge [sflag:s23], $0x2800  }
0x4a: {  	[sflag:s23] =	ssyncset.done $0x0  }
0x4b: {  	[sflag:s23] =	ssyncadd.s32 $0xFFFFD800  }
.LBB2_3:
0x4c: {  	s2 =	stileid.u32  }
0x4d: {  	s18 =	sshrl.u32 s9, $0x3;
	s13 =	sshll.u32 s2, $0x6  }
.Ltmp4:
0x4e: {  	s20 =	rddreg [dreg:$0x5];
	s13 =	sor.u32 $0x1C06, s13;
	(pc) =	sbr.rel @p1 .LBB2_5-.Ltmp4, $4  }
0x4f: {  	[spmem:s18], [sflag:s13] =	dma.local [hbm:s20], $0x2700  }
0x50: {  	_ =	swait.ge [sflag:s23], $0x2700  }
0x51: {  	[sflag:s23] =	ssyncset.done $0x0  }
0x52: {  	[sflag:s23] =	ssyncadd.s32 $0xFFFFD900  }
0x53: {  	[tilespmem:$0x161C0] =	vst v0  }
0x54: {  	[tilespmem:$0x161D0] =	vst v0  }
0x55: {  	[tilespmem:$0x161E0] =	vst v0  }
0x56: {  	[tilespmem:$0x161F0] =	vst v0  }
0x57: {  	[tilespmem:$0x16200] =	vst v0  }
0x58: {  	[tilespmem:$0x16210] =	vst v0  }
0x59: {  	[tilespmem:$0x16220] =	vst v0  }
0x5a: {  	[tilespmem:$0x16230] =	vst v0  }
0x5b: {  	[tilespmem:$0x16240] =	vst v0  }
0x5c: {  	[tilespmem:$0x16250] =	vst v0  }
0x5d: {  	[tilespmem:$0x16260] =	vst v0  }
0x5e: {  	[tilespmem:$0x16270] =	vst v0  }
0x5f: {  	[tilespmem:$0x16280] =	vst v0  }
0x60: {  	[tilespmem:$0x16290] =	vst v0  }
0x61: {  	[tilespmem:$0x162A0] =	vst v0  }
0x62: {  	[tilespmem:$0x162B0] =	vst v0  }
0x63: {  	[tilespmem:$0x162C0] =	vst v0  }
0x64: {  	[tilespmem:$0x162D0] =	vst v0  }
0x65: {  	[tilespmem:$0x162E0] =	vst v0  }
0x66: {  	[tilespmem:$0x162F0] =	vst v0  }
0x67: {  	[tilespmem:$0x16300] =	vst v0  }
0x68: {  	[tilespmem:$0x16310] =	vst v0  }
0x69: {  	[tilespmem:$0x16320] =	vst v0  }
0x6a: {  	[tilespmem:$0x16330] =	vst v0  }
0x6b: {  	[tilespmem:$0x16340] =	vst v0  }
0x6c: {  	[tilespmem:$0x16350] =	vst v0  }
0x6d: {  	[tilespmem:$0x16360] =	vst v0  }
0x6e: {  	[tilespmem:$0x16370] =	vst v0  }
0x6f: {  	[tilespmem:$0x16380] =	vst v0  }
0x70: {  	[tilespmem:$0x16390] =	vst v0  }
0x71: {  	[tilespmem:$0x163A0] =	vst v0  }
0x72: {  	[tilespmem:$0x163B0] =	vst v0  }
0x73: {  	[tilespmem:$0x163C0] =	vst v0  }
0x74: {  	[tilespmem:$0x163D0] =	vst v0  }
0x75: {  	[tilespmem:$0x163E0] =	vst v0  }
0x76: {  	[tilespmem:$0x163F0] =	vst v0  }
0x77: {  	[tilespmem:$0x16400] =	vst v0  }
0x78: {  	[tilespmem:$0x16410] =	vst v0  }
0x79: {  	[tilespmem:$0x16420] =	vst v0  }
0x7a: {  	[tilespmem:$0x16430] =	vst v0  }
0x7b: {  	[tilespmem:$0x16440] =	vst v0  }
0x7c: {  	[tilespmem:$0x16450] =	vst v0  }
0x7d: {  	[tilespmem:$0x16460] =	vst v0  }
0x7e: {  	[tilespmem:$0x16470] =	vst v0  }
0x7f: {  	[tilespmem:$0x16480] =	vst v0  }
0x80: {  	[tilespmem:$0x16490] =	vst v0  }
0x81: {  	[tilespmem:$0x164A0] =	vst v0  }
0x82: {  	[tilespmem:$0x164B0] =	vst v0  }
0x83: {  	[tilespmem:$0x164C0] =	vst v0  }
0x84: {  	[tilespmem:$0x164D0] =	vst v0  }
0x85: {  	[tilespmem:$0x164E0] =	vst v0  }
0x86: {  	[tilespmem:$0x164F0] =	vst v0  }
0x87: {  	[tilespmem:$0x16500] =	vst v0  }
0x88: {  	[tilespmem:$0x16510] =	vst v0  }
0x89: {  	[tilespmem:$0x16520] =	vst v0  }
0x8a: {  	[tilespmem:$0x16530] =	vst v0  }
0x8b: {  	[tilespmem:$0x16540] =	vst v0  }
0x8c: {  	[tilespmem:$0x16550] =	vst v0  }
0x8d: {  	[tilespmem:$0x16560] =	vst v0  }
0x8e: {  	[tilespmem:$0x16570] =	vst v0  }
0x8f: {  	[tilespmem:$0x16580] =	vst v0  }
0x90: {  	[tilespmem:$0x16590] =	vst v0  }
0x91: {  	[tilespmem:$0x165A0] =	vst v0  }
0x92: {  	[tilespmem:$0x165B0] =	vst v0;
	s2 =	rddreg [dreg:$0x6]  }
0x93: {  	[spmem:s2] =	stream.linear.scatter [tilespmem:s28], [sflag:$0x6], $0x400, $0x38;
	[tilespmem:$0x1E1C0] =	vst v63  }
0x94: {  	_ =	swait.ge [sflag:s23], $0x400  }
0x95: {  	[sflag:s23] =	ssyncset.done $0x0  }
0x96: {  	[sflag:s23] =	ssyncadd.s32 $0xFFFFFC00  }
.LBB2_5:
0x97: {  	_ =	swait.ge [sflag:s26], $0x2780  }
0x98: {  	[sflag:s26] =	ssyncset.done $0x0  }
0x99: {  	[sflag:s26] =	ssyncadd.s32 $0xFFFFD880  }
0x9a: {  	[tilespmem:s28], [sflag:$0x2] =	stream.indirect.gather [hbm4b:s4+s19], $0x80, s22, s19, $0xb8;
	[tilespmem:$0x1E1C0] =	vst v63  }
0x9b: {  	s13 =	simm.s32 $0x0  }
0x9c: {  	[tilespmem:s29], [sflag:$0x3] =	stream.indirect.gather [hbm4b:s4+s19], $0x80, s24, s19, $0xb8;
	[tilespmem:$0x1E1C0] =	vst v63  }
0x9d: {  	s20 =	simm.s32 $0x13A40;
	s18 =	smov.u32 s21;
	[bflag:$0x0] =	sbarrier.arrive $0xFFFF  }
.LBB2_6:
0x9e: {  	_ =	swait.ge [sflag:s30], $0x4000  }
0x9f: {  	s2 =	sshrl.u32 s18, $0x3;
	[sflag:s30] =	ssyncset.done $0x0  }
0xa0: {  	s2 =	sadd.s32 s5, s2;
	[sflag:s30] =	ssyncadd.s32 $0xFFFFC000  }
0xa1: {  	[tilespmem:s22], [sflag:$0x4] =	stream.linear.gather [hbm4b:s2+s3], $0x80, $0x38;
	[tilespmem:$0x1E1C0] =	vst v63  }
0xa2: {  	v1 =	vld [tilespmem:s20+$0xFFFFFF80];
	_ =	sdelay $0x4  }
0xa3: {  	[tilespmem:$0x16140] =	vst v1  }
0xa4: {  	v1 =	vld [tilespmem:s20+$0xFFFFFF90];
	_ =	sdelay $0x4  }
0xa5: {  	[tilespmem:$0x16150] =	vst v1  }
0xa6: {  	v1 =	vld [tilespmem:s20+$0xFFFFFFA0];
	_ =	sdelay $0x4  }
0xa7: {  	[tilespmem:$0x16160] =	vst v1  }
0xa8: {  	v1 =	vld [tilespmem:s20+$0xFFFFFFB0];
	_ =	sdelay $0x4  }
0xa9: {  	[tilespmem:$0x16170] =	vst v1  }
0xaa: {  	v1 =	vld [tilespmem:s20+$0xFFFFFFC0];
	_ =	sdelay $0x4  }
0xab: {  	[tilespmem:$0x16180] =	vst v1  }
0xac: {  	v1 =	vld [tilespmem:s20+$0xFFFFFFD0];
	_ =	sdelay $0x4  }
0xad: {  	[tilespmem:$0x16190] =	vst v1  }
0xae: {  	v1 =	vld [tilespmem:s20+$0xFFFFFFE0];
	_ =	sdelay $0x4  }
0xaf: {  	[tilespmem:$0x161A0] =	vst v1  }
0xb0: {  	v1 =	vld [tilespmem:s20+$0xFFFFFFF0];
	_ =	sdelay $0x4  }
0xb1: {  	[tilespmem:$0x161B0] =	vst v1  }
0xb2: {  	[spmem:s1] =	stream.indirect.scatter.add.f32 [tilespmem:s28], [sflag:$0x6], $0x80, s31, s19, $0xb8;
	[tilespmem:$0x1E1C0] =	vst v63  }
0xb3: {  	_ =	swait.ge [sflag:s23], $0x4000  }
0xb4: {  	[sflag:s23] =	ssyncset.done $0x0  }
0xb5: {  	[sflag:s23] =	ssyncadd.s32 $0xFFFFC000  }
0xb6: {  	_ =	swait.ge [sflag:s0], $0x80  }
0xb7: {  	[sflag:s0] =	ssyncset.done $0x0  }
0xb8: {  	[sflag:s0] =	ssyncadd.s32 $0xFFFFFF80  }
0xb9: {  	[tilespmem:s28], [sflag:$0x2] =	stream.indirect.gather [hbm4b:s4+s19], $0x80, s22, s19, $0xb8;
	[tilespmem:$0x1E1C0] =	vst v63  }
0xba: {  	p3 =	seq.s32 s13, $0x4C0;
	_ =	swait.ge [sflag:s11], $0x4000  }
0xbb: {  	s7 =	simm.s32 @!p3 $0x0;
	[sflag:s11] =	ssyncset.done $0x0  }
0xbc: {  	s8 =	simm.s32 @!p3 $0x13940;
	s2 =	sadd.s32 @!p3 s13, s17;
	[sflag:s11] =	ssyncadd.s32 $0xFFFFC000  }
0xbd: {  	[tilespmem:s8], [sflag:$0x5] =	stream.linear.gather @!p3 [hbm4b:s2+s7], $0x80, $0x38;
	[tilespmem:$0x1E1C0] =	vst v63  }
0xbe: {  	v1 =	vld [tilespmem:s20+$0x0];
	_ =	sdelay $0x4  }
0xbf: {  	[tilespmem:$0x16140] =	vst v1  }
0xc0: {  	v1 =	vld [tilespmem:s20+$0x10];
	_ =	sdelay $0x4  }
0xc1: {  	[tilespmem:$0x16150] =	vst v1  }
0xc2: {  	v1 =	vld [tilespmem:s20+$0x20];
	_ =	sdelay $0x4  }
0xc3: {  	[tilespmem:$0x16160] =	vst v1  }
0xc4: {  	v1 =	vld [tilespmem:s20+$0x30];
	_ =	sdelay $0x4  }
0xc5: {  	[tilespmem:$0x16170] =	vst v1  }
0xc6: {  	v1 =	vld [tilespmem:s20+$0x40];
	_ =	sdelay $0x4  }
0xc7: {  	[tilespmem:$0x16180] =	vst v1  }
0xc8: {  	v1 =	vld [tilespmem:s20+$0x50];
	_ =	sdelay $0x4  }
0xc9: {  	[tilespmem:$0x16190] =	vst v1  }
0xca: {  	v1 =	vld [tilespmem:s20+$0x60];
	_ =	sdelay $0x4  }
0xcb: {  	[tilespmem:$0x161A0] =	vst v1  }
0xcc: {  	v1 =	vld [tilespmem:s20+$0x70];
	_ =	sdelay $0x4  }
.Ltmp5:
0xcd: {  	[tilespmem:$0x161B0] =	vst v1;
	(pc) =	sbr.rel @p3 .LBB2_8-.Ltmp5, $4  }
0xce: {  	[spmem:s1] =	stream.indirect.scatter.add.f32 [tilespmem:s29], [sflag:$0x6], $0x80, s31, s19, $0xb8;
	[tilespmem:$0x1E1C0] =	vst v63  }
0xcf: {  	_ =	swait.ge [sflag:s23], $0x4000  }
0xd0: {  	[sflag:s23] =	ssyncset.done $0x0  }
0xd1: {  	[sflag:s23] =	ssyncadd.s32 $0xFFFFC000  }
.Ltmp6:
0xd2: {  	(pc) =	sbr.rel .LBB2_6-.Ltmp6, $4  }
0xd3: {  	_ =	swait.ge [sflag:s25], $0x80  }
0xd4: {  	s13 =	sadd.s32 $0x20, s13;
	[sflag:s25] =	ssyncset.done $0x0  }
0xd5: {  	s18 =	sadd.s32 $0x100, s18;
	s20 =	sadd.s32 $0x100, s20;
	[sflag:s25] =	ssyncadd.s32 $0xFFFFFF80  }
0xd6: {  	[tilespmem:s29], [sflag:$0x3] =	stream.indirect.gather [hbm4b:s4+s19], $0x80, s24, s19, $0xb8;
	[tilespmem:$0x1E1C0] =	vst v63  }
.LBB2_9:
0xd7: {  	_ =	sfence.sel $0x180000  }
0xd8: {  	[bflag:$0x0] =	sbarrier.arrive $0xFFFF  }
0xd9: {  	_ =	strace $0x9000004A  }
0xda: {  	[bflag:$0x2] =	sbarrier.arrive $0xFFFF  }
0xdb: {  	s0 =	rddreg [dreg:$0x2]  }
0xdc: {  	s0 =	sadd.s32 @!p1 $0x100000, s0  }
0xdd: {  	[sflag:s0] =	ssyncadd.tile.s32 @!p1 $0x1;
	_ =	shalt  }
.Lfunc_end2:
_tile_overlayer_lowered:
.L_overlay_start_2:
0xde: {  	(tag) =	ssettag $0x2  }
0xdf: {  	s0 =	rddreg [dreg:$0x0];
	s2 =	stileid.u32  }
0xe0: {  	s1 =	rddreg [dreg:$0x1];
	p0 =	sne.s32 s2, $0x0  }
0xe1: {  	s3 =	rddreg [dreg:$0x2];
	[bflag:$0x3] =	sbarrier.arrive $0xFFFF;
	s2 =	simm.s32 @!p0 $0x1C06  }
0xe2: {  	[timem:s3], [sflag:s2] =	dma.local @!p0 [hbm:s0], s1  }
0xe3: {  	s0 =	simm.s32 @!p0 $0x6  }
0xe4: {  	_ =	swait.ge @!p0 [sflag:s0], s1  }
0xe5: {  	s1 =	ssub.s32 @!p0 $0x0, s1;
	[sflag:s0] =	ssyncset.done @!p0 $0x0  }
0xe6: {  	[sflag:s0] =	ssyncadd.s32 @!p0 s1  }
0xe7: {  	[bflag:$0x3] =	sbarrier.arrive $0xFFFF  }
0xe8: {  	_ =	shalt  }

// kernel: kernel.14.cloned.1.call-start
scs
__scs_entry_jumppad:
0x0: {  	(pc) =	sbr.rel $0x88, $3  }
0x1: {  	(tag) =	ssettag $0x0;
	lr =	simm.s32 $0x1  }
0x2: {  	[smem:$0x3F8E] =	sst lr;
	_ =	strace $0xD0000000  }
0x3: {  	_ = 	snop  }
0x4: {  	_ = 	snop  }
0x5: {  	_ = 	snop  }
0x6: {  	_ = 	snop  }
0x7: {  	_ = 	snop  }
__scs_overlays_trampoline_lowered:
0x8: {  	[smem:$0x3F9D] =	sst s0  }
0x9: {  	[smem:$0x3F9E] =	sst s1  }
0xa: {  	[smem:$0x3F9F] =	sst s2  }
0xb: {  	[smem:$0x3FA0] =	sst s3  }
0xc: {  	[smem:$0x3FA1] =	sst s4  }
0xd: {  	[smem:$0x3FA2] =	sst s5  }
0xe: {  	[smem:$0x3FA3] =	sst s6  }
0xf: {  	[smem:$0x3FA4] =	sst s7  }
0x10: {  	[smem:$0x3FA5] =	sst s8  }
0x11: {  	[smem:$0x3FA6] =	sst s9;
	s0 =	simm.s32 @!p0 $0x0  }
0x12: {  	s1 =	sld [smem:$0x3F8C];
	s0 =	simm.s32 @p0 $0x1  }
0x13: {  	[smem:$0x3FA7] =	sst s0;
	s0 =	simm.s32 @!p1 $0x0  }
0x14: {  	s2 =	sld [smem:$0x3F8B];
	s0 =	simm.s32 @p1 $0x1  }
0x15: {  	[smem:$0x3FA8] =	sst s0;
	s0 =	simm.s32 @!p2 $0x0  }
0x16: {  	s3 =	sld [smem:$0x3FDB];
	s0 =	simm.s32 @p2 $0x1  }
0x17: {  	s4 =	simm.s32 $0x1BF5;
	[smem:$0x3FAA] =	sst s0  }
0x18: {  	s0 =	sld [smem:$0x3F8D];
	_ =	swait.ge [sflag:s4], $0x0  }
0x19: {  	s7 =	sld [smem:$0x3F8E]  }
0x1a: {  	s8 =	sadd.s32 $0xFFFFE003, lr  }
0x1b: {  	s9 =	sadd.s32 $0xFFFFFEF7, lr;
	s5 =	simm.s32 $0xFFFFFFFF;
	p2 =	slt.u32 s8, $0xFFFFF086  }
0x1c: {  	p1 =	slt.u32 s9, $0xF7A;
	s5 =	simm.s32 @!p2 $0x0  }
0x1d: {  	s5 =	simm.s32 @p1 $0x1;
	p0 =	seq.s32 s7, s2  }
0x1e: {  	s7 =	smul.u32 @!p0 $0xF7A, s2;
	p2 =	seq.s32 @!p0 s5, $0x0  }
0x1f: {  	s9 =	smul.u32 $0xF7A, s1;
	s8 =	simm.s32 @!p0 $0x1BF5;
	p2 =	por !p2, p0  }
0x20: {  	[sflag:s8] =	ssyncset.s32 @!p0 $0xFFFFF086;
	s6 =	sadd.s32 @!p0 s3, s7;
	s7 =	simm.s32 @!p0 $0x108  }
0x21: {  	s3 =	sadd.s32 s3, s9;
	s6 =	sadd.s32 @!p0 $0x88, s6;
	s7 =	simm.s32 @p2 $0x1082  }
0x22: {  	[simem:s7], [sflag:s8] =	dma.local @!p0 [hbm:s6], $0xF7A  }
0x23: {  	s9 =	sor.u32 $0xD0000000, s2;
	s6 =	simm.s32 $0x108;
	_ =	swait.ge @!p0 [sflag:s8], $0x0  }
0x24: {  	s3 =	sadd.s32 $0x88, s3;
	s6 =	simm.s32 @!p1 $0x1082;
	[sflag:s4] =	ssyncset.s32 $0xFFFFF086  }
0x25: {  	[simem:s6], [sflag:s4] =	dma.local [hbm:s3], $0xF7A  }
0x26: {  	[smem:$0x3F8E] =	sst s1;
	(tag) =	ssettag s2;
	_ =	strace s9  }
0x27: {  	s1 =	sld [smem:$0x3F9E]  }
0x28: {  	s2 =	sld [smem:$0x3F9F]  }
0x29: {  	s4 =	sld [smem:$0x3FA1]  }
0x2a: {  	p0 =	seq.s32 s5, $0x0;
	s5 =	sld [smem:$0x3FA2]  }
0x2b: {  	s6 =	sld [smem:$0x3FA3]  }
0x2c: {  	s7 =	sld [smem:$0x3FA4]  }
0x2d: {  	s3 =	simm.s32 $0x108;
	s8 =	sld [smem:$0x3FA5]  }
0x2e: {  	s3 =	simm.s32 @!p0 $0x1082;
	s9 =	sld [smem:$0x3FA6]  }
0x2f: {  	lr =	sadd.s32 s0, s3;
	s0 =	sld [smem:$0x3F9D]  }
0x30: {  	s3 =	sld [smem:$0x3FA0]  }
0x31: {  	[smem:$0x3FA9] =	sst s10  }
0x32: {  	s10 =	sld [smem:$0x3FA7];
	_ =	sdelay $0x3  }
0x33: {  	p0 =	seq.s32 s10, $0x1;
	s10 =	sld [smem:$0x3FA9];
	_ =	sdelay $0x3  }
0x34: {  	[smem:$0x3FA9] =	sst s10  }
0x35: {  	s10 =	sld [smem:$0x3FA8];
	_ =	sdelay $0x3  }
0x36: {  	p1 =	seq.s32 s10, $0x1;
	s10 =	sld [smem:$0x3FA9];
	_ =	sdelay $0x3  }
0x37: {  	[smem:$0x3FA9] =	sst s10  }
0x38: {  	s10 =	sld [smem:$0x3FAA]  }
0x39: {  	_ = 	snop;
	(pc) =	sbr.ind lr, $3  }
0x3a: {  	_ = 	snop  }
0x3b: {  	_ = 	snop  }
0x3c: {  	p2 =	seq.s32 s10, $0x1;
	s10 =	sld [smem:$0x3FA9]  }
0x3d: {  	_ =	shalt  }
0x3e: {  	_ =	shalt  }
0x3f: {  	_ =	shalt  }
0x40: {  	_ =	shalt  }
0x41: {  	_ =	shalt  }
0x42: {  	_ =	shalt  }
0x43: {  	_ =	shalt  }
0x44: {  	_ =	shalt  }
0x45: {  	_ =	shalt  }
0x46: {  	_ =	shalt  }
0x47: {  	_ =	shalt  }
0x48: {  	_ =	shalt  }
0x49: {  	_ =	shalt  }
0x4a: {  	_ =	shalt  }
0x4b: {  	_ =	shalt  }
0x4c: {  	_ =	shalt  }
0x4d: {  	_ =	shalt  }
0x4e: {  	_ =	shalt  }
0x4f: {  	_ =	shalt  }
0x50: {  	_ =	shalt  }
0x51: {  	_ =	shalt  }
0x52: {  	_ =	shalt  }
0x53: {  	_ =	shalt  }
0x54: {  	_ =	shalt  }
0x55: {  	_ =	shalt  }
0x56: {  	_ =	shalt  }
0x57: {  	_ =	shalt  }
0x58: {  	_ =	shalt  }
0x59: {  	_ =	shalt  }
0x5a: {  	_ =	shalt  }
0x5b: {  	_ =	shalt  }
0x5c: {  	_ =	shalt  }
0x5d: {  	_ =	shalt  }
0x5e: {  	_ =	shalt  }
0x5f: {  	_ =	shalt  }
0x60: {  	_ =	shalt  }
0x61: {  	_ =	shalt  }
0x62: {  	_ =	shalt  }
0x63: {  	_ =	shalt  }
0x64: {  	_ =	shalt  }
0x65: {  	_ =	shalt  }
0x66: {  	_ =	shalt  }
0x67: {  	_ =	shalt  }
0x68: {  	_ =	shalt  }
0x69: {  	_ =	shalt  }
0x6a: {  	_ =	shalt  }
0x6b: {  	_ =	shalt  }
0x6c: {  	_ =	shalt  }
0x6d: {  	_ =	shalt  }
0x6e: {  	_ =	shalt  }
0x6f: {  	_ =	shalt  }
0x70: {  	_ =	shalt  }
0x71: {  	_ =	shalt  }
0x72: {  	_ =	shalt  }
0x73: {  	_ =	shalt  }
0x74: {  	_ =	shalt  }
0x75: {  	_ =	shalt  }
0x76: {  	_ =	shalt  }
0x77: {  	_ =	shalt  }
0x78: {  	_ =	shalt  }
0x79: {  	_ =	shalt  }
0x7a: {  	_ =	shalt  }
0x7b: {  	_ =	shalt  }
0x7c: {  	_ =	shalt  }
0x7d: {  	_ =	shalt  }
0x7e: {  	_ =	shalt  }
0x7f: {  	_ =	shalt  }
0x80: {  	_ =	shalt  }
0x81: {  	_ =	shalt  }
0x82: {  	_ =	shalt  }
0x83: {  	_ =	shalt  }
0x84: {  	_ =	shalt  }
0x85: {  	_ =	shalt  }
0x86: {  	_ =	shalt  }
0x87: {  	_ =	shalt  }
.Lfunc_end0:
.L_simem_size_0:
called_computation.2_lowered:
.L_overlay_start_0:
0x88: {  	s2 =	sld [smem:$0x3FD9]  }
0x89: {  	s3 =	sld [smem:$0x3FFE];
	_ =	sdelay $0x1  }
0x8a: {  	s1 =	srdreg.scid  }
0x8b: {  	s0 =	sand.u32 $0x1, s1  }
0x8c: {  	s16 =	sshll.u32 s0, $0xA;
	s2 =	sadd.s32 s3, s2  }
0x8d: {  	s2 =	sadd.s32 s2, s16  }
0x8e: {  	[smem:$0x3FB5] =	sst s2  }
0x8f: {  	_ = 	snop  }
0x90: {  	(tm) =	ssettm $0x1  }
0x91: {  	s17 =	sld [smem:$0x3FFB];
	_ =	sdelay $0x3  }
0x92: {  	_ =	strace s17  }
0x93: {  	s2 =	sld [smem:$0x3FFC];
	_ =	sdelay $0x3  }
0x94: {  	_ =	strace s2  }
0x95: {  	s2 =	sld [smem:$0x3FFD];
	_ =	sdelay $0x3  }
0x96: {  	_ =	strace s2  }
0x97: {  	_ =	strace $0x8FFFFFFF  }
0x98: {  	s18 =	sld [smem:$0x3FDB];
	_ =	sdelay $0x1  }
0x99: {  	s19 =	simm.s32 $_scs_section_size  }
0x9a: {  	s4 =	simm.s32 $_size__tile_overlayer_lowered;
	s5 =	simm.s32 $_tile_overlayer_lowered  }
0x9b: {  	s22 =	simm.s32 $0x1BFF;
	s21 =	sshll.u32 s5, $0x1;
	s2 =	sadd.s32 s19, s18  }
0x9c: {  	s6 =	simm.s32 $0x0;
	s20 =	sshll.u32 s4, $0x1;
	s4 =	sadd.s32 s21, s2  }
0x9d: {  	[timem:s6], [sflag:s22] =	dma.local [hbm:s4], s20  }
0x9e: {  	_ =	swait.ge [sflag:s22], s20  }
0x9f: {  	s3 =	ssub.s32 $0x0, s20;
	[sflag:s22] =	ssyncset.done $0x0  }
0xa0: {  	[sflag:s22] =	ssyncadd.s32 s3;
	_ =	sdelay $0x1  }
0xa1: {  	s23 =	simm.s32 $0x1B8B  }
0xa2: {  	_ =	swait.ge [sflag:s23], $0x1  }
0xa3: {  	[sflag:s23] =	ssyncset.done $0x0  }
0xa4: {  	s25 =	simm.s32 $0x1B8E;
	s24 =	sld [smem:$0x3FFE];
	[sflag:s23] =	ssyncadd.s32 $0xFFFFFFFF  }
0xa5: {  	s26 =	simm.s32 $execute0_lowered;
	[smem:$0x3FD2] =	sst s25  }
0xa6: {  	s4 =	sshll.u32 s26, $0x1;
	_ =	strace $0x8000004C;
	[dreg:$0x1] =	wrdreg $0xFFFFFFFF  }
0xa7: {  	s28 =	simm.s32 $_size_execute0_lowered;
	s2 =	sadd.s32 s2, s4;
	[dreg:$0x0] =	wrdreg $0x0  }
0xa8: {  	s4 =	sshll.u32 s28, $0x1;
	[dreg:$0x2] =	wrdreg s2  }
0xa9: {  	[dreg:$0x3] =	wrdreg s4  }
0xaa: {  	[dreg:$0x4] =	wrdreg $0xC0  }
0xab: {  	_ =	task [dreg:s6], $0x5FFFF  }
0xac: {  	[dreg:$0x1] =	wrdreg $0xFFFFFFFF  }
0xad: {  	[dreg:$0x0] =	wrdreg $0x60  }
0xae: {  	[dreg:$0x2] =	wrdreg s24  }
0xaf: {  	[dreg:$0x3] =	wrdreg $0x0  }
0xb0: {  	[dreg:$0x4] =	wrdreg $0x9  }
0xb1: {  	_ =	task.clear_ibuf [dreg:s6], $0x5FFFF;
	_ =	strace $0x9000004C  }
0xb2: {  	s29 =	simm.s32 $0x9;
	_ =	strace $0x8000004E  }
0xb3: {  	_ =	swait.ge [sflag:s29], $0x1  }
0xb4: {  	[sflag:s29] =	ssyncadd.s32 $0xFFFFFFFF  }
0xb5: {  	_ =	strace $0x9000004E  }
0xb6: {  	_ =	sfence  }
0xb7: {  	s30 =	sld [smem:$0x0];
	_ =	sdelay $0x2  }
0xb8: {  	s31 =	sshll.u32 s1, $0xD;
	s1 =	sshrl.u32 s1, $0x2  }
0xb9: {  	s3 =	sand.u32 $0x4000, s31;
	s1 =	sadd.s32 s1, s30  }
0xba: {  	s0 =	sor.u32 s3, s0;
	s1 =	sshll.u32 s1, $0x11  }
0xbb: {  	s0 =	sor.u32 s1, s0  }
0xbc: {  	s0 =	sadd.s32 $0x8F2B, s0  }
0xbd: {  	[sflag:s0] =	ssyncadd.remote.s32 $0x1  }
0xbe: {  	_ =	sfence.sel $0xFFFF  }
0xbf: {  	[dreg:$0x0] =	wrdreg $0xFFFFFFFF;
	(pc) =	sbr.abs _section_cstart, $3  }
0xc0: {  	[dreg:$0x1] =	wrdreg $0xFFFFFFFF  }
0xc1: {  	_ =	task.clear_ibuf [dreg:s6], $0x2FFFF;
	_ =	strace $0x9FFFFFFF  }
0xc2: {  	(tm) =	ssettm $0x7FFFFFFF  }
0xc3: {  	_ =	shalt  }
tec
execute0_lowered:
.L_overlay_start_1:
0x0: {  	(tag) =	ssettag $0x1  }
0x1: {  	s0 =	rddreg [dreg:$0x0]  }
0x2: {  	s1 =	rddreg [dreg:$0x1]  }
0x3: {  	s2 =	stileid.u32;
	s3 =	simm.s32 $0x0;
	s6 =	srdreg.scid  }
0x4: {  	s19 =	simm.s32 $0x80;
	s28 =	simm.s32 $0x161C0;
	s29 =	simm.s32 $0x1A1C0  }
0x5: {  	s30 =	simm.s32 $0x2;
	s31 =	simm.s32 $0x16140;
	s10 =	smul.u32 $0x270, s2  }
0x6: {  	s4 =	sshrl.u32 s2, $0x3;
	s5 =	sshll.u32 s2, $0x7;
	s13 =	smul.u32 $0x4E000, s2  }
0x7: {  	[smem:$0x7FF] =	sst s3;
	s9 =	sand.u32 $0x1, s6;
	s21 =	smul.u32 $0x2780, s2  }
0x8: {  	s23 =	sadd.s32 $0x138800, s1;
	p0 =	sne.s32 s2, $0xF;
	s4 =	smul.u32 $0x13C00, s4  }
0x9: {  	p2 =	seq.s32 s2, $0xF;
	s5 =	sand.u32 $0x380, s5;
	s12 =	smul.u32 $0x2710, s9  }
0xa: {  	p1 =	sne.s32 s2, $0x0;
	_ =	strace $0x8000004D;
	s14 =	smul.u32 $0x138800, s9  }
0xb: {  	s6 =	sshll.u32 s9, $0x4;
	s8 =	ssub.s32 $0x2, s9;
	s15 =	smul.u32 $0x27800, s9  }
0xc: {  	[dreg:$0x6] =	wrdreg s23;
	s23 =	simm.s32 $0x6;
	s6 =	sor.u32 s2, s6  }
0xd: {  	s11 =	sshrl.u32 s8, $0x1;
	s13 =	sshrl.u32 s13, $0x2;
	s5 =	sor.u32 s5, s4  }
0xe: {  	s4 =	sadd.s32 $0xD600, s0;
	s6 =	smul.u32 $0x2780, s6;
	s11 =	ssub.s32 s8, s11  }
0xf: {  	s10 =	sadd.s32 s10, s12;
	s9 =	sadd.s32 s13, s1;
	s14 =	sshrl.u32 s14, $0x3  }
0x10: {  	s12 =	sadd.s32 $0x124800, s1;
	s13 =	sadd.s32 s21, s15;
	s7 =	sshrl.u32 s5, $0x3  }
0x11: {  	s5 =	sadd.s32 $0x3800, s0;
	s10 =	sshll.u32 s10, $0x4;
	s16 =	sadd.s32 $0x24900, s14  }
0x12: {  	s25 =	sadd.s32 $0x180, s13;
	s21 =	sadd.s32 $0x100, s13;
	s7 =	sadd.s32 s7, s0  }
0x13: {  	s0 =	sadd.s32 $0x60800, s0;
	s6 =	sshrl.u32 s6, $0x3;
	s22 =	sadd.s32 s4, s10  }
0x14: {  	s24 =	sadd.s32 s4, s16;
	s26 =	sshrl.u32 s25, $0x3;
	s25 =	simm.s32 $0x5  }
0x15: {  	s6 =	sadd.s32 s5, s6;
	s7 =	sadd.s32 $0x5B800, s7;
	[dreg:$0x5] =	wrdreg s22  }
.Ltmp0:
0x16: {  	[dreg:$0x7] =	wrdreg s24;
	s14 =	sadd.s32 s0, s10;
	(pc) =	sbr.rel .LBB2_1-.Ltmp0, $4  }
0x17: {  	s15 =	sadd.s32 s0, s16;
	s16 =	smax.u32 s11, $0x1;
	s17 =	sadd.s32 s26, s5  }
0x18: {  	s22 =	simm.s32 $0x138C0;
	s24 =	simm.s32 $0x13940;
	s26 =	simm.s32 $0x1  }
0x19: {  	s0 =	simm.s32 $0x4;
	[dreg:$0x3] =	wrdreg s7;
	s20 =	sadd.s32 $0x10, s6  }
0x1a: {  	v0 =	vimm.f32 $0.0e+00;
	s11 =	simm.s32 $0x3;
	s10 =	simm.s32 $0x0;
	[dreg:$0x4] =	wrdreg s20  }
.LBB2_8:
0x1b: {  	_ =	swait.ge [sflag:s30], $0x4000  }
0x1c: {  	[sflag:s30] =	ssyncset.done $0x0  }
0x1d: {  	[sflag:s30] =	ssyncadd.s32 $0xFFFFC000  }
0x1e: {  	v1 =	vld [tilespmem:$0x160C0]  }
0x1f: {  	v2 =	vld [tilespmem:$0x160D0]  }
0x20: {  	v3 =	vld [tilespmem:$0x160E0]  }
0x21: {  	v4 =	vld [tilespmem:$0x160F0]  }
0x22: {  	v5 =	vld [tilespmem:$0x16100]  }
0x23: {  	[tilespmem:$0x16140] =	vst v1;
	v1 =	vld [tilespmem:$0x16110]  }
0x24: {  	[tilespmem:$0x16150] =	vst v2;
	v2 =	vld [tilespmem:$0x16120]  }
0x25: {  	[tilespmem:$0x16160] =	vst v3;
	v3 =	vld [tilespmem:$0x16130]  }
0x26: {  	[tilespmem:$0x16170] =	vst v4  }
0x27: {  	[tilespmem:$0x16180] =	vst v5  }
0x28: {  	[tilespmem:$0x16190] =	vst v1  }
0x29: {  	[tilespmem:$0x161A0] =	vst v2  }
0x2a: {  	[tilespmem:$0x161B0] =	vst v3  }
0x2b: {  	[spmem:s1] =	stream.indirect.scatter.add.f32 [tilespmem:s28], [sflag:$0x6], $0x80, s31, s19, $0xb8;
	[tilespmem:$0x1E1C0] =	vst v63  }
0x2c: {  	_ =	swait.ge [sflag:s23], $0x4000  }
0x2d: {  	[sflag:s23] =	ssyncset.done $0x0  }
0x2e: {  	[sflag:s23] =	ssyncadd.s32 $0xFFFFC000  }
0x2f: {  	s2 =	sshrl.u32 @p2 s12, $0x3;
	s7 =	simm.s32 @p2 $0x1FC6;
	[bflag:$0x0] =	sbarrier.arrive $0xFFFF  }
0x30: {  	[hbm:s15], [sflag:s7] =	dma.local @p2 [spmem:s2], $0x2800  }
0x31: {  	s2 =	simm.s32 @p2 $0x6  }
0x32: {  	s10 =	sadd.s32 $0x1, s10;
	s7 =	stileid.u32;
	_ =	swait.ge @p2 [sflag:s2], $0x2800  }
0x33: {  	p3 =	sne.s32 s10, s16;
	s7 =	sshll.u32 @!p2 s7, $0x6;
	[sflag:s2] =	ssyncset.done @p2 $0x0  }
0x34: {  	[sflag:s2] =	ssyncadd.s32 @p2 $0xFFFFD800;
	s2 =	sor.u32 @!p2 $0x1C06, s7;
	s7 =	sshrl.u32 @!p2 s9, $0x3  }
0x35: {  	[hbm:s14], [sflag:s2] =	dma.local @!p2 [spmem:s7], $0x2700  }
.Ltmp1:
0x36: {  	_ = 	snop;
	(pc) =	sbr.rel @!p3 .LBB2_9-.Ltmp1, $4  }
0x37: {  	s2 =	simm.s32 @!p2 $0x6  }
0x38: {  	_ =	swait.ge @!p2 [sflag:s2], $0x2700  }
0x39: {  	[sflag:s2] =	ssyncset.done @!p2 $0x0  }
0x3a: {  	[sflag:s2] =	ssyncadd.s32 @!p2 $0xFFFFD900  }
.LBB2_1:
0x3b: {  	s2 =	rddreg [dreg:$0x3];
	s7 =	simm.s32 $0x400;
	s8 =	simm.s32 $0x139C0  }
0x3c: {  	[tilespmem:s8], [sflag:$0x1] =	stream.strided.gather [hbm4b:s2+s19], $0x2780, s7, s19, $0x38;
	[tilespmem:$0x1E1C0] =	vst v63  }
0x3d: {  	_ = 	snop  }
0x3e: {  	[tilespmem:s22], [sflag:$0x6] =	stream.linear.gather [hbm4b:s6+s3], $0x80, $0x38;
	[tilespmem:$0x1E1C0] =	vst v63  }
0x3f: {  	_ =	swait.ge [sflag:s23], $0x80  }
0x40: {  	[sflag:s23] =	ssyncset.done $0x0  }
.Ltmp2:
0x41: {  	s20 =	rddreg [dreg:$0x4];
	[sflag:s23] =	ssyncadd.s32 $0xFFFFFF80;
	(pc) =	sbr.rel @p0 .LBB2_3-.Ltmp2, $4  }
0x42: {  	[tilespmem:s24], [sflag:$0x6] =	stream.linear.gather [hbm4b:s20+s3], $0x80, $0x38;
	[tilespmem:$0x1E1C0] =	vst v63  }
0x43: {  	_ =	swait.ge [sflag:s23], $0x80  }
0x44: {  	[sflag:s23] =	ssyncset.done $0x0  }
0x45: {  	[sflag:s23] =	ssyncadd.s32 $0xFFFFFF80  }
0x46: {  	s13 =	sshrl.u32 s12, $0x3  }
.Ltmp3:
0x47: {  	s2 =	rddreg [dreg:$0x7];
	s7 =	simm.s32 $0x1FC6;
	(pc) =	sbr.rel .LBB2_5-.Ltmp3, $4  }
0x48: {  	[spmem:s13], [sflag:s7] =	dma.local [hbm:s2], $0x2800  }
0x49: {  	_ =	swait.ge [sflag:s23], $0x2800  }
0x4a: {  	[sflag:s23] =	ssyncset.done $0x0  }
0x4b: {  	[sflag:s23] =	ssyncadd.s32 $0xFFFFD800  }
.LBB2_3:
0x4c: {  	s2 =	stileid.u32  }
0x4d: {  	s18 =	sshrl.u32 s9, $0x3;
	s13 =	sshll.u32 s2, $0x6  }
.Ltmp4:
0x4e: {  	s20 =	rddreg [dreg:$0x5];
	s13 =	sor.u32 $0x1C06, s13;
	(pc) =	sbr.rel @p1 .LBB2_5-.Ltmp4, $4  }
0x4f: {  	[spmem:s18], [sflag:s13] =	dma.local [hbm:s20], $0x2700  }
0x50: {  	_ =	swait.ge [sflag:s23], $0x2700  }
0x51: {  	[sflag:s23] =	ssyncset.done $0x0  }
0x52: {  	[sflag:s23] =	ssyncadd.s32 $0xFFFFD900  }
0x53: {  	[tilespmem:$0x161C0] =	vst v0  }
0x54: {  	[tilespmem:$0x161D0] =	vst v0  }
0x55: {  	[tilespmem:$0x161E0] =	vst v0  }
0x56: {  	[tilespmem:$0x161F0] =	vst v0  }
0x57: {  	[tilespmem:$0x16200] =	vst v0  }
0x58: {  	[tilespmem:$0x16210] =	vst v0  }
0x59: {  	[tilespmem:$0x16220] =	vst v0  }
0x5a: {  	[tilespmem:$0x16230] =	vst v0  }
0x5b: {  	[tilespmem:$0x16240] =	vst v0  }
0x5c: {  	[tilespmem:$0x16250] =	vst v0  }
0x5d: {  	[tilespmem:$0x16260] =	vst v0  }
0x5e: {  	[tilespmem:$0x16270] =	vst v0  }
0x5f: {  	[tilespmem:$0x16280] =	vst v0  }
0x60: {  	[tilespmem:$0x16290] =	vst v0  }
0x61: {  	[tilespmem:$0x162A0] =	vst v0  }
0x62: {  	[tilespmem:$0x162B0] =	vst v0  }
0x63: {  	[tilespmem:$0x162C0] =	vst v0  }
0x64: {  	[tilespmem:$0x162D0] =	vst v0  }
0x65: {  	[tilespmem:$0x162E0] =	vst v0  }
0x66: {  	[tilespmem:$0x162F0] =	vst v0  }
0x67: {  	[tilespmem:$0x16300] =	vst v0  }
0x68: {  	[tilespmem:$0x16310] =	vst v0  }
0x69: {  	[tilespmem:$0x16320] =	vst v0  }
0x6a: {  	[tilespmem:$0x16330] =	vst v0  }
0x6b: {  	[tilespmem:$0x16340] =	vst v0  }
0x6c: {  	[tilespmem:$0x16350] =	vst v0  }
0x6d: {  	[tilespmem:$0x16360] =	vst v0  }
0x6e: {  	[tilespmem:$0x16370] =	vst v0  }
0x6f: {  	[tilespmem:$0x16380] =	vst v0  }
0x70: {  	[tilespmem:$0x16390] =	vst v0  }
0x71: {  	[tilespmem:$0x163A0] =	vst v0  }
0x72: {  	[tilespmem:$0x163B0] =	vst v0  }
0x73: {  	[tilespmem:$0x163C0] =	vst v0  }
0x74: {  	[tilespmem:$0x163D0] =	vst v0  }
0x75: {  	[tilespmem:$0x163E0] =	vst v0  }
0x76: {  	[tilespmem:$0x163F0] =	vst v0  }
0x77: {  	[tilespmem:$0x16400] =	vst v0  }
0x78: {  	[tilespmem:$0x16410] =	vst v0  }
0x79: {  	[tilespmem:$0x16420] =	vst v0  }
0x7a: {  	[tilespmem:$0x16430] =	vst v0  }
0x7b: {  	[tilespmem:$0x16440] =	vst v0  }
0x7c: {  	[tilespmem:$0x16450] =	vst v0  }
0x7d: {  	[tilespmem:$0x16460] =	vst v0  }
0x7e: {  	[tilespmem:$0x16470] =	vst v0  }
0x7f: {  	[tilespmem:$0x16480] =	vst v0  }
0x80: {  	[tilespmem:$0x16490] =	vst v0  }
0x81: {  	[tilespmem:$0x164A0] =	vst v0  }
0x82: {  	[tilespmem:$0x164B0] =	vst v0  }
0x83: {  	[tilespmem:$0x164C0] =	vst v0  }
0x84: {  	[tilespmem:$0x164D0] =	vst v0  }
0x85: {  	[tilespmem:$0x164E0] =	vst v0  }
0x86: {  	[tilespmem:$0x164F0] =	vst v0  }
0x87: {  	[tilespmem:$0x16500] =	vst v0  }
0x88: {  	[tilespmem:$0x16510] =	vst v0  }
0x89: {  	[tilespmem:$0x16520] =	vst v0  }
0x8a: {  	[tilespmem:$0x16530] =	vst v0  }
0x8b: {  	[tilespmem:$0x16540] =	vst v0  }
0x8c: {  	[tilespmem:$0x16550] =	vst v0  }
0x8d: {  	[tilespmem:$0x16560] =	vst v0  }
0x8e: {  	[tilespmem:$0x16570] =	vst v0  }
0x8f: {  	[tilespmem:$0x16580] =	vst v0  }
0x90: {  	[tilespmem:$0x16590] =	vst v0  }
0x91: {  	[tilespmem:$0x165A0] =	vst v0  }
0x92: {  	[tilespmem:$0x165B0] =	vst v0;
	s2 =	rddreg [dreg:$0x6]  }
0x93: {  	[spmem:s2] =	stream.linear.scatter [tilespmem:s28], [sflag:$0x6], $0x400, $0x38;
	[tilespmem:$0x1E1C0] =	vst v63  }
0x94: {  	_ =	swait.ge [sflag:s23], $0x400  }
0x95: {  	[sflag:s23] =	ssyncset.done $0x0  }
0x96: {  	[sflag:s23] =	ssyncadd.s32 $0xFFFFFC00  }
.LBB2_5:
0x97: {  	_ =	swait.ge [sflag:s26], $0x2780  }
0x98: {  	[sflag:s26] =	ssyncset.done $0x0  }
0x99: {  	[sflag:s26] =	ssyncadd.s32 $0xFFFFD880  }
0x9a: {  	[tilespmem:s28], [sflag:$0x2] =	stream.indirect.gather [hbm4b:s4+s19], $0x80, s22, s19, $0xb8;
	[tilespmem:$0x1E1C0] =	vst v63  }
0x9b: {  	s13 =	simm.s32 $0x0  }
0x9c: {  	[tilespmem:s29], [sflag:$0x3] =	stream.indirect.gather [hbm4b:s4+s19], $0x80, s24, s19, $0xb8;
	[tilespmem:$0x1E1C0] =	vst v63  }
0x9d: {  	s20 =	simm.s32 $0x13A40;
	s18 =	smov.u32 s21;
	[bflag:$0x0] =	sbarrier.arrive $0xFFFF  }
.LBB2_6:
0x9e: {  	_ =	swait.ge [sflag:s30], $0x4000  }
0x9f: {  	s2 =	sshrl.u32 s18, $0x3;
	[sflag:s30] =	ssyncset.done $0x0  }
0xa0: {  	s2 =	sadd.s32 s5, s2;
	[sflag:s30] =	ssyncadd.s32 $0xFFFFC000  }
0xa1: {  	[tilespmem:s22], [sflag:$0x4] =	stream.linear.gather [hbm4b:s2+s3], $0x80, $0x38;
	[tilespmem:$0x1E1C0] =	vst v63  }
0xa2: {  	v1 =	vld [tilespmem:s20+$0xFFFFFF80];
	_ =	sdelay $0x4  }
0xa3: {  	[tilespmem:$0x16140] =	vst v1  }
0xa4: {  	v1 =	vld [tilespmem:s20+$0xFFFFFF90];
	_ =	sdelay $0x4  }
0xa5: {  	[tilespmem:$0x16150] =	vst v1  }
0xa6: {  	v1 =	vld [tilespmem:s20+$0xFFFFFFA0];
	_ =	sdelay $0x4  }
0xa7: {  	[tilespmem:$0x16160] =	vst v1  }
0xa8: {  	v1 =	vld [tilespmem:s20+$0xFFFFFFB0];
	_ =	sdelay $0x4  }
0xa9: {  	[tilespmem:$0x16170] =	vst v1  }
0xaa: {  	v1 =	vld [tilespmem:s20+$0xFFFFFFC0];
	_ =	sdelay $0x4  }
0xab: {  	[tilespmem:$0x16180] =	vst v1  }
0xac: {  	v1 =	vld [tilespmem:s20+$0xFFFFFFD0];
	_ =	sdelay $0x4  }
0xad: {  	[tilespmem:$0x16190] =	vst v1  }
0xae: {  	v1 =	vld [tilespmem:s20+$0xFFFFFFE0];
	_ =	sdelay $0x4  }
0xaf: {  	[tilespmem:$0x161A0] =	vst v1  }
0xb0: {  	v1 =	vld [tilespmem:s20+$0xFFFFFFF0];
	_ =	sdelay $0x4  }
0xb1: {  	[tilespmem:$0x161B0] =	vst v1  }
0xb2: {  	[spmem:s1] =	stream.indirect.scatter.add.f32 [tilespmem:s28], [sflag:$0x6], $0x80, s31, s19, $0xb8;
	[tilespmem:$0x1E1C0] =	vst v63  }
0xb3: {  	_ =	swait.ge [sflag:s23], $0x4000  }
0xb4: {  	[sflag:s23] =	ssyncset.done $0x0  }
0xb5: {  	[sflag:s23] =	ssyncadd.s32 $0xFFFFC000  }
0xb6: {  	_ =	swait.ge [sflag:s0], $0x80  }
0xb7: {  	[sflag:s0] =	ssyncset.done $0x0  }
0xb8: {  	[sflag:s0] =	ssyncadd.s32 $0xFFFFFF80  }
0xb9: {  	[tilespmem:s28], [sflag:$0x2] =	stream.indirect.gather [hbm4b:s4+s19], $0x80, s22, s19, $0xb8;
	[tilespmem:$0x1E1C0] =	vst v63  }
0xba: {  	p3 =	seq.s32 s13, $0x4C0;
	_ =	swait.ge [sflag:s11], $0x4000  }
0xbb: {  	s7 =	simm.s32 @!p3 $0x0;
	[sflag:s11] =	ssyncset.done $0x0  }
0xbc: {  	s8 =	simm.s32 @!p3 $0x13940;
	s2 =	sadd.s32 @!p3 s13, s17;
	[sflag:s11] =	ssyncadd.s32 $0xFFFFC000  }
0xbd: {  	[tilespmem:s8], [sflag:$0x5] =	stream.linear.gather @!p3 [hbm4b:s2+s7], $0x80, $0x38;
	[tilespmem:$0x1E1C0] =	vst v63  }
0xbe: {  	v1 =	vld [tilespmem:s20+$0x0];
	_ =	sdelay $0x4  }
0xbf: {  	[tilespmem:$0x16140] =	vst v1  }
0xc0: {  	v1 =	vld [tilespmem:s20+$0x10];
	_ =	sdelay $0x4  }
0xc1: {  	[tilespmem:$0x16150] =	vst v1  }
0xc2: {  	v1 =	vld [tilespmem:s20+$0x20];
	_ =	sdelay $0x4  }
0xc3: {  	[tilespmem:$0x16160] =	vst v1  }
0xc4: {  	v1 =	vld [tilespmem:s20+$0x30];
	_ =	sdelay $0x4  }
0xc5: {  	[tilespmem:$0x16170] =	vst v1  }
0xc6: {  	v1 =	vld [tilespmem:s20+$0x40];
	_ =	sdelay $0x4  }
0xc7: {  	[tilespmem:$0x16180] =	vst v1  }
0xc8: {  	v1 =	vld [tilespmem:s20+$0x50];
	_ =	sdelay $0x4  }
0xc9: {  	[tilespmem:$0x16190] =	vst v1  }
0xca: {  	v1 =	vld [tilespmem:s20+$0x60];
	_ =	sdelay $0x4  }
0xcb: {  	[tilespmem:$0x161A0] =	vst v1  }
0xcc: {  	v1 =	vld [tilespmem:s20+$0x70];
	_ =	sdelay $0x4  }
.Ltmp5:
0xcd: {  	[tilespmem:$0x161B0] =	vst v1;
	(pc) =	sbr.rel @p3 .LBB2_8-.Ltmp5, $4  }
0xce: {  	[spmem:s1] =	stream.indirect.scatter.add.f32 [tilespmem:s29], [sflag:$0x6], $0x80, s31, s19, $0xb8;
	[tilespmem:$0x1E1C0] =	vst v63  }
0xcf: {  	_ =	swait.ge [sflag:s23], $0x4000  }
0xd0: {  	[sflag:s23] =	ssyncset.done $0x0  }
0xd1: {  	[sflag:s23] =	ssyncadd.s32 $0xFFFFC000  }
.Ltmp6:
0xd2: {  	(pc) =	sbr.rel .LBB2_6-.Ltmp6, $4  }
0xd3: {  	_ =	swait.ge [sflag:s25], $0x80  }
0xd4: {  	s13 =	sadd.s32 $0x20, s13;
	[sflag:s25] =	ssyncset.done $0x0  }
0xd5: {  	s18 =	sadd.s32 $0x100, s18;
	s20 =	sadd.s32 $0x100, s20;
	[sflag:s25] =	ssyncadd.s32 $0xFFFFFF80  }
0xd6: {  	[tilespmem:s29], [sflag:$0x3] =	stream.indirect.gather [hbm4b:s4+s19], $0x80, s24, s19, $0xb8;
	[tilespmem:$0x1E1C0] =	vst v63  }
.LBB2_9:
0xd7: {  	_ =	sfence.sel $0x180000  }
0xd8: {  	[bflag:$0x0] =	sbarrier.arrive $0xFFFF  }
0xd9: {  	_ =	strace $0x9000004D  }
0xda: {  	[bflag:$0x2] =	sbarrier.arrive $0xFFFF  }
0xdb: {  	s0 =	rddreg [dreg:$0x2]  }
0xdc: {  	s0 =	sadd.s32 @!p1 $0x100000, s0  }
0xdd: {  	[sflag:s0] =	ssyncadd.tile.s32 @!p1 $0x1;
	_ =	shalt  }
.Lfunc_end2:
_tile_overlayer_lowered:
.L_overlay_start_2:
0xde: {  	(tag) =	ssettag $0x2  }
0xdf: {  	s0 =	rddreg [dreg:$0x0];
	s2 =	stileid.u32  }
0xe0: {  	s1 =	rddreg [dreg:$0x1];
	p0 =	sne.s32 s2, $0x0  }
0xe1: {  	s3 =	rddreg [dreg:$0x2];
	[bflag:$0x3] =	sbarrier.arrive $0xFFFF;
	s2 =	simm.s32 @!p0 $0x1C06  }
0xe2: {  	[timem:s3], [sflag:s2] =	dma.local @!p0 [hbm:s0], s1  }
0xe3: {  	s0 =	simm.s32 @!p0 $0x6  }
0xe4: {  	_ =	swait.ge @!p0 [sflag:s0], s1  }
0xe5: {  	s1 =	ssub.s32 @!p0 $0x0, s1;
	[sflag:s0] =	ssyncset.done @!p0 $0x0  }
0xe6: {  	[sflag:s0] =	ssyncadd.s32 @!p0 s1  }
0xe7: {  	[bflag:$0x3] =	sbarrier.arrive $0xFFFF  }
0xe8: {  	_ =	shalt  }

// kernel: kernel.8.cloned.1.call-start
scs
__scs_entry_jumppad:
0x0: {  	(pc) =	sbr.rel $0x88, $3  }
0x1: {  	(tag) =	ssettag $0x0;
	lr =	simm.s32 $0x1  }
0x2: {  	[smem:$0x3F8E] =	sst lr;
	_ =	strace $0xD0000000  }
0x3: {  	_ = 	snop  }
0x4: {  	_ = 	snop  }
0x5: {  	_ = 	snop  }
0x6: {  	_ = 	snop  }
0x7: {  	_ = 	snop  }
__scs_overlays_trampoline_lowered:
0x8: {  	[smem:$0x3F9D] =	sst s0  }
0x9: {  	[smem:$0x3F9E] =	sst s1  }
0xa: {  	[smem:$0x3F9F] =	sst s2  }
0xb: {  	[smem:$0x3FA0] =	sst s3  }
0xc: {  	[smem:$0x3FA1] =	sst s4  }
0xd: {  	[smem:$0x3FA2] =	sst s5  }
0xe: {  	[smem:$0x3FA3] =	sst s6  }
0xf: {  	[smem:$0x3FA4] =	sst s7  }
0x10: {  	[smem:$0x3FA5] =	sst s8  }
0x11: {  	[smem:$0x3FA6] =	sst s9;
	s0 =	simm.s32 @!p0 $0x0  }
0x12: {  	s1 =	sld [smem:$0x3F8C];
	s0 =	simm.s32 @p0 $0x1  }
0x13: {  	[smem:$0x3FA7] =	sst s0;
	s0 =	simm.s32 @!p1 $0x0  }
0x14: {  	s2 =	sld [smem:$0x3F8B];
	s0 =	simm.s32 @p1 $0x1  }
0x15: {  	[smem:$0x3FA8] =	sst s0;
	s0 =	simm.s32 @!p2 $0x0  }
0x16: {  	s3 =	sld [smem:$0x3FDB];
	s0 =	simm.s32 @p2 $0x1  }
0x17: {  	s4 =	simm.s32 $0x1BF5;
	[smem:$0x3FAA] =	sst s0  }
0x18: {  	s0 =	sld [smem:$0x3F8D];
	_ =	swait.ge [sflag:s4], $0x0  }
0x19: {  	s7 =	sld [smem:$0x3F8E]  }
0x1a: {  	s8 =	sadd.s32 $0xFFFFE003, lr  }
0x1b: {  	s9 =	sadd.s32 $0xFFFFFEF7, lr;
	s5 =	simm.s32 $0xFFFFFFFF;
	p2 =	slt.u32 s8, $0xFFFFF086  }
0x1c: {  	p1 =	slt.u32 s9, $0xF7A;
	s5 =	simm.s32 @!p2 $0x0  }
0x1d: {  	s5 =	simm.s32 @p1 $0x1;
	p0 =	seq.s32 s7, s2  }
0x1e: {  	s7 =	smul.u32 @!p0 $0xF7A, s2;
	p2 =	seq.s32 @!p0 s5, $0x0  }
0x1f: {  	s9 =	smul.u32 $0xF7A, s1;
	s8 =	simm.s32 @!p0 $0x1BF5;
	p2 =	por !p2, p0  }
0x20: {  	[sflag:s8] =	ssyncset.s32 @!p0 $0xFFFFF086;
	s6 =	sadd.s32 @!p0 s3, s7;
	s7 =	simm.s32 @!p0 $0x108  }
0x21: {  	s3 =	sadd.s32 s3, s9;
	s6 =	sadd.s32 @!p0 $0x88, s6;
	s7 =	simm.s32 @p2 $0x1082  }
0x22: {  	[simem:s7], [sflag:s8] =	dma.local @!p0 [hbm:s6], $0xF7A  }
0x23: {  	s9 =	sor.u32 $0xD0000000, s2;
	s6 =	simm.s32 $0x108;
	_ =	swait.ge @!p0 [sflag:s8], $0x0  }
0x24: {  	s3 =	sadd.s32 $0x88, s3;
	s6 =	simm.s32 @!p1 $0x1082;
	[sflag:s4] =	ssyncset.s32 $0xFFFFF086  }
0x25: {  	[simem:s6], [sflag:s4] =	dma.local [hbm:s3], $0xF7A  }
0x26: {  	[smem:$0x3F8E] =	sst s1;
	(tag) =	ssettag s2;
	_ =	strace s9  }
0x27: {  	s1 =	sld [smem:$0x3F9E]  }
0x28: {  	s2 =	sld [smem:$0x3F9F]  }
0x29: {  	s4 =	sld [smem:$0x3FA1]  }
0x2a: {  	p0 =	seq.s32 s5, $0x0;
	s5 =	sld [smem:$0x3FA2]  }
0x2b: {  	s6 =	sld [smem:$0x3FA3]  }
0x2c: {  	s7 =	sld [smem:$0x3FA4]  }
0x2d: {  	s3 =	simm.s32 $0x108;
	s8 =	sld [smem:$0x3FA5]  }
0x2e: {  	s3 =	simm.s32 @!p0 $0x1082;
	s9 =	sld [smem:$0x3FA6]  }
0x2f: {  	lr =	sadd.s32 s0, s3;
	s0 =	sld [smem:$0x3F9D]  }
0x30: {  	s3 =	sld [smem:$0x3FA0]  }
0x31: {  	[smem:$0x3FA9] =	sst s10  }
0x32: {  	s10 =	sld [smem:$0x3FA7];
	_ =	sdelay $0x3  }
0x33: {  	p0 =	seq.s32 s10, $0x1;
	s10 =	sld [smem:$0x3FA9];
	_ =	sdelay $0x3  }
0x34: {  	[smem:$0x3FA9] =	sst s10  }
0x35: {  	s10 =	sld [smem:$0x3FA8];
	_ =	sdelay $0x3  }
0x36: {  	p1 =	seq.s32 s10, $0x1;
	s10 =	sld [smem:$0x3FA9];
	_ =	sdelay $0x3  }
0x37: {  	[smem:$0x3FA9] =	sst s10  }
0x38: {  	s10 =	sld [smem:$0x3FAA]  }
0x39: {  	_ = 	snop;
	(pc) =	sbr.ind lr, $3  }
0x3a: {  	_ = 	snop  }
0x3b: {  	_ = 	snop  }
0x3c: {  	p2 =	seq.s32 s10, $0x1;
	s10 =	sld [smem:$0x3FA9]  }
0x3d: {  	_ =	shalt  }
0x3e: {  	_ =	shalt  }
0x3f: {  	_ =	shalt  }
0x40: {  	_ =	shalt  }
0x41: {  	_ =	shalt  }
0x42: {  	_ =	shalt  }
0x43: {  	_ =	shalt  }
0x44: {  	_ =	shalt  }
0x45: {  	_ =	shalt  }
0x46: {  	_ =	shalt  }
0x47: {  	_ =	shalt  }
0x48: {  	_ =	shalt  }
0x49: {  	_ =	shalt  }
0x4a: {  	_ =	shalt  }
0x4b: {  	_ =	shalt  }
0x4c: {  	_ =	shalt  }
0x4d: {  	_ =	shalt  }
0x4e: {  	_ =	shalt  }
0x4f: {  	_ =	shalt  }
0x50: {  	_ =	shalt  }
0x51: {  	_ =	shalt  }
0x52: {  	_ =	shalt  }
0x53: {  	_ =	shalt  }
0x54: {  	_ =	shalt  }
0x55: {  	_ =	shalt  }
0x56: {  	_ =	shalt  }
0x57: {  	_ =	shalt  }
0x58: {  	_ =	shalt  }
0x59: {  	_ =	shalt  }
0x5a: {  	_ =	shalt  }
0x5b: {  	_ =	shalt  }
0x5c: {  	_ =	shalt  }
0x5d: {  	_ =	shalt  }
0x5e: {  	_ =	shalt  }
0x5f: {  	_ =	shalt  }
0x60: {  	_ =	shalt  }
0x61: {  	_ =	shalt  }
0x62: {  	_ =	shalt  }
0x63: {  	_ =	shalt  }
0x64: {  	_ =	shalt  }
0x65: {  	_ =	shalt  }
0x66: {  	_ =	shalt  }
0x67: {  	_ =	shalt  }
0x68: {  	_ =	shalt  }
0x69: {  	_ =	shalt  }
0x6a: {  	_ =	shalt  }
0x6b: {  	_ =	shalt  }
0x6c: {  	_ =	shalt  }
0x6d: {  	_ =	shalt  }
0x6e: {  	_ =	shalt  }
0x6f: {  	_ =	shalt  }
0x70: {  	_ =	shalt  }
0x71: {  	_ =	shalt  }
0x72: {  	_ =	shalt  }
0x73: {  	_ =	shalt  }
0x74: {  	_ =	shalt  }
0x75: {  	_ =	shalt  }
0x76: {  	_ =	shalt  }
0x77: {  	_ =	shalt  }
0x78: {  	_ =	shalt  }
0x79: {  	_ =	shalt  }
0x7a: {  	_ =	shalt  }
0x7b: {  	_ =	shalt  }
0x7c: {  	_ =	shalt  }
0x7d: {  	_ =	shalt  }
0x7e: {  	_ =	shalt  }
0x7f: {  	_ =	shalt  }
0x80: {  	_ =	shalt  }
0x81: {  	_ =	shalt  }
0x82: {  	_ =	shalt  }
0x83: {  	_ =	shalt  }
0x84: {  	_ =	shalt  }
0x85: {  	_ =	shalt  }
0x86: {  	_ =	shalt  }
0x87: {  	_ =	shalt  }
.Lfunc_end0:
.L_simem_size_0:
called_computation_lowered:
.L_overlay_start_0:
0x88: {  	s2 =	sld [smem:$0x3FD9]  }
0x89: {  	s3 =	sld [smem:$0x3FFE];
	_ =	sdelay $0x1  }
0x8a: {  	s1 =	srdreg.scid  }
0x8b: {  	s0 =	sand.u32 $0x1, s1  }
0x8c: {  	s16 =	sshll.u32 s0, $0xA;
	s2 =	sadd.s32 s3, s2  }
0x8d: {  	s2 =	sadd.s32 s2, s16  }
0x8e: {  	[smem:$0x3FB5] =	sst s2  }
0x8f: {  	_ = 	snop  }
0x90: {  	(tm) =	ssettm $0x1  }
0x91: {  	s17 =	sld [smem:$0x3FFB];
	_ =	sdelay $0x3  }
0x92: {  	_ =	strace s17  }
0x93: {  	s2 =	sld [smem:$0x3FFC];
	_ =	sdelay $0x3  }
0x94: {  	_ =	strace s2  }
0x95: {  	s2 =	sld [smem:$0x3FFD];
	_ =	sdelay $0x3  }
0x96: {  	_ =	strace s2  }
0x97: {  	_ =	strace $0x8FFFFFFF  }
0x98: {  	s18 =	sld [smem:$0x3FDB];
	_ =	sdelay $0x1  }
0x99: {  	s19 =	simm.s32 $_scs_section_size  }
0x9a: {  	s4 =	simm.s32 $_size__tile_overlayer_lowered;
	s5 =	simm.s32 $_tile_overlayer_lowered  }
0x9b: {  	s22 =	simm.s32 $0x1BFF;
	s21 =	sshll.u32 s5, $0x1;
	s2 =	sadd.s32 s19, s18  }
0x9c: {  	s6 =	simm.s32 $0x0;
	s20 =	sshll.u32 s4, $0x1;
	s4 =	sadd.s32 s21, s2  }
0x9d: {  	[timem:s6], [sflag:s22] =	dma.local [hbm:s4], s20  }
0x9e: {  	_ =	swait.ge [sflag:s22], s20  }
0x9f: {  	s3 =	ssub.s32 $0x0, s20;
	[sflag:s22] =	ssyncset.done $0x0  }
0xa0: {  	[sflag:s22] =	ssyncadd.s32 s3;
	_ =	sdelay $0x1  }
0xa1: {  	s23 =	simm.s32 $0x1B8B  }
0xa2: {  	_ =	swait.ge [sflag:s23], $0x1  }
0xa3: {  	[sflag:s23] =	ssyncset.done $0x0  }
0xa4: {  	s25 =	simm.s32 $0x1B8E;
	s24 =	sld [smem:$0x3FFE];
	[sflag:s23] =	ssyncadd.s32 $0xFFFFFFFF  }
0xa5: {  	s26 =	simm.s32 $execute0_lowered;
	[smem:$0x3FD2] =	sst s25  }
0xa6: {  	s4 =	sshll.u32 s26, $0x1;
	_ =	strace $0x80000046;
	[dreg:$0x1] =	wrdreg $0xFFFFFFFF  }
0xa7: {  	s28 =	simm.s32 $_size_execute0_lowered;
	s2 =	sadd.s32 s2, s4;
	[dreg:$0x0] =	wrdreg $0x0  }
0xa8: {  	s4 =	sshll.u32 s28, $0x1;
	[dreg:$0x2] =	wrdreg s2  }
0xa9: {  	[dreg:$0x3] =	wrdreg s4  }
0xaa: {  	[dreg:$0x4] =	wrdreg $0xC0  }
0xab: {  	_ =	task [dreg:s6], $0x5FFFF  }
0xac: {  	[dreg:$0x1] =	wrdreg $0xFFFFFFFF  }
0xad: {  	[dreg:$0x0] =	wrdreg $0x60  }
0xae: {  	[dreg:$0x2] =	wrdreg s24  }
0xaf: {  	[dreg:$0x3] =	wrdreg $0x0  }
0xb0: {  	[dreg:$0x4] =	wrdreg $0x9  }
0xb1: {  	_ =	task.clear_ibuf [dreg:s6], $0x5FFFF;
	_ =	strace $0x90000046  }
0xb2: {  	s29 =	simm.s32 $0x9;
	_ =	strace $0x80000048  }
0xb3: {  	_ =	swait.ge [sflag:s29], $0x1  }
0xb4: {  	[sflag:s29] =	ssyncadd.s32 $0xFFFFFFFF  }
0xb5: {  	_ =	strace $0x90000048  }
0xb6: {  	_ =	sfence  }
0xb7: {  	s30 =	sld [smem:$0x0];
	_ =	sdelay $0x2  }
0xb8: {  	s31 =	sshll.u32 s1, $0xD;
	s1 =	sshrl.u32 s1, $0x2  }
0xb9: {  	s3 =	sand.u32 $0x4000, s31;
	s1 =	sadd.s32 s1, s30  }
0xba: {  	s0 =	sor.u32 s3, s0;
	s1 =	sshll.u32 s1, $0x11  }
0xbb: {  	s0 =	sor.u32 s1, s0  }
0xbc: {  	s0 =	sadd.s32 $0x8F2B, s0  }
0xbd: {  	[sflag:s0] =	ssyncadd.remote.s32 $0x1  }
0xbe: {  	_ =	sfence.sel $0xFFFF  }
0xbf: {  	[dreg:$0x0] =	wrdreg $0xFFFFFFFF;
	(pc) =	sbr.abs _section_cstart, $3  }
0xc0: {  	[dreg:$0x1] =	wrdreg $0xFFFFFFFF  }
0xc1: {  	_ =	task.clear_ibuf [dreg:s6], $0x2FFFF;
	_ =	strace $0x9FFFFFFF  }
0xc2: {  	(tm) =	ssettm $0x7FFFFFFF  }
0xc3: {  	_ =	shalt  }
tec
execute0_lowered:
.L_overlay_start_1:
0x0: {  	(tag) =	ssettag $0x1  }
0x1: {  	s0 =	rddreg [dreg:$0x0]  }
0x2: {  	s1 =	rddreg [dreg:$0x1]  }
0x3: {  	s2 =	stileid.u32;
	s3 =	simm.s32 $0x0;
	s6 =	srdreg.scid  }
0x4: {  	s19 =	simm.s32 $0x80;
	s28 =	simm.s32 $0x161C0;
	s29 =	simm.s32 $0x1A1C0  }
0x5: {  	s30 =	simm.s32 $0x2;
	s31 =	simm.s32 $0x16140;
	s10 =	smul.u32 $0x270, s2  }
0x6: {  	s4 =	sshrl.u32 s2, $0x3;
	s5 =	sshll.u32 s2, $0x7;
	s13 =	smul.u32 $0x4E000, s2  }
0x7: {  	[smem:$0x7FF] =	sst s3;
	s9 =	sand.u32 $0x1, s6;
	s21 =	smul.u32 $0x2780, s2  }
0x8: {  	s23 =	sadd.s32 $0x138800, s1;
	p0 =	sne.s32 s2, $0xF;
	s4 =	smul.u32 $0x13C00, s4  }
0x9: {  	p2 =	seq.s32 s2, $0xF;
	s5 =	sand.u32 $0x380, s5;
	s12 =	smul.u32 $0x2710, s9  }
0xa: {  	p1 =	sne.s32 s2, $0x0;
	_ =	strace $0x80000047;
	s14 =	smul.u32 $0x138800, s9  }
0xb: {  	s6 =	sshll.u32 s9, $0x4;
	s8 =	ssub.s32 $0x2, s9;
	s15 =	smul.u32 $0x27800, s9  }
0xc: {  	[dreg:$0x6] =	wrdreg s23;
	s23 =	simm.s32 $0x6;
	s6 =	sor.u32 s2, s6  }
0xd: {  	s11 =	sshrl.u32 s8, $0x1;
	s13 =	sshrl.u32 s13, $0x2;
	s5 =	sor.u32 s5, s4  }
0xe: {  	s4 =	sadd.s32 $0xD600, s0;
	s6 =	smul.u32 $0x2780, s6;
	s11 =	ssub.s32 s8, s11  }
0xf: {  	s10 =	sadd.s32 s10, s12;
	s9 =	sadd.s32 s13, s1;
	s14 =	sshrl.u32 s14, $0x3  }
0x10: {  	s12 =	sadd.s32 $0x124800, s1;
	s13 =	sadd.s32 s21, s15;
	s7 =	sshrl.u32 s5, $0x3  }
0x11: {  	s5 =	sadd.s32 $0x3800, s0;
	s10 =	sshll.u32 s10, $0x4;
	s16 =	sadd.s32 $0x24900, s14  }
0x12: {  	s25 =	sadd.s32 $0x180, s13;
	s21 =	sadd.s32 $0x100, s13;
	s7 =	sadd.s32 s7, s0  }
0x13: {  	s0 =	sadd.s32 $0x60800, s0;
	s6 =	sshrl.u32 s6, $0x3;
	s22 =	sadd.s32 s4, s10  }
0x14: {  	s24 =	sadd.s32 s4, s16;
	s26 =	sshrl.u32 s25, $0x3;
	s25 =	simm.s32 $0x5  }
0x15: {  	s6 =	sadd.s32 s5, s6;
	s7 =	sadd.s32 $0x5B800, s7;
	[dreg:$0x5] =	wrdreg s22  }
.Ltmp0:
0x16: {  	[dreg:$0x7] =	wrdreg s24;
	s14 =	sadd.s32 s0, s10;
	(pc) =	sbr.rel .LBB2_1-.Ltmp0, $4  }
0x17: {  	s15 =	sadd.s32 s0, s16;
	s16 =	smax.u32 s11, $0x1;
	s17 =	sadd.s32 s26, s5  }
0x18: {  	s22 =	simm.s32 $0x138C0;
	s24 =	simm.s32 $0x13940;
	s26 =	simm.s32 $0x1  }
0x19: {  	s0 =	simm.s32 $0x4;
	[dreg:$0x3] =	wrdreg s7;
	s20 =	sadd.s32 $0x10, s6  }
0x1a: {  	v0 =	vimm.f32 $0.0e+00;
	s11 =	simm.s32 $0x3;
	s10 =	simm.s32 $0x0;
	[dreg:$0x4] =	wrdreg s20  }
.LBB2_8:
0x1b: {  	_ =	swait.ge [sflag:s30], $0x4000  }
0x1c: {  	[sflag:s30] =	ssyncset.done $0x0  }
0x1d: {  	[sflag:s30] =	ssyncadd.s32 $0xFFFFC000  }
0x1e: {  	v1 =	vld [tilespmem:$0x160C0]  }
0x1f: {  	v2 =	vld [tilespmem:$0x160D0]  }
0x20: {  	v3 =	vld [tilespmem:$0x160E0]  }
0x21: {  	v4 =	vld [tilespmem:$0x160F0]  }
0x22: {  	v5 =	vld [tilespmem:$0x16100]  }
0x23: {  	[tilespmem:$0x16140] =	vst v1;
	v1 =	vld [tilespmem:$0x16110]  }
0x24: {  	[tilespmem:$0x16150] =	vst v2;
	v2 =	vld [tilespmem:$0x16120]  }
0x25: {  	[tilespmem:$0x16160] =	vst v3;
	v3 =	vld [tilespmem:$0x16130]  }
0x26: {  	[tilespmem:$0x16170] =	vst v4  }
0x27: {  	[tilespmem:$0x16180] =	vst v5  }
0x28: {  	[tilespmem:$0x16190] =	vst v1  }
0x29: {  	[tilespmem:$0x161A0] =	vst v2  }
0x2a: {  	[tilespmem:$0x161B0] =	vst v3  }
0x2b: {  	[spmem:s1] =	stream.indirect.scatter.add.f32 [tilespmem:s28], [sflag:$0x6], $0x80, s31, s19, $0xb8;
	[tilespmem:$0x1E1C0] =	vst v63  }
0x2c: {  	_ =	swait.ge [sflag:s23], $0x4000  }
0x2d: {  	[sflag:s23] =	ssyncset.done $0x0  }
0x2e: {  	[sflag:s23] =	ssyncadd.s32 $0xFFFFC000  }
0x2f: {  	s2 =	sshrl.u32 @p2 s12, $0x3;
	s7 =	simm.s32 @p2 $0x1FC6;
	[bflag:$0x0] =	sbarrier.arrive $0xFFFF  }
0x30: {  	[hbm:s15], [sflag:s7] =	dma.local @p2 [spmem:s2], $0x2800  }
0x31: {  	s2 =	simm.s32 @p2 $0x6  }
0x32: {  	s10 =	sadd.s32 $0x1, s10;
	s7 =	stileid.u32;
	_ =	swait.ge @p2 [sflag:s2], $0x2800  }
0x33: {  	p3 =	sne.s32 s10, s16;
	s7 =	sshll.u32 @!p2 s7, $0x6;
	[sflag:s2] =	ssyncset.done @p2 $0x0  }
0x34: {  	[sflag:s2] =	ssyncadd.s32 @p2 $0xFFFFD800;
	s2 =	sor.u32 @!p2 $0x1C06, s7;
	s7 =	sshrl.u32 @!p2 s9, $0x3  }
0x35: {  	[hbm:s14], [sflag:s2] =	dma.local @!p2 [spmem:s7], $0x2700  }
.Ltmp1:
0x36: {  	_ = 	snop;
	(pc) =	sbr.rel @!p3 .LBB2_9-.Ltmp1, $4  }
0x37: {  	s2 =	simm.s32 @!p2 $0x6  }
0x38: {  	_ =	swait.ge @!p2 [sflag:s2], $0x2700  }
0x39: {  	[sflag:s2] =	ssyncset.done @!p2 $0x0  }
0x3a: {  	[sflag:s2] =	ssyncadd.s32 @!p2 $0xFFFFD900  }
.LBB2_1:
0x3b: {  	s2 =	rddreg [dreg:$0x3];
	s7 =	simm.s32 $0x400;
	s8 =	simm.s32 $0x139C0  }
0x3c: {  	[tilespmem:s8], [sflag:$0x1] =	stream.strided.gather [hbm4b:s2+s19], $0x2780, s7, s19, $0x38;
	[tilespmem:$0x1E1C0] =	vst v63  }
0x3d: {  	_ = 	snop  }
0x3e: {  	[tilespmem:s22], [sflag:$0x6] =	stream.linear.gather [hbm4b:s6+s3], $0x80, $0x38;
	[tilespmem:$0x1E1C0] =	vst v63  }
0x3f: {  	_ =	swait.ge [sflag:s23], $0x80  }
0x40: {  	[sflag:s23] =	ssyncset.done $0x0  }
.Ltmp2:
0x41: {  	s20 =	rddreg [dreg:$0x4];
	[sflag:s23] =	ssyncadd.s32 $0xFFFFFF80;
	(pc) =	sbr.rel @p0 .LBB2_3-.Ltmp2, $4  }
0x42: {  	[tilespmem:s24], [sflag:$0x6] =	stream.linear.gather [hbm4b:s20+s3], $0x80, $0x38;
	[tilespmem:$0x1E1C0] =	vst v63  }
0x43: {  	_ =	swait.ge [sflag:s23], $0x80  }
0x44: {  	[sflag:s23] =	ssyncset.done $0x0  }
0x45: {  	[sflag:s23] =	ssyncadd.s32 $0xFFFFFF80  }
0x46: {  	s13 =	sshrl.u32 s12, $0x3  }
.Ltmp3:
0x47: {  	s2 =	rddreg [dreg:$0x7];
	s7 =	simm.s32 $0x1FC6;
	(pc) =	sbr.rel .LBB2_5-.Ltmp3, $4  }
0x48: {  	[spmem:s13], [sflag:s7] =	dma.local [hbm:s2], $0x2800  }
0x49: {  	_ =	swait.ge [sflag:s23], $0x2800  }
0x4a: {  	[sflag:s23] =	ssyncset.done $0x0  }
0x4b: {  	[sflag:s23] =	ssyncadd.s32 $0xFFFFD800  }
.LBB2_3:
0x4c: {  	s2 =	stileid.u32  }
0x4d: {  	s18 =	sshrl.u32 s9, $0x3;
	s13 =	sshll.u32 s2, $0x6  }
.Ltmp4:
0x4e: {  	s20 =	rddreg [dreg:$0x5];
	s13 =	sor.u32 $0x1C06, s13;
	(pc) =	sbr.rel @p1 .LBB2_5-.Ltmp4, $4  }
0x4f: {  	[spmem:s18], [sflag:s13] =	dma.local [hbm:s20], $0x2700  }
0x50: {  	_ =	swait.ge [sflag:s23], $0x2700  }
0x51: {  	[sflag:s23] =	ssyncset.done $0x0  }
0x52: {  	[sflag:s23] =	ssyncadd.s32 $0xFFFFD900  }
0x53: {  	[tilespmem:$0x161C0] =	vst v0  }
0x54: {  	[tilespmem:$0x161D0] =	vst v0  }
0x55: {  	[tilespmem:$0x161E0] =	vst v0  }
0x56: {  	[tilespmem:$0x161F0] =	vst v0  }
0x57: {  	[tilespmem:$0x16200] =	vst v0  }
0x58: {  	[tilespmem:$0x16210] =	vst v0  }
0x59: {  	[tilespmem:$0x16220] =	vst v0  }
0x5a: {  	[tilespmem:$0x16230] =	vst v0  }
0x5b: {  	[tilespmem:$0x16240] =	vst v0  }
0x5c: {  	[tilespmem:$0x16250] =	vst v0  }
0x5d: {  	[tilespmem:$0x16260] =	vst v0  }
0x5e: {  	[tilespmem:$0x16270] =	vst v0  }
0x5f: {  	[tilespmem:$0x16280] =	vst v0  }
0x60: {  	[tilespmem:$0x16290] =	vst v0  }
0x61: {  	[tilespmem:$0x162A0] =	vst v0  }
0x62: {  	[tilespmem:$0x162B0] =	vst v0  }
0x63: {  	[tilespmem:$0x162C0] =	vst v0  }
0x64: {  	[tilespmem:$0x162D0] =	vst v0  }
0x65: {  	[tilespmem:$0x162E0] =	vst v0  }
0x66: {  	[tilespmem:$0x162F0] =	vst v0  }
0x67: {  	[tilespmem:$0x16300] =	vst v0  }
0x68: {  	[tilespmem:$0x16310] =	vst v0  }
0x69: {  	[tilespmem:$0x16320] =	vst v0  }
0x6a: {  	[tilespmem:$0x16330] =	vst v0  }
0x6b: {  	[tilespmem:$0x16340] =	vst v0  }
0x6c: {  	[tilespmem:$0x16350] =	vst v0  }
0x6d: {  	[tilespmem:$0x16360] =	vst v0  }
0x6e: {  	[tilespmem:$0x16370] =	vst v0  }
0x6f: {  	[tilespmem:$0x16380] =	vst v0  }
0x70: {  	[tilespmem:$0x16390] =	vst v0  }
0x71: {  	[tilespmem:$0x163A0] =	vst v0  }
0x72: {  	[tilespmem:$0x163B0] =	vst v0  }
0x73: {  	[tilespmem:$0x163C0] =	vst v0  }
0x74: {  	[tilespmem:$0x163D0] =	vst v0  }
0x75: {  	[tilespmem:$0x163E0] =	vst v0  }
0x76: {  	[tilespmem:$0x163F0] =	vst v0  }
0x77: {  	[tilespmem:$0x16400] =	vst v0  }
0x78: {  	[tilespmem:$0x16410] =	vst v0  }
0x79: {  	[tilespmem:$0x16420] =	vst v0  }
0x7a: {  	[tilespmem:$0x16430] =	vst v0  }
0x7b: {  	[tilespmem:$0x16440] =	vst v0  }
0x7c: {  	[tilespmem:$0x16450] =	vst v0  }
0x7d: {  	[tilespmem:$0x16460] =	vst v0  }
0x7e: {  	[tilespmem:$0x16470] =	vst v0  }
0x7f: {  	[tilespmem:$0x16480] =	vst v0  }
0x80: {  	[tilespmem:$0x16490] =	vst v0  }
0x81: {  	[tilespmem:$0x164A0] =	vst v0  }
0x82: {  	[tilespmem:$0x164B0] =	vst v0  }
0x83: {  	[tilespmem:$0x164C0] =	vst v0  }
0x84: {  	[tilespmem:$0x164D0] =	vst v0  }
0x85: {  	[tilespmem:$0x164E0] =	vst v0  }
0x86: {  	[tilespmem:$0x164F0] =	vst v0  }
0x87: {  	[tilespmem:$0x16500] =	vst v0  }
0x88: {  	[tilespmem:$0x16510] =	vst v0  }
0x89: {  	[tilespmem:$0x16520] =	vst v0  }
0x8a: {  	[tilespmem:$0x16530] =	vst v0  }
0x8b: {  	[tilespmem:$0x16540] =	vst v0  }
0x8c: {  	[tilespmem:$0x16550] =	vst v0  }
0x8d: {  	[tilespmem:$0x16560] =	vst v0  }
0x8e: {  	[tilespmem:$0x16570] =	vst v0  }
0x8f: {  	[tilespmem:$0x16580] =	vst v0  }
0x90: {  	[tilespmem:$0x16590] =	vst v0  }
0x91: {  	[tilespmem:$0x165A0] =	vst v0  }
0x92: {  	[tilespmem:$0x165B0] =	vst v0;
	s2 =	rddreg [dreg:$0x6]  }
0x93: {  	[spmem:s2] =	stream.linear.scatter [tilespmem:s28], [sflag:$0x6], $0x400, $0x38;
	[tilespmem:$0x1E1C0] =	vst v63  }
0x94: {  	_ =	swait.ge [sflag:s23], $0x400  }
0x95: {  	[sflag:s23] =	ssyncset.done $0x0  }
0x96: {  	[sflag:s23] =	ssyncadd.s32 $0xFFFFFC00  }
.LBB2_5:
0x97: {  	_ =	swait.ge [sflag:s26], $0x2780  }
0x98: {  	[sflag:s26] =	ssyncset.done $0x0  }
0x99: {  	[sflag:s26] =	ssyncadd.s32 $0xFFFFD880  }
0x9a: {  	[tilespmem:s28], [sflag:$0x2] =	stream.indirect.gather [hbm4b:s4+s19], $0x80, s22, s19, $0xb8;
	[tilespmem:$0x1E1C0] =	vst v63  }
0x9b: {  	s13 =	simm.s32 $0x0  }
0x9c: {  	[tilespmem:s29], [sflag:$0x3] =	stream.indirect.gather [hbm4b:s4+s19], $0x80, s24, s19, $0xb8;
	[tilespmem:$0x1E1C0] =	vst v63  }
0x9d: {  	s20 =	simm.s32 $0x13A40;
	s18 =	smov.u32 s21;
	[bflag:$0x0] =	sbarrier.arrive $0xFFFF  }
.LBB2_6:
0x9e: {  	_ =	swait.ge [sflag:s30], $0x4000  }
0x9f: {  	s2 =	sshrl.u32 s18, $0x3;
	[sflag:s30] =	ssyncset.done $0x0  }
0xa0: {  	s2 =	sadd.s32 s5, s2;
	[sflag:s30] =	ssyncadd.s32 $0xFFFFC000  }
0xa1: {  	[tilespmem:s22], [sflag:$0x4] =	stream.linear.gather [hbm4b:s2+s3], $0x80, $0x38;
	[tilespmem:$0x1E1C0] =	vst v63  }
0xa2: {  	v1 =	vld [tilespmem:s20+$0xFFFFFF80];
	_ =	sdelay $0x4  }
0xa3: {  	[tilespmem:$0x16140] =	vst v1  }
0xa4: {  	v1 =	vld [tilespmem:s20+$0xFFFFFF90];
	_ =	sdelay $0x4  }
0xa5: {  	[tilespmem:$0x16150] =	vst v1  }
0xa6: {  	v1 =	vld [tilespmem:s20+$0xFFFFFFA0];
	_ =	sdelay $0x4  }
0xa7: {  	[tilespmem:$0x16160] =	vst v1  }
0xa8: {  	v1 =	vld [tilespmem:s20+$0xFFFFFFB0];
	_ =	sdelay $0x4  }
0xa9: {  	[tilespmem:$0x16170] =	vst v1  }
0xaa: {  	v1 =	vld [tilespmem:s20+$0xFFFFFFC0];
	_ =	sdelay $0x4  }
0xab: {  	[tilespmem:$0x16180] =	vst v1  }
0xac: {  	v1 =	vld [tilespmem:s20+$0xFFFFFFD0];
	_ =	sdelay $0x4  }
0xad: {  	[tilespmem:$0x16190] =	vst v1  }
0xae: {  	v1 =	vld [tilespmem:s20+$0xFFFFFFE0];
	_ =	sdelay $0x4  }
0xaf: {  	[tilespmem:$0x161A0] =	vst v1  }
0xb0: {  	v1 =	vld [tilespmem:s20+$0xFFFFFFF0];
	_ =	sdelay $0x4  }
0xb1: {  	[tilespmem:$0x161B0] =	vst v1  }
0xb2: {  	[spmem:s1] =	stream.indirect.scatter.add.f32 [tilespmem:s28], [sflag:$0x6], $0x80, s31, s19, $0xb8;
	[tilespmem:$0x1E1C0] =	vst v63  }
0xb3: {  	_ =	swait.ge [sflag:s23], $0x4000  }
0xb4: {  	[sflag:s23] =	ssyncset.done $0x0  }
0xb5: {  	[sflag:s23] =	ssyncadd.s32 $0xFFFFC000  }
0xb6: {  	_ =	swait.ge [sflag:s0], $0x80  }
0xb7: {  	[sflag:s0] =	ssyncset.done $0x0  }
0xb8: {  	[sflag:s0] =	ssyncadd.s32 $0xFFFFFF80  }
0xb9: {  	[tilespmem:s28], [sflag:$0x2] =	stream.indirect.gather [hbm4b:s4+s19], $0x80, s22, s19, $0xb8;
	[tilespmem:$0x1E1C0] =	vst v63  }
0xba: {  	p3 =	seq.s32 s13, $0x4C0;
	_ =	swait.ge [sflag:s11], $0x4000  }
0xbb: {  	s7 =	simm.s32 @!p3 $0x0;
	[sflag:s11] =	ssyncset.done $0x0  }
0xbc: {  	s8 =	simm.s32 @!p3 $0x13940;
	s2 =	sadd.s32 @!p3 s13, s17;
	[sflag:s11] =	ssyncadd.s32 $0xFFFFC000  }
0xbd: {  	[tilespmem:s8], [sflag:$0x5] =	stream.linear.gather @!p3 [hbm4b:s2+s7], $0x80, $0x38;
	[tilespmem:$0x1E1C0] =	vst v63  }
0xbe: {  	v1 =	vld [tilespmem:s20+$0x0];
	_ =	sdelay $0x4  }
0xbf: {  	[tilespmem:$0x16140] =	vst v1  }
0xc0: {  	v1 =	vld [tilespmem:s20+$0x10];
	_ =	sdelay $0x4  }
0xc1: {  	[tilespmem:$0x16150] =	vst v1  }
0xc2: {  	v1 =	vld [tilespmem:s20+$0x20];
	_ =	sdelay $0x4  }
0xc3: {  	[tilespmem:$0x16160] =	vst v1  }
0xc4: {  	v1 =	vld [tilespmem:s20+$0x30];
	_ =	sdelay $0x4  }
0xc5: {  	[tilespmem:$0x16170] =	vst v1  }
0xc6: {  	v1 =	vld [tilespmem:s20+$0x40];
	_ =	sdelay $0x4  }
0xc7: {  	[tilespmem:$0x16180] =	vst v1  }
0xc8: {  	v1 =	vld [tilespmem:s20+$0x50];
	_ =	sdelay $0x4  }
0xc9: {  	[tilespmem:$0x16190] =	vst v1  }
0xca: {  	v1 =	vld [tilespmem:s20+$0x60];
	_ =	sdelay $0x4  }
0xcb: {  	[tilespmem:$0x161A0] =	vst v1  }
0xcc: {  	v1 =	vld [tilespmem:s20+$0x70];
	_ =	sdelay $0x4  }
.Ltmp5:
0xcd: {  	[tilespmem:$0x161B0] =	vst v1;
	(pc) =	sbr.rel @p3 .LBB2_8-.Ltmp5, $4  }
0xce: {  	[spmem:s1] =	stream.indirect.scatter.add.f32 [tilespmem:s29], [sflag:$0x6], $0x80, s31, s19, $0xb8;
	[tilespmem:$0x1E1C0] =	vst v63  }
0xcf: {  	_ =	swait.ge [sflag:s23], $0x4000  }
0xd0: {  	[sflag:s23] =	ssyncset.done $0x0  }
0xd1: {  	[sflag:s23] =	ssyncadd.s32 $0xFFFFC000  }
.Ltmp6:
0xd2: {  	(pc) =	sbr.rel .LBB2_6-.Ltmp6, $4  }
0xd3: {  	_ =	swait.ge [sflag:s25], $0x80  }
0xd4: {  	s13 =	sadd.s32 $0x20, s13;
	[sflag:s25] =	ssyncset.done $0x0  }
0xd5: {  	s18 =	sadd.s32 $0x100, s18;
	s20 =	sadd.s32 $0x100, s20;
	[sflag:s25] =	ssyncadd.s32 $0xFFFFFF80  }
0xd6: {  	[tilespmem:s29], [sflag:$0x3] =	stream.indirect.gather [hbm4b:s4+s19], $0x80, s24, s19, $0xb8;
	[tilespmem:$0x1E1C0] =	vst v63  }
.LBB2_9:
0xd7: {  	_ =	sfence.sel $0x180000  }
0xd8: {  	[bflag:$0x0] =	sbarrier.arrive $0xFFFF  }
0xd9: {  	_ =	strace $0x90000047  }
0xda: {  	[bflag:$0x2] =	sbarrier.arrive $0xFFFF  }
0xdb: {  	s0 =	rddreg [dreg:$0x2]  }
0xdc: {  	s0 =	sadd.s32 @!p1 $0x100000, s0  }
0xdd: {  	[sflag:s0] =	ssyncadd.tile.s32 @!p1 $0x1;
	_ =	shalt  }
.Lfunc_end2:
_tile_overlayer_lowered:
.L_overlay_start_2:
0xde: {  	(tag) =	ssettag $0x2  }
0xdf: {  	s0 =	rddreg [dreg:$0x0];
	s2 =	stileid.u32  }
0xe0: {  	s1 =	rddreg [dreg:$0x1];
	p0 =	sne.s32 s2, $0x0  }
0xe1: {  	s3 =	rddreg [dreg:$0x2];
	[bflag:$0x3] =	sbarrier.arrive $0xFFFF;
	s2 =	simm.s32 @!p0 $0x1C06  }
0xe2: {  	[timem:s3], [sflag:s2] =	dma.local @!p0 [hbm:s0], s1  }
0xe3: {  	s0 =	simm.s32 @!p0 $0x6  }
0xe4: {  	_ =	swait.ge @!p0 [sflag:s0], s1  }
0xe5: {  	s1 =	ssub.s32 @!p0 $0x0, s1;
	[sflag:s0] =	ssyncset.done @!p0 $0x0  }
0xe6: {  	[sflag:s0] =	ssyncadd.s32 @!p0 s1  }
0xe7: {  	[bflag:$0x3] =	sbarrier.arrive $0xFFFF  }
0xe8: {  	_ =	shalt  }

</sc_bundles>
